<compile_context>
chip_gen: v7x
topology: tpu7x:2x2x1
jax: 0.10.2.dev20260603
libtpu: 0.0.44.dev20260713+nightly
codegen_flags: <defaults>
</compile_context>

<pallas_src>
import jax
import jax.numpy as jnp
from jax import lax
from jax.experimental import pallas as pl
from jax.experimental.pallas import tpu as pltpu
from jax.experimental.pallas import tpu_sc as plsc

N = 10000
E = 320000
NFEAT = 128
NHID = 16
NCLASS = 16
NHEADS = 8
ALPHA = 0.2

NC, NS, L = 2, 16, 16
NW = NC * NS
CH1 = 80
CH2 = 128
W1COLS = NFEAT + NHID
W2COLS = 2 * NCLASS

_f32 = jnp.float32
_i32 = jnp.int32


def _leaky_exp(e):
    return jnp.exp(jnp.where(e >= 0, e, ALPHA * e))



def _tc1_body(x_ref, w_ref, as_ref, ad_ref, hs_ref, d_ref):
    h = jnp.dot(x_ref[...], w_ref[...], preferred_element_type=_f32)
    s = jnp.dot(h, as_ref[...], preferred_element_type=_f32)
    d = jnp.dot(h, ad_ref[...], preferred_element_type=_f32)
    hs_ref[...] = jnp.concatenate([h, s, s], axis=1)
    d_ref[...] = jnp.concatenate([d, d], axis=1)


def _tc1(x, w1cat, a_src, a_dst):
    B = 2000
    grid = (N // B,)
    return pl.pallas_call(
        _tc1_body,
        grid=grid,
        in_specs=[
            pl.BlockSpec((B, NFEAT), lambda i: (i, 0)),
            pl.BlockSpec((NFEAT, NFEAT), lambda i: (0, 0)),
            pl.BlockSpec((NFEAT, NHEADS), lambda i: (0, 0)),
            pl.BlockSpec((NFEAT, NHEADS), lambda i: (0, 0)),
        ],
        out_specs=[
            pl.BlockSpec((B, W1COLS), lambda i: (i, 0)),
            pl.BlockSpec((B, 2 * NHEADS), lambda i: (i, 0)),
        ],
        out_shape=[
            jax.ShapeDtypeStruct((N, W1COLS), _f32),
            jax.ShapeDtypeStruct((N, 2 * NHEADS), _f32),
        ],
    )(x, w1cat, a_src, a_dst)


def _tc2_body(acc_ref, w2_ref, a2s_ref, a2d_ref, r_ref, hs_ref, d_ref):
    o = acc_ref[0] + acc_ref[1]
    r = 1.0 / (o[:, NFEAT:NFEAT + NHEADS] + 1e-9)
    db = jnp.dot(r, r_ref[...], preferred_element_type=_f32)
    on = o[:, :NFEAT] * db
    el = jnp.where(on > 0, on, jnp.exp(jnp.minimum(on, 0.0)) - 1.0)
    h2 = jnp.dot(el, w2_ref[...], preferred_element_type=_f32)
    s2 = jnp.dot(h2, a2s_ref[...], preferred_element_type=_f32)
    d_ref[...] = jnp.dot(h2, a2d_ref[...], preferred_element_type=_f32)
    hs_ref[...] = jnp.concatenate([h2, s2], axis=1)


def _tc2(acc1, w2, a2s, a2d, rmat):
    B = 2000
    grid = (N // B,)
    return pl.pallas_call(
        _tc2_body,
        grid=grid,
        in_specs=[
            pl.BlockSpec((NC, B, W1COLS), lambda i: (0, i, 0)),
            pl.BlockSpec((NFEAT, NCLASS), lambda i: (0, 0)),
            pl.BlockSpec((NCLASS, NCLASS), lambda i: (0, 0)),
            pl.BlockSpec((NCLASS, NCLASS), lambda i: (0, 0)),
            pl.BlockSpec((NHEADS, NFEAT), lambda i: (0, 0)),
        ],
        out_specs=[
            pl.BlockSpec((B, W2COLS), lambda i: (i, 0)),
            pl.BlockSpec((B, NCLASS), lambda i: (i, 0)),
        ],
        out_shape=[
            jax.ShapeDtypeStruct((N, W2COLS), _f32),
            jax.ShapeDtypeStruct((N, NCLASS), _f32),
        ],
    )(acc1, w2, a2s, a2d, rmat)


def _tc3_body(acc_ref, out_ref):
    o = acc_ref[0] + acc_ref[1]
    out_ref[...] = o[:, :NCLASS] / (o[:, NCLASS:NCLASS + 1] + 1e-9)


def _tc3(acc2):
    B = 2000
    grid = (N // B,)
    return pl.pallas_call(
        _tc3_body,
        grid=grid,
        in_specs=[pl.BlockSpec((NC, B, W2COLS), lambda i: (0, i, 0))],
        out_specs=pl.BlockSpec((B, NCLASS), lambda i: (i, 0)),
        out_shape=jax.ShapeDtypeStruct((N, NCLASS), _f32),
    )(acc2)




def _make_sc_body(F, COLS, CH, stage_hs, scale_heads):
    def body(ei_hbm, hs_hbm, ad_hbm, z_hbm,
             acc_hbm,
             src0, src1, src2_, src3, dst0, dst1, dst2, dst3,
             rw0, rw1, gd0, gd1,
             sh_acc, sh_ad, sh_hs, semr0, semr1, sema0, sema1,
             sems0, sems1, semi0, semi1, semi2, semi3):
        cid = lax.axis_index("c")
        sid = lax.axis_index("s")
        wid = sid * NC + cid
        r0 = sid * 1000
        SRC = (src0, src1, src2_, src3)
        DST = (dst0, dst1, dst2, dst3)
        ROWS, GD = (rw0, rw1), (gd0, gd1)
        SEMR, SEMA = (semr0, semr1), (sema0, sema1)
        SEMS = (sems0, sems1)
        SEMI = (semi0, semi1, semi2, semi3)
        hs_src = sh_hs if stage_hs else hs_hbm
        totch = E // CH
        nb = totch // NW
        extra = totch - nb * NW
        nch = nb + jnp.where(wid < extra, 1, 0)
        nloop = nb + (-nb) % 4 + (4 if extra else 0)

        @pl.when(sid < 10)
        def _():
            pltpu.sync_copy(z_hbm.at[pl.ds(r0, 1000)],
                            sh_acc.at[pl.ds(r0, 1000)])
            pltpu.sync_copy(ad_hbm.at[pl.ds(r0, 1000)],
                            sh_ad.at[pl.ds(r0, 1000)])
            if stage_hs:
                pltpu.sync_copy(hs_hbm.at[pl.ds(r0, 1000)],
                                sh_hs.at[pl.ds(r0, 1000)])

        plsc.subcore_barrier()

        def idxissue(q, s):
            base = (wid + NW * q) * CH
            pltpu.async_copy(ei_hbm.at[0, pl.ds(base, CH)], SRC[s], SEMI[s])
            pltpu.async_copy(ei_hbm.at[1, pl.ds(base, CH)], DST[s], SEMI[s])

        def gissue(q, s, b):
            @pl.when(q >= 2)
            def _():
                pltpu.make_async_copy(ROWS[b], sh_acc.at[DST[(s + 2) % 4]],
                                      SEMS[b]).wait()

            base = (wid + NW * q) * CH
            pltpu.make_async_copy(ei_hbm.at[0, pl.ds(base, CH)], SRC[s],
                                  SEMI[s]).wait()
            pltpu.make_async_copy(ei_hbm.at[1, pl.ds(base, CH)], DST[s],
                                  SEMI[s]).wait()
            pltpu.async_copy(hs_src.at[SRC[s]], ROWS[b], SEMR[b])
            pltpu.async_copy(sh_ad.at[DST[s]], GD[b], SEMA[b])

        def process(s, b):
            pltpu.make_async_copy(sh_ad.at[DST[s]], GD[b], SEMA[b]).wait()
            pltpu.make_async_copy(hs_src.at[SRC[s]], ROWS[b], SEMR[b]).wait()

            @plsc.parallel_loop(0, CH, unroll=4)
            def _(i):
                row = ROWS[b].at[i]
                e = row[pl.ds(F, L)] + GD[b].at[i][...]
                w = _leaky_exp(e)
                row[pl.ds(F, L)] = w
                if scale_heads:
                    for j in range(NHEADS):
                        row[pl.ds(j * NHID, NHID)] = (
                            row[pl.ds(j * NHID, NHID)] * w[j])
                else:
                    row[pl.ds(0, L)] = row[pl.ds(0, L)] * w

            pltpu.async_copy(ROWS[b], sh_acc.at[DST[s]], SEMS[b], add=True)

        idxissue(0, 0)
        idxissue(1, 1)
        idxissue(2, 2)
        gissue(0, 0, 0)

        @pl.loop(0, nloop, step=4)
        def _(k):
            for b4 in range(4):
                kk = k + b4

                @pl.when(kk + 1 < nch)
                def _():
                    gissue(kk + 1, (b4 + 1) % 4, (b4 + 1) % 2)

                @pl.when(kk + 3 < nch)
                def _():
                    idxissue(kk + 3, (b4 + 3) % 4)

                @pl.when(kk < nch)
                def _():
                    process(b4 % 4, b4 % 2)

        pltpu.make_async_copy(ROWS[0], sh_acc.at[DST[0]], SEMS[0]).wait()
        pltpu.make_async_copy(ROWS[1], sh_acc.at[DST[1]], SEMS[1]).wait()

        plsc.subcore_barrier()

        @pl.when(sid < 10)
        def _():
            pltpu.sync_copy(sh_acc.at[pl.ds(r0, 1000)],
                            acc_hbm.at[cid, pl.ds(r0, 1000)])

    return body


def _sc_layer(F, COLS, CH, stage_hs, scale_heads, ei, hs, ad, z):
    mesh = plsc.VectorSubcoreMesh(core_axis_name="c", subcore_axis_name="s",
                                  num_cores=NC, num_subcores=NS)
    fn = pl.kernel(
        _make_sc_body(F, COLS, CH, stage_hs, scale_heads),
        out_type=jax.ShapeDtypeStruct((NC, N, COLS), _f32),
        mesh=mesh,
        scratch_types=(
            [pltpu.VMEM((CH,), _i32)] * 8
            + [pltpu.VMEM((CH, COLS), _f32)] * 2
            + [pltpu.VMEM((CH, 2 * NHEADS), _f32)] * 2
            + [pltpu.VMEM_SHARED((N, COLS), _f32)]
            + [pltpu.VMEM_SHARED((N, 2 * NHEADS), _f32)]
            + [pltpu.VMEM_SHARED((N, COLS if stage_hs else 1), _f32)]
            + [pltpu.SemaphoreType.DMA] * 10
        ),
        compiler_params=pltpu.CompilerParams(use_tc_tiling_on_sc=False),
    )
    return fn(ei, hs, ad, z)



def kernel(x, edge_index, W1, a1, W2, a2):
    ei = edge_index.astype(_i32)

    w1cat = jnp.transpose(W1, (1, 0, 2)).reshape(NFEAT, NHEADS * NHID)
    eye8 = jnp.eye(NHEADS, dtype=_f32)
    a_src = (a1[:, :NHID][..., None] * eye8[:, None, :]).reshape(NFEAT, NHEADS)
    a_dst = (a1[:, NHID:][..., None] * eye8[:, None, :]).reshape(NFEAT, NHEADS)
    rmat = jnp.kron(eye8, jnp.ones((1, NHID), dtype=_f32))
    ones16 = jnp.ones((1, NCLASS), dtype=_f32)
    a2s = a2[:NCLASS][:, None] * ones16
    a2d = a2[NCLASS:][:, None] * ones16

    z1 = jnp.zeros((N, W1COLS), _f32)
    z2 = jnp.zeros((N, W2COLS), _f32)

    hs1, ad1 = _tc1(x, w1cat, a_src, a_dst)
    acc1 = _sc_layer(NFEAT, W1COLS, CH1, False, True, ei, hs1, ad1, z1)
    hs2, ad2 = _tc2(acc1, W2, a2s, a2d, rmat)
    acc2 = _sc_layer(NCLASS, W2COLS, CH2, True, False, ei, hs2, ad2, z2)
    return _tc3(acc2)

# --- scband reference (transcript-rebuilt; emitter-appended) ---
"""Pipeline reference for scband-gat-53128745451692 (READ-ONLY COPY).

The authoritative reference and input builder live on the scoring server;
editing this copy changes nothing except your own understanding.
"""

import jax, jax.numpy as jnp
import numpy as np

N = 10000
E = 320000
NFEAT = 128
NHID = 16
NCLASS = 16
NHEADS = 8
ALPHA = 0.2


def setup_inputs(seed: int = 0) -> dict:
    key = jax.random.key(seed)
    k1, k2, k3, k4, k5, k6 = jax.random.split(key, 6)
    x = jax.random.normal(k1, (N, NFEAT), dtype=jnp.float32)
    edge_index = jax.random.randint(k2, (2, E), 0, N, dtype=jnp.int64)
    W1 = jax.random.normal(k3, (NHEADS, NFEAT, NHID), dtype=jnp.float32) * 0.1
    a1 = jax.random.normal(k4, (NHEADS, 2 * NHID), dtype=jnp.float32) * 0.1
    W2 = jax.random.normal(k5, (NHEADS * NHID, NCLASS), dtype=jnp.float32) * 0.1
    a2 = jax.random.normal(k6, (2 * NCLASS,), dtype=jnp.float32) * 0.1
    return {"x": x, "edge_index": edge_index, "W1": W1, "a1": a1, "W2": W2, "a2": a2}


def _sp_gat_layer(h_in, W, a, src, dst, concat):
    # h = X W  (per-node linear projection)
    h = h_in @ W  # [N, F']
    # e_ij = LeakyReLU(a^T [h_src || h_dst]) on edges
    e = jnp.concatenate([h[src], h[dst]], axis=1) @ a  # [E]
    e = jax.nn.leaky_relu(e, negative_slope=ALPHA)
    # edge softmax over incoming edges of each dst node (numerically stable)
    m = jax.ops.segment_max(e, dst, num_segments=N)
    m = jnp.where(jnp.isfinite(m), m, 0.0)
    ex = jnp.exp(e - m[dst])  # [E]
    denom = jax.ops.segment_sum(ex, dst, num_segments=N)  # [N]
    # weighted aggregation of source features
    msg = ex[:, None] * h[src]  # [E, F']
    out = jax.ops.segment_sum(msg, dst, num_segments=N) / (denom[:, None] + 1e-9)
    if concat:
        out = jax.nn.elu(out)
    return out


def reference(x, edge_index, W1, a1, W2, a2):
    # inference mode: dropout is identity
    src = edge_index[0]
    dst = edge_index[1]
    heads = [_sp_gat_layer(x, W1[i], a1[i], src, dst, True) for i in range(NHEADS)]
    h = jnp.concatenate(heads, axis=1)  # [N, NHEADS*NHID]
    out = _sp_gat_layer(h, W2, a2, src, dst, False)  # [N, NCLASS]
    return out

if __name__ == "__main__":
    import jax
    _d = setup_inputs()
    print(jax.jit(kernel)(*tuple(_d.values())))

</pallas_src>

<mosaic_0001>
#map = affine_map<(d0, d1) -> (0, 0)>
#map1 = affine_map<(d0, d1) -> (0, 0, 0)>
module attributes {stable_mosaic.version = 14 : i64} {
  func.func @body(%arg0: i32, %arg1: i32, %arg2: memref<2x320000xi32, #tpu.memory_space<hbm>>, %arg3: memref<10000x32xf32, #tpu.memory_space<hbm>>, %arg4: memref<10000x16xf32, #tpu.memory_space<hbm>>, %arg5: memref<10000x32xf32, #tpu.memory_space<hbm>>, %arg6: memref<2x10000x32xf32, #tpu.memory_space<hbm>>, %arg7: memref<128xi32, #tpu.memory_space<vmem>>, %arg8: memref<128xi32, #tpu.memory_space<vmem>>, %arg9: memref<128xi32, #tpu.memory_space<vmem>>, %arg10: memref<128xi32, #tpu.memory_space<vmem>>, %arg11: memref<128xi32, #tpu.memory_space<vmem>>, %arg12: memref<128xi32, #tpu.memory_space<vmem>>, %arg13: memref<128xi32, #tpu.memory_space<vmem>>, %arg14: memref<128xi32, #tpu.memory_space<vmem>>, %arg15: memref<128x32xf32, #tpu.memory_space<vmem>>, %arg16: memref<128x32xf32, #tpu.memory_space<vmem>>, %arg17: memref<128x16xf32, #tpu.memory_space<vmem>>, %arg18: memref<128x16xf32, #tpu.memory_space<vmem>>, %arg19: memref<10000x32xf32, #tpu.memory_space<vmem_shared>>, %arg20: memref<10000x16xf32, #tpu.memory_space<vmem_shared>>, %arg21: memref<10000x32xf32, #tpu.memory_space<vmem_shared>>, %arg22: memref<!tpu.dma_semaphore, #tpu.memory_space<semaphore_mem>>, %arg23: memref<!tpu.dma_semaphore, #tpu.memory_space<semaphore_mem>>, %arg24: memref<!tpu.dma_semaphore, #tpu.memory_space<semaphore_mem>>, %arg25: memref<!tpu.dma_semaphore, #tpu.memory_space<semaphore_mem>>, %arg26: memref<!tpu.dma_semaphore, #tpu.memory_space<semaphore_mem>>, %arg27: memref<!tpu.dma_semaphore, #tpu.memory_space<semaphore_mem>>, %arg28: memref<!tpu.dma_semaphore, #tpu.memory_space<semaphore_mem>>, %arg29: memref<!tpu.dma_semaphore, #tpu.memory_space<semaphore_mem>>, %arg30: memref<!tpu.dma_semaphore, #tpu.memory_space<semaphore_mem>>, %arg31: memref<!tpu.dma_semaphore, #tpu.memory_space<semaphore_mem>>) attributes {dimension_semantics = [#tpu.dimension_semantics<core_parallel>, #tpu.dimension_semantics<subcore_parallel>], iteration_bounds = array<i64: 2, 16>, scalar_prefetch = 0 : i64, scratch_operands = 25 : i64, tpu.core_type = #tpu.core_type<sc_vector_subcore>, window_params = [{transform_indices = #map}, {transform_indices = #map}, {transform_indices = #map}, {transform_indices = #map}, {transform_indices = #map1}]} {
    %mul3A = arith.constant 2 : i32
    %mul3A_0 = arith.muli %arg1, %mul3A : i32
    %add3A = arith.addi %mul3A_0, %arg0 : i32
    %mul3A_1 = arith.constant 1000 : i32
    %mul3A_2 = arith.muli %arg1, %mul3A_1 : i32
    %lt3A = arith.constant 4 : i32
    %lt3A_3 = arith.cmpi slt, %add3A, %lt3A : i32
    %jit3A = arith.constant 1 : i32
    %jit3A_4 = arith.constant 0 : i32
    %select_n3A = arith.select %lt3A_3, %jit3A, %jit3A_4 : i32
    %add3A_5 = arith.constant 78 : i32
    %add3A_6 = arith.addi %add3A_5, %select_n3A : i32
    %lt3A_7 = arith.constant 10 : i32
    %lt3A_8 = arith.cmpi slt, %arg1, %lt3A_7 : i32
    %convert_element_type3A = arith.extui %lt3A_8 : i1 to i32
    %cond3A = arith.constant 0 : i32
    %cond3A_9 = arith.cmpi ne, %convert_element_type3A, %cond3A : i32
    scf.if %cond3A_9 {
      "tpu.region"() ({
        %run_scoped3A = tpu.sem_alloc : memref<!tpu.dma_semaphore, #tpu.memory_space<semaphore_mem>>
        %dma_start3A_86 = arith.constant 0 : i32
        %dma_start3A_87 = tpu.memref_slice %arg19[%mul3A_2, %dma_start3A_86] : memref<10000x32xf32, #tpu.memory_space<vmem_shared>> -> memref<1000x32xf32, #tpu.memory_space<vmem_shared>>
        %dma_start3A_88 = arith.constant 0 : i32
        %dma_start3A_89 = tpu.memref_slice %arg5[%mul3A_2, %dma_start3A_88] : memref<10000x32xf32, #tpu.memory_space<hbm>> -> memref<1000x32xf32, #tpu.memory_space<hbm>>
        tpu.enqueue_dma source(%dma_start3A_89 : memref<1000x32xf32, #tpu.memory_space<hbm>>) target(%dma_start3A_87 : memref<1000x32xf32, #tpu.memory_space<vmem_shared>>) target_semaphore(%run_scoped3A : memref<!tpu.dma_semaphore, #tpu.memory_space<semaphore_mem>>)
        %dma_wait3A_90 = arith.constant 0 : i32
        %dma_wait3A_91 = tpu.memref_slice %arg19[%mul3A_2, %dma_wait3A_90] : memref<10000x32xf32, #tpu.memory_space<vmem_shared>> -> memref<1000x32xf32, #tpu.memory_space<vmem_shared>>
        %dma_wait3A_92 = arith.constant 0 : i32
        %dma_wait3A_93 = tpu.memref_slice %arg5[%mul3A_2, %dma_wait3A_92] : memref<10000x32xf32, #tpu.memory_space<hbm>> -> memref<1000x32xf32, #tpu.memory_space<hbm>>
        tpu.wait_dma2 semaphore(%run_scoped3A : memref<!tpu.dma_semaphore, #tpu.memory_space<semaphore_mem>>) src(%dma_wait3A_93 : memref<1000x32xf32, #tpu.memory_space<hbm>>) dst(%dma_wait3A_91 : memref<1000x32xf32, #tpu.memory_space<vmem_shared>>)
        tpu.yield
      }) : () -> ()
      "tpu.region"() ({
        %run_scoped3A = tpu.sem_alloc : memref<!tpu.dma_semaphore, #tpu.memory_space<semaphore_mem>>
        %dma_start3A_86 = arith.constant 0 : i32
        %dma_start3A_87 = tpu.memref_slice %arg20[%mul3A_2, %dma_start3A_86] : memref<10000x16xf32, #tpu.memory_space<vmem_shared>> -> memref<1000x16xf32, #tpu.memory_space<vmem_shared>>
        %dma_start3A_88 = arith.constant 0 : i32
        %dma_start3A_89 = tpu.memref_slice %arg4[%mul3A_2, %dma_start3A_88] : memref<10000x16xf32, #tpu.memory_space<hbm>> -> memref<1000x16xf32, #tpu.memory_space<hbm>>
        tpu.enqueue_dma source(%dma_start3A_89 : memref<1000x16xf32, #tpu.memory_space<hbm>>) target(%dma_start3A_87 : memref<1000x16xf32, #tpu.memory_space<vmem_shared>>) target_semaphore(%run_scoped3A : memref<!tpu.dma_semaphore, #tpu.memory_space<semaphore_mem>>)
        %dma_wait3A_90 = arith.constant 0 : i32
        %dma_wait3A_91 = tpu.memref_slice %arg20[%mul3A_2, %dma_wait3A_90] : memref<10000x16xf32, #tpu.memory_space<vmem_shared>> -> memref<1000x16xf32, #tpu.memory_space<vmem_shared>>
        %dma_wait3A_92 = arith.constant 0 : i32
        %dma_wait3A_93 = tpu.memref_slice %arg4[%mul3A_2, %dma_wait3A_92] : memref<10000x16xf32, #tpu.memory_space<hbm>> -> memref<1000x16xf32, #tpu.memory_space<hbm>>
        tpu.wait_dma2 semaphore(%run_scoped3A : memref<!tpu.dma_semaphore, #tpu.memory_space<semaphore_mem>>) src(%dma_wait3A_93 : memref<1000x16xf32, #tpu.memory_space<hbm>>) dst(%dma_wait3A_91 : memref<1000x16xf32, #tpu.memory_space<vmem_shared>>)
        tpu.yield
      }) : () -> ()
      "tpu.region"() ({
        %run_scoped3A = tpu.sem_alloc : memref<!tpu.dma_semaphore, #tpu.memory_space<semaphore_mem>>
        %dma_start3A_86 = arith.constant 0 : i32
        %dma_start3A_87 = tpu.memref_slice %arg21[%mul3A_2, %dma_start3A_86] : memref<10000x32xf32, #tpu.memory_space<vmem_shared>> -> memref<1000x32xf32, #tpu.memory_space<vmem_shared>>
        %dma_start3A_88 = arith.constant 0 : i32
        %dma_start3A_89 = tpu.memref_slice %arg3[%mul3A_2, %dma_start3A_88] : memref<10000x32xf32, #tpu.memory_space<hbm>> -> memref<1000x32xf32, #tpu.memory_space<hbm>>
        tpu.enqueue_dma source(%dma_start3A_89 : memref<1000x32xf32, #tpu.memory_space<hbm>>) target(%dma_start3A_87 : memref<1000x32xf32, #tpu.memory_space<vmem_shared>>) target_semaphore(%run_scoped3A : memref<!tpu.dma_semaphore, #tpu.memory_space<semaphore_mem>>)
        %dma_wait3A_90 = arith.constant 0 : i32
        %dma_wait3A_91 = tpu.memref_slice %arg21[%mul3A_2, %dma_wait3A_90] : memref<10000x32xf32, #tpu.memory_space<vmem_shared>> -> memref<1000x32xf32, #tpu.memory_space<vmem_shared>>
        %dma_wait3A_92 = arith.constant 0 : i32
        %dma_wait3A_93 = tpu.memref_slice %arg3[%mul3A_2, %dma_wait3A_92] : memref<10000x32xf32, #tpu.memory_space<hbm>> -> memref<1000x32xf32, #tpu.memory_space<hbm>>
        tpu.wait_dma2 semaphore(%run_scoped3A : memref<!tpu.dma_semaphore, #tpu.memory_space<semaphore_mem>>) src(%dma_wait3A_93 : memref<1000x32xf32, #tpu.memory_space<hbm>>) dst(%dma_wait3A_91 : memref<1000x32xf32, #tpu.memory_space<vmem_shared>>)
        tpu.yield
      }) : () -> ()
    } else {
    }
    %barrier3A = arith.constant 0 : index
    tpu.barrier barrier_id(%barrier3A)
    %add3A_10 = arith.constant 0 : i32
    %add3A_11 = arith.addi %add3A, %add3A_10 : i32
    %mul3A_12 = arith.constant 128 : i32
    %mul3A_13 = arith.muli %add3A_11, %mul3A_12 : i32
    %dma_start3A = arith.constant 0 : i32
    %dma_start3A_14 = tpu.memref_slice %arg2[%dma_start3A, %mul3A_13] : memref<2x320000xi32, #tpu.memory_space<hbm>> -> memref<1x128xi32, #tpu.memory_space<hbm>>
    %dma_start3A_15 = tpu.memref_squeeze %dma_start3A_14 : memref<1x128xi32, #tpu.memory_space<hbm>> -> memref<128xi32, #tpu.memory_space<hbm>>
    %dma_start3A_16 = tpu.memref_slice %arg2[%dma_start3A, %mul3A_13] : memref<2x320000xi32, #tpu.memory_space<hbm>> -> memref<1x128xi32, #tpu.memory_space<hbm>>
    %dma_start3A_17 = tpu.memref_squeeze %dma_start3A_16 : memref<1x128xi32, #tpu.memory_space<hbm>> -> memref<128xi32, #tpu.memory_space<hbm>>
    tpu.enqueue_dma source(%dma_start3A_17 : memref<128xi32, #tpu.memory_space<hbm>>) target(%arg7 : memref<128xi32, #tpu.memory_space<vmem>>) target_semaphore(%arg28 : memref<!tpu.dma_semaphore, #tpu.memory_space<semaphore_mem>>)
    %dma_start3A_18 = arith.constant 1 : i32
    %dma_start3A_19 = tpu.memref_slice %arg2[%dma_start3A_18, %mul3A_13] : memref<2x320000xi32, #tpu.memory_space<hbm>> -> memref<1x128xi32, #tpu.memory_space<hbm>>
    %dma_start3A_20 = tpu.memref_squeeze %dma_start3A_19 : memref<1x128xi32, #tpu.memory_space<hbm>> -> memref<128xi32, #tpu.memory_space<hbm>>
    %dma_start3A_21 = tpu.memref_slice %arg2[%dma_start3A_18, %mul3A_13] : memref<2x320000xi32, #tpu.memory_space<hbm>> -> memref<1x128xi32, #tpu.memory_space<hbm>>
    %dma_start3A_22 = tpu.memref_squeeze %dma_start3A_21 : memref<1x128xi32, #tpu.memory_space<hbm>> -> memref<128xi32, #tpu.memory_space<hbm>>
    tpu.enqueue_dma source(%dma_start3A_22 : memref<128xi32, #tpu.memory_space<hbm>>) target(%arg11 : memref<128xi32, #tpu.memory_space<vmem>>) target_semaphore(%arg28 : memref<!tpu.dma_semaphore, #tpu.memory_space<semaphore_mem>>)
    %add3A_23 = arith.constant 32 : i32
    %add3A_24 = arith.addi %add3A, %add3A_23 : i32
    %mul3A_25 = arith.constant 128 : i32
    %mul3A_26 = arith.muli %add3A_24, %mul3A_25 : i32
    %dma_start3A_27 = arith.constant 0 : i32
    %dma_start3A_28 = tpu.memref_slice %arg2[%dma_start3A_27, %mul3A_26] : memref<2x320000xi32, #tpu.memory_space<hbm>> -> memref<1x128xi32, #tpu.memory_space<hbm>>
    %dma_start3A_29 = tpu.memref_squeeze %dma_start3A_28 : memref<1x128xi32, #tpu.memory_space<hbm>> -> memref<128xi32, #tpu.memory_space<hbm>>
    %dma_start3A_30 = tpu.memref_slice %arg2[%dma_start3A_27, %mul3A_26] : memref<2x320000xi32, #tpu.memory_space<hbm>> -> memref<1x128xi32, #tpu.memory_space<hbm>>
    %dma_start3A_31 = tpu.memref_squeeze %dma_start3A_30 : memref<1x128xi32, #tpu.memory_space<hbm>> -> memref<128xi32, #tpu.memory_space<hbm>>
    tpu.enqueue_dma source(%dma_start3A_31 : memref<128xi32, #tpu.memory_space<hbm>>) target(%arg8 : memref<128xi32, #tpu.memory_space<vmem>>) target_semaphore(%arg29 : memref<!tpu.dma_semaphore, #tpu.memory_space<semaphore_mem>>)
    %dma_start3A_32 = arith.constant 1 : i32
    %dma_start3A_33 = tpu.memref_slice %arg2[%dma_start3A_32, %mul3A_26] : memref<2x320000xi32, #tpu.memory_space<hbm>> -> memref<1x128xi32, #tpu.memory_space<hbm>>
    %dma_start3A_34 = tpu.memref_squeeze %dma_start3A_33 : memref<1x128xi32, #tpu.memory_space<hbm>> -> memref<128xi32, #tpu.memory_space<hbm>>
    %dma_start3A_35 = tpu.memref_slice %arg2[%dma_start3A_32, %mul3A_26] : memref<2x320000xi32, #tpu.memory_space<hbm>> -> memref<1x128xi32, #tpu.memory_space<hbm>>
    %dma_start3A_36 = tpu.memref_squeeze %dma_start3A_35 : memref<1x128xi32, #tpu.memory_space<hbm>> -> memref<128xi32, #tpu.memory_space<hbm>>
    tpu.enqueue_dma source(%dma_start3A_36 : memref<128xi32, #tpu.memory_space<hbm>>) target(%arg12 : memref<128xi32, #tpu.memory_space<vmem>>) target_semaphore(%arg29 : memref<!tpu.dma_semaphore, #tpu.memory_space<semaphore_mem>>)
    %add3A_37 = arith.constant 64 : i32
    %add3A_38 = arith.addi %add3A, %add3A_37 : i32
    %mul3A_39 = arith.constant 128 : i32
    %mul3A_40 = arith.muli %add3A_38, %mul3A_39 : i32
    %dma_start3A_41 = arith.constant 0 : i32
    %dma_start3A_42 = tpu.memref_slice %arg2[%dma_start3A_41, %mul3A_40] : memref<2x320000xi32, #tpu.memory_space<hbm>> -> memref<1x128xi32, #tpu.memory_space<hbm>>
    %dma_start3A_43 = tpu.memref_squeeze %dma_start3A_42 : memref<1x128xi32, #tpu.memory_space<hbm>> -> memref<128xi32, #tpu.memory_space<hbm>>
    %dma_start3A_44 = tpu.memref_slice %arg2[%dma_start3A_41, %mul3A_40] : memref<2x320000xi32, #tpu.memory_space<hbm>> -> memref<1x128xi32, #tpu.memory_space<hbm>>
    %dma_start3A_45 = tpu.memref_squeeze %dma_start3A_44 : memref<1x128xi32, #tpu.memory_space<hbm>> -> memref<128xi32, #tpu.memory_space<hbm>>
    tpu.enqueue_dma source(%dma_start3A_45 : memref<128xi32, #tpu.memory_space<hbm>>) target(%arg9 : memref<128xi32, #tpu.memory_space<vmem>>) target_semaphore(%arg30 : memref<!tpu.dma_semaphore, #tpu.memory_space<semaphore_mem>>)
    %dma_start3A_46 = arith.constant 1 : i32
    %dma_start3A_47 = tpu.memref_slice %arg2[%dma_start3A_46, %mul3A_40] : memref<2x320000xi32, #tpu.memory_space<hbm>> -> memref<1x128xi32, #tpu.memory_space<hbm>>
    %dma_start3A_48 = tpu.memref_squeeze %dma_start3A_47 : memref<1x128xi32, #tpu.memory_space<hbm>> -> memref<128xi32, #tpu.memory_space<hbm>>
    %dma_start3A_49 = tpu.memref_slice %arg2[%dma_start3A_46, %mul3A_40] : memref<2x320000xi32, #tpu.memory_space<hbm>> -> memref<1x128xi32, #tpu.memory_space<hbm>>
    %dma_start3A_50 = tpu.memref_squeeze %dma_start3A_49 : memref<1x128xi32, #tpu.memory_space<hbm>> -> memref<128xi32, #tpu.memory_space<hbm>>
    tpu.enqueue_dma source(%dma_start3A_50 : memref<128xi32, #tpu.memory_space<hbm>>) target(%arg13 : memref<128xi32, #tpu.memory_space<vmem>>) target_semaphore(%arg30 : memref<!tpu.dma_semaphore, #tpu.memory_space<semaphore_mem>>)
    %add3A_51 = arith.constant 0 : i32
    %add3A_52 = arith.addi %add3A, %add3A_51 : i32
    %mul3A_53 = arith.constant 128 : i32
    %mul3A_54 = arith.muli %add3A_52, %mul3A_53 : i32
    %dma_wait3A = arith.constant 0 : i32
    %dma_wait3A_55 = tpu.memref_slice %arg2[%dma_wait3A, %mul3A_54] : memref<2x320000xi32, #tpu.memory_space<hbm>> -> memref<1x128xi32, #tpu.memory_space<hbm>>
    %dma_wait3A_56 = tpu.memref_squeeze %dma_wait3A_55 : memref<1x128xi32, #tpu.memory_space<hbm>> -> memref<128xi32, #tpu.memory_space<hbm>>
    %dma_wait3A_57 = tpu.memref_slice %arg2[%dma_wait3A, %mul3A_54] : memref<2x320000xi32, #tpu.memory_space<hbm>> -> memref<1x128xi32, #tpu.memory_space<hbm>>
    %dma_wait3A_58 = tpu.memref_squeeze %dma_wait3A_57 : memref<1x128xi32, #tpu.memory_space<hbm>> -> memref<128xi32, #tpu.memory_space<hbm>>
    tpu.wait_dma2 semaphore(%arg28 : memref<!tpu.dma_semaphore, #tpu.memory_space<semaphore_mem>>) src(%dma_wait3A_58 : memref<128xi32, #tpu.memory_space<hbm>>) dst(%arg7 : memref<128xi32, #tpu.memory_space<vmem>>)
    %dma_wait3A_59 = arith.constant 1 : i32
    %dma_wait3A_60 = tpu.memref_slice %arg2[%dma_wait3A_59, %mul3A_54] : memref<2x320000xi32, #tpu.memory_space<hbm>> -> memref<1x128xi32, #tpu.memory_space<hbm>>
    %dma_wait3A_61 = tpu.memref_squeeze %dma_wait3A_60 : memref<1x128xi32, #tpu.memory_space<hbm>> -> memref<128xi32, #tpu.memory_space<hbm>>
    %dma_wait3A_62 = tpu.memref_slice %arg2[%dma_wait3A_59, %mul3A_54] : memref<2x320000xi32, #tpu.memory_space<hbm>> -> memref<1x128xi32, #tpu.memory_space<hbm>>
    %dma_wait3A_63 = tpu.memref_squeeze %dma_wait3A_62 : memref<1x128xi32, #tpu.memory_space<hbm>> -> memref<128xi32, #tpu.memory_space<hbm>>
    tpu.wait_dma2 semaphore(%arg28 : memref<!tpu.dma_semaphore, #tpu.memory_space<semaphore_mem>>) src(%dma_wait3A_63 : memref<128xi32, #tpu.memory_space<hbm>>) dst(%arg11 : memref<128xi32, #tpu.memory_space<vmem>>)
    %dma_start3A_64 = arith.constant 0 : i32
    %dma_start3A_65 = arith.constant 0 : i32
    %dma_start3A_66 = tpu.memref_slice %arg21[%dma_start3A_64, %dma_start3A_65] : memref<10000x32xf32, #tpu.memory_space<vmem_shared>> -> memref<10000x32xf32, #tpu.memory_space<vmem_shared>>
    tpu.enqueue_indirect_dma source(%dma_start3A_66 : memref<10000x32xf32, #tpu.memory_space<vmem_shared>>) target(%arg15 : memref<128x32xf32, #tpu.memory_space<vmem>>) offsets(%arg7 : memref<128xi32, #tpu.memory_space<vmem>>) semaphore(%arg22 : memref<!tpu.dma_semaphore, #tpu.memory_space<semaphore_mem>>)
    %dma_start3A_67 = arith.constant 0 : i32
    %dma_start3A_68 = arith.constant 0 : i32
    %dma_start3A_69 = tpu.memref_slice %arg20[%dma_start3A_67, %dma_start3A_68] : memref<10000x16xf32, #tpu.memory_space<vmem_shared>> -> memref<10000x16xf32, #tpu.memory_space<vmem_shared>>
    tpu.enqueue_indirect_dma source(%dma_start3A_69 : memref<10000x16xf32, #tpu.memory_space<vmem_shared>>) target(%arg17 : memref<128x16xf32, #tpu.memory_space<vmem>>) offsets(%arg11 : memref<128xi32, #tpu.memory_space<vmem>>) semaphore(%arg24 : memref<!tpu.dma_semaphore, #tpu.memory_space<semaphore_mem>>)
    %scan3A = arith.constant 0 : i32
    %scan3A_70 = arith.constant 21 : i32
    %scan3A_71 = arith.addi %scan3A, %scan3A_70 : i32
    %scan3A_72 = arith.constant 1 : i32
    scf.for %scan3A_86 = %scan3A to %scan3A_71 step %scan3A_72  : i32 {
      %mul3A_87 = arith.constant 4 : i32
      %mul3A_88 = arith.muli %scan3A_86, %mul3A_87 : i32
      %add3A_89 = arith.constant 0 : i32
      %add3A_90 = arith.addi %add3A_89, %mul3A_88 : i32
      %add3A_91 = arith.constant 0 : i32
      %add3A_92 = arith.addi %add3A_90, %add3A_91 : i32
      %add3A_93 = arith.constant 1 : i32
      %add3A_94 = arith.addi %add3A_92, %add3A_93 : i32
      %lt3A_95 = arith.cmpi slt, %add3A_94, %add3A_6 : i32
      %convert_element_type3A_96 = arith.extui %lt3A_95 : i1 to i32
      %cond3A_97 = arith.constant 0 : i32
      %cond3A_98 = arith.cmpi ne, %convert_element_type3A_96, %cond3A_97 : i32
      scf.if %cond3A_98 {
        %add3A_163 = arith.constant 1 : i32
        %add3A_164 = arith.addi %add3A_92, %add3A_163 : i32
        %ge3A = arith.constant 2 : i32
        %ge3A_165 = arith.cmpi sge, %add3A_164, %ge3A : i32
        %convert_element_type3A_166 = arith.extui %ge3A_165 : i1 to i32
        %cond3A_167 = arith.constant 0 : i32
        %cond3A_168 = arith.cmpi ne, %convert_element_type3A_166, %cond3A_167 : i32
        scf.if %cond3A_168 {
          %dma_wait3A_190 = arith.constant 0 : i32
          %dma_wait3A_191 = arith.constant 0 : i32
          %dma_wait3A_192 = tpu.memref_slice %arg19[%dma_wait3A_190, %dma_wait3A_191] : memref<10000x32xf32, #tpu.memory_space<vmem_shared>> -> memref<10000x32xf32, #tpu.memory_space<vmem_shared>>
          tpu.wait_indirect_dma semaphore(%arg27 : memref<!tpu.dma_semaphore, #tpu.memory_space<semaphore_mem>>) src(%arg16 : memref<128x32xf32, #tpu.memory_space<vmem>>) dst(%dma_wait3A_192 : memref<10000x32xf32, #tpu.memory_space<vmem_shared>>)
        } else {
        }
        %mul3A_169 = arith.constant 32 : i32
        %mul3A_170 = arith.muli %mul3A_169, %add3A_164 : i32
        %add3A_171 = arith.addi %add3A, %mul3A_170 : i32
        %mul3A_172 = arith.constant 128 : i32
        %mul3A_173 = arith.muli %add3A_171, %mul3A_172 : i32
        %dma_wait3A_174 = arith.constant 0 : i32
        %dma_wait3A_175 = tpu.memref_slice %arg2[%dma_wait3A_174, %mul3A_173] : memref<2x320000xi32, #tpu.memory_space<hbm>> -> memref<1x128xi32, #tpu.memory_space<hbm>>
        %dma_wait3A_176 = tpu.memref_squeeze %dma_wait3A_175 : memref<1x128xi32, #tpu.memory_space<hbm>> -> memref<128xi32, #tpu.memory_space<hbm>>
        %dma_wait3A_177 = tpu.memref_slice %arg2[%dma_wait3A_174, %mul3A_173] : memref<2x320000xi32, #tpu.memory_space<hbm>> -> memref<1x128xi32, #tpu.memory_space<hbm>>
        %dma_wait3A_178 = tpu.memref_squeeze %dma_wait3A_177 : memref<1x128xi32, #tpu.memory_space<hbm>> -> memref<128xi32, #tpu.memory_space<hbm>>
        tpu.wait_dma2 semaphore(%arg29 : memref<!tpu.dma_semaphore, #tpu.memory_space<semaphore_mem>>) src(%dma_wait3A_178 : memref<128xi32, #tpu.memory_space<hbm>>) dst(%arg8 : memref<128xi32, #tpu.memory_space<vmem>>)
        %dma_wait3A_179 = arith.constant 1 : i32
        %dma_wait3A_180 = tpu.memref_slice %arg2[%dma_wait3A_179, %mul3A_173] : memref<2x320000xi32, #tpu.memory_space<hbm>> -> memref<1x128xi32, #tpu.memory_space<hbm>>
        %dma_wait3A_181 = tpu.memref_squeeze %dma_wait3A_180 : memref<1x128xi32, #tpu.memory_space<hbm>> -> memref<128xi32, #tpu.memory_space<hbm>>
        %dma_wait3A_182 = tpu.memref_slice %arg2[%dma_wait3A_179, %mul3A_173] : memref<2x320000xi32, #tpu.memory_space<hbm>> -> memref<1x128xi32, #tpu.memory_space<hbm>>
        %dma_wait3A_183 = tpu.memref_squeeze %dma_wait3A_182 : memref<1x128xi32, #tpu.memory_space<hbm>> -> memref<128xi32, #tpu.memory_space<hbm>>
        tpu.wait_dma2 semaphore(%arg29 : memref<!tpu.dma_semaphore, #tpu.memory_space<semaphore_mem>>) src(%dma_wait3A_183 : memref<128xi32, #tpu.memory_space<hbm>>) dst(%arg12 : memref<128xi32, #tpu.memory_space<vmem>>)
        %dma_start3A_184 = arith.constant 0 : i32
        %dma_start3A_185 = arith.constant 0 : i32
        %dma_start3A_186 = tpu.memref_slice %arg21[%dma_start3A_184, %dma_start3A_185] : memref<10000x32xf32, #tpu.memory_space<vmem_shared>> -> memref<10000x32xf32, #tpu.memory_space<vmem_shared>>
        tpu.enqueue_indirect_dma source(%dma_start3A_186 : memref<10000x32xf32, #tpu.memory_space<vmem_shared>>) target(%arg16 : memref<128x32xf32, #tpu.memory_space<vmem>>) offsets(%arg8 : memref<128xi32, #tpu.memory_space<vmem>>) semaphore(%arg23 : memref<!tpu.dma_semaphore, #tpu.memory_space<semaphore_mem>>)
        %dma_start3A_187 = arith.constant 0 : i32
        %dma_start3A_188 = arith.constant 0 : i32
        %dma_start3A_189 = tpu.memref_slice %arg20[%dma_start3A_187, %dma_start3A_188] : memref<10000x16xf32, #tpu.memory_space<vmem_shared>> -> memref<10000x16xf32, #tpu.memory_space<vmem_shared>>
        tpu.enqueue_indirect_dma source(%dma_start3A_189 : memref<10000x16xf32, #tpu.memory_space<vmem_shared>>) target(%arg18 : memref<128x16xf32, #tpu.memory_space<vmem>>) offsets(%arg12 : memref<128xi32, #tpu.memory_space<vmem>>) semaphore(%arg25 : memref<!tpu.dma_semaphore, #tpu.memory_space<semaphore_mem>>)
      } else {
      }
      %add3A_99 = arith.constant 3 : i32
      %add3A_100 = arith.addi %add3A_92, %add3A_99 : i32
      %lt3A_101 = arith.cmpi slt, %add3A_100, %add3A_6 : i32
      %convert_element_type3A_102 = arith.extui %lt3A_101 : i1 to i32
      %cond3A_103 = arith.constant 0 : i32
      %cond3A_104 = arith.cmpi ne, %convert_element_type3A_102, %cond3A_103 : i32
      scf.if %cond3A_104 {
        %add3A_163 = arith.constant 3 : i32
        %add3A_164 = arith.addi %add3A_92, %add3A_163 : i32
        %mul3A_165 = arith.constant 32 : i32
        %mul3A_166 = arith.muli %mul3A_165, %add3A_164 : i32
        %add3A_167 = arith.addi %add3A, %mul3A_166 : i32
        %mul3A_168 = arith.constant 128 : i32
        %mul3A_169 = arith.muli %add3A_167, %mul3A_168 : i32
        %dma_start3A_170 = arith.constant 0 : i32
        %dma_start3A_171 = tpu.memref_slice %arg2[%dma_start3A_170, %mul3A_169] : memref<2x320000xi32, #tpu.memory_space<hbm>> -> memref<1x128xi32, #tpu.memory_space<hbm>>
        %dma_start3A_172 = tpu.memref_squeeze %dma_start3A_171 : memref<1x128xi32, #tpu.memory_space<hbm>> -> memref<128xi32, #tpu.memory_space<hbm>>
        %dma_start3A_173 = tpu.memref_slice %arg2[%dma_start3A_170, %mul3A_169] : memref<2x320000xi32, #tpu.memory_space<hbm>> -> memref<1x128xi32, #tpu.memory_space<hbm>>
        %dma_start3A_174 = tpu.memref_squeeze %dma_start3A_173 : memref<1x128xi32, #tpu.memory_space<hbm>> -> memref<128xi32, #tpu.memory_space<hbm>>
        tpu.enqueue_dma source(%dma_start3A_174 : memref<128xi32, #tpu.memory_space<hbm>>) target(%arg10 : memref<128xi32, #tpu.memory_space<vmem>>) target_semaphore(%arg31 : memref<!tpu.dma_semaphore, #tpu.memory_space<semaphore_mem>>)
        %dma_start3A_175 = arith.constant 1 : i32
        %dma_start3A_176 = tpu.memref_slice %arg2[%dma_start3A_175, %mul3A_169] : memref<2x320000xi32, #tpu.memory_space<hbm>> -> memref<1x128xi32, #tpu.memory_space<hbm>>
        %dma_start3A_177 = tpu.memref_squeeze %dma_start3A_176 : memref<1x128xi32, #tpu.memory_space<hbm>> -> memref<128xi32, #tpu.memory_space<hbm>>
        %dma_start3A_178 = tpu.memref_slice %arg2[%dma_start3A_175, %mul3A_169] : memref<2x320000xi32, #tpu.memory_space<hbm>> -> memref<1x128xi32, #tpu.memory_space<hbm>>
        %dma_start3A_179 = tpu.memref_squeeze %dma_start3A_178 : memref<1x128xi32, #tpu.memory_space<hbm>> -> memref<128xi32, #tpu.memory_space<hbm>>
        tpu.enqueue_dma source(%dma_start3A_179 : memref<128xi32, #tpu.memory_space<hbm>>) target(%arg14 : memref<128xi32, #tpu.memory_space<vmem>>) target_semaphore(%arg31 : memref<!tpu.dma_semaphore, #tpu.memory_space<semaphore_mem>>)
      } else {
      }
      %lt3A_105 = arith.cmpi slt, %add3A_92, %add3A_6 : i32
      %convert_element_type3A_106 = arith.extui %lt3A_105 : i1 to i32
      %cond3A_107 = arith.constant 0 : i32
      %cond3A_108 = arith.cmpi ne, %convert_element_type3A_106, %cond3A_107 : i32
      scf.if %cond3A_108 {
        %dma_wait3A_163 = arith.constant 0 : i32
        %dma_wait3A_164 = arith.constant 0 : i32
        %dma_wait3A_165 = tpu.memref_slice %arg20[%dma_wait3A_163, %dma_wait3A_164] : memref<10000x16xf32, #tpu.memory_space<vmem_shared>> -> memref<10000x16xf32, #tpu.memory_space<vmem_shared>>
        tpu.wait_indirect_dma semaphore(%arg24 : memref<!tpu.dma_semaphore, #tpu.memory_space<semaphore_mem>>) src(%dma_wait3A_165 : memref<10000x16xf32, #tpu.memory_space<vmem_shared>>) dst(%arg17 : memref<128x16xf32, #tpu.memory_space<vmem>>)
        %dma_wait3A_166 = arith.constant 0 : i32
        %dma_wait3A_167 = arith.constant 0 : i32
        %dma_wait3A_168 = tpu.memref_slice %arg21[%dma_wait3A_166, %dma_wait3A_167] : memref<10000x32xf32, #tpu.memory_space<vmem_shared>> -> memref<10000x32xf32, #tpu.memory_space<vmem_shared>>
        tpu.wait_indirect_dma semaphore(%arg22 : memref<!tpu.dma_semaphore, #tpu.memory_space<semaphore_mem>>) src(%dma_wait3A_168 : memref<10000x32xf32, #tpu.memory_space<vmem_shared>>) dst(%arg15 : memref<128x32xf32, #tpu.memory_space<vmem>>)
        %parallel_loop3A = arith.constant 0 : i32
        %parallel_loop3A_169 = arith.constant 128 : i32
        %parallel_loop3A_170 = arith.constant 1 : i32
        scf.for %parallel_loop3A_174 = %parallel_loop3A to %parallel_loop3A_169 step %parallel_loop3A_170  : i32 {
          %parallel_loop3A_175 = arith.constant 0 : i32
          %parallel_loop3A_176 = tpu.memref_slice %arg15[%parallel_loop3A_174, %parallel_loop3A_175] : memref<128x32xf32, #tpu.memory_space<vmem>> -> memref<1x32xf32, #tpu.memory_space<vmem>>
          %parallel_loop3A_177 = tpu.memref_squeeze %parallel_loop3A_176 : memref<1x32xf32, #tpu.memory_space<vmem>> -> memref<32xf32, #tpu.memory_space<vmem>>
          %parallel_loop3A_178 = arith.constant 16 : index
          %parallel_loop3A_179 = tpu.vector_load %parallel_loop3A_177[%parallel_loop3A_178] {strides = array<i32>} : memref<32xf32, #tpu.memory_space<vmem>>, vector<16xf32>,
          %parallel_loop3A_180 = vector.shape_cast %parallel_loop3A_179 : vector<16xf32> to vector<16xf32>
          %parallel_loop3A_181 = arith.index_cast %parallel_loop3A_174 : i32 to index
          %parallel_loop3A_182 = arith.constant 0 : index
          %parallel_loop3A_183 = tpu.vector_load %arg17[%parallel_loop3A_181, %parallel_loop3A_182] {strides = array<i32>} : memref<128x16xf32, #tpu.memory_space<vmem>>, vector<1x16xf32>,
          %parallel_loop3A_184 = vector.shape_cast %parallel_loop3A_183 : vector<1x16xf32> to vector<16xf32>
          %parallel_loop3A_185 = arith.addf %parallel_loop3A_180, %parallel_loop3A_184 : vector<16xf32>
          %parallel_loop3A_186 = arith.constant 0.000000e+00 : f32
          %parallel_loop3A_187 = vector.broadcast %parallel_loop3A_186 : f32 to vector<16xf32>
          %parallel_loop3A_188 = arith.cmpf oge, %parallel_loop3A_185, %parallel_loop3A_187 : vector<16xf32>
          %parallel_loop3A_189 = arith.constant 2.000000e-01 : f32
          %parallel_loop3A_190 = vector.broadcast %parallel_loop3A_189 : f32 to vector<16xf32>
          %parallel_loop3A_191 = arith.mulf %parallel_loop3A_190, %parallel_loop3A_185 : vector<16xf32>
          %parallel_loop3A_192 = arith.select %parallel_loop3A_188, %parallel_loop3A_185, %parallel_loop3A_191 : vector<16xi1>, vector<16xf32>
          %parallel_loop3A_193 = math.exp %parallel_loop3A_192 : vector<16xf32>
          %parallel_loop3A_194 = arith.constant 0 : i32
          %parallel_loop3A_195 = tpu.memref_slice %arg15[%parallel_loop3A_174, %parallel_loop3A_194] : memref<128x32xf32, #tpu.memory_space<vmem>> -> memref<1x32xf32, #tpu.memory_space<vmem>>
          %parallel_loop3A_196 = tpu.memref_squeeze %parallel_loop3A_195 : memref<1x32xf32, #tpu.memory_space<vmem>> -> memref<32xf32, #tpu.memory_space<vmem>>
          %parallel_loop3A_197 = arith.constant 16 : index
          %parallel_loop3A_198 = tpu.vector_load %parallel_loop3A_196[%parallel_loop3A_197] {strides = array<i32>} : memref<32xf32, #tpu.memory_space<vmem>>, vector<16xf32>,
          %parallel_loop3A_199 = vector.shape_cast %parallel_loop3A_198 : vector<16xf32> to vector<16xf32>
          %parallel_loop3A_200 = vector.shape_cast %parallel_loop3A_193 : vector<16xf32> to vector<16xf32>
          tpu.vector_store %parallel_loop3A_196[%parallel_loop3A_197], %parallel_loop3A_200 {strides = array<i32>} : memref<32xf32, #tpu.memory_space<vmem>>, vector<16xf32>,
          %parallel_loop3A_201 = arith.constant 0 : i32
          %parallel_loop3A_202 = tpu.memref_slice %arg15[%parallel_loop3A_174, %parallel_loop3A_201] : memref<128x32xf32, #tpu.memory_space<vmem>> -> memref<1x32xf32, #tpu.memory_space<vmem>>
          %parallel_loop3A_203 = tpu.memref_squeeze %parallel_loop3A_202 : memref<1x32xf32, #tpu.memory_space<vmem>> -> memref<32xf32, #tpu.memory_space<vmem>>
          %parallel_loop3A_204 = arith.constant 0 : index
          %parallel_loop3A_205 = tpu.vector_load %parallel_loop3A_203[%parallel_loop3A_204] {strides = array<i32>} : memref<32xf32, #tpu.memory_space<vmem>>, vector<16xf32>,
          %parallel_loop3A_206 = vector.shape_cast %parallel_loop3A_205 : vector<16xf32> to vector<16xf32>
          %parallel_loop3A_207 = arith.mulf %parallel_loop3A_206, %parallel_loop3A_193 : vector<16xf32>
          %parallel_loop3A_208 = arith.constant 0 : i32
          %parallel_loop3A_209 = tpu.memref_slice %arg15[%parallel_loop3A_174, %parallel_loop3A_208] : memref<128x32xf32, #tpu.memory_space<vmem>> -> memref<1x32xf32, #tpu.memory_space<vmem>>
          %parallel_loop3A_210 = tpu.memref_squeeze %parallel_loop3A_209 : memref<1x32xf32, #tpu.memory_space<vmem>> -> memref<32xf32, #tpu.memory_space<vmem>>
          %parallel_loop3A_211 = arith.constant 0 : index
          %parallel_loop3A_212 = tpu.vector_load %parallel_loop3A_210[%parallel_loop3A_211] {strides = array<i32>} : memref<32xf32, #tpu.memory_space<vmem>>, vector<16xf32>,
          %parallel_loop3A_213 = vector.shape_cast %parallel_loop3A_212 : vector<16xf32> to vector<16xf32>
          %parallel_loop3A_214 = vector.shape_cast %parallel_loop3A_207 : vector<16xf32> to vector<16xf32>
          tpu.vector_store %parallel_loop3A_210[%parallel_loop3A_211], %parallel_loop3A_214 {strides = array<i32>} : memref<32xf32, #tpu.memory_space<vmem>>, vector<16xf32>,
        } {sc.loop_unroll_factor = 4 : i64, sc.parallel_access}
        %dma_start3A_171 = arith.constant 0 : i32
        %dma_start3A_172 = arith.constant 0 : i32
        %dma_start3A_173 = tpu.memref_slice %arg19[%dma_start3A_171, %dma_start3A_172] : memref<10000x32xf32, #tpu.memory_space<vmem_shared>> -> memref<10000x32xf32, #tpu.memory_space<vmem_shared>>
        tpu.enqueue_indirect_dma source(%arg15 : memref<128x32xf32, #tpu.memory_space<vmem>>) target(%dma_start3A_173 : memref<10000x32xf32, #tpu.memory_space<vmem_shared>>) offsets(%arg11 : memref<128xi32, #tpu.memory_space<vmem>>) semaphore(%arg26 : memref<!tpu.dma_semaphore, #tpu.memory_space<semaphore_mem>>) {add = true}
      } else {
      }
      %add3A_109 = arith.constant 1 : i32
      %add3A_110 = arith.addi %add3A_90, %add3A_109 : i32
      %add3A_111 = arith.constant 1 : i32
      %add3A_112 = arith.addi %add3A_110, %add3A_111 : i32
      %lt3A_113 = arith.cmpi slt, %add3A_112, %add3A_6 : i32
      %convert_element_type3A_114 = arith.extui %lt3A_113 : i1 to i32
      %cond3A_115 = arith.constant 0 : i32
      %cond3A_116 = arith.cmpi ne, %convert_element_type3A_114, %cond3A_115 : i32
      scf.if %cond3A_116 {
        %add3A_163 = arith.constant 1 : i32
        %add3A_164 = arith.addi %add3A_110, %add3A_163 : i32
        %ge3A = arith.constant 2 : i32
        %ge3A_165 = arith.cmpi sge, %add3A_164, %ge3A : i32
        %convert_element_type3A_166 = arith.extui %ge3A_165 : i1 to i32
        %cond3A_167 = arith.constant 0 : i32
        %cond3A_168 = arith.cmpi ne, %convert_element_type3A_166, %cond3A_167 : i32
        scf.if %cond3A_168 {
          %dma_wait3A_190 = arith.constant 0 : i32
          %dma_wait3A_191 = arith.constant 0 : i32
          %dma_wait3A_192 = tpu.memref_slice %arg19[%dma_wait3A_190, %dma_wait3A_191] : memref<10000x32xf32, #tpu.memory_space<vmem_shared>> -> memref<10000x32xf32, #tpu.memory_space<vmem_shared>>
          tpu.wait_indirect_dma semaphore(%arg26 : memref<!tpu.dma_semaphore, #tpu.memory_space<semaphore_mem>>) src(%arg15 : memref<128x32xf32, #tpu.memory_space<vmem>>) dst(%dma_wait3A_192 : memref<10000x32xf32, #tpu.memory_space<vmem_shared>>)
        } else {
        }
        %mul3A_169 = arith.constant 32 : i32
        %mul3A_170 = arith.muli %mul3A_169, %add3A_164 : i32
        %add3A_171 = arith.addi %add3A, %mul3A_170 : i32
        %mul3A_172 = arith.constant 128 : i32
        %mul3A_173 = arith.muli %add3A_171, %mul3A_172 : i32
        %dma_wait3A_174 = arith.constant 0 : i32
        %dma_wait3A_175 = tpu.memref_slice %arg2[%dma_wait3A_174, %mul3A_173] : memref<2x320000xi32, #tpu.memory_space<hbm>> -> memref<1x128xi32, #tpu.memory_space<hbm>>
        %dma_wait3A_176 = tpu.memref_squeeze %dma_wait3A_175 : memref<1x128xi32, #tpu.memory_space<hbm>> -> memref<128xi32, #tpu.memory_space<hbm>>
        %dma_wait3A_177 = tpu.memref_slice %arg2[%dma_wait3A_174, %mul3A_173] : memref<2x320000xi32, #tpu.memory_space<hbm>> -> memref<1x128xi32, #tpu.memory_space<hbm>>
        %dma_wait3A_178 = tpu.memref_squeeze %dma_wait3A_177 : memref<1x128xi32, #tpu.memory_space<hbm>> -> memref<128xi32, #tpu.memory_space<hbm>>
        tpu.wait_dma2 semaphore(%arg30 : memref<!tpu.dma_semaphore, #tpu.memory_space<semaphore_mem>>) src(%dma_wait3A_178 : memref<128xi32, #tpu.memory_space<hbm>>) dst(%arg9 : memref<128xi32, #tpu.memory_space<vmem>>)
        %dma_wait3A_179 = arith.constant 1 : i32
        %dma_wait3A_180 = tpu.memref_slice %arg2[%dma_wait3A_179, %mul3A_173] : memref<2x320000xi32, #tpu.memory_space<hbm>> -> memref<1x128xi32, #tpu.memory_space<hbm>>
        %dma_wait3A_181 = tpu.memref_squeeze %dma_wait3A_180 : memref<1x128xi32, #tpu.memory_space<hbm>> -> memref<128xi32, #tpu.memory_space<hbm>>
        %dma_wait3A_182 = tpu.memref_slice %arg2[%dma_wait3A_179, %mul3A_173] : memref<2x320000xi32, #tpu.memory_space<hbm>> -> memref<1x128xi32, #tpu.memory_space<hbm>>
        %dma_wait3A_183 = tpu.memref_squeeze %dma_wait3A_182 : memref<1x128xi32, #tpu.memory_space<hbm>> -> memref<128xi32, #tpu.memory_space<hbm>>
        tpu.wait_dma2 semaphore(%arg30 : memref<!tpu.dma_semaphore, #tpu.memory_space<semaphore_mem>>) src(%dma_wait3A_183 : memref<128xi32, #tpu.memory_space<hbm>>) dst(%arg13 : memref<128xi32, #tpu.memory_space<vmem>>)
        %dma_start3A_184 = arith.constant 0 : i32
        %dma_start3A_185 = arith.constant 0 : i32
        %dma_start3A_186 = tpu.memref_slice %arg21[%dma_start3A_184, %dma_start3A_185] : memref<10000x32xf32, #tpu.memory_space<vmem_shared>> -> memref<10000x32xf32, #tpu.memory_space<vmem_shared>>
        tpu.enqueue_indirect_dma source(%dma_start3A_186 : memref<10000x32xf32, #tpu.memory_space<vmem_shared>>) target(%arg15 : memref<128x32xf32, #tpu.memory_space<vmem>>) offsets(%arg9 : memref<128xi32, #tpu.memory_space<vmem>>) semaphore(%arg22 : memref<!tpu.dma_semaphore, #tpu.memory_space<semaphore_mem>>)
        %dma_start3A_187 = arith.constant 0 : i32
        %dma_start3A_188 = arith.constant 0 : i32
        %dma_start3A_189 = tpu.memref_slice %arg20[%dma_start3A_187, %dma_start3A_188] : memref<10000x16xf32, #tpu.memory_space<vmem_shared>> -> memref<10000x16xf32, #tpu.memory_space<vmem_shared>>
        tpu.enqueue_indirect_dma source(%dma_start3A_189 : memref<10000x16xf32, #tpu.memory_space<vmem_shared>>) target(%arg17 : memref<128x16xf32, #tpu.memory_space<vmem>>) offsets(%arg13 : memref<128xi32, #tpu.memory_space<vmem>>) semaphore(%arg24 : memref<!tpu.dma_semaphore, #tpu.memory_space<semaphore_mem>>)
      } else {
      }
      %add3A_117 = arith.constant 3 : i32
      %add3A_118 = arith.addi %add3A_110, %add3A_117 : i32
      %lt3A_119 = arith.cmpi slt, %add3A_118, %add3A_6 : i32
      %convert_element_type3A_120 = arith.extui %lt3A_119 : i1 to i32
      %cond3A_121 = arith.constant 0 : i32
      %cond3A_122 = arith.cmpi ne, %convert_element_type3A_120, %cond3A_121 : i32
      scf.if %cond3A_122 {
        %add3A_163 = arith.constant 3 : i32
        %add3A_164 = arith.addi %add3A_110, %add3A_163 : i32
        %mul3A_165 = arith.constant 32 : i32
        %mul3A_166 = arith.muli %mul3A_165, %add3A_164 : i32
        %add3A_167 = arith.addi %add3A, %mul3A_166 : i32
        %mul3A_168 = arith.constant 128 : i32
        %mul3A_169 = arith.muli %add3A_167, %mul3A_168 : i32
        %dma_start3A_170 = arith.constant 0 : i32
        %dma_start3A_171 = tpu.memref_slice %arg2[%dma_start3A_170, %mul3A_169] : memref<2x320000xi32, #tpu.memory_space<hbm>> -> memref<1x128xi32, #tpu.memory_space<hbm>>
        %dma_start3A_172 = tpu.memref_squeeze %dma_start3A_171 : memref<1x128xi32, #tpu.memory_space<hbm>> -> memref<128xi32, #tpu.memory_space<hbm>>
        %dma_start3A_173 = tpu.memref_slice %arg2[%dma_start3A_170, %mul3A_169] : memref<2x320000xi32, #tpu.memory_space<hbm>> -> memref<1x128xi32, #tpu.memory_space<hbm>>
        %dma_start3A_174 = tpu.memref_squeeze %dma_start3A_173 : memref<1x128xi32, #tpu.memory_space<hbm>> -> memref<128xi32, #tpu.memory_space<hbm>>
        tpu.enqueue_dma source(%dma_start3A_174 : memref<128xi32, #tpu.memory_space<hbm>>) target(%arg7 : memref<128xi32, #tpu.memory_space<vmem>>) target_semaphore(%arg28 : memref<!tpu.dma_semaphore, #tpu.memory_space<semaphore_mem>>)
        %dma_start3A_175 = arith.constant 1 : i32
        %dma_start3A_176 = tpu.memref_slice %arg2[%dma_start3A_175, %mul3A_169] : memref<2x320000xi32, #tpu.memory_space<hbm>> -> memref<1x128xi32, #tpu.memory_space<hbm>>
        %dma_start3A_177 = tpu.memref_squeeze %dma_start3A_176 : memref<1x128xi32, #tpu.memory_space<hbm>> -> memref<128xi32, #tpu.memory_space<hbm>>
        %dma_start3A_178 = tpu.memref_slice %arg2[%dma_start3A_175, %mul3A_169] : memref<2x320000xi32, #tpu.memory_space<hbm>> -> memref<1x128xi32, #tpu.memory_space<hbm>>
        %dma_start3A_179 = tpu.memref_squeeze %dma_start3A_178 : memref<1x128xi32, #tpu.memory_space<hbm>> -> memref<128xi32, #tpu.memory_space<hbm>>
        tpu.enqueue_dma source(%dma_start3A_179 : memref<128xi32, #tpu.memory_space<hbm>>) target(%arg11 : memref<128xi32, #tpu.memory_space<vmem>>) target_semaphore(%arg28 : memref<!tpu.dma_semaphore, #tpu.memory_space<semaphore_mem>>)
      } else {
      }
      %lt3A_123 = arith.cmpi slt, %add3A_110, %add3A_6 : i32
      %convert_element_type3A_124 = arith.extui %lt3A_123 : i1 to i32
      %cond3A_125 = arith.constant 0 : i32
      %cond3A_126 = arith.cmpi ne, %convert_element_type3A_124, %cond3A_125 : i32
      scf.if %cond3A_126 {
        %dma_wait3A_163 = arith.constant 0 : i32
        %dma_wait3A_164 = arith.constant 0 : i32
        %dma_wait3A_165 = tpu.memref_slice %arg20[%dma_wait3A_163, %dma_wait3A_164] : memref<10000x16xf32, #tpu.memory_space<vmem_shared>> -> memref<10000x16xf32, #tpu.memory_space<vmem_shared>>
        tpu.wait_indirect_dma semaphore(%arg25 : memref<!tpu.dma_semaphore, #tpu.memory_space<semaphore_mem>>) src(%dma_wait3A_165 : memref<10000x16xf32, #tpu.memory_space<vmem_shared>>) dst(%arg18 : memref<128x16xf32, #tpu.memory_space<vmem>>)
        %dma_wait3A_166 = arith.constant 0 : i32
        %dma_wait3A_167 = arith.constant 0 : i32
        %dma_wait3A_168 = tpu.memref_slice %arg21[%dma_wait3A_166, %dma_wait3A_167] : memref<10000x32xf32, #tpu.memory_space<vmem_shared>> -> memref<10000x32xf32, #tpu.memory_space<vmem_shared>>
        tpu.wait_indirect_dma semaphore(%arg23 : memref<!tpu.dma_semaphore, #tpu.memory_space<semaphore_mem>>) src(%dma_wait3A_168 : memref<10000x32xf32, #tpu.memory_space<vmem_shared>>) dst(%arg16 : memref<128x32xf32, #tpu.memory_space<vmem>>)
        %parallel_loop3A = arith.constant 0 : i32
        %parallel_loop3A_169 = arith.constant 128 : i32
        %parallel_loop3A_170 = arith.constant 1 : i32
        scf.for %parallel_loop3A_174 = %parallel_loop3A to %parallel_loop3A_169 step %parallel_loop3A_170  : i32 {
          %parallel_loop3A_175 = arith.constant 0 : i32
          %parallel_loop3A_176 = tpu.memref_slice %arg16[%parallel_loop3A_174, %parallel_loop3A_175] : memref<128x32xf32, #tpu.memory_space<vmem>> -> memref<1x32xf32, #tpu.memory_space<vmem>>
          %parallel_loop3A_177 = tpu.memref_squeeze %parallel_loop3A_176 : memref<1x32xf32, #tpu.memory_space<vmem>> -> memref<32xf32, #tpu.memory_space<vmem>>
          %parallel_loop3A_178 = arith.constant 16 : index
          %parallel_loop3A_179 = tpu.vector_load %parallel_loop3A_177[%parallel_loop3A_178] {strides = array<i32>} : memref<32xf32, #tpu.memory_space<vmem>>, vector<16xf32>,
          %parallel_loop3A_180 = vector.shape_cast %parallel_loop3A_179 : vector<16xf32> to vector<16xf32>
          %parallel_loop3A_181 = arith.index_cast %parallel_loop3A_174 : i32 to index
          %parallel_loop3A_182 = arith.constant 0 : index
          %parallel_loop3A_183 = tpu.vector_load %arg18[%parallel_loop3A_181, %parallel_loop3A_182] {strides = array<i32>} : memref<128x16xf32, #tpu.memory_space<vmem>>, vector<1x16xf32>,
          %parallel_loop3A_184 = vector.shape_cast %parallel_loop3A_183 : vector<1x16xf32> to vector<16xf32>
          %parallel_loop3A_185 = arith.addf %parallel_loop3A_180, %parallel_loop3A_184 : vector<16xf32>
          %parallel_loop3A_186 = arith.constant 0.000000e+00 : f32
          %parallel_loop3A_187 = vector.broadcast %parallel_loop3A_186 : f32 to vector<16xf32>
          %parallel_loop3A_188 = arith.cmpf oge, %parallel_loop3A_185, %parallel_loop3A_187 : vector<16xf32>
          %parallel_loop3A_189 = arith.constant 2.000000e-01 : f32
          %parallel_loop3A_190 = vector.broadcast %parallel_loop3A_189 : f32 to vector<16xf32>
          %parallel_loop3A_191 = arith.mulf %parallel_loop3A_190, %parallel_loop3A_185 : vector<16xf32>
          %parallel_loop3A_192 = arith.select %parallel_loop3A_188, %parallel_loop3A_185, %parallel_loop3A_191 : vector<16xi1>, vector<16xf32>
          %parallel_loop3A_193 = math.exp %parallel_loop3A_192 : vector<16xf32>
          %parallel_loop3A_194 = arith.constant 0 : i32
          %parallel_loop3A_195 = tpu.memref_slice %arg16[%parallel_loop3A_174, %parallel_loop3A_194] : memref<128x32xf32, #tpu.memory_space<vmem>> -> memref<1x32xf32, #tpu.memory_space<vmem>>
          %parallel_loop3A_196 = tpu.memref_squeeze %parallel_loop3A_195 : memref<1x32xf32, #tpu.memory_space<vmem>> -> memref<32xf32, #tpu.memory_space<vmem>>
          %parallel_loop3A_197 = arith.constant 16 : index
          %parallel_loop3A_198 = tpu.vector_load %parallel_loop3A_196[%parallel_loop3A_197] {strides = array<i32>} : memref<32xf32, #tpu.memory_space<vmem>>, vector<16xf32>,
          %parallel_loop3A_199 = vector.shape_cast %parallel_loop3A_198 : vector<16xf32> to vector<16xf32>
          %parallel_loop3A_200 = vector.shape_cast %parallel_loop3A_193 : vector<16xf32> to vector<16xf32>
          tpu.vector_store %parallel_loop3A_196[%parallel_loop3A_197], %parallel_loop3A_200 {strides = array<i32>} : memref<32xf32, #tpu.memory_space<vmem>>, vector<16xf32>,
          %parallel_loop3A_201 = arith.constant 0 : i32
          %parallel_loop3A_202 = tpu.memref_slice %arg16[%parallel_loop3A_174, %parallel_loop3A_201] : memref<128x32xf32, #tpu.memory_space<vmem>> -> memref<1x32xf32, #tpu.memory_space<vmem>>
          %parallel_loop3A_203 = tpu.memref_squeeze %parallel_loop3A_202 : memref<1x32xf32, #tpu.memory_space<vmem>> -> memref<32xf32, #tpu.memory_space<vmem>>
          %parallel_loop3A_204 = arith.constant 0 : index
          %parallel_loop3A_205 = tpu.vector_load %parallel_loop3A_203[%parallel_loop3A_204] {strides = array<i32>} : memref<32xf32, #tpu.memory_space<vmem>>, vector<16xf32>,
          %parallel_loop3A_206 = vector.shape_cast %parallel_loop3A_205 : vector<16xf32> to vector<16xf32>
          %parallel_loop3A_207 = arith.mulf %parallel_loop3A_206, %parallel_loop3A_193 : vector<16xf32>
          %parallel_loop3A_208 = arith.constant 0 : i32
          %parallel_loop3A_209 = tpu.memref_slice %arg16[%parallel_loop3A_174, %parallel_loop3A_208] : memref<128x32xf32, #tpu.memory_space<vmem>> -> memref<1x32xf32, #tpu.memory_space<vmem>>
          %parallel_loop3A_210 = tpu.memref_squeeze %parallel_loop3A_209 : memref<1x32xf32, #tpu.memory_space<vmem>> -> memref<32xf32, #tpu.memory_space<vmem>>
          %parallel_loop3A_211 = arith.constant 0 : index
          %parallel_loop3A_212 = tpu.vector_load %parallel_loop3A_210[%parallel_loop3A_211] {strides = array<i32>} : memref<32xf32, #tpu.memory_space<vmem>>, vector<16xf32>,
          %parallel_loop3A_213 = vector.shape_cast %parallel_loop3A_212 : vector<16xf32> to vector<16xf32>
          %parallel_loop3A_214 = vector.shape_cast %parallel_loop3A_207 : vector<16xf32> to vector<16xf32>
          tpu.vector_store %parallel_loop3A_210[%parallel_loop3A_211], %parallel_loop3A_214 {strides = array<i32>} : memref<32xf32, #tpu.memory_space<vmem>>, vector<16xf32>,
        } {sc.loop_unroll_factor = 4 : i64, sc.parallel_access}
        %dma_start3A_171 = arith.constant 0 : i32
        %dma_start3A_172 = arith.constant 0 : i32
        %dma_start3A_173 = tpu.memref_slice %arg19[%dma_start3A_171, %dma_start3A_172] : memref<10000x32xf32, #tpu.memory_space<vmem_shared>> -> memref<10000x32xf32, #tpu.memory_space<vmem_shared>>
        tpu.enqueue_indirect_dma source(%arg16 : memref<128x32xf32, #tpu.memory_space<vmem>>) target(%dma_start3A_173 : memref<10000x32xf32, #tpu.memory_space<vmem_shared>>) offsets(%arg12 : memref<128xi32, #tpu.memory_space<vmem>>) semaphore(%arg27 : memref<!tpu.dma_semaphore, #tpu.memory_space<semaphore_mem>>) {add = true}
      } else {
      }
      %add3A_127 = arith.constant 2 : i32
      %add3A_128 = arith.addi %add3A_90, %add3A_127 : i32
      %add3A_129 = arith.constant 1 : i32
      %add3A_130 = arith.addi %add3A_128, %add3A_129 : i32
      %lt3A_131 = arith.cmpi slt, %add3A_130, %add3A_6 : i32
      %convert_element_type3A_132 = arith.extui %lt3A_131 : i1 to i32
      %cond3A_133 = arith.constant 0 : i32
      %cond3A_134 = arith.cmpi ne, %convert_element_type3A_132, %cond3A_133 : i32
      scf.if %cond3A_134 {
        %add3A_163 = arith.constant 1 : i32
        %add3A_164 = arith.addi %add3A_128, %add3A_163 : i32
        %ge3A = arith.constant 2 : i32
        %ge3A_165 = arith.cmpi sge, %add3A_164, %ge3A : i32
        %convert_element_type3A_166 = arith.extui %ge3A_165 : i1 to i32
        %cond3A_167 = arith.constant 0 : i32
        %cond3A_168 = arith.cmpi ne, %convert_element_type3A_166, %cond3A_167 : i32
        scf.if %cond3A_168 {
          %dma_wait3A_190 = arith.constant 0 : i32
          %dma_wait3A_191 = arith.constant 0 : i32
          %dma_wait3A_192 = tpu.memref_slice %arg19[%dma_wait3A_190, %dma_wait3A_191] : memref<10000x32xf32, #tpu.memory_space<vmem_shared>> -> memref<10000x32xf32, #tpu.memory_space<vmem_shared>>
          tpu.wait_indirect_dma semaphore(%arg27 : memref<!tpu.dma_semaphore, #tpu.memory_space<semaphore_mem>>) src(%arg16 : memref<128x32xf32, #tpu.memory_space<vmem>>) dst(%dma_wait3A_192 : memref<10000x32xf32, #tpu.memory_space<vmem_shared>>)
        } else {
        }
        %mul3A_169 = arith.constant 32 : i32
        %mul3A_170 = arith.muli %mul3A_169, %add3A_164 : i32
        %add3A_171 = arith.addi %add3A, %mul3A_170 : i32
        %mul3A_172 = arith.constant 128 : i32
        %mul3A_173 = arith.muli %add3A_171, %mul3A_172 : i32
        %dma_wait3A_174 = arith.constant 0 : i32
        %dma_wait3A_175 = tpu.memref_slice %arg2[%dma_wait3A_174, %mul3A_173] : memref<2x320000xi32, #tpu.memory_space<hbm>> -> memref<1x128xi32, #tpu.memory_space<hbm>>
        %dma_wait3A_176 = tpu.memref_squeeze %dma_wait3A_175 : memref<1x128xi32, #tpu.memory_space<hbm>> -> memref<128xi32, #tpu.memory_space<hbm>>
        %dma_wait3A_177 = tpu.memref_slice %arg2[%dma_wait3A_174, %mul3A_173] : memref<2x320000xi32, #tpu.memory_space<hbm>> -> memref<1x128xi32, #tpu.memory_space<hbm>>
        %dma_wait3A_178 = tpu.memref_squeeze %dma_wait3A_177 : memref<1x128xi32, #tpu.memory_space<hbm>> -> memref<128xi32, #tpu.memory_space<hbm>>
        tpu.wait_dma2 semaphore(%arg31 : memref<!tpu.dma_semaphore, #tpu.memory_space<semaphore_mem>>) src(%dma_wait3A_178 : memref<128xi32, #tpu.memory_space<hbm>>) dst(%arg10 : memref<128xi32, #tpu.memory_space<vmem>>)
        %dma_wait3A_179 = arith.constant 1 : i32
        %dma_wait3A_180 = tpu.memref_slice %arg2[%dma_wait3A_179, %mul3A_173] : memref<2x320000xi32, #tpu.memory_space<hbm>> -> memref<1x128xi32, #tpu.memory_space<hbm>>
        %dma_wait3A_181 = tpu.memref_squeeze %dma_wait3A_180 : memref<1x128xi32, #tpu.memory_space<hbm>> -> memref<128xi32, #tpu.memory_space<hbm>>
        %dma_wait3A_182 = tpu.memref_slice %arg2[%dma_wait3A_179, %mul3A_173] : memref<2x320000xi32, #tpu.memory_space<hbm>> -> memref<1x128xi32, #tpu.memory_space<hbm>>
        %dma_wait3A_183 = tpu.memref_squeeze %dma_wait3A_182 : memref<1x128xi32, #tpu.memory_space<hbm>> -> memref<128xi32, #tpu.memory_space<hbm>>
        tpu.wait_dma2 semaphore(%arg31 : memref<!tpu.dma_semaphore, #tpu.memory_space<semaphore_mem>>) src(%dma_wait3A_183 : memref<128xi32, #tpu.memory_space<hbm>>) dst(%arg14 : memref<128xi32, #tpu.memory_space<vmem>>)
        %dma_start3A_184 = arith.constant 0 : i32
        %dma_start3A_185 = arith.constant 0 : i32
        %dma_start3A_186 = tpu.memref_slice %arg21[%dma_start3A_184, %dma_start3A_185] : memref<10000x32xf32, #tpu.memory_space<vmem_shared>> -> memref<10000x32xf32, #tpu.memory_space<vmem_shared>>
        tpu.enqueue_indirect_dma source(%dma_start3A_186 : memref<10000x32xf32, #tpu.memory_space<vmem_shared>>) target(%arg16 : memref<128x32xf32, #tpu.memory_space<vmem>>) offsets(%arg10 : memref<128xi32, #tpu.memory_space<vmem>>) semaphore(%arg23 : memref<!tpu.dma_semaphore, #tpu.memory_space<semaphore_mem>>)
        %dma_start3A_187 = arith.constant 0 : i32
        %dma_start3A_188 = arith.constant 0 : i32
        %dma_start3A_189 = tpu.memref_slice %arg20[%dma_start3A_187, %dma_start3A_188] : memref<10000x16xf32, #tpu.memory_space<vmem_shared>> -> memref<10000x16xf32, #tpu.memory_space<vmem_shared>>
        tpu.enqueue_indirect_dma source(%dma_start3A_189 : memref<10000x16xf32, #tpu.memory_space<vmem_shared>>) target(%arg18 : memref<128x16xf32, #tpu.memory_space<vmem>>) offsets(%arg14 : memref<128xi32, #tpu.memory_space<vmem>>) semaphore(%arg25 : memref<!tpu.dma_semaphore, #tpu.memory_space<semaphore_mem>>)
      } else {
      }
      %add3A_135 = arith.constant 3 : i32
      %add3A_136 = arith.addi %add3A_128, %add3A_135 : i32
      %lt3A_137 = arith.cmpi slt, %add3A_136, %add3A_6 : i32
      %convert_element_type3A_138 = arith.extui %lt3A_137 : i1 to i32
      %cond3A_139 = arith.constant 0 : i32
      %cond3A_140 = arith.cmpi ne, %convert_element_type3A_138, %cond3A_139 : i32
      scf.if %cond3A_140 {
        %add3A_163 = arith.constant 3 : i32
        %add3A_164 = arith.addi %add3A_128, %add3A_163 : i32
        %mul3A_165 = arith.constant 32 : i32
        %mul3A_166 = arith.muli %mul3A_165, %add3A_164 : i32
        %add3A_167 = arith.addi %add3A, %mul3A_166 : i32
        %mul3A_168 = arith.constant 128 : i32
        %mul3A_169 = arith.muli %add3A_167, %mul3A_168 : i32
        %dma_start3A_170 = arith.constant 0 : i32
        %dma_start3A_171 = tpu.memref_slice %arg2[%dma_start3A_170, %mul3A_169] : memref<2x320000xi32, #tpu.memory_space<hbm>> -> memref<1x128xi32, #tpu.memory_space<hbm>>
        %dma_start3A_172 = tpu.memref_squeeze %dma_start3A_171 : memref<1x128xi32, #tpu.memory_space<hbm>> -> memref<128xi32, #tpu.memory_space<hbm>>
        %dma_start3A_173 = tpu.memref_slice %arg2[%dma_start3A_170, %mul3A_169] : memref<2x320000xi32, #tpu.memory_space<hbm>> -> memref<1x128xi32, #tpu.memory_space<hbm>>
        %dma_start3A_174 = tpu.memref_squeeze %dma_start3A_173 : memref<1x128xi32, #tpu.memory_space<hbm>> -> memref<128xi32, #tpu.memory_space<hbm>>
        tpu.enqueue_dma source(%dma_start3A_174 : memref<128xi32, #tpu.memory_space<hbm>>) target(%arg8 : memref<128xi32, #tpu.memory_space<vmem>>) target_semaphore(%arg29 : memref<!tpu.dma_semaphore, #tpu.memory_space<semaphore_mem>>)
        %dma_start3A_175 = arith.constant 1 : i32
        %dma_start3A_176 = tpu.memref_slice %arg2[%dma_start3A_175, %mul3A_169] : memref<2x320000xi32, #tpu.memory_space<hbm>> -> memref<1x128xi32, #tpu.memory_space<hbm>>
        %dma_start3A_177 = tpu.memref_squeeze %dma_start3A_176 : memref<1x128xi32, #tpu.memory_space<hbm>> -> memref<128xi32, #tpu.memory_space<hbm>>
        %dma_start3A_178 = tpu.memref_slice %arg2[%dma_start3A_175, %mul3A_169] : memref<2x320000xi32, #tpu.memory_space<hbm>> -> memref<1x128xi32, #tpu.memory_space<hbm>>
        %dma_start3A_179 = tpu.memref_squeeze %dma_start3A_178 : memref<1x128xi32, #tpu.memory_space<hbm>> -> memref<128xi32, #tpu.memory_space<hbm>>
        tpu.enqueue_dma source(%dma_start3A_179 : memref<128xi32, #tpu.memory_space<hbm>>) target(%arg12 : memref<128xi32, #tpu.memory_space<vmem>>) target_semaphore(%arg29 : memref<!tpu.dma_semaphore, #tpu.memory_space<semaphore_mem>>)
      } else {
      }
      %lt3A_141 = arith.cmpi slt, %add3A_128, %add3A_6 : i32
      %convert_element_type3A_142 = arith.extui %lt3A_141 : i1 to i32
      %cond3A_143 = arith.constant 0 : i32
      %cond3A_144 = arith.cmpi ne, %convert_element_type3A_142, %cond3A_143 : i32
      scf.if %cond3A_144 {
        %dma_wait3A_163 = arith.constant 0 : i32
        %dma_wait3A_164 = arith.constant 0 : i32
        %dma_wait3A_165 = tpu.memref_slice %arg20[%dma_wait3A_163, %dma_wait3A_164] : memref<10000x16xf32, #tpu.memory_space<vmem_shared>> -> memref<10000x16xf32, #tpu.memory_space<vmem_shared>>
        tpu.wait_indirect_dma semaphore(%arg24 : memref<!tpu.dma_semaphore, #tpu.memory_space<semaphore_mem>>) src(%dma_wait3A_165 : memref<10000x16xf32, #tpu.memory_space<vmem_shared>>) dst(%arg17 : memref<128x16xf32, #tpu.memory_space<vmem>>)
        %dma_wait3A_166 = arith.constant 0 : i32
        %dma_wait3A_167 = arith.constant 0 : i32
        %dma_wait3A_168 = tpu.memref_slice %arg21[%dma_wait3A_166, %dma_wait3A_167] : memref<10000x32xf32, #tpu.memory_space<vmem_shared>> -> memref<10000x32xf32, #tpu.memory_space<vmem_shared>>
        tpu.wait_indirect_dma semaphore(%arg22 : memref<!tpu.dma_semaphore, #tpu.memory_space<semaphore_mem>>) src(%dma_wait3A_168 : memref<10000x32xf32, #tpu.memory_space<vmem_shared>>) dst(%arg15 : memref<128x32xf32, #tpu.memory_space<vmem>>)
        %parallel_loop3A = arith.constant 0 : i32
        %parallel_loop3A_169 = arith.constant 128 : i32
        %parallel_loop3A_170 = arith.constant 1 : i32
        scf.for %parallel_loop3A_174 = %parallel_loop3A to %parallel_loop3A_169 step %parallel_loop3A_170  : i32 {
          %parallel_loop3A_175 = arith.constant 0 : i32
          %parallel_loop3A_176 = tpu.memref_slice %arg15[%parallel_loop3A_174, %parallel_loop3A_175] : memref<128x32xf32, #tpu.memory_space<vmem>> -> memref<1x32xf32, #tpu.memory_space<vmem>>
          %parallel_loop3A_177 = tpu.memref_squeeze %parallel_loop3A_176 : memref<1x32xf32, #tpu.memory_space<vmem>> -> memref<32xf32, #tpu.memory_space<vmem>>
          %parallel_loop3A_178 = arith.constant 16 : index
          %parallel_loop3A_179 = tpu.vector_load %parallel_loop3A_177[%parallel_loop3A_178] {strides = array<i32>} : memref<32xf32, #tpu.memory_space<vmem>>, vector<16xf32>,
          %parallel_loop3A_180 = vector.shape_cast %parallel_loop3A_179 : vector<16xf32> to vector<16xf32>
          %parallel_loop3A_181 = arith.index_cast %parallel_loop3A_174 : i32 to index
          %parallel_loop3A_182 = arith.constant 0 : index
          %parallel_loop3A_183 = tpu.vector_load %arg17[%parallel_loop3A_181, %parallel_loop3A_182] {strides = array<i32>} : memref<128x16xf32, #tpu.memory_space<vmem>>, vector<1x16xf32>,
          %parallel_loop3A_184 = vector.shape_cast %parallel_loop3A_183 : vector<1x16xf32> to vector<16xf32>
          %parallel_loop3A_185 = arith.addf %parallel_loop3A_180, %parallel_loop3A_184 : vector<16xf32>
          %parallel_loop3A_186 = arith.constant 0.000000e+00 : f32
          %parallel_loop3A_187 = vector.broadcast %parallel_loop3A_186 : f32 to vector<16xf32>
          %parallel_loop3A_188 = arith.cmpf oge, %parallel_loop3A_185, %parallel_loop3A_187 : vector<16xf32>
          %parallel_loop3A_189 = arith.constant 2.000000e-01 : f32
          %parallel_loop3A_190 = vector.broadcast %parallel_loop3A_189 : f32 to vector<16xf32>
          %parallel_loop3A_191 = arith.mulf %parallel_loop3A_190, %parallel_loop3A_185 : vector<16xf32>
          %parallel_loop3A_192 = arith.select %parallel_loop3A_188, %parallel_loop3A_185, %parallel_loop3A_191 : vector<16xi1>, vector<16xf32>
          %parallel_loop3A_193 = math.exp %parallel_loop3A_192 : vector<16xf32>
          %parallel_loop3A_194 = arith.constant 0 : i32
          %parallel_loop3A_195 = tpu.memref_slice %arg15[%parallel_loop3A_174, %parallel_loop3A_194] : memref<128x32xf32, #tpu.memory_space<vmem>> -> memref<1x32xf32, #tpu.memory_space<vmem>>
          %parallel_loop3A_196 = tpu.memref_squeeze %parallel_loop3A_195 : memref<1x32xf32, #tpu.memory_space<vmem>> -> memref<32xf32, #tpu.memory_space<vmem>>
          %parallel_loop3A_197 = arith.constant 16 : index
          %parallel_loop3A_198 = tpu.vector_load %parallel_loop3A_196[%parallel_loop3A_197] {strides = array<i32>} : memref<32xf32, #tpu.memory_space<vmem>>, vector<16xf32>,
          %parallel_loop3A_199 = vector.shape_cast %parallel_loop3A_198 : vector<16xf32> to vector<16xf32>
          %parallel_loop3A_200 = vector.shape_cast %parallel_loop3A_193 : vector<16xf32> to vector<16xf32>
          tpu.vector_store %parallel_loop3A_196[%parallel_loop3A_197], %parallel_loop3A_200 {strides = array<i32>} : memref<32xf32, #tpu.memory_space<vmem>>, vector<16xf32>,
          %parallel_loop3A_201 = arith.constant 0 : i32
          %parallel_loop3A_202 = tpu.memref_slice %arg15[%parallel_loop3A_174, %parallel_loop3A_201] : memref<128x32xf32, #tpu.memory_space<vmem>> -> memref<1x32xf32, #tpu.memory_space<vmem>>
          %parallel_loop3A_203 = tpu.memref_squeeze %parallel_loop3A_202 : memref<1x32xf32, #tpu.memory_space<vmem>> -> memref<32xf32, #tpu.memory_space<vmem>>
          %parallel_loop3A_204 = arith.constant 0 : index
          %parallel_loop3A_205 = tpu.vector_load %parallel_loop3A_203[%parallel_loop3A_204] {strides = array<i32>} : memref<32xf32, #tpu.memory_space<vmem>>, vector<16xf32>,
          %parallel_loop3A_206 = vector.shape_cast %parallel_loop3A_205 : vector<16xf32> to vector<16xf32>
          %parallel_loop3A_207 = arith.mulf %parallel_loop3A_206, %parallel_loop3A_193 : vector<16xf32>
          %parallel_loop3A_208 = arith.constant 0 : i32
          %parallel_loop3A_209 = tpu.memref_slice %arg15[%parallel_loop3A_174, %parallel_loop3A_208] : memref<128x32xf32, #tpu.memory_space<vmem>> -> memref<1x32xf32, #tpu.memory_space<vmem>>
          %parallel_loop3A_210 = tpu.memref_squeeze %parallel_loop3A_209 : memref<1x32xf32, #tpu.memory_space<vmem>> -> memref<32xf32, #tpu.memory_space<vmem>>
          %parallel_loop3A_211 = arith.constant 0 : index
          %parallel_loop3A_212 = tpu.vector_load %parallel_loop3A_210[%parallel_loop3A_211] {strides = array<i32>} : memref<32xf32, #tpu.memory_space<vmem>>, vector<16xf32>,
          %parallel_loop3A_213 = vector.shape_cast %parallel_loop3A_212 : vector<16xf32> to vector<16xf32>
          %parallel_loop3A_214 = vector.shape_cast %parallel_loop3A_207 : vector<16xf32> to vector<16xf32>
          tpu.vector_store %parallel_loop3A_210[%parallel_loop3A_211], %parallel_loop3A_214 {strides = array<i32>} : memref<32xf32, #tpu.memory_space<vmem>>, vector<16xf32>,
        } {sc.loop_unroll_factor = 4 : i64, sc.parallel_access}
        %dma_start3A_171 = arith.constant 0 : i32
        %dma_start3A_172 = arith.constant 0 : i32
        %dma_start3A_173 = tpu.memref_slice %arg19[%dma_start3A_171, %dma_start3A_172] : memref<10000x32xf32, #tpu.memory_space<vmem_shared>> -> memref<10000x32xf32, #tpu.memory_space<vmem_shared>>
        tpu.enqueue_indirect_dma source(%arg15 : memref<128x32xf32, #tpu.memory_space<vmem>>) target(%dma_start3A_173 : memref<10000x32xf32, #tpu.memory_space<vmem_shared>>) offsets(%arg13 : memref<128xi32, #tpu.memory_space<vmem>>) semaphore(%arg26 : memref<!tpu.dma_semaphore, #tpu.memory_space<semaphore_mem>>) {add = true}
      } else {
      }
      %add3A_145 = arith.constant 3 : i32
      %add3A_146 = arith.addi %add3A_90, %add3A_145 : i32
      %add3A_147 = arith.constant 1 : i32
      %add3A_148 = arith.addi %add3A_146, %add3A_147 : i32
      %lt3A_149 = arith.cmpi slt, %add3A_148, %add3A_6 : i32
      %convert_element_type3A_150 = arith.extui %lt3A_149 : i1 to i32
      %cond3A_151 = arith.constant 0 : i32
      %cond3A_152 = arith.cmpi ne, %convert_element_type3A_150, %cond3A_151 : i32
      scf.if %cond3A_152 {
        %add3A_163 = arith.constant 1 : i32
        %add3A_164 = arith.addi %add3A_146, %add3A_163 : i32
        %ge3A = arith.constant 2 : i32
        %ge3A_165 = arith.cmpi sge, %add3A_164, %ge3A : i32
        %convert_element_type3A_166 = arith.extui %ge3A_165 : i1 to i32
        %cond3A_167 = arith.constant 0 : i32
        %cond3A_168 = arith.cmpi ne, %convert_element_type3A_166, %cond3A_167 : i32
        scf.if %cond3A_168 {
          %dma_wait3A_190 = arith.constant 0 : i32
          %dma_wait3A_191 = arith.constant 0 : i32
          %dma_wait3A_192 = tpu.memref_slice %arg19[%dma_wait3A_190, %dma_wait3A_191] : memref<10000x32xf32, #tpu.memory_space<vmem_shared>> -> memref<10000x32xf32, #tpu.memory_space<vmem_shared>>
          tpu.wait_indirect_dma semaphore(%arg26 : memref<!tpu.dma_semaphore, #tpu.memory_space<semaphore_mem>>) src(%arg15 : memref<128x32xf32, #tpu.memory_space<vmem>>) dst(%dma_wait3A_192 : memref<10000x32xf32, #tpu.memory_space<vmem_shared>>)
        } else {
        }
        %mul3A_169 = arith.constant 32 : i32
        %mul3A_170 = arith.muli %mul3A_169, %add3A_164 : i32
        %add3A_171 = arith.addi %add3A, %mul3A_170 : i32
        %mul3A_172 = arith.constant 128 : i32
        %mul3A_173 = arith.muli %add3A_171, %mul3A_172 : i32
        %dma_wait3A_174 = arith.constant 0 : i32
        %dma_wait3A_175 = tpu.memref_slice %arg2[%dma_wait3A_174, %mul3A_173] : memref<2x320000xi32, #tpu.memory_space<hbm>> -> memref<1x128xi32, #tpu.memory_space<hbm>>
        %dma_wait3A_176 = tpu.memref_squeeze %dma_wait3A_175 : memref<1x128xi32, #tpu.memory_space<hbm>> -> memref<128xi32, #tpu.memory_space<hbm>>
        %dma_wait3A_177 = tpu.memref_slice %arg2[%dma_wait3A_174, %mul3A_173] : memref<2x320000xi32, #tpu.memory_space<hbm>> -> memref<1x128xi32, #tpu.memory_space<hbm>>
        %dma_wait3A_178 = tpu.memref_squeeze %dma_wait3A_177 : memref<1x128xi32, #tpu.memory_space<hbm>> -> memref<128xi32, #tpu.memory_space<hbm>>
        tpu.wait_dma2 semaphore(%arg28 : memref<!tpu.dma_semaphore, #tpu.memory_space<semaphore_mem>>) src(%dma_wait3A_178 : memref<128xi32, #tpu.memory_space<hbm>>) dst(%arg7 : memref<128xi32, #tpu.memory_space<vmem>>)
        %dma_wait3A_179 = arith.constant 1 : i32
        %dma_wait3A_180 = tpu.memref_slice %arg2[%dma_wait3A_179, %mul3A_173] : memref<2x320000xi32, #tpu.memory_space<hbm>> -> memref<1x128xi32, #tpu.memory_space<hbm>>
        %dma_wait3A_181 = tpu.memref_squeeze %dma_wait3A_180 : memref<1x128xi32, #tpu.memory_space<hbm>> -> memref<128xi32, #tpu.memory_space<hbm>>
        %dma_wait3A_182 = tpu.memref_slice %arg2[%dma_wait3A_179, %mul3A_173] : memref<2x320000xi32, #tpu.memory_space<hbm>> -> memref<1x128xi32, #tpu.memory_space<hbm>>
        %dma_wait3A_183 = tpu.memref_squeeze %dma_wait3A_182 : memref<1x128xi32, #tpu.memory_space<hbm>> -> memref<128xi32, #tpu.memory_space<hbm>>
        tpu.wait_dma2 semaphore(%arg28 : memref<!tpu.dma_semaphore, #tpu.memory_space<semaphore_mem>>) src(%dma_wait3A_183 : memref<128xi32, #tpu.memory_space<hbm>>) dst(%arg11 : memref<128xi32, #tpu.memory_space<vmem>>)
        %dma_start3A_184 = arith.constant 0 : i32
        %dma_start3A_185 = arith.constant 0 : i32
        %dma_start3A_186 = tpu.memref_slice %arg21[%dma_start3A_184, %dma_start3A_185] : memref<10000x32xf32, #tpu.memory_space<vmem_shared>> -> memref<10000x32xf32, #tpu.memory_space<vmem_shared>>
        tpu.enqueue_indirect_dma source(%dma_start3A_186 : memref<10000x32xf32, #tpu.memory_space<vmem_shared>>) target(%arg15 : memref<128x32xf32, #tpu.memory_space<vmem>>) offsets(%arg7 : memref<128xi32, #tpu.memory_space<vmem>>) semaphore(%arg22 : memref<!tpu.dma_semaphore, #tpu.memory_space<semaphore_mem>>)
        %dma_start3A_187 = arith.constant 0 : i32
        %dma_start3A_188 = arith.constant 0 : i32
        %dma_start3A_189 = tpu.memref_slice %arg20[%dma_start3A_187, %dma_start3A_188] : memref<10000x16xf32, #tpu.memory_space<vmem_shared>> -> memref<10000x16xf32, #tpu.memory_space<vmem_shared>>
        tpu.enqueue_indirect_dma source(%dma_start3A_189 : memref<10000x16xf32, #tpu.memory_space<vmem_shared>>) target(%arg17 : memref<128x16xf32, #tpu.memory_space<vmem>>) offsets(%arg11 : memref<128xi32, #tpu.memory_space<vmem>>) semaphore(%arg24 : memref<!tpu.dma_semaphore, #tpu.memory_space<semaphore_mem>>)
      } else {
      }
      %add3A_153 = arith.constant 3 : i32
      %add3A_154 = arith.addi %add3A_146, %add3A_153 : i32
      %lt3A_155 = arith.cmpi slt, %add3A_154, %add3A_6 : i32
      %convert_element_type3A_156 = arith.extui %lt3A_155 : i1 to i32
      %cond3A_157 = arith.constant 0 : i32
      %cond3A_158 = arith.cmpi ne, %convert_element_type3A_156, %cond3A_157 : i32
      scf.if %cond3A_158 {
        %add3A_163 = arith.constant 3 : i32
        %add3A_164 = arith.addi %add3A_146, %add3A_163 : i32
        %mul3A_165 = arith.constant 32 : i32
        %mul3A_166 = arith.muli %mul3A_165, %add3A_164 : i32
        %add3A_167 = arith.addi %add3A, %mul3A_166 : i32
        %mul3A_168 = arith.constant 128 : i32
        %mul3A_169 = arith.muli %add3A_167, %mul3A_168 : i32
        %dma_start3A_170 = arith.constant 0 : i32
        %dma_start3A_171 = tpu.memref_slice %arg2[%dma_start3A_170, %mul3A_169] : memref<2x320000xi32, #tpu.memory_space<hbm>> -> memref<1x128xi32, #tpu.memory_space<hbm>>
        %dma_start3A_172 = tpu.memref_squeeze %dma_start3A_171 : memref<1x128xi32, #tpu.memory_space<hbm>> -> memref<128xi32, #tpu.memory_space<hbm>>
        %dma_start3A_173 = tpu.memref_slice %arg2[%dma_start3A_170, %mul3A_169] : memref<2x320000xi32, #tpu.memory_space<hbm>> -> memref<1x128xi32, #tpu.memory_space<hbm>>
        %dma_start3A_174 = tpu.memref_squeeze %dma_start3A_173 : memref<1x128xi32, #tpu.memory_space<hbm>> -> memref<128xi32, #tpu.memory_space<hbm>>
        tpu.enqueue_dma source(%dma_start3A_174 : memref<128xi32, #tpu.memory_space<hbm>>) target(%arg9 : memref<128xi32, #tpu.memory_space<vmem>>) target_semaphore(%arg30 : memref<!tpu.dma_semaphore, #tpu.memory_space<semaphore_mem>>)
        %dma_start3A_175 = arith.constant 1 : i32
        %dma_start3A_176 = tpu.memref_slice %arg2[%dma_start3A_175, %mul3A_169] : memref<2x320000xi32, #tpu.memory_space<hbm>> -> memref<1x128xi32, #tpu.memory_space<hbm>>
        %dma_start3A_177 = tpu.memref_squeeze %dma_start3A_176 : memref<1x128xi32, #tpu.memory_space<hbm>> -> memref<128xi32, #tpu.memory_space<hbm>>
        %dma_start3A_178 = tpu.memref_slice %arg2[%dma_start3A_175, %mul3A_169] : memref<2x320000xi32, #tpu.memory_space<hbm>> -> memref<1x128xi32, #tpu.memory_space<hbm>>
        %dma_start3A_179 = tpu.memref_squeeze %dma_start3A_178 : memref<1x128xi32, #tpu.memory_space<hbm>> -> memref<128xi32, #tpu.memory_space<hbm>>
        tpu.enqueue_dma source(%dma_start3A_179 : memref<128xi32, #tpu.memory_space<hbm>>) target(%arg13 : memref<128xi32, #tpu.memory_space<vmem>>) target_semaphore(%arg30 : memref<!tpu.dma_semaphore, #tpu.memory_space<semaphore_mem>>)
      } else {
      }
      %lt3A_159 = arith.cmpi slt, %add3A_146, %add3A_6 : i32
      %convert_element_type3A_160 = arith.extui %lt3A_159 : i1 to i32
      %cond3A_161 = arith.constant 0 : i32
      %cond3A_162 = arith.cmpi ne, %convert_element_type3A_160, %cond3A_161 : i32
      scf.if %cond3A_162 {
        %dma_wait3A_163 = arith.constant 0 : i32
        %dma_wait3A_164 = arith.constant 0 : i32
        %dma_wait3A_165 = tpu.memref_slice %arg20[%dma_wait3A_163, %dma_wait3A_164] : memref<10000x16xf32, #tpu.memory_space<vmem_shared>> -> memref<10000x16xf32, #tpu.memory_space<vmem_shared>>
        tpu.wait_indirect_dma semaphore(%arg25 : memref<!tpu.dma_semaphore, #tpu.memory_space<semaphore_mem>>) src(%dma_wait3A_165 : memref<10000x16xf32, #tpu.memory_space<vmem_shared>>) dst(%arg18 : memref<128x16xf32, #tpu.memory_space<vmem>>)
        %dma_wait3A_166 = arith.constant 0 : i32
        %dma_wait3A_167 = arith.constant 0 : i32
        %dma_wait3A_168 = tpu.memref_slice %arg21[%dma_wait3A_166, %dma_wait3A_167] : memref<10000x32xf32, #tpu.memory_space<vmem_shared>> -> memref<10000x32xf32, #tpu.memory_space<vmem_shared>>
        tpu.wait_indirect_dma semaphore(%arg23 : memref<!tpu.dma_semaphore, #tpu.memory_space<semaphore_mem>>) src(%dma_wait3A_168 : memref<10000x32xf32, #tpu.memory_space<vmem_shared>>) dst(%arg16 : memref<128x32xf32, #tpu.memory_space<vmem>>)
        %parallel_loop3A = arith.constant 0 : i32
        %parallel_loop3A_169 = arith.constant 128 : i32
        %parallel_loop3A_170 = arith.constant 1 : i32
        scf.for %parallel_loop3A_174 = %parallel_loop3A to %parallel_loop3A_169 step %parallel_loop3A_170  : i32 {
          %parallel_loop3A_175 = arith.constant 0 : i32
          %parallel_loop3A_176 = tpu.memref_slice %arg16[%parallel_loop3A_174, %parallel_loop3A_175] : memref<128x32xf32, #tpu.memory_space<vmem>> -> memref<1x32xf32, #tpu.memory_space<vmem>>
          %parallel_loop3A_177 = tpu.memref_squeeze %parallel_loop3A_176 : memref<1x32xf32, #tpu.memory_space<vmem>> -> memref<32xf32, #tpu.memory_space<vmem>>
          %parallel_loop3A_178 = arith.constant 16 : index
          %parallel_loop3A_179 = tpu.vector_load %parallel_loop3A_177[%parallel_loop3A_178] {strides = array<i32>} : memref<32xf32, #tpu.memory_space<vmem>>, vector<16xf32>,
          %parallel_loop3A_180 = vector.shape_cast %parallel_loop3A_179 : vector<16xf32> to vector<16xf32>
          %parallel_loop3A_181 = arith.index_cast %parallel_loop3A_174 : i32 to index
          %parallel_loop3A_182 = arith.constant 0 : index
          %parallel_loop3A_183 = tpu.vector_load %arg18[%parallel_loop3A_181, %parallel_loop3A_182] {strides = array<i32>} : memref<128x16xf32, #tpu.memory_space<vmem>>, vector<1x16xf32>,
          %parallel_loop3A_184 = vector.shape_cast %parallel_loop3A_183 : vector<1x16xf32> to vector<16xf32>
          %parallel_loop3A_185 = arith.addf %parallel_loop3A_180, %parallel_loop3A_184 : vector<16xf32>
          %parallel_loop3A_186 = arith.constant 0.000000e+00 : f32
          %parallel_loop3A_187 = vector.broadcast %parallel_loop3A_186 : f32 to vector<16xf32>
          %parallel_loop3A_188 = arith.cmpf oge, %parallel_loop3A_185, %parallel_loop3A_187 : vector<16xf32>
          %parallel_loop3A_189 = arith.constant 2.000000e-01 : f32
          %parallel_loop3A_190 = vector.broadcast %parallel_loop3A_189 : f32 to vector<16xf32>
          %parallel_loop3A_191 = arith.mulf %parallel_loop3A_190, %parallel_loop3A_185 : vector<16xf32>
          %parallel_loop3A_192 = arith.select %parallel_loop3A_188, %parallel_loop3A_185, %parallel_loop3A_191 : vector<16xi1>, vector<16xf32>
          %parallel_loop3A_193 = math.exp %parallel_loop3A_192 : vector<16xf32>
          %parallel_loop3A_194 = arith.constant 0 : i32
          %parallel_loop3A_195 = tpu.memref_slice %arg16[%parallel_loop3A_174, %parallel_loop3A_194] : memref<128x32xf32, #tpu.memory_space<vmem>> -> memref<1x32xf32, #tpu.memory_space<vmem>>
          %parallel_loop3A_196 = tpu.memref_squeeze %parallel_loop3A_195 : memref<1x32xf32, #tpu.memory_space<vmem>> -> memref<32xf32, #tpu.memory_space<vmem>>
          %parallel_loop3A_197 = arith.constant 16 : index
          %parallel_loop3A_198 = tpu.vector_load %parallel_loop3A_196[%parallel_loop3A_197] {strides = array<i32>} : memref<32xf32, #tpu.memory_space<vmem>>, vector<16xf32>,
          %parallel_loop3A_199 = vector.shape_cast %parallel_loop3A_198 : vector<16xf32> to vector<16xf32>
          %parallel_loop3A_200 = vector.shape_cast %parallel_loop3A_193 : vector<16xf32> to vector<16xf32>
          tpu.vector_store %parallel_loop3A_196[%parallel_loop3A_197], %parallel_loop3A_200 {strides = array<i32>} : memref<32xf32, #tpu.memory_space<vmem>>, vector<16xf32>,
          %parallel_loop3A_201 = arith.constant 0 : i32
          %parallel_loop3A_202 = tpu.memref_slice %arg16[%parallel_loop3A_174, %parallel_loop3A_201] : memref<128x32xf32, #tpu.memory_space<vmem>> -> memref<1x32xf32, #tpu.memory_space<vmem>>
          %parallel_loop3A_203 = tpu.memref_squeeze %parallel_loop3A_202 : memref<1x32xf32, #tpu.memory_space<vmem>> -> memref<32xf32, #tpu.memory_space<vmem>>
          %parallel_loop3A_204 = arith.constant 0 : index
          %parallel_loop3A_205 = tpu.vector_load %parallel_loop3A_203[%parallel_loop3A_204] {strides = array<i32>} : memref<32xf32, #tpu.memory_space<vmem>>, vector<16xf32>,
          %parallel_loop3A_206 = vector.shape_cast %parallel_loop3A_205 : vector<16xf32> to vector<16xf32>
          %parallel_loop3A_207 = arith.mulf %parallel_loop3A_206, %parallel_loop3A_193 : vector<16xf32>
          %parallel_loop3A_208 = arith.constant 0 : i32
          %parallel_loop3A_209 = tpu.memref_slice %arg16[%parallel_loop3A_174, %parallel_loop3A_208] : memref<128x32xf32, #tpu.memory_space<vmem>> -> memref<1x32xf32, #tpu.memory_space<vmem>>
          %parallel_loop3A_210 = tpu.memref_squeeze %parallel_loop3A_209 : memref<1x32xf32, #tpu.memory_space<vmem>> -> memref<32xf32, #tpu.memory_space<vmem>>
          %parallel_loop3A_211 = arith.constant 0 : index
          %parallel_loop3A_212 = tpu.vector_load %parallel_loop3A_210[%parallel_loop3A_211] {strides = array<i32>} : memref<32xf32, #tpu.memory_space<vmem>>, vector<16xf32>,
          %parallel_loop3A_213 = vector.shape_cast %parallel_loop3A_212 : vector<16xf32> to vector<16xf32>
          %parallel_loop3A_214 = vector.shape_cast %parallel_loop3A_207 : vector<16xf32> to vector<16xf32>
          tpu.vector_store %parallel_loop3A_210[%parallel_loop3A_211], %parallel_loop3A_214 {strides = array<i32>} : memref<32xf32, #tpu.memory_space<vmem>>, vector<16xf32>,
        } {sc.loop_unroll_factor = 4 : i64, sc.parallel_access}
        %dma_start3A_171 = arith.constant 0 : i32
        %dma_start3A_172 = arith.constant 0 : i32
        %dma_start3A_173 = tpu.memref_slice %arg19[%dma_start3A_171, %dma_start3A_172] : memref<10000x32xf32, #tpu.memory_space<vmem_shared>> -> memref<10000x32xf32, #tpu.memory_space<vmem_shared>>
        tpu.enqueue_indirect_dma source(%arg16 : memref<128x32xf32, #tpu.memory_space<vmem>>) target(%dma_start3A_173 : memref<10000x32xf32, #tpu.memory_space<vmem_shared>>) offsets(%arg14 : memref<128xi32, #tpu.memory_space<vmem>>) semaphore(%arg27 : memref<!tpu.dma_semaphore, #tpu.memory_space<semaphore_mem>>) {add = true}
      } else {
      }
    }
    %scan3A_73 = arith.constant 21 : i32
    %dma_wait3A_74 = arith.constant 0 : i32
    %dma_wait3A_75 = arith.constant 0 : i32
    %dma_wait3A_76 = tpu.memref_slice %arg19[%dma_wait3A_74, %dma_wait3A_75] : memref<10000x32xf32, #tpu.memory_space<vmem_shared>> -> memref<10000x32xf32, #tpu.memory_space<vmem_shared>>
    tpu.wait_indirect_dma semaphore(%arg26 : memref<!tpu.dma_semaphore, #tpu.memory_space<semaphore_mem>>) src(%arg15 : memref<128x32xf32, #tpu.memory_space<vmem>>) dst(%dma_wait3A_76 : memref<10000x32xf32, #tpu.memory_space<vmem_shared>>)
    %dma_wait3A_77 = arith.constant 0 : i32
    %dma_wait3A_78 = arith.constant 0 : i32
    %dma_wait3A_79 = tpu.memref_slice %arg19[%dma_wait3A_77, %dma_wait3A_78] : memref<10000x32xf32, #tpu.memory_space<vmem_shared>> -> memref<10000x32xf32, #tpu.memory_space<vmem_shared>>
    tpu.wait_indirect_dma semaphore(%arg27 : memref<!tpu.dma_semaphore, #tpu.memory_space<semaphore_mem>>) src(%arg16 : memref<128x32xf32, #tpu.memory_space<vmem>>) dst(%dma_wait3A_79 : memref<10000x32xf32, #tpu.memory_space<vmem_shared>>)
    %barrier3A_80 = arith.constant 0 : index
    tpu.barrier barrier_id(%barrier3A_80)
    %lt3A_81 = arith.constant 10 : i32
    %lt3A_82 = arith.cmpi slt, %arg1, %lt3A_81 : i32
    %convert_element_type3A_83 = arith.extui %lt3A_82 : i1 to i32
    %cond3A_84 = arith.constant 0 : i32
    %cond3A_85 = arith.cmpi ne, %convert_element_type3A_83, %cond3A_84 : i32
    scf.if %cond3A_85 {
      "tpu.region"() ({
        %run_scoped3A = tpu.sem_alloc : memref<!tpu.dma_semaphore, #tpu.memory_space<semaphore_mem>>
        %dma_start3A_86 = arith.constant 0 : i32
        %dma_start3A_87 = tpu.memref_slice %arg6[%arg0, %mul3A_2, %dma_start3A_86] : memref<2x10000x32xf32, #tpu.memory_space<hbm>> -> memref<1x1000x32xf32, #tpu.memory_space<hbm>>
        %dma_start3A_88 = tpu.memref_squeeze %dma_start3A_87 : memref<1x1000x32xf32, #tpu.memory_space<hbm>> -> memref<1000x32xf32, #tpu.memory_space<hbm>>
        %dma_start3A_89 = arith.constant 0 : i32
        %dma_start3A_90 = tpu.memref_slice %arg19[%mul3A_2, %dma_start3A_89] : memref<10000x32xf32, #tpu.memory_space<vmem_shared>> -> memref<1000x32xf32, #tpu.memory_space<vmem_shared>>
        tpu.enqueue_dma source(%dma_start3A_90 : memref<1000x32xf32, #tpu.memory_space<vmem_shared>>) target(%dma_start3A_88 : memref<1000x32xf32, #tpu.memory_space<hbm>>) target_semaphore(%run_scoped3A : memref<!tpu.dma_semaphore, #tpu.memory_space<semaphore_mem>>)
        %dma_wait3A_91 = arith.constant 0 : i32
        %dma_wait3A_92 = tpu.memref_slice %arg6[%arg0, %mul3A_2, %dma_wait3A_91] : memref<2x10000x32xf32, #tpu.memory_space<hbm>> -> memref<1x1000x32xf32, #tpu.memory_space<hbm>>
        %dma_wait3A_93 = tpu.memref_squeeze %dma_wait3A_92 : memref<1x1000x32xf32, #tpu.memory_space<hbm>> -> memref<1000x32xf32, #tpu.memory_space<hbm>>
        %dma_wait3A_94 = arith.constant 0 : i32
        %dma_wait3A_95 = tpu.memref_slice %arg19[%mul3A_2, %dma_wait3A_94] : memref<10000x32xf32, #tpu.memory_space<vmem_shared>> -> memref<1000x32xf32, #tpu.memory_space<vmem_shared>>
        tpu.wait_dma2 semaphore(%run_scoped3A : memref<!tpu.dma_semaphore, #tpu.memory_space<semaphore_mem>>) src(%dma_wait3A_95 : memref<1000x32xf32, #tpu.memory_space<vmem_shared>>) dst(%dma_wait3A_93 : memref<1000x32xf32, #tpu.memory_space<hbm>>)
        tpu.yield
      }) : () -> ()
    } else {
    }
    return
  }
}

#map = affine_map<(d0, d1) -> (0, 0)>
#map1 = affine_map<(d0, d1) -> (0, 0, 0)>
module attributes {stable_mosaic.version = 14 : i64} {
  func.func @body(%arg0: i32, %arg1: i32, %arg2: memref<2x320000xi32, #tpu.memory_space<hbm>>, %arg3: memref<10000x144xf32, #tpu.memory_space<hbm>>, %arg4: memref<10000x16xf32, #tpu.memory_space<hbm>>, %arg5: memref<10000x144xf32, #tpu.memory_space<hbm>>, %arg6: memref<2x10000x144xf32, #tpu.memory_space<hbm>>, %arg7: memref<80xi32, #tpu.memory_space<vmem>>, %arg8: memref<80xi32, #tpu.memory_space<vmem>>, %arg9: memref<80xi32, #tpu.memory_space<vmem>>, %arg10: memref<80xi32, #tpu.memory_space<vmem>>, %arg11: memref<80xi32, #tpu.memory_space<vmem>>, %arg12: memref<80xi32, #tpu.memory_space<vmem>>, %arg13: memref<80xi32, #tpu.memory_space<vmem>>, %arg14: memref<80xi32, #tpu.memory_space<vmem>>, %arg15: memref<80x144xf32, #tpu.memory_space<vmem>>, %arg16: memref<80x144xf32, #tpu.memory_space<vmem>>, %arg17: memref<80x16xf32, #tpu.memory_space<vmem>>, %arg18: memref<80x16xf32, #tpu.memory_space<vmem>>, %arg19: memref<10000x144xf32, #tpu.memory_space<vmem_shared>>, %arg20: memref<10000x16xf32, #tpu.memory_space<vmem_shared>>, %arg21: memref<10000x1xf32, #tpu.memory_space<vmem_shared>>, %arg22: memref<!tpu.dma_semaphore, #tpu.memory_space<semaphore_mem>>, %arg23: memref<!tpu.dma_semaphore, #tpu.memory_space<semaphore_mem>>, %arg24: memref<!tpu.dma_semaphore, #tpu.memory_space<semaphore_mem>>, %arg25: memref<!tpu.dma_semaphore, #tpu.memory_space<semaphore_mem>>, %arg26: memref<!tpu.dma_semaphore, #tpu.memory_space<semaphore_mem>>, %arg27: memref<!tpu.dma_semaphore, #tpu.memory_space<semaphore_mem>>, %arg28: memref<!tpu.dma_semaphore, #tpu.memory_space<semaphore_mem>>, %arg29: memref<!tpu.dma_semaphore, #tpu.memory_space<semaphore_mem>>, %arg30: memref<!tpu.dma_semaphore, #tpu.memory_space<semaphore_mem>>, %arg31: memref<!tpu.dma_semaphore, #tpu.memory_space<semaphore_mem>>) attributes {dimension_semantics = [#tpu.dimension_semantics<core_parallel>, #tpu.dimension_semantics<subcore_parallel>], iteration_bounds = array<i64: 2, 16>, scalar_prefetch = 0 : i64, scratch_operands = 25 : i64, tpu.core_type = #tpu.core_type<sc_vector_subcore>, window_params = [{transform_indices = #map}, {transform_indices = #map}, {transform_indices = #map}, {transform_indices = #map}, {transform_indices = #map1}]} {
    %mul3A = arith.constant 2 : i32
    %mul3A_0 = arith.muli %arg1, %mul3A : i32
    %add3A = arith.addi %mul3A_0, %arg0 : i32
    %mul3A_1 = arith.constant 1000 : i32
    %mul3A_2 = arith.muli %arg1, %mul3A_1 : i32
    %lt3A = arith.constant 0 : i32
    %lt3A_3 = arith.cmpi slt, %add3A, %lt3A : i32
    %jit3A = arith.constant 1 : i32
    %jit3A_4 = arith.constant 0 : i32
    %select_n3A = arith.select %lt3A_3, %jit3A, %jit3A_4 : i32
    %add3A_5 = arith.constant 125 : i32
    %add3A_6 = arith.addi %add3A_5, %select_n3A : i32
    %lt3A_7 = arith.constant 10 : i32
    %lt3A_8 = arith.cmpi slt, %arg1, %lt3A_7 : i32
    %convert_element_type3A = arith.extui %lt3A_8 : i1 to i32
    %cond3A = arith.constant 0 : i32
    %cond3A_9 = arith.cmpi ne, %convert_element_type3A, %cond3A : i32
    scf.if %cond3A_9 {
      "tpu.region"() ({
        %run_scoped3A = tpu.sem_alloc : memref<!tpu.dma_semaphore, #tpu.memory_space<semaphore_mem>>
        %dma_start3A_86 = arith.constant 0 : i32
        %dma_start3A_87 = tpu.memref_slice %arg19[%mul3A_2, %dma_start3A_86] : memref<10000x144xf32, #tpu.memory_space<vmem_shared>> -> memref<1000x144xf32, #tpu.memory_space<vmem_shared>>
        %dma_start3A_88 = arith.constant 0 : i32
        %dma_start3A_89 = tpu.memref_slice %arg5[%mul3A_2, %dma_start3A_88] : memref<10000x144xf32, #tpu.memory_space<hbm>> -> memref<1000x144xf32, #tpu.memory_space<hbm>>
        tpu.enqueue_dma source(%dma_start3A_89 : memref<1000x144xf32, #tpu.memory_space<hbm>>) target(%dma_start3A_87 : memref<1000x144xf32, #tpu.memory_space<vmem_shared>>) target_semaphore(%run_scoped3A : memref<!tpu.dma_semaphore, #tpu.memory_space<semaphore_mem>>)
        %dma_wait3A_90 = arith.constant 0 : i32
        %dma_wait3A_91 = tpu.memref_slice %arg19[%mul3A_2, %dma_wait3A_90] : memref<10000x144xf32, #tpu.memory_space<vmem_shared>> -> memref<1000x144xf32, #tpu.memory_space<vmem_shared>>
        %dma_wait3A_92 = arith.constant 0 : i32
        %dma_wait3A_93 = tpu.memref_slice %arg5[%mul3A_2, %dma_wait3A_92] : memref<10000x144xf32, #tpu.memory_space<hbm>> -> memref<1000x144xf32, #tpu.memory_space<hbm>>
        tpu.wait_dma2 semaphore(%run_scoped3A : memref<!tpu.dma_semaphore, #tpu.memory_space<semaphore_mem>>) src(%dma_wait3A_93 : memref<1000x144xf32, #tpu.memory_space<hbm>>) dst(%dma_wait3A_91 : memref<1000x144xf32, #tpu.memory_space<vmem_shared>>)
        tpu.yield
      }) : () -> ()
      "tpu.region"() ({
        %run_scoped3A = tpu.sem_alloc : memref<!tpu.dma_semaphore, #tpu.memory_space<semaphore_mem>>
        %dma_start3A_86 = arith.constant 0 : i32
        %dma_start3A_87 = tpu.memref_slice %arg20[%mul3A_2, %dma_start3A_86] : memref<10000x16xf32, #tpu.memory_space<vmem_shared>> -> memref<1000x16xf32, #tpu.memory_space<vmem_shared>>
        %dma_start3A_88 = arith.constant 0 : i32
        %dma_start3A_89 = tpu.memref_slice %arg4[%mul3A_2, %dma_start3A_88] : memref<10000x16xf32, #tpu.memory_space<hbm>> -> memref<1000x16xf32, #tpu.memory_space<hbm>>
        tpu.enqueue_dma source(%dma_start3A_89 : memref<1000x16xf32, #tpu.memory_space<hbm>>) target(%dma_start3A_87 : memref<1000x16xf32, #tpu.memory_space<vmem_shared>>) target_semaphore(%run_scoped3A : memref<!tpu.dma_semaphore, #tpu.memory_space<semaphore_mem>>)
        %dma_wait3A_90 = arith.constant 0 : i32
        %dma_wait3A_91 = tpu.memref_slice %arg20[%mul3A_2, %dma_wait3A_90] : memref<10000x16xf32, #tpu.memory_space<vmem_shared>> -> memref<1000x16xf32, #tpu.memory_space<vmem_shared>>
        %dma_wait3A_92 = arith.constant 0 : i32
        %dma_wait3A_93 = tpu.memref_slice %arg4[%mul3A_2, %dma_wait3A_92] : memref<10000x16xf32, #tpu.memory_space<hbm>> -> memref<1000x16xf32, #tpu.memory_space<hbm>>
        tpu.wait_dma2 semaphore(%run_scoped3A : memref<!tpu.dma_semaphore, #tpu.memory_space<semaphore_mem>>) src(%dma_wait3A_93 : memref<1000x16xf32, #tpu.memory_space<hbm>>) dst(%dma_wait3A_91 : memref<1000x16xf32, #tpu.memory_space<vmem_shared>>)
        tpu.yield
      }) : () -> ()
    } else {
    }
    %barrier3A = arith.constant 0 : index
    tpu.barrier barrier_id(%barrier3A)
    %add3A_10 = arith.constant 0 : i32
    %add3A_11 = arith.addi %add3A, %add3A_10 : i32
    %mul3A_12 = arith.constant 80 : i32
    %mul3A_13 = arith.muli %add3A_11, %mul3A_12 : i32
    %dma_start3A = arith.constant 0 : i32
    %dma_start3A_14 = tpu.memref_slice %arg2[%dma_start3A, %mul3A_13] : memref<2x320000xi32, #tpu.memory_space<hbm>> -> memref<1x80xi32, #tpu.memory_space<hbm>>
    %dma_start3A_15 = tpu.memref_squeeze %dma_start3A_14 : memref<1x80xi32, #tpu.memory_space<hbm>> -> memref<80xi32, #tpu.memory_space<hbm>>
    %dma_start3A_16 = tpu.memref_slice %arg2[%dma_start3A, %mul3A_13] : memref<2x320000xi32, #tpu.memory_space<hbm>> -> memref<1x80xi32, #tpu.memory_space<hbm>>
    %dma_start3A_17 = tpu.memref_squeeze %dma_start3A_16 : memref<1x80xi32, #tpu.memory_space<hbm>> -> memref<80xi32, #tpu.memory_space<hbm>>
    tpu.enqueue_dma source(%dma_start3A_17 : memref<80xi32, #tpu.memory_space<hbm>>) target(%arg7 : memref<80xi32, #tpu.memory_space<vmem>>) target_semaphore(%arg28 : memref<!tpu.dma_semaphore, #tpu.memory_space<semaphore_mem>>)
    %dma_start3A_18 = arith.constant 1 : i32
    %dma_start3A_19 = tpu.memref_slice %arg2[%dma_start3A_18, %mul3A_13] : memref<2x320000xi32, #tpu.memory_space<hbm>> -> memref<1x80xi32, #tpu.memory_space<hbm>>
    %dma_start3A_20 = tpu.memref_squeeze %dma_start3A_19 : memref<1x80xi32, #tpu.memory_space<hbm>> -> memref<80xi32, #tpu.memory_space<hbm>>
    %dma_start3A_21 = tpu.memref_slice %arg2[%dma_start3A_18, %mul3A_13] : memref<2x320000xi32, #tpu.memory_space<hbm>> -> memref<1x80xi32, #tpu.memory_space<hbm>>
    %dma_start3A_22 = tpu.memref_squeeze %dma_start3A_21 : memref<1x80xi32, #tpu.memory_space<hbm>> -> memref<80xi32, #tpu.memory_space<hbm>>
    tpu.enqueue_dma source(%dma_start3A_22 : memref<80xi32, #tpu.memory_space<hbm>>) target(%arg11 : memref<80xi32, #tpu.memory_space<vmem>>) target_semaphore(%arg28 : memref<!tpu.dma_semaphore, #tpu.memory_space<semaphore_mem>>)
    %add3A_23 = arith.constant 32 : i32
    %add3A_24 = arith.addi %add3A, %add3A_23 : i32
    %mul3A_25 = arith.constant 80 : i32
    %mul3A_26 = arith.muli %add3A_24, %mul3A_25 : i32
    %dma_start3A_27 = arith.constant 0 : i32
    %dma_start3A_28 = tpu.memref_slice %arg2[%dma_start3A_27, %mul3A_26] : memref<2x320000xi32, #tpu.memory_space<hbm>> -> memref<1x80xi32, #tpu.memory_space<hbm>>
    %dma_start3A_29 = tpu.memref_squeeze %dma_start3A_28 : memref<1x80xi32, #tpu.memory_space<hbm>> -> memref<80xi32, #tpu.memory_space<hbm>>
    %dma_start3A_30 = tpu.memref_slice %arg2[%dma_start3A_27, %mul3A_26] : memref<2x320000xi32, #tpu.memory_space<hbm>> -> memref<1x80xi32, #tpu.memory_space<hbm>>
    %dma_start3A_31 = tpu.memref_squeeze %dma_start3A_30 : memref<1x80xi32, #tpu.memory_space<hbm>> -> memref<80xi32, #tpu.memory_space<hbm>>
    tpu.enqueue_dma source(%dma_start3A_31 : memref<80xi32, #tpu.memory_space<hbm>>) target(%arg8 : memref<80xi32, #tpu.memory_space<vmem>>) target_semaphore(%arg29 : memref<!tpu.dma_semaphore, #tpu.memory_space<semaphore_mem>>)
    %dma_start3A_32 = arith.constant 1 : i32
    %dma_start3A_33 = tpu.memref_slice %arg2[%dma_start3A_32, %mul3A_26] : memref<2x320000xi32, #tpu.memory_space<hbm>> -> memref<1x80xi32, #tpu.memory_space<hbm>>
    %dma_start3A_34 = tpu.memref_squeeze %dma_start3A_33 : memref<1x80xi32, #tpu.memory_space<hbm>> -> memref<80xi32, #tpu.memory_space<hbm>>
    %dma_start3A_35 = tpu.memref_slice %arg2[%dma_start3A_32, %mul3A_26] : memref<2x320000xi32, #tpu.memory_space<hbm>> -> memref<1x80xi32, #tpu.memory_space<hbm>>
    %dma_start3A_36 = tpu.memref_squeeze %dma_start3A_35 : memref<1x80xi32, #tpu.memory_space<hbm>> -> memref<80xi32, #tpu.memory_space<hbm>>
    tpu.enqueue_dma source(%dma_start3A_36 : memref<80xi32, #tpu.memory_space<hbm>>) target(%arg12 : memref<80xi32, #tpu.memory_space<vmem>>) target_semaphore(%arg29 : memref<!tpu.dma_semaphore, #tpu.memory_space<semaphore_mem>>)
    %add3A_37 = arith.constant 64 : i32
    %add3A_38 = arith.addi %add3A, %add3A_37 : i32
    %mul3A_39 = arith.constant 80 : i32
    %mul3A_40 = arith.muli %add3A_38, %mul3A_39 : i32
    %dma_start3A_41 = arith.constant 0 : i32
    %dma_start3A_42 = tpu.memref_slice %arg2[%dma_start3A_41, %mul3A_40] : memref<2x320000xi32, #tpu.memory_space<hbm>> -> memref<1x80xi32, #tpu.memory_space<hbm>>
    %dma_start3A_43 = tpu.memref_squeeze %dma_start3A_42 : memref<1x80xi32, #tpu.memory_space<hbm>> -> memref<80xi32, #tpu.memory_space<hbm>>
    %dma_start3A_44 = tpu.memref_slice %arg2[%dma_start3A_41, %mul3A_40] : memref<2x320000xi32, #tpu.memory_space<hbm>> -> memref<1x80xi32, #tpu.memory_space<hbm>>
    %dma_start3A_45 = tpu.memref_squeeze %dma_start3A_44 : memref<1x80xi32, #tpu.memory_space<hbm>> -> memref<80xi32, #tpu.memory_space<hbm>>
    tpu.enqueue_dma source(%dma_start3A_45 : memref<80xi32, #tpu.memory_space<hbm>>) target(%arg9 : memref<80xi32, #tpu.memory_space<vmem>>) target_semaphore(%arg30 : memref<!tpu.dma_semaphore, #tpu.memory_space<semaphore_mem>>)
    %dma_start3A_46 = arith.constant 1 : i32
    %dma_start3A_47 = tpu.memref_slice %arg2[%dma_start3A_46, %mul3A_40] : memref<2x320000xi32, #tpu.memory_space<hbm>> -> memref<1x80xi32, #tpu.memory_space<hbm>>
    %dma_start3A_48 = tpu.memref_squeeze %dma_start3A_47 : memref<1x80xi32, #tpu.memory_space<hbm>> -> memref<80xi32, #tpu.memory_space<hbm>>
    %dma_start3A_49 = tpu.memref_slice %arg2[%dma_start3A_46, %mul3A_40] : memref<2x320000xi32, #tpu.memory_space<hbm>> -> memref<1x80xi32, #tpu.memory_space<hbm>>
    %dma_start3A_50 = tpu.memref_squeeze %dma_start3A_49 : memref<1x80xi32, #tpu.memory_space<hbm>> -> memref<80xi32, #tpu.memory_space<hbm>>
    tpu.enqueue_dma source(%dma_start3A_50 : memref<80xi32, #tpu.memory_space<hbm>>) target(%arg13 : memref<80xi32, #tpu.memory_space<vmem>>) target_semaphore(%arg30 : memref<!tpu.dma_semaphore, #tpu.memory_space<semaphore_mem>>)
    %add3A_51 = arith.constant 0 : i32
    %add3A_52 = arith.addi %add3A, %add3A_51 : i32
    %mul3A_53 = arith.constant 80 : i32
    %mul3A_54 = arith.muli %add3A_52, %mul3A_53 : i32
    %dma_wait3A = arith.constant 0 : i32
    %dma_wait3A_55 = tpu.memref_slice %arg2[%dma_wait3A, %mul3A_54] : memref<2x320000xi32, #tpu.memory_space<hbm>> -> memref<1x80xi32, #tpu.memory_space<hbm>>
    %dma_wait3A_56 = tpu.memref_squeeze %dma_wait3A_55 : memref<1x80xi32, #tpu.memory_space<hbm>> -> memref<80xi32, #tpu.memory_space<hbm>>
    %dma_wait3A_57 = tpu.memref_slice %arg2[%dma_wait3A, %mul3A_54] : memref<2x320000xi32, #tpu.memory_space<hbm>> -> memref<1x80xi32, #tpu.memory_space<hbm>>
    %dma_wait3A_58 = tpu.memref_squeeze %dma_wait3A_57 : memref<1x80xi32, #tpu.memory_space<hbm>> -> memref<80xi32, #tpu.memory_space<hbm>>
    tpu.wait_dma2 semaphore(%arg28 : memref<!tpu.dma_semaphore, #tpu.memory_space<semaphore_mem>>) src(%dma_wait3A_58 : memref<80xi32, #tpu.memory_space<hbm>>) dst(%arg7 : memref<80xi32, #tpu.memory_space<vmem>>)
    %dma_wait3A_59 = arith.constant 1 : i32
    %dma_wait3A_60 = tpu.memref_slice %arg2[%dma_wait3A_59, %mul3A_54] : memref<2x320000xi32, #tpu.memory_space<hbm>> -> memref<1x80xi32, #tpu.memory_space<hbm>>
    %dma_wait3A_61 = tpu.memref_squeeze %dma_wait3A_60 : memref<1x80xi32, #tpu.memory_space<hbm>> -> memref<80xi32, #tpu.memory_space<hbm>>
    %dma_wait3A_62 = tpu.memref_slice %arg2[%dma_wait3A_59, %mul3A_54] : memref<2x320000xi32, #tpu.memory_space<hbm>> -> memref<1x80xi32, #tpu.memory_space<hbm>>
    %dma_wait3A_63 = tpu.memref_squeeze %dma_wait3A_62 : memref<1x80xi32, #tpu.memory_space<hbm>> -> memref<80xi32, #tpu.memory_space<hbm>>
    tpu.wait_dma2 semaphore(%arg28 : memref<!tpu.dma_semaphore, #tpu.memory_space<semaphore_mem>>) src(%dma_wait3A_63 : memref<80xi32, #tpu.memory_space<hbm>>) dst(%arg11 : memref<80xi32, #tpu.memory_space<vmem>>)
    %dma_start3A_64 = arith.constant 0 : i32
    %dma_start3A_65 = arith.constant 0 : i32
    %dma_start3A_66 = tpu.memref_slice %arg3[%dma_start3A_64, %dma_start3A_65] : memref<10000x144xf32, #tpu.memory_space<hbm>> -> memref<10000x144xf32, #tpu.memory_space<hbm>>
    tpu.enqueue_indirect_dma source(%dma_start3A_66 : memref<10000x144xf32, #tpu.memory_space<hbm>>) target(%arg15 : memref<80x144xf32, #tpu.memory_space<vmem>>) offsets(%arg7 : memref<80xi32, #tpu.memory_space<vmem>>) semaphore(%arg22 : memref<!tpu.dma_semaphore, #tpu.memory_space<semaphore_mem>>)
    %dma_start3A_67 = arith.constant 0 : i32
    %dma_start3A_68 = arith.constant 0 : i32
    %dma_start3A_69 = tpu.memref_slice %arg20[%dma_start3A_67, %dma_start3A_68] : memref<10000x16xf32, #tpu.memory_space<vmem_shared>> -> memref<10000x16xf32, #tpu.memory_space<vmem_shared>>
    tpu.enqueue_indirect_dma source(%dma_start3A_69 : memref<10000x16xf32, #tpu.memory_space<vmem_shared>>) target(%arg17 : memref<80x16xf32, #tpu.memory_space<vmem>>) offsets(%arg11 : memref<80xi32, #tpu.memory_space<vmem>>) semaphore(%arg24 : memref<!tpu.dma_semaphore, #tpu.memory_space<semaphore_mem>>)
    %scan3A = arith.constant 0 : i32
    %scan3A_70 = arith.constant 32 : i32
    %scan3A_71 = arith.addi %scan3A, %scan3A_70 : i32
    %scan3A_72 = arith.constant 1 : i32
    scf.for %scan3A_86 = %scan3A to %scan3A_71 step %scan3A_72  : i32 {
      %mul3A_87 = arith.constant 4 : i32
      %mul3A_88 = arith.muli %scan3A_86, %mul3A_87 : i32
      %add3A_89 = arith.constant 0 : i32
      %add3A_90 = arith.addi %add3A_89, %mul3A_88 : i32
      %add3A_91 = arith.constant 0 : i32
      %add3A_92 = arith.addi %add3A_90, %add3A_91 : i32
      %add3A_93 = arith.constant 1 : i32
      %add3A_94 = arith.addi %add3A_92, %add3A_93 : i32
      %lt3A_95 = arith.cmpi slt, %add3A_94, %add3A_6 : i32
      %convert_element_type3A_96 = arith.extui %lt3A_95 : i1 to i32
      %cond3A_97 = arith.constant 0 : i32
      %cond3A_98 = arith.cmpi ne, %convert_element_type3A_96, %cond3A_97 : i32
      scf.if %cond3A_98 {
        %add3A_163 = arith.constant 1 : i32
        %add3A_164 = arith.addi %add3A_92, %add3A_163 : i32
        %ge3A = arith.constant 2 : i32
        %ge3A_165 = arith.cmpi sge, %add3A_164, %ge3A : i32
        %convert_element_type3A_166 = arith.extui %ge3A_165 : i1 to i32
        %cond3A_167 = arith.constant 0 : i32
        %cond3A_168 = arith.cmpi ne, %convert_element_type3A_166, %cond3A_167 : i32
        scf.if %cond3A_168 {
          %dma_wait3A_190 = arith.constant 0 : i32
          %dma_wait3A_191 = arith.constant 0 : i32
          %dma_wait3A_192 = tpu.memref_slice %arg19[%dma_wait3A_190, %dma_wait3A_191] : memref<10000x144xf32, #tpu.memory_space<vmem_shared>> -> memref<10000x144xf32, #tpu.memory_space<vmem_shared>>
          tpu.wait_indirect_dma semaphore(%arg27 : memref<!tpu.dma_semaphore, #tpu.memory_space<semaphore_mem>>) src(%arg16 : memref<80x144xf32, #tpu.memory_space<vmem>>) dst(%dma_wait3A_192 : memref<10000x144xf32, #tpu.memory_space<vmem_shared>>)
        } else {
        }
        %mul3A_169 = arith.constant 32 : i32
        %mul3A_170 = arith.muli %mul3A_169, %add3A_164 : i32
        %add3A_171 = arith.addi %add3A, %mul3A_170 : i32
        %mul3A_172 = arith.constant 80 : i32
        %mul3A_173 = arith.muli %add3A_171, %mul3A_172 : i32
        %dma_wait3A_174 = arith.constant 0 : i32
        %dma_wait3A_175 = tpu.memref_slice %arg2[%dma_wait3A_174, %mul3A_173] : memref<2x320000xi32, #tpu.memory_space<hbm>> -> memref<1x80xi32, #tpu.memory_space<hbm>>
        %dma_wait3A_176 = tpu.memref_squeeze %dma_wait3A_175 : memref<1x80xi32, #tpu.memory_space<hbm>> -> memref<80xi32, #tpu.memory_space<hbm>>
        %dma_wait3A_177 = tpu.memref_slice %arg2[%dma_wait3A_174, %mul3A_173] : memref<2x320000xi32, #tpu.memory_space<hbm>> -> memref<1x80xi32, #tpu.memory_space<hbm>>
        %dma_wait3A_178 = tpu.memref_squeeze %dma_wait3A_177 : memref<1x80xi32, #tpu.memory_space<hbm>> -> memref<80xi32, #tpu.memory_space<hbm>>
        tpu.wait_dma2 semaphore(%arg29 : memref<!tpu.dma_semaphore, #tpu.memory_space<semaphore_mem>>) src(%dma_wait3A_178 : memref<80xi32, #tpu.memory_space<hbm>>) dst(%arg8 : memref<80xi32, #tpu.memory_space<vmem>>)
        %dma_wait3A_179 = arith.constant 1 : i32
        %dma_wait3A_180 = tpu.memref_slice %arg2[%dma_wait3A_179, %mul3A_173] : memref<2x320000xi32, #tpu.memory_space<hbm>> -> memref<1x80xi32, #tpu.memory_space<hbm>>
        %dma_wait3A_181 = tpu.memref_squeeze %dma_wait3A_180 : memref<1x80xi32, #tpu.memory_space<hbm>> -> memref<80xi32, #tpu.memory_space<hbm>>
        %dma_wait3A_182 = tpu.memref_slice %arg2[%dma_wait3A_179, %mul3A_173] : memref<2x320000xi32, #tpu.memory_space<hbm>> -> memref<1x80xi32, #tpu.memory_space<hbm>>
        %dma_wait3A_183 = tpu.memref_squeeze %dma_wait3A_182 : memref<1x80xi32, #tpu.memory_space<hbm>> -> memref<80xi32, #tpu.memory_space<hbm>>
        tpu.wait_dma2 semaphore(%arg29 : memref<!tpu.dma_semaphore, #tpu.memory_space<semaphore_mem>>) src(%dma_wait3A_183 : memref<80xi32, #tpu.memory_space<hbm>>) dst(%arg12 : memref<80xi32, #tpu.memory_space<vmem>>)
        %dma_start3A_184 = arith.constant 0 : i32
        %dma_start3A_185 = arith.constant 0 : i32
        %dma_start3A_186 = tpu.memref_slice %arg3[%dma_start3A_184, %dma_start3A_185] : memref<10000x144xf32, #tpu.memory_space<hbm>> -> memref<10000x144xf32, #tpu.memory_space<hbm>>
        tpu.enqueue_indirect_dma source(%dma_start3A_186 : memref<10000x144xf32, #tpu.memory_space<hbm>>) target(%arg16 : memref<80x144xf32, #tpu.memory_space<vmem>>) offsets(%arg8 : memref<80xi32, #tpu.memory_space<vmem>>) semaphore(%arg23 : memref<!tpu.dma_semaphore, #tpu.memory_space<semaphore_mem>>)
        %dma_start3A_187 = arith.constant 0 : i32
        %dma_start3A_188 = arith.constant 0 : i32
        %dma_start3A_189 = tpu.memref_slice %arg20[%dma_start3A_187, %dma_start3A_188] : memref<10000x16xf32, #tpu.memory_space<vmem_shared>> -> memref<10000x16xf32, #tpu.memory_space<vmem_shared>>
        tpu.enqueue_indirect_dma source(%dma_start3A_189 : memref<10000x16xf32, #tpu.memory_space<vmem_shared>>) target(%arg18 : memref<80x16xf32, #tpu.memory_space<vmem>>) offsets(%arg12 : memref<80xi32, #tpu.memory_space<vmem>>) semaphore(%arg25 : memref<!tpu.dma_semaphore, #tpu.memory_space<semaphore_mem>>)
      } else {
      }
      %add3A_99 = arith.constant 3 : i32
      %add3A_100 = arith.addi %add3A_92, %add3A_99 : i32
      %lt3A_101 = arith.cmpi slt, %add3A_100, %add3A_6 : i32
      %convert_element_type3A_102 = arith.extui %lt3A_101 : i1 to i32
      %cond3A_103 = arith.constant 0 : i32
      %cond3A_104 = arith.cmpi ne, %convert_element_type3A_102, %cond3A_103 : i32
      scf.if %cond3A_104 {
        %add3A_163 = arith.constant 3 : i32
        %add3A_164 = arith.addi %add3A_92, %add3A_163 : i32
        %mul3A_165 = arith.constant 32 : i32
        %mul3A_166 = arith.muli %mul3A_165, %add3A_164 : i32
        %add3A_167 = arith.addi %add3A, %mul3A_166 : i32
        %mul3A_168 = arith.constant 80 : i32
        %mul3A_169 = arith.muli %add3A_167, %mul3A_168 : i32
        %dma_start3A_170 = arith.constant 0 : i32
        %dma_start3A_171 = tpu.memref_slice %arg2[%dma_start3A_170, %mul3A_169] : memref<2x320000xi32, #tpu.memory_space<hbm>> -> memref<1x80xi32, #tpu.memory_space<hbm>>
        %dma_start3A_172 = tpu.memref_squeeze %dma_start3A_171 : memref<1x80xi32, #tpu.memory_space<hbm>> -> memref<80xi32, #tpu.memory_space<hbm>>
        %dma_start3A_173 = tpu.memref_slice %arg2[%dma_start3A_170, %mul3A_169] : memref<2x320000xi32, #tpu.memory_space<hbm>> -> memref<1x80xi32, #tpu.memory_space<hbm>>
        %dma_start3A_174 = tpu.memref_squeeze %dma_start3A_173 : memref<1x80xi32, #tpu.memory_space<hbm>> -> memref<80xi32, #tpu.memory_space<hbm>>
        tpu.enqueue_dma source(%dma_start3A_174 : memref<80xi32, #tpu.memory_space<hbm>>) target(%arg10 : memref<80xi32, #tpu.memory_space<vmem>>) target_semaphore(%arg31 : memref<!tpu.dma_semaphore, #tpu.memory_space<semaphore_mem>>)
        %dma_start3A_175 = arith.constant 1 : i32
        %dma_start3A_176 = tpu.memref_slice %arg2[%dma_start3A_175, %mul3A_169] : memref<2x320000xi32, #tpu.memory_space<hbm>> -> memref<1x80xi32, #tpu.memory_space<hbm>>
        %dma_start3A_177 = tpu.memref_squeeze %dma_start3A_176 : memref<1x80xi32, #tpu.memory_space<hbm>> -> memref<80xi32, #tpu.memory_space<hbm>>
        %dma_start3A_178 = tpu.memref_slice %arg2[%dma_start3A_175, %mul3A_169] : memref<2x320000xi32, #tpu.memory_space<hbm>> -> memref<1x80xi32, #tpu.memory_space<hbm>>
        %dma_start3A_179 = tpu.memref_squeeze %dma_start3A_178 : memref<1x80xi32, #tpu.memory_space<hbm>> -> memref<80xi32, #tpu.memory_space<hbm>>
        tpu.enqueue_dma source(%dma_start3A_179 : memref<80xi32, #tpu.memory_space<hbm>>) target(%arg14 : memref<80xi32, #tpu.memory_space<vmem>>) target_semaphore(%arg31 : memref<!tpu.dma_semaphore, #tpu.memory_space<semaphore_mem>>)
      } else {
      }
      %lt3A_105 = arith.cmpi slt, %add3A_92, %add3A_6 : i32
      %convert_element_type3A_106 = arith.extui %lt3A_105 : i1 to i32
      %cond3A_107 = arith.constant 0 : i32
      %cond3A_108 = arith.cmpi ne, %convert_element_type3A_106, %cond3A_107 : i32
      scf.if %cond3A_108 {
        %dma_wait3A_163 = arith.constant 0 : i32
        %dma_wait3A_164 = arith.constant 0 : i32
        %dma_wait3A_165 = tpu.memref_slice %arg20[%dma_wait3A_163, %dma_wait3A_164] : memref<10000x16xf32, #tpu.memory_space<vmem_shared>> -> memref<10000x16xf32, #tpu.memory_space<vmem_shared>>
        tpu.wait_indirect_dma semaphore(%arg24 : memref<!tpu.dma_semaphore, #tpu.memory_space<semaphore_mem>>) src(%dma_wait3A_165 : memref<10000x16xf32, #tpu.memory_space<vmem_shared>>) dst(%arg17 : memref<80x16xf32, #tpu.memory_space<vmem>>)
        %dma_wait3A_166 = arith.constant 0 : i32
        %dma_wait3A_167 = arith.constant 0 : i32
        %dma_wait3A_168 = tpu.memref_slice %arg3[%dma_wait3A_166, %dma_wait3A_167] : memref<10000x144xf32, #tpu.memory_space<hbm>> -> memref<10000x144xf32, #tpu.memory_space<hbm>>
        tpu.wait_indirect_dma semaphore(%arg22 : memref<!tpu.dma_semaphore, #tpu.memory_space<semaphore_mem>>) src(%dma_wait3A_168 : memref<10000x144xf32, #tpu.memory_space<hbm>>) dst(%arg15 : memref<80x144xf32, #tpu.memory_space<vmem>>)
        %parallel_loop3A = arith.constant 0 : i32
        %parallel_loop3A_169 = arith.constant 80 : i32
        %parallel_loop3A_170 = arith.constant 1 : i32
        scf.for %parallel_loop3A_174 = %parallel_loop3A to %parallel_loop3A_169 step %parallel_loop3A_170  : i32 {
          %parallel_loop3A_175 = arith.constant 0 : i32
          %parallel_loop3A_176 = tpu.memref_slice %arg15[%parallel_loop3A_174, %parallel_loop3A_175] : memref<80x144xf32, #tpu.memory_space<vmem>> -> memref<1x144xf32, #tpu.memory_space<vmem>>
          %parallel_loop3A_177 = tpu.memref_squeeze %parallel_loop3A_176 : memref<1x144xf32, #tpu.memory_space<vmem>> -> memref<144xf32, #tpu.memory_space<vmem>>
          %parallel_loop3A_178 = arith.constant 128 : index
          %parallel_loop3A_179 = tpu.vector_load %parallel_loop3A_177[%parallel_loop3A_178] {strides = array<i32>} : memref<144xf32, #tpu.memory_space<vmem>>, vector<16xf32>,
          %parallel_loop3A_180 = vector.shape_cast %parallel_loop3A_179 : vector<16xf32> to vector<16xf32>
          %parallel_loop3A_181 = arith.index_cast %parallel_loop3A_174 : i32 to index
          %parallel_loop3A_182 = arith.constant 0 : index
          %parallel_loop3A_183 = tpu.vector_load %arg17[%parallel_loop3A_181, %parallel_loop3A_182] {strides = array<i32>} : memref<80x16xf32, #tpu.memory_space<vmem>>, vector<1x16xf32>,
          %parallel_loop3A_184 = vector.shape_cast %parallel_loop3A_183 : vector<1x16xf32> to vector<16xf32>
          %parallel_loop3A_185 = arith.addf %parallel_loop3A_180, %parallel_loop3A_184 : vector<16xf32>
          %parallel_loop3A_186 = arith.constant 0.000000e+00 : f32
          %parallel_loop3A_187 = vector.broadcast %parallel_loop3A_186 : f32 to vector<16xf32>
          %parallel_loop3A_188 = arith.cmpf oge, %parallel_loop3A_185, %parallel_loop3A_187 : vector<16xf32>
          %parallel_loop3A_189 = arith.constant 2.000000e-01 : f32
          %parallel_loop3A_190 = vector.broadcast %parallel_loop3A_189 : f32 to vector<16xf32>
          %parallel_loop3A_191 = arith.mulf %parallel_loop3A_190, %parallel_loop3A_185 : vector<16xf32>
          %parallel_loop3A_192 = arith.select %parallel_loop3A_188, %parallel_loop3A_185, %parallel_loop3A_191 : vector<16xi1>, vector<16xf32>
          %parallel_loop3A_193 = math.exp %parallel_loop3A_192 : vector<16xf32>
          %parallel_loop3A_194 = arith.constant 0 : i32
          %parallel_loop3A_195 = tpu.memref_slice %arg15[%parallel_loop3A_174, %parallel_loop3A_194] : memref<80x144xf32, #tpu.memory_space<vmem>> -> memref<1x144xf32, #tpu.memory_space<vmem>>
          %parallel_loop3A_196 = tpu.memref_squeeze %parallel_loop3A_195 : memref<1x144xf32, #tpu.memory_space<vmem>> -> memref<144xf32, #tpu.memory_space<vmem>>
          %parallel_loop3A_197 = arith.constant 128 : index
          %parallel_loop3A_198 = tpu.vector_load %parallel_loop3A_196[%parallel_loop3A_197] {strides = array<i32>} : memref<144xf32, #tpu.memory_space<vmem>>, vector<16xf32>,
          %parallel_loop3A_199 = vector.shape_cast %parallel_loop3A_198 : vector<16xf32> to vector<16xf32>
          %parallel_loop3A_200 = vector.shape_cast %parallel_loop3A_193 : vector<16xf32> to vector<16xf32>
          tpu.vector_store %parallel_loop3A_196[%parallel_loop3A_197], %parallel_loop3A_200 {strides = array<i32>} : memref<144xf32, #tpu.memory_space<vmem>>, vector<16xf32>,
          %parallel_loop3A_201 = arith.constant 0 : i32
          %parallel_loop3A_202 = tpu.memref_slice %arg15[%parallel_loop3A_174, %parallel_loop3A_201] : memref<80x144xf32, #tpu.memory_space<vmem>> -> memref<1x144xf32, #tpu.memory_space<vmem>>
          %parallel_loop3A_203 = tpu.memref_squeeze %parallel_loop3A_202 : memref<1x144xf32, #tpu.memory_space<vmem>> -> memref<144xf32, #tpu.memory_space<vmem>>
          %parallel_loop3A_204 = arith.constant 0 : index
          %parallel_loop3A_205 = tpu.vector_load %parallel_loop3A_203[%parallel_loop3A_204] {strides = array<i32>} : memref<144xf32, #tpu.memory_space<vmem>>, vector<16xf32>,
          %parallel_loop3A_206 = vector.shape_cast %parallel_loop3A_205 : vector<16xf32> to vector<16xf32>
          %parallel_loop3A_207 = vector.extract_strided_slice %parallel_loop3A_193 {offsets = [0], sizes = [1], strides = [1]} : vector<16xf32> to vector<1xf32>
          %parallel_loop3A_208 = vector.extract %parallel_loop3A_207[0] : f32 from vector<1xf32>
          %parallel_loop3A_209 = vector.broadcast %parallel_loop3A_208 : f32 to vector<16xf32>
          %parallel_loop3A_210 = arith.mulf %parallel_loop3A_206, %parallel_loop3A_209 : vector<16xf32>
          %parallel_loop3A_211 = arith.constant 0 : i32
          %parallel_loop3A_212 = tpu.memref_slice %arg15[%parallel_loop3A_174, %parallel_loop3A_211] : memref<80x144xf32, #tpu.memory_space<vmem>> -> memref<1x144xf32, #tpu.memory_space<vmem>>
          %parallel_loop3A_213 = tpu.memref_squeeze %parallel_loop3A_212 : memref<1x144xf32, #tpu.memory_space<vmem>> -> memref<144xf32, #tpu.memory_space<vmem>>
          %parallel_loop3A_214 = arith.constant 0 : index
          %parallel_loop3A_215 = tpu.vector_load %parallel_loop3A_213[%parallel_loop3A_214] {strides = array<i32>} : memref<144xf32, #tpu.memory_space<vmem>>, vector<16xf32>,
          %parallel_loop3A_216 = vector.shape_cast %parallel_loop3A_215 : vector<16xf32> to vector<16xf32>
          %parallel_loop3A_217 = vector.shape_cast %parallel_loop3A_210 : vector<16xf32> to vector<16xf32>
          tpu.vector_store %parallel_loop3A_213[%parallel_loop3A_214], %parallel_loop3A_217 {strides = array<i32>} : memref<144xf32, #tpu.memory_space<vmem>>, vector<16xf32>,
          %parallel_loop3A_218 = arith.constant 0 : i32
          %parallel_loop3A_219 = tpu.memref_slice %arg15[%parallel_loop3A_174, %parallel_loop3A_218] : memref<80x144xf32, #tpu.memory_space<vmem>> -> memref<1x144xf32, #tpu.memory_space<vmem>>
          %parallel_loop3A_220 = tpu.memref_squeeze %parallel_loop3A_219 : memref<1x144xf32, #tpu.memory_space<vmem>> -> memref<144xf32, #tpu.memory_space<vmem>>
          %parallel_loop3A_221 = arith.constant 16 : index
          %parallel_loop3A_222 = tpu.vector_load %parallel_loop3A_220[%parallel_loop3A_221] {strides = array<i32>} : memref<144xf32, #tpu.memory_space<vmem>>, vector<16xf32>,
          %parallel_loop3A_223 = vector.shape_cast %parallel_loop3A_222 : vector<16xf32> to vector<16xf32>
          %parallel_loop3A_224 = vector.extract_strided_slice %parallel_loop3A_193 {offsets = [1], sizes = [1], strides = [1]} : vector<16xf32> to vector<1xf32>
          %parallel_loop3A_225 = vector.extract %parallel_loop3A_224[0] : f32 from vector<1xf32>
          %parallel_loop3A_226 = vector.broadcast %parallel_loop3A_225 : f32 to vector<16xf32>
          %parallel_loop3A_227 = arith.mulf %parallel_loop3A_223, %parallel_loop3A_226 : vector<16xf32>
          %parallel_loop3A_228 = arith.constant 0 : i32
          %parallel_loop3A_229 = tpu.memref_slice %arg15[%parallel_loop3A_174, %parallel_loop3A_228] : memref<80x144xf32, #tpu.memory_space<vmem>> -> memref<1x144xf32, #tpu.memory_space<vmem>>
          %parallel_loop3A_230 = tpu.memref_squeeze %parallel_loop3A_229 : memref<1x144xf32, #tpu.memory_space<vmem>> -> memref<144xf32, #tpu.memory_space<vmem>>
          %parallel_loop3A_231 = arith.constant 16 : index
          %parallel_loop3A_232 = tpu.vector_load %parallel_loop3A_230[%parallel_loop3A_231] {strides = array<i32>} : memref<144xf32, #tpu.memory_space<vmem>>, vector<16xf32>,
          %parallel_loop3A_233 = vector.shape_cast %parallel_loop3A_232 : vector<16xf32> to vector<16xf32>
          %parallel_loop3A_234 = vector.shape_cast %parallel_loop3A_227 : vector<16xf32> to vector<16xf32>
          tpu.vector_store %parallel_loop3A_230[%parallel_loop3A_231], %parallel_loop3A_234 {strides = array<i32>} : memref<144xf32, #tpu.memory_space<vmem>>, vector<16xf32>,
          %parallel_loop3A_235 = arith.constant 0 : i32
          %parallel_loop3A_236 = tpu.memref_slice %arg15[%parallel_loop3A_174, %parallel_loop3A_235] : memref<80x144xf32, #tpu.memory_space<vmem>> -> memref<1x144xf32, #tpu.memory_space<vmem>>
          %parallel_loop3A_237 = tpu.memref_squeeze %parallel_loop3A_236 : memref<1x144xf32, #tpu.memory_space<vmem>> -> memref<144xf32, #tpu.memory_space<vmem>>
          %parallel_loop3A_238 = arith.constant 32 : index
          %parallel_loop3A_239 = tpu.vector_load %parallel_loop3A_237[%parallel_loop3A_238] {strides = array<i32>} : memref<144xf32, #tpu.memory_space<vmem>>, vector<16xf32>,
          %parallel_loop3A_240 = vector.shape_cast %parallel_loop3A_239 : vector<16xf32> to vector<16xf32>
          %parallel_loop3A_241 = vector.extract_strided_slice %parallel_loop3A_193 {offsets = [2], sizes = [1], strides = [1]} : vector<16xf32> to vector<1xf32>
          %parallel_loop3A_242 = vector.extract %parallel_loop3A_241[0] : f32 from vector<1xf32>
          %parallel_loop3A_243 = vector.broadcast %parallel_loop3A_242 : f32 to vector<16xf32>
          %parallel_loop3A_244 = arith.mulf %parallel_loop3A_240, %parallel_loop3A_243 : vector<16xf32>
          %parallel_loop3A_245 = arith.constant 0 : i32
          %parallel_loop3A_246 = tpu.memref_slice %arg15[%parallel_loop3A_174, %parallel_loop3A_245] : memref<80x144xf32, #tpu.memory_space<vmem>> -> memref<1x144xf32, #tpu.memory_space<vmem>>
          %parallel_loop3A_247 = tpu.memref_squeeze %parallel_loop3A_246 : memref<1x144xf32, #tpu.memory_space<vmem>> -> memref<144xf32, #tpu.memory_space<vmem>>
          %parallel_loop3A_248 = arith.constant 32 : index
          %parallel_loop3A_249 = tpu.vector_load %parallel_loop3A_247[%parallel_loop3A_248] {strides = array<i32>} : memref<144xf32, #tpu.memory_space<vmem>>, vector<16xf32>,
          %parallel_loop3A_250 = vector.shape_cast %parallel_loop3A_249 : vector<16xf32> to vector<16xf32>
          %parallel_loop3A_251 = vector.shape_cast %parallel_loop3A_244 : vector<16xf32> to vector<16xf32>
          tpu.vector_store %parallel_loop3A_247[%parallel_loop3A_248], %parallel_loop3A_251 {strides = array<i32>} : memref<144xf32, #tpu.memory_space<vmem>>, vector<16xf32>,
          %parallel_loop3A_252 = arith.constant 0 : i32
          %parallel_loop3A_253 = tpu.memref_slice %arg15[%parallel_loop3A_174, %parallel_loop3A_252] : memref<80x144xf32, #tpu.memory_space<vmem>> -> memref<1x144xf32, #tpu.memory_space<vmem>>
          %parallel_loop3A_254 = tpu.memref_squeeze %parallel_loop3A_253 : memref<1x144xf32, #tpu.memory_space<vmem>> -> memref<144xf32, #tpu.memory_space<vmem>>
          %parallel_loop3A_255 = arith.constant 48 : index
          %parallel_loop3A_256 = tpu.vector_load %parallel_loop3A_254[%parallel_loop3A_255] {strides = array<i32>} : memref<144xf32, #tpu.memory_space<vmem>>, vector<16xf32>,
          %parallel_loop3A_257 = vector.shape_cast %parallel_loop3A_256 : vector<16xf32> to vector<16xf32>
          %parallel_loop3A_258 = vector.extract_strided_slice %parallel_loop3A_193 {offsets = [3], sizes = [1], strides = [1]} : vector<16xf32> to vector<1xf32>
          %parallel_loop3A_259 = vector.extract %parallel_loop3A_258[0] : f32 from vector<1xf32>
          %parallel_loop3A_260 = vector.broadcast %parallel_loop3A_259 : f32 to vector<16xf32>
          %parallel_loop3A_261 = arith.mulf %parallel_loop3A_257, %parallel_loop3A_260 : vector<16xf32>
          %parallel_loop3A_262 = arith.constant 0 : i32
          %parallel_loop3A_263 = tpu.memref_slice %arg15[%parallel_loop3A_174, %parallel_loop3A_262] : memref<80x144xf32, #tpu.memory_space<vmem>> -> memref<1x144xf32, #tpu.memory_space<vmem>>
          %parallel_loop3A_264 = tpu.memref_squeeze %parallel_loop3A_263 : memref<1x144xf32, #tpu.memory_space<vmem>> -> memref<144xf32, #tpu.memory_space<vmem>>
          %parallel_loop3A_265 = arith.constant 48 : index
          %parallel_loop3A_266 = tpu.vector_load %parallel_loop3A_264[%parallel_loop3A_265] {strides = array<i32>} : memref<144xf32, #tpu.memory_space<vmem>>, vector<16xf32>,
          %parallel_loop3A_267 = vector.shape_cast %parallel_loop3A_266 : vector<16xf32> to vector<16xf32>
          %parallel_loop3A_268 = vector.shape_cast %parallel_loop3A_261 : vector<16xf32> to vector<16xf32>
          tpu.vector_store %parallel_loop3A_264[%parallel_loop3A_265], %parallel_loop3A_268 {strides = array<i32>} : memref<144xf32, #tpu.memory_space<vmem>>, vector<16xf32>,
          %parallel_loop3A_269 = arith.constant 0 : i32
          %parallel_loop3A_270 = tpu.memref_slice %arg15[%parallel_loop3A_174, %parallel_loop3A_269] : memref<80x144xf32, #tpu.memory_space<vmem>> -> memref<1x144xf32, #tpu.memory_space<vmem>>
          %parallel_loop3A_271 = tpu.memref_squeeze %parallel_loop3A_270 : memref<1x144xf32, #tpu.memory_space<vmem>> -> memref<144xf32, #tpu.memory_space<vmem>>
          %parallel_loop3A_272 = arith.constant 64 : index
          %parallel_loop3A_273 = tpu.vector_load %parallel_loop3A_271[%parallel_loop3A_272] {strides = array<i32>} : memref<144xf32, #tpu.memory_space<vmem>>, vector<16xf32>,
          %parallel_loop3A_274 = vector.shape_cast %parallel_loop3A_273 : vector<16xf32> to vector<16xf32>
          %parallel_loop3A_275 = vector.extract_strided_slice %parallel_loop3A_193 {offsets = [4], sizes = [1], strides = [1]} : vector<16xf32> to vector<1xf32>
          %parallel_loop3A_276 = vector.extract %parallel_loop3A_275[0] : f32 from vector<1xf32>
          %parallel_loop3A_277 = vector.broadcast %parallel_loop3A_276 : f32 to vector<16xf32>
          %parallel_loop3A_278 = arith.mulf %parallel_loop3A_274, %parallel_loop3A_277 : vector<16xf32>
          %parallel_loop3A_279 = arith.constant 0 : i32
          %parallel_loop3A_280 = tpu.memref_slice %arg15[%parallel_loop3A_174, %parallel_loop3A_279] : memref<80x144xf32, #tpu.memory_space<vmem>> -> memref<1x144xf32, #tpu.memory_space<vmem>>
          %parallel_loop3A_281 = tpu.memref_squeeze %parallel_loop3A_280 : memref<1x144xf32, #tpu.memory_space<vmem>> -> memref<144xf32, #tpu.memory_space<vmem>>
          %parallel_loop3A_282 = arith.constant 64 : index
          %parallel_loop3A_283 = tpu.vector_load %parallel_loop3A_281[%parallel_loop3A_282] {strides = array<i32>} : memref<144xf32, #tpu.memory_space<vmem>>, vector<16xf32>,
          %parallel_loop3A_284 = vector.shape_cast %parallel_loop3A_283 : vector<16xf32> to vector<16xf32>
          %parallel_loop3A_285 = vector.shape_cast %parallel_loop3A_278 : vector<16xf32> to vector<16xf32>
          tpu.vector_store %parallel_loop3A_281[%parallel_loop3A_282], %parallel_loop3A_285 {strides = array<i32>} : memref<144xf32, #tpu.memory_space<vmem>>, vector<16xf32>,
          %parallel_loop3A_286 = arith.constant 0 : i32
          %parallel_loop3A_287 = tpu.memref_slice %arg15[%parallel_loop3A_174, %parallel_loop3A_286] : memref<80x144xf32, #tpu.memory_space<vmem>> -> memref<1x144xf32, #tpu.memory_space<vmem>>
          %parallel_loop3A_288 = tpu.memref_squeeze %parallel_loop3A_287 : memref<1x144xf32, #tpu.memory_space<vmem>> -> memref<144xf32, #tpu.memory_space<vmem>>
          %parallel_loop3A_289 = arith.constant 80 : index
          %parallel_loop3A_290 = tpu.vector_load %parallel_loop3A_288[%parallel_loop3A_289] {strides = array<i32>} : memref<144xf32, #tpu.memory_space<vmem>>, vector<16xf32>,
          %parallel_loop3A_291 = vector.shape_cast %parallel_loop3A_290 : vector<16xf32> to vector<16xf32>
          %parallel_loop3A_292 = vector.extract_strided_slice %parallel_loop3A_193 {offsets = [5], sizes = [1], strides = [1]} : vector<16xf32> to vector<1xf32>
          %parallel_loop3A_293 = vector.extract %parallel_loop3A_292[0] : f32 from vector<1xf32>
          %parallel_loop3A_294 = vector.broadcast %parallel_loop3A_293 : f32 to vector<16xf32>
          %parallel_loop3A_295 = arith.mulf %parallel_loop3A_291, %parallel_loop3A_294 : vector<16xf32>
          %parallel_loop3A_296 = arith.constant 0 : i32
          %parallel_loop3A_297 = tpu.memref_slice %arg15[%parallel_loop3A_174, %parallel_loop3A_296] : memref<80x144xf32, #tpu.memory_space<vmem>> -> memref<1x144xf32, #tpu.memory_space<vmem>>
          %parallel_loop3A_298 = tpu.memref_squeeze %parallel_loop3A_297 : memref<1x144xf32, #tpu.memory_space<vmem>> -> memref<144xf32, #tpu.memory_space<vmem>>
          %parallel_loop3A_299 = arith.constant 80 : index
          %parallel_loop3A_300 = tpu.vector_load %parallel_loop3A_298[%parallel_loop3A_299] {strides = array<i32>} : memref<144xf32, #tpu.memory_space<vmem>>, vector<16xf32>,
          %parallel_loop3A_301 = vector.shape_cast %parallel_loop3A_300 : vector<16xf32> to vector<16xf32>
          %parallel_loop3A_302 = vector.shape_cast %parallel_loop3A_295 : vector<16xf32> to vector<16xf32>
          tpu.vector_store %parallel_loop3A_298[%parallel_loop3A_299], %parallel_loop3A_302 {strides = array<i32>} : memref<144xf32, #tpu.memory_space<vmem>>, vector<16xf32>,
          %parallel_loop3A_303 = arith.constant 0 : i32
          %parallel_loop3A_304 = tpu.memref_slice %arg15[%parallel_loop3A_174, %parallel_loop3A_303] : memref<80x144xf32, #tpu.memory_space<vmem>> -> memref<1x144xf32, #tpu.memory_space<vmem>>
          %parallel_loop3A_305 = tpu.memref_squeeze %parallel_loop3A_304 : memref<1x144xf32, #tpu.memory_space<vmem>> -> memref<144xf32, #tpu.memory_space<vmem>>
          %parallel_loop3A_306 = arith.constant 96 : index
          %parallel_loop3A_307 = tpu.vector_load %parallel_loop3A_305[%parallel_loop3A_306] {strides = array<i32>} : memref<144xf32, #tpu.memory_space<vmem>>, vector<16xf32>,
          %parallel_loop3A_308 = vector.shape_cast %parallel_loop3A_307 : vector<16xf32> to vector<16xf32>
          %parallel_loop3A_309 = vector.extract_strided_slice %parallel_loop3A_193 {offsets = [6], sizes = [1], strides = [1]} : vector<16xf32> to vector<1xf32>
          %parallel_loop3A_310 = vector.extract %parallel_loop3A_309[0] : f32 from vector<1xf32>
          %parallel_loop3A_311 = vector.broadcast %parallel_loop3A_310 : f32 to vector<16xf32>
          %parallel_loop3A_312 = arith.mulf %parallel_loop3A_308, %parallel_loop3A_311 : vector<16xf32>
          %parallel_loop3A_313 = arith.constant 0 : i32
          %parallel_loop3A_314 = tpu.memref_slice %arg15[%parallel_loop3A_174, %parallel_loop3A_313] : memref<80x144xf32, #tpu.memory_space<vmem>> -> memref<1x144xf32, #tpu.memory_space<vmem>>
          %parallel_loop3A_315 = tpu.memref_squeeze %parallel_loop3A_314 : memref<1x144xf32, #tpu.memory_space<vmem>> -> memref<144xf32, #tpu.memory_space<vmem>>
          %parallel_loop3A_316 = arith.constant 96 : index
          %parallel_loop3A_317 = tpu.vector_load %parallel_loop3A_315[%parallel_loop3A_316] {strides = array<i32>} : memref<144xf32, #tpu.memory_space<vmem>>, vector<16xf32>,
          %parallel_loop3A_318 = vector.shape_cast %parallel_loop3A_317 : vector<16xf32> to vector<16xf32>
          %parallel_loop3A_319 = vector.shape_cast %parallel_loop3A_312 : vector<16xf32> to vector<16xf32>
          tpu.vector_store %parallel_loop3A_315[%parallel_loop3A_316], %parallel_loop3A_319 {strides = array<i32>} : memref<144xf32, #tpu.memory_space<vmem>>, vector<16xf32>,
          %parallel_loop3A_320 = arith.constant 0 : i32
          %parallel_loop3A_321 = tpu.memref_slice %arg15[%parallel_loop3A_174, %parallel_loop3A_320] : memref<80x144xf32, #tpu.memory_space<vmem>> -> memref<1x144xf32, #tpu.memory_space<vmem>>
          %parallel_loop3A_322 = tpu.memref_squeeze %parallel_loop3A_321 : memref<1x144xf32, #tpu.memory_space<vmem>> -> memref<144xf32, #tpu.memory_space<vmem>>
          %parallel_loop3A_323 = arith.constant 112 : index
          %parallel_loop3A_324 = tpu.vector_load %parallel_loop3A_322[%parallel_loop3A_323] {strides = array<i32>} : memref<144xf32, #tpu.memory_space<vmem>>, vector<16xf32>,
          %parallel_loop3A_325 = vector.shape_cast %parallel_loop3A_324 : vector<16xf32> to vector<16xf32>
          %parallel_loop3A_326 = vector.extract_strided_slice %parallel_loop3A_193 {offsets = [7], sizes = [1], strides = [1]} : vector<16xf32> to vector<1xf32>
          %parallel_loop3A_327 = vector.extract %parallel_loop3A_326[0] : f32 from vector<1xf32>
          %parallel_loop3A_328 = vector.broadcast %parallel_loop3A_327 : f32 to vector<16xf32>
          %parallel_loop3A_329 = arith.mulf %parallel_loop3A_325, %parallel_loop3A_328 : vector<16xf32>
          %parallel_loop3A_330 = arith.constant 0 : i32
          %parallel_loop3A_331 = tpu.memref_slice %arg15[%parallel_loop3A_174, %parallel_loop3A_330] : memref<80x144xf32, #tpu.memory_space<vmem>> -> memref<1x144xf32, #tpu.memory_space<vmem>>
          %parallel_loop3A_332 = tpu.memref_squeeze %parallel_loop3A_331 : memref<1x144xf32, #tpu.memory_space<vmem>> -> memref<144xf32, #tpu.memory_space<vmem>>
          %parallel_loop3A_333 = arith.constant 112 : index
          %parallel_loop3A_334 = tpu.vector_load %parallel_loop3A_332[%parallel_loop3A_333] {strides = array<i32>} : memref<144xf32, #tpu.memory_space<vmem>>, vector<16xf32>,
          %parallel_loop3A_335 = vector.shape_cast %parallel_loop3A_334 : vector<16xf32> to vector<16xf32>
          %parallel_loop3A_336 = vector.shape_cast %parallel_loop3A_329 : vector<16xf32> to vector<16xf32>
          tpu.vector_store %parallel_loop3A_332[%parallel_loop3A_333], %parallel_loop3A_336 {strides = array<i32>} : memref<144xf32, #tpu.memory_space<vmem>>, vector<16xf32>,
        } {sc.loop_unroll_factor = 4 : i64, sc.parallel_access}
        %dma_start3A_171 = arith.constant 0 : i32
        %dma_start3A_172 = arith.constant 0 : i32
        %dma_start3A_173 = tpu.memref_slice %arg19[%dma_start3A_171, %dma_start3A_172] : memref<10000x144xf32, #tpu.memory_space<vmem_shared>> -> memref<10000x144xf32, #tpu.memory_space<vmem_shared>>
        tpu.enqueue_indirect_dma source(%arg15 : memref<80x144xf32, #tpu.memory_space<vmem>>) target(%dma_start3A_173 : memref<10000x144xf32, #tpu.memory_space<vmem_shared>>) offsets(%arg11 : memref<80xi32, #tpu.memory_space<vmem>>) semaphore(%arg26 : memref<!tpu.dma_semaphore, #tpu.memory_space<semaphore_mem>>) {add = true}
      } else {
      }
      %add3A_109 = arith.constant 1 : i32
      %add3A_110 = arith.addi %add3A_90, %add3A_109 : i32
      %add3A_111 = arith.constant 1 : i32
      %add3A_112 = arith.addi %add3A_110, %add3A_111 : i32
      %lt3A_113 = arith.cmpi slt, %add3A_112, %add3A_6 : i32
      %convert_element_type3A_114 = arith.extui %lt3A_113 : i1 to i32
      %cond3A_115 = arith.constant 0 : i32
      %cond3A_116 = arith.cmpi ne, %convert_element_type3A_114, %cond3A_115 : i32
      scf.if %cond3A_116 {
        %add3A_163 = arith.constant 1 : i32
        %add3A_164 = arith.addi %add3A_110, %add3A_163 : i32
        %ge3A = arith.constant 2 : i32
        %ge3A_165 = arith.cmpi sge, %add3A_164, %ge3A : i32
        %convert_element_type3A_166 = arith.extui %ge3A_165 : i1 to i32
        %cond3A_167 = arith.constant 0 : i32
        %cond3A_168 = arith.cmpi ne, %convert_element_type3A_166, %cond3A_167 : i32
        scf.if %cond3A_168 {
          %dma_wait3A_190 = arith.constant 0 : i32
          %dma_wait3A_191 = arith.constant 0 : i32
          %dma_wait3A_192 = tpu.memref_slice %arg19[%dma_wait3A_190, %dma_wait3A_191] : memref<10000x144xf32, #tpu.memory_space<vmem_shared>> -> memref<10000x144xf32, #tpu.memory_space<vmem_shared>>
          tpu.wait_indirect_dma semaphore(%arg26 : memref<!tpu.dma_semaphore, #tpu.memory_space<semaphore_mem>>) src(%arg15 : memref<80x144xf32, #tpu.memory_space<vmem>>) dst(%dma_wait3A_192 : memref<10000x144xf32, #tpu.memory_space<vmem_shared>>)
        } else {
        }
        %mul3A_169 = arith.constant 32 : i32
        %mul3A_170 = arith.muli %mul3A_169, %add3A_164 : i32
        %add3A_171 = arith.addi %add3A, %mul3A_170 : i32
        %mul3A_172 = arith.constant 80 : i32
        %mul3A_173 = arith.muli %add3A_171, %mul3A_172 : i32
        %dma_wait3A_174 = arith.constant 0 : i32
        %dma_wait3A_175 = tpu.memref_slice %arg2[%dma_wait3A_174, %mul3A_173] : memref<2x320000xi32, #tpu.memory_space<hbm>> -> memref<1x80xi32, #tpu.memory_space<hbm>>
        %dma_wait3A_176 = tpu.memref_squeeze %dma_wait3A_175 : memref<1x80xi32, #tpu.memory_space<hbm>> -> memref<80xi32, #tpu.memory_space<hbm>>
        %dma_wait3A_177 = tpu.memref_slice %arg2[%dma_wait3A_174, %mul3A_173] : memref<2x320000xi32, #tpu.memory_space<hbm>> -> memref<1x80xi32, #tpu.memory_space<hbm>>
        %dma_wait3A_178 = tpu.memref_squeeze %dma_wait3A_177 : memref<1x80xi32, #tpu.memory_space<hbm>> -> memref<80xi32, #tpu.memory_space<hbm>>
        tpu.wait_dma2 semaphore(%arg30 : memref<!tpu.dma_semaphore, #tpu.memory_space<semaphore_mem>>) src(%dma_wait3A_178 : memref<80xi32, #tpu.memory_space<hbm>>) dst(%arg9 : memref<80xi32, #tpu.memory_space<vmem>>)
        %dma_wait3A_179 = arith.constant 1 : i32
        %dma_wait3A_180 = tpu.memref_slice %arg2[%dma_wait3A_179, %mul3A_173] : memref<2x320000xi32, #tpu.memory_space<hbm>> -> memref<1x80xi32, #tpu.memory_space<hbm>>
        %dma_wait3A_181 = tpu.memref_squeeze %dma_wait3A_180 : memref<1x80xi32, #tpu.memory_space<hbm>> -> memref<80xi32, #tpu.memory_space<hbm>>
        %dma_wait3A_182 = tpu.memref_slice %arg2[%dma_wait3A_179, %mul3A_173] : memref<2x320000xi32, #tpu.memory_space<hbm>> -> memref<1x80xi32, #tpu.memory_space<hbm>>
        %dma_wait3A_183 = tpu.memref_squeeze %dma_wait3A_182 : memref<1x80xi32, #tpu.memory_space<hbm>> -> memref<80xi32, #tpu.memory_space<hbm>>
        tpu.wait_dma2 semaphore(%arg30 : memref<!tpu.dma_semaphore, #tpu.memory_space<semaphore_mem>>) src(%dma_wait3A_183 : memref<80xi32, #tpu.memory_space<hbm>>) dst(%arg13 : memref<80xi32, #tpu.memory_space<vmem>>)
        %dma_start3A_184 = arith.constant 0 : i32
        %dma_start3A_185 = arith.constant 0 : i32
        %dma_start3A_186 = tpu.memref_slice %arg3[%dma_start3A_184, %dma_start3A_185] : memref<10000x144xf32, #tpu.memory_space<hbm>> -> memref<10000x144xf32, #tpu.memory_space<hbm>>
        tpu.enqueue_indirect_dma source(%dma_start3A_186 : memref<10000x144xf32, #tpu.memory_space<hbm>>) target(%arg15 : memref<80x144xf32, #tpu.memory_space<vmem>>) offsets(%arg9 : memref<80xi32, #tpu.memory_space<vmem>>) semaphore(%arg22 : memref<!tpu.dma_semaphore, #tpu.memory_space<semaphore_mem>>)
        %dma_start3A_187 = arith.constant 0 : i32
        %dma_start3A_188 = arith.constant 0 : i32
        %dma_start3A_189 = tpu.memref_slice %arg20[%dma_start3A_187, %dma_start3A_188] : memref<10000x16xf32, #tpu.memory_space<vmem_shared>> -> memref<10000x16xf32, #tpu.memory_space<vmem_shared>>
        tpu.enqueue_indirect_dma source(%dma_start3A_189 : memref<10000x16xf32, #tpu.memory_space<vmem_shared>>) target(%arg17 : memref<80x16xf32, #tpu.memory_space<vmem>>) offsets(%arg13 : memref<80xi32, #tpu.memory_space<vmem>>) semaphore(%arg24 : memref<!tpu.dma_semaphore, #tpu.memory_space<semaphore_mem>>)
      } else {
      }
      %add3A_117 = arith.constant 3 : i32
      %add3A_118 = arith.addi %add3A_110, %add3A_117 : i32
      %lt3A_119 = arith.cmpi slt, %add3A_118, %add3A_6 : i32
      %convert_element_type3A_120 = arith.extui %lt3A_119 : i1 to i32
      %cond3A_121 = arith.constant 0 : i32
      %cond3A_122 = arith.cmpi ne, %convert_element_type3A_120, %cond3A_121 : i32
      scf.if %cond3A_122 {
        %add3A_163 = arith.constant 3 : i32
        %add3A_164 = arith.addi %add3A_110, %add3A_163 : i32
        %mul3A_165 = arith.constant 32 : i32
        %mul3A_166 = arith.muli %mul3A_165, %add3A_164 : i32
        %add3A_167 = arith.addi %add3A, %mul3A_166 : i32
        %mul3A_168 = arith.constant 80 : i32
        %mul3A_169 = arith.muli %add3A_167, %mul3A_168 : i32
        %dma_start3A_170 = arith.constant 0 : i32
        %dma_start3A_171 = tpu.memref_slice %arg2[%dma_start3A_170, %mul3A_169] : memref<2x320000xi32, #tpu.memory_space<hbm>> -> memref<1x80xi32, #tpu.memory_space<hbm>>
        %dma_start3A_172 = tpu.memref_squeeze %dma_start3A_171 : memref<1x80xi32, #tpu.memory_space<hbm>> -> memref<80xi32, #tpu.memory_space<hbm>>
        %dma_start3A_173 = tpu.memref_slice %arg2[%dma_start3A_170, %mul3A_169] : memref<2x320000xi32, #tpu.memory_space<hbm>> -> memref<1x80xi32, #tpu.memory_space<hbm>>
        %dma_start3A_174 = tpu.memref_squeeze %dma_start3A_173 : memref<1x80xi32, #tpu.memory_space<hbm>> -> memref<80xi32, #tpu.memory_space<hbm>>
        tpu.enqueue_dma source(%dma_start3A_174 : memref<80xi32, #tpu.memory_space<hbm>>) target(%arg7 : memref<80xi32, #tpu.memory_space<vmem>>) target_semaphore(%arg28 : memref<!tpu.dma_semaphore, #tpu.memory_space<semaphore_mem>>)
        %dma_start3A_175 = arith.constant 1 : i32
        %dma_start3A_176 = tpu.memref_slice %arg2[%dma_start3A_175, %mul3A_169] : memref<2x320000xi32, #tpu.memory_space<hbm>> -> memref<1x80xi32, #tpu.memory_space<hbm>>
        %dma_start3A_177 = tpu.memref_squeeze %dma_start3A_176 : memref<1x80xi32, #tpu.memory_space<hbm>> -> memref<80xi32, #tpu.memory_space<hbm>>
        %dma_start3A_178 = tpu.memref_slice %arg2[%dma_start3A_175, %mul3A_169] : memref<2x320000xi32, #tpu.memory_space<hbm>> -> memref<1x80xi32, #tpu.memory_space<hbm>>
        %dma_start3A_179 = tpu.memref_squeeze %dma_start3A_178 : memref<1x80xi32, #tpu.memory_space<hbm>> -> memref<80xi32, #tpu.memory_space<hbm>>
        tpu.enqueue_dma source(%dma_start3A_179 : memref<80xi32, #tpu.memory_space<hbm>>) target(%arg11 : memref<80xi32, #tpu.memory_space<vmem>>) target_semaphore(%arg28 : memref<!tpu.dma_semaphore, #tpu.memory_space<semaphore_mem>>)
      } else {
      }
      %lt3A_123 = arith.cmpi slt, %add3A_110, %add3A_6 : i32
      %convert_element_type3A_124 = arith.extui %lt3A_123 : i1 to i32
      %cond3A_125 = arith.constant 0 : i32
      %cond3A_126 = arith.cmpi ne, %convert_element_type3A_124, %cond3A_125 : i32
      scf.if %cond3A_126 {
        %dma_wait3A_163 = arith.constant 0 : i32
        %dma_wait3A_164 = arith.constant 0 : i32
        %dma_wait3A_165 = tpu.memref_slice %arg20[%dma_wait3A_163, %dma_wait3A_164] : memref<10000x16xf32, #tpu.memory_space<vmem_shared>> -> memref<10000x16xf32, #tpu.memory_space<vmem_shared>>
        tpu.wait_indirect_dma semaphore(%arg25 : memref<!tpu.dma_semaphore, #tpu.memory_space<semaphore_mem>>) src(%dma_wait3A_165 : memref<10000x16xf32, #tpu.memory_space<vmem_shared>>) dst(%arg18 : memref<80x16xf32, #tpu.memory_space<vmem>>)
        %dma_wait3A_166 = arith.constant 0 : i32
        %dma_wait3A_167 = arith.constant 0 : i32
        %dma_wait3A_168 = tpu.memref_slice %arg3[%dma_wait3A_166, %dma_wait3A_167] : memref<10000x144xf32, #tpu.memory_space<hbm>> -> memref<10000x144xf32, #tpu.memory_space<hbm>>
        tpu.wait_indirect_dma semaphore(%arg23 : memref<!tpu.dma_semaphore, #tpu.memory_space<semaphore_mem>>) src(%dma_wait3A_168 : memref<10000x144xf32, #tpu.memory_space<hbm>>) dst(%arg16 : memref<80x144xf32, #tpu.memory_space<vmem>>)
        %parallel_loop3A = arith.constant 0 : i32
        %parallel_loop3A_169 = arith.constant 80 : i32
        %parallel_loop3A_170 = arith.constant 1 : i32
        scf.for %parallel_loop3A_174 = %parallel_loop3A to %parallel_loop3A_169 step %parallel_loop3A_170  : i32 {
          %parallel_loop3A_175 = arith.constant 0 : i32
          %parallel_loop3A_176 = tpu.memref_slice %arg16[%parallel_loop3A_174, %parallel_loop3A_175] : memref<80x144xf32, #tpu.memory_space<vmem>> -> memref<1x144xf32, #tpu.memory_space<vmem>>
          %parallel_loop3A_177 = tpu.memref_squeeze %parallel_loop3A_176 : memref<1x144xf32, #tpu.memory_space<vmem>> -> memref<144xf32, #tpu.memory_space<vmem>>
          %parallel_loop3A_178 = arith.constant 128 : index
          %parallel_loop3A_179 = tpu.vector_load %parallel_loop3A_177[%parallel_loop3A_178] {strides = array<i32>} : memref<144xf32, #tpu.memory_space<vmem>>, vector<16xf32>,
          %parallel_loop3A_180 = vector.shape_cast %parallel_loop3A_179 : vector<16xf32> to vector<16xf32>
          %parallel_loop3A_181 = arith.index_cast %parallel_loop3A_174 : i32 to index
          %parallel_loop3A_182 = arith.constant 0 : index
          %parallel_loop3A_183 = tpu.vector_load %arg18[%parallel_loop3A_181, %parallel_loop3A_182] {strides = array<i32>} : memref<80x16xf32, #tpu.memory_space<vmem>>, vector<1x16xf32>,
          %parallel_loop3A_184 = vector.shape_cast %parallel_loop3A_183 : vector<1x16xf32> to vector<16xf32>
          %parallel_loop3A_185 = arith.addf %parallel_loop3A_180, %parallel_loop3A_184 : vector<16xf32>
          %parallel_loop3A_186 = arith.constant 0.000000e+00 : f32
          %parallel_loop3A_187 = vector.broadcast %parallel_loop3A_186 : f32 to vector<16xf32>
          %parallel_loop3A_188 = arith.cmpf oge, %parallel_loop3A_185, %parallel_loop3A_187 : vector<16xf32>
          %parallel_loop3A_189 = arith.constant 2.000000e-01 : f32
          %parallel_loop3A_190 = vector.broadcast %parallel_loop3A_189 : f32 to vector<16xf32>
          %parallel_loop3A_191 = arith.mulf %parallel_loop3A_190, %parallel_loop3A_185 : vector<16xf32>
          %parallel_loop3A_192 = arith.select %parallel_loop3A_188, %parallel_loop3A_185, %parallel_loop3A_191 : vector<16xi1>, vector<16xf32>
          %parallel_loop3A_193 = math.exp %parallel_loop3A_192 : vector<16xf32>
          %parallel_loop3A_194 = arith.constant 0 : i32
          %parallel_loop3A_195 = tpu.memref_slice %arg16[%parallel_loop3A_174, %parallel_loop3A_194] : memref<80x144xf32, #tpu.memory_space<vmem>> -> memref<1x144xf32, #tpu.memory_space<vmem>>
          %parallel_loop3A_196 = tpu.memref_squeeze %parallel_loop3A_195 : memref<1x144xf32, #tpu.memory_space<vmem>> -> memref<144xf32, #tpu.memory_space<vmem>>
          %parallel_loop3A_197 = arith.constant 128 : index
          %parallel_loop3A_198 = tpu.vector_load %parallel_loop3A_196[%parallel_loop3A_197] {strides = array<i32>} : memref<144xf32, #tpu.memory_space<vmem>>, vector<16xf32>,
          %parallel_loop3A_199 = vector.shape_cast %parallel_loop3A_198 : vector<16xf32> to vector<16xf32>
          %parallel_loop3A_200 = vector.shape_cast %parallel_loop3A_193 : vector<16xf32> to vector<16xf32>
          tpu.vector_store %parallel_loop3A_196[%parallel_loop3A_197], %parallel_loop3A_200 {strides = array<i32>} : memref<144xf32, #tpu.memory_space<vmem>>, vector<16xf32>,
          %parallel_loop3A_201 = arith.constant 0 : i32
          %parallel_loop3A_202 = tpu.memref_slice %arg16[%parallel_loop3A_174, %parallel_loop3A_201] : memref<80x144xf32, #tpu.memory_space<vmem>> -> memref<1x144xf32, #tpu.memory_space<vmem>>
          %parallel_loop3A_203 = tpu.memref_squeeze %parallel_loop3A_202 : memref<1x144xf32, #tpu.memory_space<vmem>> -> memref<144xf32, #tpu.memory_space<vmem>>
          %parallel_loop3A_204 = arith.constant 0 : index
          %parallel_loop3A_205 = tpu.vector_load %parallel_loop3A_203[%parallel_loop3A_204] {strides = array<i32>} : memref<144xf32, #tpu.memory_space<vmem>>, vector<16xf32>,
          %parallel_loop3A_206 = vector.shape_cast %parallel_loop3A_205 : vector<16xf32> to vector<16xf32>
          %parallel_loop3A_207 = vector.extract_strided_slice %parallel_loop3A_193 {offsets = [0], sizes = [1], strides = [1]} : vector<16xf32> to vector<1xf32>
          %parallel_loop3A_208 = vector.extract %parallel_loop3A_207[0] : f32 from vector<1xf32>
          %parallel_loop3A_209 = vector.broadcast %parallel_loop3A_208 : f32 to vector<16xf32>
          %parallel_loop3A_210 = arith.mulf %parallel_loop3A_206, %parallel_loop3A_209 : vector<16xf32>
          %parallel_loop3A_211 = arith.constant 0 : i32
          %parallel_loop3A_212 = tpu.memref_slice %arg16[%parallel_loop3A_174, %parallel_loop3A_211] : memref<80x144xf32, #tpu.memory_space<vmem>> -> memref<1x144xf32, #tpu.memory_space<vmem>>
          %parallel_loop3A_213 = tpu.memref_squeeze %parallel_loop3A_212 : memref<1x144xf32, #tpu.memory_space<vmem>> -> memref<144xf32, #tpu.memory_space<vmem>>
          %parallel_loop3A_214 = arith.constant 0 : index
          %parallel_loop3A_215 = tpu.vector_load %parallel_loop3A_213[%parallel_loop3A_214] {strides = array<i32>} : memref<144xf32, #tpu.memory_space<vmem>>, vector<16xf32>,
          %parallel_loop3A_216 = vector.shape_cast %parallel_loop3A_215 : vector<16xf32> to vector<16xf32>
          %parallel_loop3A_217 = vector.shape_cast %parallel_loop3A_210 : vector<16xf32> to vector<16xf32>
          tpu.vector_store %parallel_loop3A_213[%parallel_loop3A_214], %parallel_loop3A_217 {strides = array<i32>} : memref<144xf32, #tpu.memory_space<vmem>>, vector<16xf32>,
          %parallel_loop3A_218 = arith.constant 0 : i32
          %parallel_loop3A_219 = tpu.memref_slice %arg16[%parallel_loop3A_174, %parallel_loop3A_218] : memref<80x144xf32, #tpu.memory_space<vmem>> -> memref<1x144xf32, #tpu.memory_space<vmem>>
          %parallel_loop3A_220 = tpu.memref_squeeze %parallel_loop3A_219 : memref<1x144xf32, #tpu.memory_space<vmem>> -> memref<144xf32, #tpu.memory_space<vmem>>
          %parallel_loop3A_221 = arith.constant 16 : index
          %parallel_loop3A_222 = tpu.vector_load %parallel_loop3A_220[%parallel_loop3A_221] {strides = array<i32>} : memref<144xf32, #tpu.memory_space<vmem>>, vector<16xf32>,
          %parallel_loop3A_223 = vector.shape_cast %parallel_loop3A_222 : vector<16xf32> to vector<16xf32>
          %parallel_loop3A_224 = vector.extract_strided_slice %parallel_loop3A_193 {offsets = [1], sizes = [1], strides = [1]} : vector<16xf32> to vector<1xf32>
          %parallel_loop3A_225 = vector.extract %parallel_loop3A_224[0] : f32 from vector<1xf32>
          %parallel_loop3A_226 = vector.broadcast %parallel_loop3A_225 : f32 to vector<16xf32>
          %parallel_loop3A_227 = arith.mulf %parallel_loop3A_223, %parallel_loop3A_226 : vector<16xf32>
          %parallel_loop3A_228 = arith.constant 0 : i32
          %parallel_loop3A_229 = tpu.memref_slice %arg16[%parallel_loop3A_174, %parallel_loop3A_228] : memref<80x144xf32, #tpu.memory_space<vmem>> -> memref<1x144xf32, #tpu.memory_space<vmem>>
          %parallel_loop3A_230 = tpu.memref_squeeze %parallel_loop3A_229 : memref<1x144xf32, #tpu.memory_space<vmem>> -> memref<144xf32, #tpu.memory_space<vmem>>
          %parallel_loop3A_231 = arith.constant 16 : index
          %parallel_loop3A_232 = tpu.vector_load %parallel_loop3A_230[%parallel_loop3A_231] {strides = array<i32>} : memref<144xf32, #tpu.memory_space<vmem>>, vector<16xf32>,
          %parallel_loop3A_233 = vector.shape_cast %parallel_loop3A_232 : vector<16xf32> to vector<16xf32>
          %parallel_loop3A_234 = vector.shape_cast %parallel_loop3A_227 : vector<16xf32> to vector<16xf32>
          tpu.vector_store %parallel_loop3A_230[%parallel_loop3A_231], %parallel_loop3A_234 {strides = array<i32>} : memref<144xf32, #tpu.memory_space<vmem>>, vector<16xf32>,
          %parallel_loop3A_235 = arith.constant 0 : i32
          %parallel_loop3A_236 = tpu.memref_slice %arg16[%parallel_loop3A_174, %parallel_loop3A_235] : memref<80x144xf32, #tpu.memory_space<vmem>> -> memref<1x144xf32, #tpu.memory_space<vmem>>
          %parallel_loop3A_237 = tpu.memref_squeeze %parallel_loop3A_236 : memref<1x144xf32, #tpu.memory_space<vmem>> -> memref<144xf32, #tpu.memory_space<vmem>>
          %parallel_loop3A_238 = arith.constant 32 : index
          %parallel_loop3A_239 = tpu.vector_load %parallel_loop3A_237[%parallel_loop3A_238] {strides = array<i32>} : memref<144xf32, #tpu.memory_space<vmem>>, vector<16xf32>,
          %parallel_loop3A_240 = vector.shape_cast %parallel_loop3A_239 : vector<16xf32> to vector<16xf32>
          %parallel_loop3A_241 = vector.extract_strided_slice %parallel_loop3A_193 {offsets = [2], sizes = [1], strides = [1]} : vector<16xf32> to vector<1xf32>
          %parallel_loop3A_242 = vector.extract %parallel_loop3A_241[0] : f32 from vector<1xf32>
          %parallel_loop3A_243 = vector.broadcast %parallel_loop3A_242 : f32 to vector<16xf32>
          %parallel_loop3A_244 = arith.mulf %parallel_loop3A_240, %parallel_loop3A_243 : vector<16xf32>
          %parallel_loop3A_245 = arith.constant 0 : i32
          %parallel_loop3A_246 = tpu.memref_slice %arg16[%parallel_loop3A_174, %parallel_loop3A_245] : memref<80x144xf32, #tpu.memory_space<vmem>> -> memref<1x144xf32, #tpu.memory_space<vmem>>
          %parallel_loop3A_247 = tpu.memref_squeeze %parallel_loop3A_246 : memref<1x144xf32, #tpu.memory_space<vmem>> -> memref<144xf32, #tpu.memory_space<vmem>>
          %parallel_loop3A_248 = arith.constant 32 : index
          %parallel_loop3A_249 = tpu.vector_load %parallel_loop3A_247[%parallel_loop3A_248] {strides = array<i32>} : memref<144xf32, #tpu.memory_space<vmem>>, vector<16xf32>,
          %parallel_loop3A_250 = vector.shape_cast %parallel_loop3A_249 : vector<16xf32> to vector<16xf32>
          %parallel_loop3A_251 = vector.shape_cast %parallel_loop3A_244 : vector<16xf32> to vector<16xf32>
          tpu.vector_store %parallel_loop3A_247[%parallel_loop3A_248], %parallel_loop3A_251 {strides = array<i32>} : memref<144xf32, #tpu.memory_space<vmem>>, vector<16xf32>,
          %parallel_loop3A_252 = arith.constant 0 : i32
          %parallel_loop3A_253 = tpu.memref_slice %arg16[%parallel_loop3A_174, %parallel_loop3A_252] : memref<80x144xf32, #tpu.memory_space<vmem>> -> memref<1x144xf32, #tpu.memory_space<vmem>>
          %parallel_loop3A_254 = tpu.memref_squeeze %parallel_loop3A_253 : memref<1x144xf32, #tpu.memory_space<vmem>> -> memref<144xf32, #tpu.memory_space<vmem>>
          %parallel_loop3A_255 = arith.constant 48 : index
          %parallel_loop3A_256 = tpu.vector_load %parallel_loop3A_254[%parallel_loop3A_255] {strides = array<i32>} : memref<144xf32, #tpu.memory_space<vmem>>, vector<16xf32>,
          %parallel_loop3A_257 = vector.shape_cast %parallel_loop3A_256 : vector<16xf32> to vector<16xf32>
          %parallel_loop3A_258 = vector.extract_strided_slice %parallel_loop3A_193 {offsets = [3], sizes = [1], strides = [1]} : vector<16xf32> to vector<1xf32>
          %parallel_loop3A_259 = vector.extract %parallel_loop3A_258[0] : f32 from vector<1xf32>
          %parallel_loop3A_260 = vector.broadcast %parallel_loop3A_259 : f32 to vector<16xf32>
          %parallel_loop3A_261 = arith.mulf %parallel_loop3A_257, %parallel_loop3A_260 : vector<16xf32>
          %parallel_loop3A_262 = arith.constant 0 : i32
          %parallel_loop3A_263 = tpu.memref_slice %arg16[%parallel_loop3A_174, %parallel_loop3A_262] : memref<80x144xf32, #tpu.memory_space<vmem>> -> memref<1x144xf32, #tpu.memory_space<vmem>>
          %parallel_loop3A_264 = tpu.memref_squeeze %parallel_loop3A_263 : memref<1x144xf32, #tpu.memory_space<vmem>> -> memref<144xf32, #tpu.memory_space<vmem>>
          %parallel_loop3A_265 = arith.constant 48 : index
          %parallel_loop3A_266 = tpu.vector_load %parallel_loop3A_264[%parallel_loop3A_265] {strides = array<i32>} : memref<144xf32, #tpu.memory_space<vmem>>, vector<16xf32>,
          %parallel_loop3A_267 = vector.shape_cast %parallel_loop3A_266 : vector<16xf32> to vector<16xf32>
          %parallel_loop3A_268 = vector.shape_cast %parallel_loop3A_261 : vector<16xf32> to vector<16xf32>
          tpu.vector_store %parallel_loop3A_264[%parallel_loop3A_265], %parallel_loop3A_268 {strides = array<i32>} : memref<144xf32, #tpu.memory_space<vmem>>, vector<16xf32>,
          %parallel_loop3A_269 = arith.constant 0 : i32
          %parallel_loop3A_270 = tpu.memref_slice %arg16[%parallel_loop3A_174, %parallel_loop3A_269] : memref<80x144xf32, #tpu.memory_space<vmem>> -> memref<1x144xf32, #tpu.memory_space<vmem>>
          %parallel_loop3A_271 = tpu.memref_squeeze %parallel_loop3A_270 : memref<1x144xf32, #tpu.memory_space<vmem>> -> memref<144xf32, #tpu.memory_space<vmem>>
          %parallel_loop3A_272 = arith.constant 64 : index
          %parallel_loop3A_273 = tpu.vector_load %parallel_loop3A_271[%parallel_loop3A_272] {strides = array<i32>} : memref<144xf32, #tpu.memory_space<vmem>>, vector<16xf32>,
          %parallel_loop3A_274 = vector.shape_cast %parallel_loop3A_273 : vector<16xf32> to vector<16xf32>
          %parallel_loop3A_275 = vector.extract_strided_slice %parallel_loop3A_193 {offsets = [4], sizes = [1], strides = [1]} : vector<16xf32> to vector<1xf32>
          %parallel_loop3A_276 = vector.extract %parallel_loop3A_275[0] : f32 from vector<1xf32>
          %parallel_loop3A_277 = vector.broadcast %parallel_loop3A_276 : f32 to vector<16xf32>
          %parallel_loop3A_278 = arith.mulf %parallel_loop3A_274, %parallel_loop3A_277 : vector<16xf32>
          %parallel_loop3A_279 = arith.constant 0 : i32
          %parallel_loop3A_280 = tpu.memref_slice %arg16[%parallel_loop3A_174, %parallel_loop3A_279] : memref<80x144xf32, #tpu.memory_space<vmem>> -> memref<1x144xf32, #tpu.memory_space<vmem>>
          %parallel_loop3A_281 = tpu.memref_squeeze %parallel_loop3A_280 : memref<1x144xf32, #tpu.memory_space<vmem>> -> memref<144xf32, #tpu.memory_space<vmem>>
          %parallel_loop3A_282 = arith.constant 64 : index
          %parallel_loop3A_283 = tpu.vector_load %parallel_loop3A_281[%parallel_loop3A_282] {strides = array<i32>} : memref<144xf32, #tpu.memory_space<vmem>>, vector<16xf32>,
          %parallel_loop3A_284 = vector.shape_cast %parallel_loop3A_283 : vector<16xf32> to vector<16xf32>
          %parallel_loop3A_285 = vector.shape_cast %parallel_loop3A_278 : vector<16xf32> to vector<16xf32>
          tpu.vector_store %parallel_loop3A_281[%parallel_loop3A_282], %parallel_loop3A_285 {strides = array<i32>} : memref<144xf32, #tpu.memory_space<vmem>>, vector<16xf32>,
          %parallel_loop3A_286 = arith.constant 0 : i32
          %parallel_loop3A_287 = tpu.memref_slice %arg16[%parallel_loop3A_174, %parallel_loop3A_286] : memref<80x144xf32, #tpu.memory_space<vmem>> -> memref<1x144xf32, #tpu.memory_space<vmem>>
          %parallel_loop3A_288 = tpu.memref_squeeze %parallel_loop3A_287 : memref<1x144xf32, #tpu.memory_space<vmem>> -> memref<144xf32, #tpu.memory_space<vmem>>
          %parallel_loop3A_289 = arith.constant 80 : index
          %parallel_loop3A_290 = tpu.vector_load %parallel_loop3A_288[%parallel_loop3A_289] {strides = array<i32>} : memref<144xf32, #tpu.memory_space<vmem>>, vector<16xf32>,
          %parallel_loop3A_291 = vector.shape_cast %parallel_loop3A_290 : vector<16xf32> to vector<16xf32>
          %parallel_loop3A_292 = vector.extract_strided_slice %parallel_loop3A_193 {offsets = [5], sizes = [1], strides = [1]} : vector<16xf32> to vector<1xf32>
          %parallel_loop3A_293 = vector.extract %parallel_loop3A_292[0] : f32 from vector<1xf32>
          %parallel_loop3A_294 = vector.broadcast %parallel_loop3A_293 : f32 to vector<16xf32>
          %parallel_loop3A_295 = arith.mulf %parallel_loop3A_291, %parallel_loop3A_294 : vector<16xf32>
          %parallel_loop3A_296 = arith.constant 0 : i32
          %parallel_loop3A_297 = tpu.memref_slice %arg16[%parallel_loop3A_174, %parallel_loop3A_296] : memref<80x144xf32, #tpu.memory_space<vmem>> -> memref<1x144xf32, #tpu.memory_space<vmem>>
          %parallel_loop3A_298 = tpu.memref_squeeze %parallel_loop3A_297 : memref<1x144xf32, #tpu.memory_space<vmem>> -> memref<144xf32, #tpu.memory_space<vmem>>
          %parallel_loop3A_299 = arith.constant 80 : index
          %parallel_loop3A_300 = tpu.vector_load %parallel_loop3A_298[%parallel_loop3A_299] {strides = array<i32>} : memref<144xf32, #tpu.memory_space<vmem>>, vector<16xf32>,
          %parallel_loop3A_301 = vector.shape_cast %parallel_loop3A_300 : vector<16xf32> to vector<16xf32>
          %parallel_loop3A_302 = vector.shape_cast %parallel_loop3A_295 : vector<16xf32> to vector<16xf32>
          tpu.vector_store %parallel_loop3A_298[%parallel_loop3A_299], %parallel_loop3A_302 {strides = array<i32>} : memref<144xf32, #tpu.memory_space<vmem>>, vector<16xf32>,
          %parallel_loop3A_303 = arith.constant 0 : i32
          %parallel_loop3A_304 = tpu.memref_slice %arg16[%parallel_loop3A_174, %parallel_loop3A_303] : memref<80x144xf32, #tpu.memory_space<vmem>> -> memref<1x144xf32, #tpu.memory_space<vmem>>
          %parallel_loop3A_305 = tpu.memref_squeeze %parallel_loop3A_304 : memref<1x144xf32, #tpu.memory_space<vmem>> -> memref<144xf32, #tpu.memory_space<vmem>>
          %parallel_loop3A_306 = arith.constant 96 : index
          %parallel_loop3A_307 = tpu.vector_load %parallel_loop3A_305[%parallel_loop3A_306] {strides = array<i32>} : memref<144xf32, #tpu.memory_space<vmem>>, vector<16xf32>,
          %parallel_loop3A_308 = vector.shape_cast %parallel_loop3A_307 : vector<16xf32> to vector<16xf32>
          %parallel_loop3A_309 = vector.extract_strided_slice %parallel_loop3A_193 {offsets = [6], sizes = [1], strides = [1]} : vector<16xf32> to vector<1xf32>
          %parallel_loop3A_310 = vector.extract %parallel_loop3A_309[0] : f32 from vector<1xf32>
          %parallel_loop3A_311 = vector.broadcast %parallel_loop3A_310 : f32 to vector<16xf32>
          %parallel_loop3A_312 = arith.mulf %parallel_loop3A_308, %parallel_loop3A_311 : vector<16xf32>
          %parallel_loop3A_313 = arith.constant 0 : i32
          %parallel_loop3A_314 = tpu.memref_slice %arg16[%parallel_loop3A_174, %parallel_loop3A_313] : memref<80x144xf32, #tpu.memory_space<vmem>> -> memref<1x144xf32, #tpu.memory_space<vmem>>
          %parallel_loop3A_315 = tpu.memref_squeeze %parallel_loop3A_314 : memref<1x144xf32, #tpu.memory_space<vmem>> -> memref<144xf32, #tpu.memory_space<vmem>>
          %parallel_loop3A_316 = arith.constant 96 : index
          %parallel_loop3A_317 = tpu.vector_load %parallel_loop3A_315[%parallel_loop3A_316] {strides = array<i32>} : memref<144xf32, #tpu.memory_space<vmem>>, vector<16xf32>,
          %parallel_loop3A_318 = vector.shape_cast %parallel_loop3A_317 : vector<16xf32> to vector<16xf32>
          %parallel_loop3A_319 = vector.shape_cast %parallel_loop3A_312 : vector<16xf32> to vector<16xf32>
          tpu.vector_store %parallel_loop3A_315[%parallel_loop3A_316], %parallel_loop3A_319 {strides = array<i32>} : memref<144xf32, #tpu.memory_space<vmem>>, vector<16xf32>,
          %parallel_loop3A_320 = arith.constant 0 : i32
          %parallel_loop3A_321 = tpu.memref_slice %arg16[%parallel_loop3A_174, %parallel_loop3A_320] : memref<80x144xf32, #tpu.memory_space<vmem>> -> memref<1x144xf32, #tpu.memory_space<vmem>>
          %parallel_loop3A_322 = tpu.memref_squeeze %parallel_loop3A_321 : memref<1x144xf32, #tpu.memory_space<vmem>> -> memref<144xf32, #tpu.memory_space<vmem>>
          %parallel_loop3A_323 = arith.constant 112 : index
          %parallel_loop3A_324 = tpu.vector_load %parallel_loop3A_322[%parallel_loop3A_323] {strides = array<i32>} : memref<144xf32, #tpu.memory_space<vmem>>, vector<16xf32>,
          %parallel_loop3A_325 = vector.shape_cast %parallel_loop3A_324 : vector<16xf32> to vector<16xf32>
          %parallel_loop3A_326 = vector.extract_strided_slice %parallel_loop3A_193 {offsets = [7], sizes = [1], strides = [1]} : vector<16xf32> to vector<1xf32>
          %parallel_loop3A_327 = vector.extract %parallel_loop3A_326[0] : f32 from vector<1xf32>
          %parallel_loop3A_328 = vector.broadcast %parallel_loop3A_327 : f32 to vector<16xf32>
          %parallel_loop3A_329 = arith.mulf %parallel_loop3A_325, %parallel_loop3A_328 : vector<16xf32>
          %parallel_loop3A_330 = arith.constant 0 : i32
          %parallel_loop3A_331 = tpu.memref_slice %arg16[%parallel_loop3A_174, %parallel_loop3A_330] : memref<80x144xf32, #tpu.memory_space<vmem>> -> memref<1x144xf32, #tpu.memory_space<vmem>>
          %parallel_loop3A_332 = tpu.memref_squeeze %parallel_loop3A_331 : memref<1x144xf32, #tpu.memory_space<vmem>> -> memref<144xf32, #tpu.memory_space<vmem>>
          %parallel_loop3A_333 = arith.constant 112 : index
          %parallel_loop3A_334 = tpu.vector_load %parallel_loop3A_332[%parallel_loop3A_333] {strides = array<i32>} : memref<144xf32, #tpu.memory_space<vmem>>, vector<16xf32>,
          %parallel_loop3A_335 = vector.shape_cast %parallel_loop3A_334 : vector<16xf32> to vector<16xf32>
          %parallel_loop3A_336 = vector.shape_cast %parallel_loop3A_329 : vector<16xf32> to vector<16xf32>
          tpu.vector_store %parallel_loop3A_332[%parallel_loop3A_333], %parallel_loop3A_336 {strides = array<i32>} : memref<144xf32, #tpu.memory_space<vmem>>, vector<16xf32>,
        } {sc.loop_unroll_factor = 4 : i64, sc.parallel_access}
        %dma_start3A_171 = arith.constant 0 : i32
        %dma_start3A_172 = arith.constant 0 : i32
        %dma_start3A_173 = tpu.memref_slice %arg19[%dma_start3A_171, %dma_start3A_172] : memref<10000x144xf32, #tpu.memory_space<vmem_shared>> -> memref<10000x144xf32, #tpu.memory_space<vmem_shared>>
        tpu.enqueue_indirect_dma source(%arg16 : memref<80x144xf32, #tpu.memory_space<vmem>>) target(%dma_start3A_173 : memref<10000x144xf32, #tpu.memory_space<vmem_shared>>) offsets(%arg12 : memref<80xi32, #tpu.memory_space<vmem>>) semaphore(%arg27 : memref<!tpu.dma_semaphore, #tpu.memory_space<semaphore_mem>>) {add = true}
      } else {
      }
      %add3A_127 = arith.constant 2 : i32
      %add3A_128 = arith.addi %add3A_90, %add3A_127 : i32
      %add3A_129 = arith.constant 1 : i32
      %add3A_130 = arith.addi %add3A_128, %add3A_129 : i32
      %lt3A_131 = arith.cmpi slt, %add3A_130, %add3A_6 : i32
      %convert_element_type3A_132 = arith.extui %lt3A_131 : i1 to i32
      %cond3A_133 = arith.constant 0 : i32
      %cond3A_134 = arith.cmpi ne, %convert_element_type3A_132, %cond3A_133 : i32
      scf.if %cond3A_134 {
        %add3A_163 = arith.constant 1 : i32
        %add3A_164 = arith.addi %add3A_128, %add3A_163 : i32
        %ge3A = arith.constant 2 : i32
        %ge3A_165 = arith.cmpi sge, %add3A_164, %ge3A : i32
        %convert_element_type3A_166 = arith.extui %ge3A_165 : i1 to i32
        %cond3A_167 = arith.constant 0 : i32
        %cond3A_168 = arith.cmpi ne, %convert_element_type3A_166, %cond3A_167 : i32
        scf.if %cond3A_168 {
          %dma_wait3A_190 = arith.constant 0 : i32
          %dma_wait3A_191 = arith.constant 0 : i32
          %dma_wait3A_192 = tpu.memref_slice %arg19[%dma_wait3A_190, %dma_wait3A_191] : memref<10000x144xf32, #tpu.memory_space<vmem_shared>> -> memref<10000x144xf32, #tpu.memory_space<vmem_shared>>
          tpu.wait_indirect_dma semaphore(%arg27 : memref<!tpu.dma_semaphore, #tpu.memory_space<semaphore_mem>>) src(%arg16 : memref<80x144xf32, #tpu.memory_space<vmem>>) dst(%dma_wait3A_192 : memref<10000x144xf32, #tpu.memory_space<vmem_shared>>)
        } else {
        }
        %mul3A_169 = arith.constant 32 : i32
        %mul3A_170 = arith.muli %mul3A_169, %add3A_164 : i32
        %add3A_171 = arith.addi %add3A, %mul3A_170 : i32
        %mul3A_172 = arith.constant 80 : i32
        %mul3A_173 = arith.muli %add3A_171, %mul3A_172 : i32
        %dma_wait3A_174 = arith.constant 0 : i32
        %dma_wait3A_175 = tpu.memref_slice %arg2[%dma_wait3A_174, %mul3A_173] : memref<2x320000xi32, #tpu.memory_space<hbm>> -> memref<1x80xi32, #tpu.memory_space<hbm>>
        %dma_wait3A_176 = tpu.memref_squeeze %dma_wait3A_175 : memref<1x80xi32, #tpu.memory_space<hbm>> -> memref<80xi32, #tpu.memory_space<hbm>>
        %dma_wait3A_177 = tpu.memref_slice %arg2[%dma_wait3A_174, %mul3A_173] : memref<2x320000xi32, #tpu.memory_space<hbm>> -> memref<1x80xi32, #tpu.memory_space<hbm>>
        %dma_wait3A_178 = tpu.memref_squeeze %dma_wait3A_177 : memref<1x80xi32, #tpu.memory_space<hbm>> -> memref<80xi32, #tpu.memory_space<hbm>>
        tpu.wait_dma2 semaphore(%arg31 : memref<!tpu.dma_semaphore, #tpu.memory_space<semaphore_mem>>) src(%dma_wait3A_178 : memref<80xi32, #tpu.memory_space<hbm>>) dst(%arg10 : memref<80xi32, #tpu.memory_space<vmem>>)
        %dma_wait3A_179 = arith.constant 1 : i32
        %dma_wait3A_180 = tpu.memref_slice %arg2[%dma_wait3A_179, %mul3A_173] : memref<2x320000xi32, #tpu.memory_space<hbm>> -> memref<1x80xi32, #tpu.memory_space<hbm>>
        %dma_wait3A_181 = tpu.memref_squeeze %dma_wait3A_180 : memref<1x80xi32, #tpu.memory_space<hbm>> -> memref<80xi32, #tpu.memory_space<hbm>>
        %dma_wait3A_182 = tpu.memref_slice %arg2[%dma_wait3A_179, %mul3A_173] : memref<2x320000xi32, #tpu.memory_space<hbm>> -> memref<1x80xi32, #tpu.memory_space<hbm>>
        %dma_wait3A_183 = tpu.memref_squeeze %dma_wait3A_182 : memref<1x80xi32, #tpu.memory_space<hbm>> -> memref<80xi32, #tpu.memory_space<hbm>>
        tpu.wait_dma2 semaphore(%arg31 : memref<!tpu.dma_semaphore, #tpu.memory_space<semaphore_mem>>) src(%dma_wait3A_183 : memref<80xi32, #tpu.memory_space<hbm>>) dst(%arg14 : memref<80xi32, #tpu.memory_space<vmem>>)
        %dma_start3A_184 = arith.constant 0 : i32
        %dma_start3A_185 = arith.constant 0 : i32
        %dma_start3A_186 = tpu.memref_slice %arg3[%dma_start3A_184, %dma_start3A_185] : memref<10000x144xf32, #tpu.memory_space<hbm>> -> memref<10000x144xf32, #tpu.memory_space<hbm>>
        tpu.enqueue_indirect_dma source(%dma_start3A_186 : memref<10000x144xf32, #tpu.memory_space<hbm>>) target(%arg16 : memref<80x144xf32, #tpu.memory_space<vmem>>) offsets(%arg10 : memref<80xi32, #tpu.memory_space<vmem>>) semaphore(%arg23 : memref<!tpu.dma_semaphore, #tpu.memory_space<semaphore_mem>>)
        %dma_start3A_187 = arith.constant 0 : i32
        %dma_start3A_188 = arith.constant 0 : i32
        %dma_start3A_189 = tpu.memref_slice %arg20[%dma_start3A_187, %dma_start3A_188] : memref<10000x16xf32, #tpu.memory_space<vmem_shared>> -> memref<10000x16xf32, #tpu.memory_space<vmem_shared>>
        tpu.enqueue_indirect_dma source(%dma_start3A_189 : memref<10000x16xf32, #tpu.memory_space<vmem_shared>>) target(%arg18 : memref<80x16xf32, #tpu.memory_space<vmem>>) offsets(%arg14 : memref<80xi32, #tpu.memory_space<vmem>>) semaphore(%arg25 : memref<!tpu.dma_semaphore, #tpu.memory_space<semaphore_mem>>)
      } else {
      }
      %add3A_135 = arith.constant 3 : i32
      %add3A_136 = arith.addi %add3A_128, %add3A_135 : i32
      %lt3A_137 = arith.cmpi slt, %add3A_136, %add3A_6 : i32
      %convert_element_type3A_138 = arith.extui %lt3A_137 : i1 to i32
      %cond3A_139 = arith.constant 0 : i32
      %cond3A_140 = arith.cmpi ne, %convert_element_type3A_138, %cond3A_139 : i32
      scf.if %cond3A_140 {
        %add3A_163 = arith.constant 3 : i32
        %add3A_164 = arith.addi %add3A_128, %add3A_163 : i32
        %mul3A_165 = arith.constant 32 : i32
        %mul3A_166 = arith.muli %mul3A_165, %add3A_164 : i32
        %add3A_167 = arith.addi %add3A, %mul3A_166 : i32
        %mul3A_168 = arith.constant 80 : i32
        %mul3A_169 = arith.muli %add3A_167, %mul3A_168 : i32
        %dma_start3A_170 = arith.constant 0 : i32
        %dma_start3A_171 = tpu.memref_slice %arg2[%dma_start3A_170, %mul3A_169] : memref<2x320000xi32, #tpu.memory_space<hbm>> -> memref<1x80xi32, #tpu.memory_space<hbm>>
        %dma_start3A_172 = tpu.memref_squeeze %dma_start3A_171 : memref<1x80xi32, #tpu.memory_space<hbm>> -> memref<80xi32, #tpu.memory_space<hbm>>
        %dma_start3A_173 = tpu.memref_slice %arg2[%dma_start3A_170, %mul3A_169] : memref<2x320000xi32, #tpu.memory_space<hbm>> -> memref<1x80xi32, #tpu.memory_space<hbm>>
        %dma_start3A_174 = tpu.memref_squeeze %dma_start3A_173 : memref<1x80xi32, #tpu.memory_space<hbm>> -> memref<80xi32, #tpu.memory_space<hbm>>
        tpu.enqueue_dma source(%dma_start3A_174 : memref<80xi32, #tpu.memory_space<hbm>>) target(%arg8 : memref<80xi32, #tpu.memory_space<vmem>>) target_semaphore(%arg29 : memref<!tpu.dma_semaphore, #tpu.memory_space<semaphore_mem>>)
        %dma_start3A_175 = arith.constant 1 : i32
        %dma_start3A_176 = tpu.memref_slice %arg2[%dma_start3A_175, %mul3A_169] : memref<2x320000xi32, #tpu.memory_space<hbm>> -> memref<1x80xi32, #tpu.memory_space<hbm>>
        %dma_start3A_177 = tpu.memref_squeeze %dma_start3A_176 : memref<1x80xi32, #tpu.memory_space<hbm>> -> memref<80xi32, #tpu.memory_space<hbm>>
        %dma_start3A_178 = tpu.memref_slice %arg2[%dma_start3A_175, %mul3A_169] : memref<2x320000xi32, #tpu.memory_space<hbm>> -> memref<1x80xi32, #tpu.memory_space<hbm>>
        %dma_start3A_179 = tpu.memref_squeeze %dma_start3A_178 : memref<1x80xi32, #tpu.memory_space<hbm>> -> memref<80xi32, #tpu.memory_space<hbm>>
        tpu.enqueue_dma source(%dma_start3A_179 : memref<80xi32, #tpu.memory_space<hbm>>) target(%arg12 : memref<80xi32, #tpu.memory_space<vmem>>) target_semaphore(%arg29 : memref<!tpu.dma_semaphore, #tpu.memory_space<semaphore_mem>>)
      } else {
      }
      %lt3A_141 = arith.cmpi slt, %add3A_128, %add3A_6 : i32
      %convert_element_type3A_142 = arith.extui %lt3A_141 : i1 to i32
      %cond3A_143 = arith.constant 0 : i32
      %cond3A_144 = arith.cmpi ne, %convert_element_type3A_142, %cond3A_143 : i32
      scf.if %cond3A_144 {
        %dma_wait3A_163 = arith.constant 0 : i32
        %dma_wait3A_164 = arith.constant 0 : i32
        %dma_wait3A_165 = tpu.memref_slice %arg20[%dma_wait3A_163, %dma_wait3A_164] : memref<10000x16xf32, #tpu.memory_space<vmem_shared>> -> memref<10000x16xf32, #tpu.memory_space<vmem_shared>>
        tpu.wait_indirect_dma semaphore(%arg24 : memref<!tpu.dma_semaphore, #tpu.memory_space<semaphore_mem>>) src(%dma_wait3A_165 : memref<10000x16xf32, #tpu.memory_space<vmem_shared>>) dst(%arg17 : memref<80x16xf32, #tpu.memory_space<vmem>>)
        %dma_wait3A_166 = arith.constant 0 : i32
        %dma_wait3A_167 = arith.constant 0 : i32
        %dma_wait3A_168 = tpu.memref_slice %arg3[%dma_wait3A_166, %dma_wait3A_167] : memref<10000x144xf32, #tpu.memory_space<hbm>> -> memref<10000x144xf32, #tpu.memory_space<hbm>>
        tpu.wait_indirect_dma semaphore(%arg22 : memref<!tpu.dma_semaphore, #tpu.memory_space<semaphore_mem>>) src(%dma_wait3A_168 : memref<10000x144xf32, #tpu.memory_space<hbm>>) dst(%arg15 : memref<80x144xf32, #tpu.memory_space<vmem>>)
        %parallel_loop3A = arith.constant 0 : i32
        %parallel_loop3A_169 = arith.constant 80 : i32
        %parallel_loop3A_170 = arith.constant 1 : i32
        scf.for %parallel_loop3A_174 = %parallel_loop3A to %parallel_loop3A_169 step %parallel_loop3A_170  : i32 {
          %parallel_loop3A_175 = arith.constant 0 : i32
          %parallel_loop3A_176 = tpu.memref_slice %arg15[%parallel_loop3A_174, %parallel_loop3A_175] : memref<80x144xf32, #tpu.memory_space<vmem>> -> memref<1x144xf32, #tpu.memory_space<vmem>>
          %parallel_loop3A_177 = tpu.memref_squeeze %parallel_loop3A_176 : memref<1x144xf32, #tpu.memory_space<vmem>> -> memref<144xf32, #tpu.memory_space<vmem>>
          %parallel_loop3A_178 = arith.constant 128 : index
          %parallel_loop3A_179 = tpu.vector_load %parallel_loop3A_177[%parallel_loop3A_178] {strides = array<i32>} : memref<144xf32, #tpu.memory_space<vmem>>, vector<16xf32>,
          %parallel_loop3A_180 = vector.shape_cast %parallel_loop3A_179 : vector<16xf32> to vector<16xf32>
          %parallel_loop3A_181 = arith.index_cast %parallel_loop3A_174 : i32 to index
          %parallel_loop3A_182 = arith.constant 0 : index
          %parallel_loop3A_183 = tpu.vector_load %arg17[%parallel_loop3A_181, %parallel_loop3A_182] {strides = array<i32>} : memref<80x16xf32, #tpu.memory_space<vmem>>, vector<1x16xf32>,
          %parallel_loop3A_184 = vector.shape_cast %parallel_loop3A_183 : vector<1x16xf32> to vector<16xf32>
          %parallel_loop3A_185 = arith.addf %parallel_loop3A_180, %parallel_loop3A_184 : vector<16xf32>
          %parallel_loop3A_186 = arith.constant 0.000000e+00 : f32
          %parallel_loop3A_187 = vector.broadcast %parallel_loop3A_186 : f32 to vector<16xf32>
          %parallel_loop3A_188 = arith.cmpf oge, %parallel_loop3A_185, %parallel_loop3A_187 : vector<16xf32>
          %parallel_loop3A_189 = arith.constant 2.000000e-01 : f32
          %parallel_loop3A_190 = vector.broadcast %parallel_loop3A_189 : f32 to vector<16xf32>
          %parallel_loop3A_191 = arith.mulf %parallel_loop3A_190, %parallel_loop3A_185 : vector<16xf32>
          %parallel_loop3A_192 = arith.select %parallel_loop3A_188, %parallel_loop3A_185, %parallel_loop3A_191 : vector<16xi1>, vector<16xf32>
          %parallel_loop3A_193 = math.exp %parallel_loop3A_192 : vector<16xf32>
          %parallel_loop3A_194 = arith.constant 0 : i32
          %parallel_loop3A_195 = tpu.memref_slice %arg15[%parallel_loop3A_174, %parallel_loop3A_194] : memref<80x144xf32, #tpu.memory_space<vmem>> -> memref<1x144xf32, #tpu.memory_space<vmem>>
          %parallel_loop3A_196 = tpu.memref_squeeze %parallel_loop3A_195 : memref<1x144xf32, #tpu.memory_space<vmem>> -> memref<144xf32, #tpu.memory_space<vmem>>
          %parallel_loop3A_197 = arith.constant 128 : index
          %parallel_loop3A_198 = tpu.vector_load %parallel_loop3A_196[%parallel_loop3A_197] {strides = array<i32>} : memref<144xf32, #tpu.memory_space<vmem>>, vector<16xf32>,
          %parallel_loop3A_199 = vector.shape_cast %parallel_loop3A_198 : vector<16xf32> to vector<16xf32>
          %parallel_loop3A_200 = vector.shape_cast %parallel_loop3A_193 : vector<16xf32> to vector<16xf32>
          tpu.vector_store %parallel_loop3A_196[%parallel_loop3A_197], %parallel_loop3A_200 {strides = array<i32>} : memref<144xf32, #tpu.memory_space<vmem>>, vector<16xf32>,
          %parallel_loop3A_201 = arith.constant 0 : i32
          %parallel_loop3A_202 = tpu.memref_slice %arg15[%parallel_loop3A_174, %parallel_loop3A_201] : memref<80x144xf32, #tpu.memory_space<vmem>> -> memref<1x144xf32, #tpu.memory_space<vmem>>
          %parallel_loop3A_203 = tpu.memref_squeeze %parallel_loop3A_202 : memref<1x144xf32, #tpu.memory_space<vmem>> -> memref<144xf32, #tpu.memory_space<vmem>>
          %parallel_loop3A_204 = arith.constant 0 : index
          %parallel_loop3A_205 = tpu.vector_load %parallel_loop3A_203[%parallel_loop3A_204] {strides = array<i32>} : memref<144xf32, #tpu.memory_space<vmem>>, vector<16xf32>,
          %parallel_loop3A_206 = vector.shape_cast %parallel_loop3A_205 : vector<16xf32> to vector<16xf32>
          %parallel_loop3A_207 = vector.extract_strided_slice %parallel_loop3A_193 {offsets = [0], sizes = [1], strides = [1]} : vector<16xf32> to vector<1xf32>
          %parallel_loop3A_208 = vector.extract %parallel_loop3A_207[0] : f32 from vector<1xf32>
          %parallel_loop3A_209 = vector.broadcast %parallel_loop3A_208 : f32 to vector<16xf32>
          %parallel_loop3A_210 = arith.mulf %parallel_loop3A_206, %parallel_loop3A_209 : vector<16xf32>
          %parallel_loop3A_211 = arith.constant 0 : i32
          %parallel_loop3A_212 = tpu.memref_slice %arg15[%parallel_loop3A_174, %parallel_loop3A_211] : memref<80x144xf32, #tpu.memory_space<vmem>> -> memref<1x144xf32, #tpu.memory_space<vmem>>
          %parallel_loop3A_213 = tpu.memref_squeeze %parallel_loop3A_212 : memref<1x144xf32, #tpu.memory_space<vmem>> -> memref<144xf32, #tpu.memory_space<vmem>>
          %parallel_loop3A_214 = arith.constant 0 : index
          %parallel_loop3A_215 = tpu.vector_load %parallel_loop3A_213[%parallel_loop3A_214] {strides = array<i32>} : memref<144xf32, #tpu.memory_space<vmem>>, vector<16xf32>,
          %parallel_loop3A_216 = vector.shape_cast %parallel_loop3A_215 : vector<16xf32> to vector<16xf32>
          %parallel_loop3A_217 = vector.shape_cast %parallel_loop3A_210 : vector<16xf32> to vector<16xf32>
          tpu.vector_store %parallel_loop3A_213[%parallel_loop3A_214], %parallel_loop3A_217 {strides = array<i32>} : memref<144xf32, #tpu.memory_space<vmem>>, vector<16xf32>,
          %parallel_loop3A_218 = arith.constant 0 : i32
          %parallel_loop3A_219 = tpu.memref_slice %arg15[%parallel_loop3A_174, %parallel_loop3A_218] : memref<80x144xf32, #tpu.memory_space<vmem>> -> memref<1x144xf32, #tpu.memory_space<vmem>>
          %parallel_loop3A_220 = tpu.memref_squeeze %parallel_loop3A_219 : memref<1x144xf32, #tpu.memory_space<vmem>> -> memref<144xf32, #tpu.memory_space<vmem>>
          %parallel_loop3A_221 = arith.constant 16 : index
          %parallel_loop3A_222 = tpu.vector_load %parallel_loop3A_220[%parallel_loop3A_221] {strides = array<i32>} : memref<144xf32, #tpu.memory_space<vmem>>, vector<16xf32>,
          %parallel_loop3A_223 = vector.shape_cast %parallel_loop3A_222 : vector<16xf32> to vector<16xf32>
          %parallel_loop3A_224 = vector.extract_strided_slice %parallel_loop3A_193 {offsets = [1], sizes = [1], strides = [1]} : vector<16xf32> to vector<1xf32>
          %parallel_loop3A_225 = vector.extract %parallel_loop3A_224[0] : f32 from vector<1xf32>
          %parallel_loop3A_226 = vector.broadcast %parallel_loop3A_225 : f32 to vector<16xf32>
          %parallel_loop3A_227 = arith.mulf %parallel_loop3A_223, %parallel_loop3A_226 : vector<16xf32>
          %parallel_loop3A_228 = arith.constant 0 : i32
          %parallel_loop3A_229 = tpu.memref_slice %arg15[%parallel_loop3A_174, %parallel_loop3A_228] : memref<80x144xf32, #tpu.memory_space<vmem>> -> memref<1x144xf32, #tpu.memory_space<vmem>>
          %parallel_loop3A_230 = tpu.memref_squeeze %parallel_loop3A_229 : memref<1x144xf32, #tpu.memory_space<vmem>> -> memref<144xf32, #tpu.memory_space<vmem>>
          %parallel_loop3A_231 = arith.constant 16 : index
          %parallel_loop3A_232 = tpu.vector_load %parallel_loop3A_230[%parallel_loop3A_231] {strides = array<i32>} : memref<144xf32, #tpu.memory_space<vmem>>, vector<16xf32>,
          %parallel_loop3A_233 = vector.shape_cast %parallel_loop3A_232 : vector<16xf32> to vector<16xf32>
          %parallel_loop3A_234 = vector.shape_cast %parallel_loop3A_227 : vector<16xf32> to vector<16xf32>
          tpu.vector_store %parallel_loop3A_230[%parallel_loop3A_231], %parallel_loop3A_234 {strides = array<i32>} : memref<144xf32, #tpu.memory_space<vmem>>, vector<16xf32>,
          %parallel_loop3A_235 = arith.constant 0 : i32
          %parallel_loop3A_236 = tpu.memref_slice %arg15[%parallel_loop3A_174, %parallel_loop3A_235] : memref<80x144xf32, #tpu.memory_space<vmem>> -> memref<1x144xf32, #tpu.memory_space<vmem>>
          %parallel_loop3A_237 = tpu.memref_squeeze %parallel_loop3A_236 : memref<1x144xf32, #tpu.memory_space<vmem>> -> memref<144xf32, #tpu.memory_space<vmem>>
          %parallel_loop3A_238 = arith.constant 32 : index
          %parallel_loop3A_239 = tpu.vector_load %parallel_loop3A_237[%parallel_loop3A_238] {strides = array<i32>} : memref<144xf32, #tpu.memory_space<vmem>>, vector<16xf32>,
          %parallel_loop3A_240 = vector.shape_cast %parallel_loop3A_239 : vector<16xf32> to vector<16xf32>
          %parallel_loop3A_241 = vector.extract_strided_slice %parallel_loop3A_193 {offsets = [2], sizes = [1], strides = [1]} : vector<16xf32> to vector<1xf32>
          %parallel_loop3A_242 = vector.extract %parallel_loop3A_241[0] : f32 from vector<1xf32>
          %parallel_loop3A_243 = vector.broadcast %parallel_loop3A_242 : f32 to vector<16xf32>
          %parallel_loop3A_244 = arith.mulf %parallel_loop3A_240, %parallel_loop3A_243 : vector<16xf32>
          %parallel_loop3A_245 = arith.constant 0 : i32
          %parallel_loop3A_246 = tpu.memref_slice %arg15[%parallel_loop3A_174, %parallel_loop3A_245] : memref<80x144xf32, #tpu.memory_space<vmem>> -> memref<1x144xf32, #tpu.memory_space<vmem>>
          %parallel_loop3A_247 = tpu.memref_squeeze %parallel_loop3A_246 : memref<1x144xf32, #tpu.memory_space<vmem>> -> memref<144xf32, #tpu.memory_space<vmem>>
          %parallel_loop3A_248 = arith.constant 32 : index
          %parallel_loop3A_249 = tpu.vector_load %parallel_loop3A_247[%parallel_loop3A_248] {strides = array<i32>} : memref<144xf32, #tpu.memory_space<vmem>>, vector<16xf32>,
          %parallel_loop3A_250 = vector.shape_cast %parallel_loop3A_249 : vector<16xf32> to vector<16xf32>
          %parallel_loop3A_251 = vector.shape_cast %parallel_loop3A_244 : vector<16xf32> to vector<16xf32>
          tpu.vector_store %parallel_loop3A_247[%parallel_loop3A_248], %parallel_loop3A_251 {strides = array<i32>} : memref<144xf32, #tpu.memory_space<vmem>>, vector<16xf32>,
          %parallel_loop3A_252 = arith.constant 0 : i32
          %parallel_loop3A_253 = tpu.memref_slice %arg15[%parallel_loop3A_174, %parallel_loop3A_252] : memref<80x144xf32, #tpu.memory_space<vmem>> -> memref<1x144xf32, #tpu.memory_space<vmem>>
          %parallel_loop3A_254 = tpu.memref_squeeze %parallel_loop3A_253 : memref<1x144xf32, #tpu.memory_space<vmem>> -> memref<144xf32, #tpu.memory_space<vmem>>
          %parallel_loop3A_255 = arith.constant 48 : index
          %parallel_loop3A_256 = tpu.vector_load %parallel_loop3A_254[%parallel_loop3A_255] {strides = array<i32>} : memref<144xf32, #tpu.memory_space<vmem>>, vector<16xf32>,
          %parallel_loop3A_257 = vector.shape_cast %parallel_loop3A_256 : vector<16xf32> to vector<16xf32>
          %parallel_loop3A_258 = vector.extract_strided_slice %parallel_loop3A_193 {offsets = [3], sizes = [1], strides = [1]} : vector<16xf32> to vector<1xf32>
          %parallel_loop3A_259 = vector.extract %parallel_loop3A_258[0] : f32 from vector<1xf32>
          %parallel_loop3A_260 = vector.broadcast %parallel_loop3A_259 : f32 to vector<16xf32>
          %parallel_loop3A_261 = arith.mulf %parallel_loop3A_257, %parallel_loop3A_260 : vector<16xf32>
          %parallel_loop3A_262 = arith.constant 0 : i32
          %parallel_loop3A_263 = tpu.memref_slice %arg15[%parallel_loop3A_174, %parallel_loop3A_262] : memref<80x144xf32, #tpu.memory_space<vmem>> -> memref<1x144xf32, #tpu.memory_space<vmem>>
          %parallel_loop3A_264 = tpu.memref_squeeze %parallel_loop3A_263 : memref<1x144xf32, #tpu.memory_space<vmem>> -> memref<144xf32, #tpu.memory_space<vmem>>
          %parallel_loop3A_265 = arith.constant 48 : index
          %parallel_loop3A_266 = tpu.vector_load %parallel_loop3A_264[%parallel_loop3A_265] {strides = array<i32>} : memref<144xf32, #tpu.memory_space<vmem>>, vector<16xf32>,
          %parallel_loop3A_267 = vector.shape_cast %parallel_loop3A_266 : vector<16xf32> to vector<16xf32>
          %parallel_loop3A_268 = vector.shape_cast %parallel_loop3A_261 : vector<16xf32> to vector<16xf32>
          tpu.vector_store %parallel_loop3A_264[%parallel_loop3A_265], %parallel_loop3A_268 {strides = array<i32>} : memref<144xf32, #tpu.memory_space<vmem>>, vector<16xf32>,
          %parallel_loop3A_269 = arith.constant 0 : i32
          %parallel_loop3A_270 = tpu.memref_slice %arg15[%parallel_loop3A_174, %parallel_loop3A_269] : memref<80x144xf32, #tpu.memory_space<vmem>> -> memref<1x144xf32, #tpu.memory_space<vmem>>
          %parallel_loop3A_271 = tpu.memref_squeeze %parallel_loop3A_270 : memref<1x144xf32, #tpu.memory_space<vmem>> -> memref<144xf32, #tpu.memory_space<vmem>>
          %parallel_loop3A_272 = arith.constant 64 : index
          %parallel_loop3A_273 = tpu.vector_load %parallel_loop3A_271[%parallel_loop3A_272] {strides = array<i32>} : memref<144xf32, #tpu.memory_space<vmem>>, vector<16xf32>,
          %parallel_loop3A_274 = vector.shape_cast %parallel_loop3A_273 : vector<16xf32> to vector<16xf32>
          %parallel_loop3A_275 = vector.extract_strided_slice %parallel_loop3A_193 {offsets = [4], sizes = [1], strides = [1]} : vector<16xf32> to vector<1xf32>
          %parallel_loop3A_276 = vector.extract %parallel_loop3A_275[0] : f32 from vector<1xf32>
          %parallel_loop3A_277 = vector.broadcast %parallel_loop3A_276 : f32 to vector<16xf32>
          %parallel_loop3A_278 = arith.mulf %parallel_loop3A_274, %parallel_loop3A_277 : vector<16xf32>
          %parallel_loop3A_279 = arith.constant 0 : i32
          %parallel_loop3A_280 = tpu.memref_slice %arg15[%parallel_loop3A_174, %parallel_loop3A_279] : memref<80x144xf32, #tpu.memory_space<vmem>> -> memref<1x144xf32, #tpu.memory_space<vmem>>
          %parallel_loop3A_281 = tpu.memref_squeeze %parallel_loop3A_280 : memref<1x144xf32, #tpu.memory_space<vmem>> -> memref<144xf32, #tpu.memory_space<vmem>>
          %parallel_loop3A_282 = arith.constant 64 : index
          %parallel_loop3A_283 = tpu.vector_load %parallel_loop3A_281[%parallel_loop3A_282] {strides = array<i32>} : memref<144xf32, #tpu.memory_space<vmem>>, vector<16xf32>,
          %parallel_loop3A_284 = vector.shape_cast %parallel_loop3A_283 : vector<16xf32> to vector<16xf32>
          %parallel_loop3A_285 = vector.shape_cast %parallel_loop3A_278 : vector<16xf32> to vector<16xf32>
          tpu.vector_store %parallel_loop3A_281[%parallel_loop3A_282], %parallel_loop3A_285 {strides = array<i32>} : memref<144xf32, #tpu.memory_space<vmem>>, vector<16xf32>,
          %parallel_loop3A_286 = arith.constant 0 : i32
          %parallel_loop3A_287 = tpu.memref_slice %arg15[%parallel_loop3A_174, %parallel_loop3A_286] : memref<80x144xf32, #tpu.memory_space<vmem>> -> memref<1x144xf32, #tpu.memory_space<vmem>>
          %parallel_loop3A_288 = tpu.memref_squeeze %parallel_loop3A_287 : memref<1x144xf32, #tpu.memory_space<vmem>> -> memref<144xf32, #tpu.memory_space<vmem>>
          %parallel_loop3A_289 = arith.constant 80 : index
          %parallel_loop3A_290 = tpu.vector_load %parallel_loop3A_288[%parallel_loop3A_289] {strides = array<i32>} : memref<144xf32, #tpu.memory_space<vmem>>, vector<16xf32>,
          %parallel_loop3A_291 = vector.shape_cast %parallel_loop3A_290 : vector<16xf32> to vector<16xf32>
          %parallel_loop3A_292 = vector.extract_strided_slice %parallel_loop3A_193 {offsets = [5], sizes = [1], strides = [1]} : vector<16xf32> to vector<1xf32>
          %parallel_loop3A_293 = vector.extract %parallel_loop3A_292[0] : f32 from vector<1xf32>
          %parallel_loop3A_294 = vector.broadcast %parallel_loop3A_293 : f32 to vector<16xf32>
          %parallel_loop3A_295 = arith.mulf %parallel_loop3A_291, %parallel_loop3A_294 : vector<16xf32>
          %parallel_loop3A_296 = arith.constant 0 : i32
          %parallel_loop3A_297 = tpu.memref_slice %arg15[%parallel_loop3A_174, %parallel_loop3A_296] : memref<80x144xf32, #tpu.memory_space<vmem>> -> memref<1x144xf32, #tpu.memory_space<vmem>>
          %parallel_loop3A_298 = tpu.memref_squeeze %parallel_loop3A_297 : memref<1x144xf32, #tpu.memory_space<vmem>> -> memref<144xf32, #tpu.memory_space<vmem>>
          %parallel_loop3A_299 = arith.constant 80 : index
          %parallel_loop3A_300 = tpu.vector_load %parallel_loop3A_298[%parallel_loop3A_299] {strides = array<i32>} : memref<144xf32, #tpu.memory_space<vmem>>, vector<16xf32>,
          %parallel_loop3A_301 = vector.shape_cast %parallel_loop3A_300 : vector<16xf32> to vector<16xf32>
          %parallel_loop3A_302 = vector.shape_cast %parallel_loop3A_295 : vector<16xf32> to vector<16xf32>
          tpu.vector_store %parallel_loop3A_298[%parallel_loop3A_299], %parallel_loop3A_302 {strides = array<i32>} : memref<144xf32, #tpu.memory_space<vmem>>, vector<16xf32>,
          %parallel_loop3A_303 = arith.constant 0 : i32
          %parallel_loop3A_304 = tpu.memref_slice %arg15[%parallel_loop3A_174, %parallel_loop3A_303] : memref<80x144xf32, #tpu.memory_space<vmem>> -> memref<1x144xf32, #tpu.memory_space<vmem>>
          %parallel_loop3A_305 = tpu.memref_squeeze %parallel_loop3A_304 : memref<1x144xf32, #tpu.memory_space<vmem>> -> memref<144xf32, #tpu.memory_space<vmem>>
          %parallel_loop3A_306 = arith.constant 96 : index
          %parallel_loop3A_307 = tpu.vector_load %parallel_loop3A_305[%parallel_loop3A_306] {strides = array<i32>} : memref<144xf32, #tpu.memory_space<vmem>>, vector<16xf32>,
          %parallel_loop3A_308 = vector.shape_cast %parallel_loop3A_307 : vector<16xf32> to vector<16xf32>
          %parallel_loop3A_309 = vector.extract_strided_slice %parallel_loop3A_193 {offsets = [6], sizes = [1], strides = [1]} : vector<16xf32> to vector<1xf32>
          %parallel_loop3A_310 = vector.extract %parallel_loop3A_309[0] : f32 from vector<1xf32>
          %parallel_loop3A_311 = vector.broadcast %parallel_loop3A_310 : f32 to vector<16xf32>
          %parallel_loop3A_312 = arith.mulf %parallel_loop3A_308, %parallel_loop3A_311 : vector<16xf32>
          %parallel_loop3A_313 = arith.constant 0 : i32
          %parallel_loop3A_314 = tpu.memref_slice %arg15[%parallel_loop3A_174, %parallel_loop3A_313] : memref<80x144xf32, #tpu.memory_space<vmem>> -> memref<1x144xf32, #tpu.memory_space<vmem>>
          %parallel_loop3A_315 = tpu.memref_squeeze %parallel_loop3A_314 : memref<1x144xf32, #tpu.memory_space<vmem>> -> memref<144xf32, #tpu.memory_space<vmem>>
          %parallel_loop3A_316 = arith.constant 96 : index
          %parallel_loop3A_317 = tpu.vector_load %parallel_loop3A_315[%parallel_loop3A_316] {strides = array<i32>} : memref<144xf32, #tpu.memory_space<vmem>>, vector<16xf32>,
          %parallel_loop3A_318 = vector.shape_cast %parallel_loop3A_317 : vector<16xf32> to vector<16xf32>
          %parallel_loop3A_319 = vector.shape_cast %parallel_loop3A_312 : vector<16xf32> to vector<16xf32>
          tpu.vector_store %parallel_loop3A_315[%parallel_loop3A_316], %parallel_loop3A_319 {strides = array<i32>} : memref<144xf32, #tpu.memory_space<vmem>>, vector<16xf32>,
          %parallel_loop3A_320 = arith.constant 0 : i32
          %parallel_loop3A_321 = tpu.memref_slice %arg15[%parallel_loop3A_174, %parallel_loop3A_320] : memref<80x144xf32, #tpu.memory_space<vmem>> -> memref<1x144xf32, #tpu.memory_space<vmem>>
          %parallel_loop3A_322 = tpu.memref_squeeze %parallel_loop3A_321 : memref<1x144xf32, #tpu.memory_space<vmem>> -> memref<144xf32, #tpu.memory_space<vmem>>
          %parallel_loop3A_323 = arith.constant 112 : index
          %parallel_loop3A_324 = tpu.vector_load %parallel_loop3A_322[%parallel_loop3A_323] {strides = array<i32>} : memref<144xf32, #tpu.memory_space<vmem>>, vector<16xf32>,
          %parallel_loop3A_325 = vector.shape_cast %parallel_loop3A_324 : vector<16xf32> to vector<16xf32>
          %parallel_loop3A_326 = vector.extract_strided_slice %parallel_loop3A_193 {offsets = [7], sizes = [1], strides = [1]} : vector<16xf32> to vector<1xf32>
          %parallel_loop3A_327 = vector.extract %parallel_loop3A_326[0] : f32 from vector<1xf32>
          %parallel_loop3A_328 = vector.broadcast %parallel_loop3A_327 : f32 to vector<16xf32>
          %parallel_loop3A_329 = arith.mulf %parallel_loop3A_325, %parallel_loop3A_328 : vector<16xf32>
          %parallel_loop3A_330 = arith.constant 0 : i32
          %parallel_loop3A_331 = tpu.memref_slice %arg15[%parallel_loop3A_174, %parallel_loop3A_330] : memref<80x144xf32, #tpu.memory_space<vmem>> -> memref<1x144xf32, #tpu.memory_space<vmem>>
          %parallel_loop3A_332 = tpu.memref_squeeze %parallel_loop3A_331 : memref<1x144xf32, #tpu.memory_space<vmem>> -> memref<144xf32, #tpu.memory_space<vmem>>
          %parallel_loop3A_333 = arith.constant 112 : index
          %parallel_loop3A_334 = tpu.vector_load %parallel_loop3A_332[%parallel_loop3A_333] {strides = array<i32>} : memref<144xf32, #tpu.memory_space<vmem>>, vector<16xf32>,
          %parallel_loop3A_335 = vector.shape_cast %parallel_loop3A_334 : vector<16xf32> to vector<16xf32>
          %parallel_loop3A_336 = vector.shape_cast %parallel_loop3A_329 : vector<16xf32> to vector<16xf32>
          tpu.vector_store %parallel_loop3A_332[%parallel_loop3A_333], %parallel_loop3A_336 {strides = array<i32>} : memref<144xf32, #tpu.memory_space<vmem>>, vector<16xf32>,
        } {sc.loop_unroll_factor = 4 : i64, sc.parallel_access}
        %dma_start3A_171 = arith.constant 0 : i32
        %dma_start3A_172 = arith.constant 0 : i32
        %dma_start3A_173 = tpu.memref_slice %arg19[%dma_start3A_171, %dma_start3A_172] : memref<10000x144xf32, #tpu.memory_space<vmem_shared>> -> memref<10000x144xf32, #tpu.memory_space<vmem_shared>>
        tpu.enqueue_indirect_dma source(%arg15 : memref<80x144xf32, #tpu.memory_space<vmem>>) target(%dma_start3A_173 : memref<10000x144xf32, #tpu.memory_space<vmem_shared>>) offsets(%arg13 : memref<80xi32, #tpu.memory_space<vmem>>) semaphore(%arg26 : memref<!tpu.dma_semaphore, #tpu.memory_space<semaphore_mem>>) {add = true}
      } else {
      }
      %add3A_145 = arith.constant 3 : i32
      %add3A_146 = arith.addi %add3A_90, %add3A_145 : i32
      %add3A_147 = arith.constant 1 : i32
      %add3A_148 = arith.addi %add3A_146, %add3A_147 : i32
      %lt3A_149 = arith.cmpi slt, %add3A_148, %add3A_6 : i32
      %convert_element_type3A_150 = arith.extui %lt3A_149 : i1 to i32
      %cond3A_151 = arith.constant 0 : i32
      %cond3A_152 = arith.cmpi ne, %convert_element_type3A_150, %cond3A_151 : i32
      scf.if %cond3A_152 {
        %add3A_163 = arith.constant 1 : i32
        %add3A_164 = arith.addi %add3A_146, %add3A_163 : i32
        %ge3A = arith.constant 2 : i32
        %ge3A_165 = arith.cmpi sge, %add3A_164, %ge3A : i32
        %convert_element_type3A_166 = arith.extui %ge3A_165 : i1 to i32
        %cond3A_167 = arith.constant 0 : i32
        %cond3A_168 = arith.cmpi ne, %convert_element_type3A_166, %cond3A_167 : i32
        scf.if %cond3A_168 {
          %dma_wait3A_190 = arith.constant 0 : i32
          %dma_wait3A_191 = arith.constant 0 : i32
          %dma_wait3A_192 = tpu.memref_slice %arg19[%dma_wait3A_190, %dma_wait3A_191] : memref<10000x144xf32, #tpu.memory_space<vmem_shared>> -> memref<10000x144xf32, #tpu.memory_space<vmem_shared>>
          tpu.wait_indirect_dma semaphore(%arg26 : memref<!tpu.dma_semaphore, #tpu.memory_space<semaphore_mem>>) src(%arg15 : memref<80x144xf32, #tpu.memory_space<vmem>>) dst(%dma_wait3A_192 : memref<10000x144xf32, #tpu.memory_space<vmem_shared>>)
        } else {
        }
        %mul3A_169 = arith.constant 32 : i32
        %mul3A_170 = arith.muli %mul3A_169, %add3A_164 : i32
        %add3A_171 = arith.addi %add3A, %mul3A_170 : i32
        %mul3A_172 = arith.constant 80 : i32
        %mul3A_173 = arith.muli %add3A_171, %mul3A_172 : i32
        %dma_wait3A_174 = arith.constant 0 : i32
        %dma_wait3A_175 = tpu.memref_slice %arg2[%dma_wait3A_174, %mul3A_173] : memref<2x320000xi32, #tpu.memory_space<hbm>> -> memref<1x80xi32, #tpu.memory_space<hbm>>
        %dma_wait3A_176 = tpu.memref_squeeze %dma_wait3A_175 : memref<1x80xi32, #tpu.memory_space<hbm>> -> memref<80xi32, #tpu.memory_space<hbm>>
        %dma_wait3A_177 = tpu.memref_slice %arg2[%dma_wait3A_174, %mul3A_173] : memref<2x320000xi32, #tpu.memory_space<hbm>> -> memref<1x80xi32, #tpu.memory_space<hbm>>
        %dma_wait3A_178 = tpu.memref_squeeze %dma_wait3A_177 : memref<1x80xi32, #tpu.memory_space<hbm>> -> memref<80xi32, #tpu.memory_space<hbm>>
        tpu.wait_dma2 semaphore(%arg28 : memref<!tpu.dma_semaphore, #tpu.memory_space<semaphore_mem>>) src(%dma_wait3A_178 : memref<80xi32, #tpu.memory_space<hbm>>) dst(%arg7 : memref<80xi32, #tpu.memory_space<vmem>>)
        %dma_wait3A_179 = arith.constant 1 : i32
        %dma_wait3A_180 = tpu.memref_slice %arg2[%dma_wait3A_179, %mul3A_173] : memref<2x320000xi32, #tpu.memory_space<hbm>> -> memref<1x80xi32, #tpu.memory_space<hbm>>
        %dma_wait3A_181 = tpu.memref_squeeze %dma_wait3A_180 : memref<1x80xi32, #tpu.memory_space<hbm>> -> memref<80xi32, #tpu.memory_space<hbm>>
        %dma_wait3A_182 = tpu.memref_slice %arg2[%dma_wait3A_179, %mul3A_173] : memref<2x320000xi32, #tpu.memory_space<hbm>> -> memref<1x80xi32, #tpu.memory_space<hbm>>
        %dma_wait3A_183 = tpu.memref_squeeze %dma_wait3A_182 : memref<1x80xi32, #tpu.memory_space<hbm>> -> memref<80xi32, #tpu.memory_space<hbm>>
        tpu.wait_dma2 semaphore(%arg28 : memref<!tpu.dma_semaphore, #tpu.memory_space<semaphore_mem>>) src(%dma_wait3A_183 : memref<80xi32, #tpu.memory_space<hbm>>) dst(%arg11 : memref<80xi32, #tpu.memory_space<vmem>>)
        %dma_start3A_184 = arith.constant 0 : i32
        %dma_start3A_185 = arith.constant 0 : i32
        %dma_start3A_186 = tpu.memref_slice %arg3[%dma_start3A_184, %dma_start3A_185] : memref<10000x144xf32, #tpu.memory_space<hbm>> -> memref<10000x144xf32, #tpu.memory_space<hbm>>
        tpu.enqueue_indirect_dma source(%dma_start3A_186 : memref<10000x144xf32, #tpu.memory_space<hbm>>) target(%arg15 : memref<80x144xf32, #tpu.memory_space<vmem>>) offsets(%arg7 : memref<80xi32, #tpu.memory_space<vmem>>) semaphore(%arg22 : memref<!tpu.dma_semaphore, #tpu.memory_space<semaphore_mem>>)
        %dma_start3A_187 = arith.constant 0 : i32
        %dma_start3A_188 = arith.constant 0 : i32
        %dma_start3A_189 = tpu.memref_slice %arg20[%dma_start3A_187, %dma_start3A_188] : memref<10000x16xf32, #tpu.memory_space<vmem_shared>> -> memref<10000x16xf32, #tpu.memory_space<vmem_shared>>
        tpu.enqueue_indirect_dma source(%dma_start3A_189 : memref<10000x16xf32, #tpu.memory_space<vmem_shared>>) target(%arg17 : memref<80x16xf32, #tpu.memory_space<vmem>>) offsets(%arg11 : memref<80xi32, #tpu.memory_space<vmem>>) semaphore(%arg24 : memref<!tpu.dma_semaphore, #tpu.memory_space<semaphore_mem>>)
      } else {
      }
      %add3A_153 = arith.constant 3 : i32
      %add3A_154 = arith.addi %add3A_146, %add3A_153 : i32
      %lt3A_155 = arith.cmpi slt, %add3A_154, %add3A_6 : i32
      %convert_element_type3A_156 = arith.extui %lt3A_155 : i1 to i32
      %cond3A_157 = arith.constant 0 : i32
      %cond3A_158 = arith.cmpi ne, %convert_element_type3A_156, %cond3A_157 : i32
      scf.if %cond3A_158 {
        %add3A_163 = arith.constant 3 : i32
        %add3A_164 = arith.addi %add3A_146, %add3A_163 : i32
        %mul3A_165 = arith.constant 32 : i32
        %mul3A_166 = arith.muli %mul3A_165, %add3A_164 : i32
        %add3A_167 = arith.addi %add3A, %mul3A_166 : i32
        %mul3A_168 = arith.constant 80 : i32
        %mul3A_169 = arith.muli %add3A_167, %mul3A_168 : i32
        %dma_start3A_170 = arith.constant 0 : i32
        %dma_start3A_171 = tpu.memref_slice %arg2[%dma_start3A_170, %mul3A_169] : memref<2x320000xi32, #tpu.memory_space<hbm>> -> memref<1x80xi32, #tpu.memory_space<hbm>>
        %dma_start3A_172 = tpu.memref_squeeze %dma_start3A_171 : memref<1x80xi32, #tpu.memory_space<hbm>> -> memref<80xi32, #tpu.memory_space<hbm>>
        %dma_start3A_173 = tpu.memref_slice %arg2[%dma_start3A_170, %mul3A_169] : memref<2x320000xi32, #tpu.memory_space<hbm>> -> memref<1x80xi32, #tpu.memory_space<hbm>>
        %dma_start3A_174 = tpu.memref_squeeze %dma_start3A_173 : memref<1x80xi32, #tpu.memory_space<hbm>> -> memref<80xi32, #tpu.memory_space<hbm>>
        tpu.enqueue_dma source(%dma_start3A_174 : memref<80xi32, #tpu.memory_space<hbm>>) target(%arg9 : memref<80xi32, #tpu.memory_space<vmem>>) target_semaphore(%arg30 : memref<!tpu.dma_semaphore, #tpu.memory_space<semaphore_mem>>)
        %dma_start3A_175 = arith.constant 1 : i32
        %dma_start3A_176 = tpu.memref_slice %arg2[%dma_start3A_175, %mul3A_169] : memref<2x320000xi32, #tpu.memory_space<hbm>> -> memref<1x80xi32, #tpu.memory_space<hbm>>
        %dma_start3A_177 = tpu.memref_squeeze %dma_start3A_176 : memref<1x80xi32, #tpu.memory_space<hbm>> -> memref<80xi32, #tpu.memory_space<hbm>>
        %dma_start3A_178 = tpu.memref_slice %arg2[%dma_start3A_175, %mul3A_169] : memref<2x320000xi32, #tpu.memory_space<hbm>> -> memref<1x80xi32, #tpu.memory_space<hbm>>
        %dma_start3A_179 = tpu.memref_squeeze %dma_start3A_178 : memref<1x80xi32, #tpu.memory_space<hbm>> -> memref<80xi32, #tpu.memory_space<hbm>>
        tpu.enqueue_dma source(%dma_start3A_179 : memref<80xi32, #tpu.memory_space<hbm>>) target(%arg13 : memref<80xi32, #tpu.memory_space<vmem>>) target_semaphore(%arg30 : memref<!tpu.dma_semaphore, #tpu.memory_space<semaphore_mem>>)
      } else {
      }
      %lt3A_159 = arith.cmpi slt, %add3A_146, %add3A_6 : i32
      %convert_element_type3A_160 = arith.extui %lt3A_159 : i1 to i32
      %cond3A_161 = arith.constant 0 : i32
      %cond3A_162 = arith.cmpi ne, %convert_element_type3A_160, %cond3A_161 : i32
      scf.if %cond3A_162 {
        %dma_wait3A_163 = arith.constant 0 : i32
        %dma_wait3A_164 = arith.constant 0 : i32
        %dma_wait3A_165 = tpu.memref_slice %arg20[%dma_wait3A_163, %dma_wait3A_164] : memref<10000x16xf32, #tpu.memory_space<vmem_shared>> -> memref<10000x16xf32, #tpu.memory_space<vmem_shared>>
        tpu.wait_indirect_dma semaphore(%arg25 : memref<!tpu.dma_semaphore, #tpu.memory_space<semaphore_mem>>) src(%dma_wait3A_165 : memref<10000x16xf32, #tpu.memory_space<vmem_shared>>) dst(%arg18 : memref<80x16xf32, #tpu.memory_space<vmem>>)
        %dma_wait3A_166 = arith.constant 0 : i32
        %dma_wait3A_167 = arith.constant 0 : i32
        %dma_wait3A_168 = tpu.memref_slice %arg3[%dma_wait3A_166, %dma_wait3A_167] : memref<10000x144xf32, #tpu.memory_space<hbm>> -> memref<10000x144xf32, #tpu.memory_space<hbm>>
        tpu.wait_indirect_dma semaphore(%arg23 : memref<!tpu.dma_semaphore, #tpu.memory_space<semaphore_mem>>) src(%dma_wait3A_168 : memref<10000x144xf32, #tpu.memory_space<hbm>>) dst(%arg16 : memref<80x144xf32, #tpu.memory_space<vmem>>)
        %parallel_loop3A = arith.constant 0 : i32
        %parallel_loop3A_169 = arith.constant 80 : i32
        %parallel_loop3A_170 = arith.constant 1 : i32
        scf.for %parallel_loop3A_174 = %parallel_loop3A to %parallel_loop3A_169 step %parallel_loop3A_170  : i32 {
          %parallel_loop3A_175 = arith.constant 0 : i32
          %parallel_loop3A_176 = tpu.memref_slice %arg16[%parallel_loop3A_174, %parallel_loop3A_175] : memref<80x144xf32, #tpu.memory_space<vmem>> -> memref<1x144xf32, #tpu.memory_space<vmem>>
          %parallel_loop3A_177 = tpu.memref_squeeze %parallel_loop3A_176 : memref<1x144xf32, #tpu.memory_space<vmem>> -> memref<144xf32, #tpu.memory_space<vmem>>
          %parallel_loop3A_178 = arith.constant 128 : index
          %parallel_loop3A_179 = tpu.vector_load %parallel_loop3A_177[%parallel_loop3A_178] {strides = array<i32>} : memref<144xf32, #tpu.memory_space<vmem>>, vector<16xf32>,
          %parallel_loop3A_180 = vector.shape_cast %parallel_loop3A_179 : vector<16xf32> to vector<16xf32>
          %parallel_loop3A_181 = arith.index_cast %parallel_loop3A_174 : i32 to index
          %parallel_loop3A_182 = arith.constant 0 : index
          %parallel_loop3A_183 = tpu.vector_load %arg18[%parallel_loop3A_181, %parallel_loop3A_182] {strides = array<i32>} : memref<80x16xf32, #tpu.memory_space<vmem>>, vector<1x16xf32>,
          %parallel_loop3A_184 = vector.shape_cast %parallel_loop3A_183 : vector<1x16xf32> to vector<16xf32>
          %parallel_loop3A_185 = arith.addf %parallel_loop3A_180, %parallel_loop3A_184 : vector<16xf32>
          %parallel_loop3A_186 = arith.constant 0.000000e+00 : f32
          %parallel_loop3A_187 = vector.broadcast %parallel_loop3A_186 : f32 to vector<16xf32>
          %parallel_loop3A_188 = arith.cmpf oge, %parallel_loop3A_185, %parallel_loop3A_187 : vector<16xf32>
          %parallel_loop3A_189 = arith.constant 2.000000e-01 : f32
          %parallel_loop3A_190 = vector.broadcast %parallel_loop3A_189 : f32 to vector<16xf32>
          %parallel_loop3A_191 = arith.mulf %parallel_loop3A_190, %parallel_loop3A_185 : vector<16xf32>
          %parallel_loop3A_192 = arith.select %parallel_loop3A_188, %parallel_loop3A_185, %parallel_loop3A_191 : vector<16xi1>, vector<16xf32>
          %parallel_loop3A_193 = math.exp %parallel_loop3A_192 : vector<16xf32>
          %parallel_loop3A_194 = arith.constant 0 : i32
          %parallel_loop3A_195 = tpu.memref_slice %arg16[%parallel_loop3A_174, %parallel_loop3A_194] : memref<80x144xf32, #tpu.memory_space<vmem>> -> memref<1x144xf32, #tpu.memory_space<vmem>>
          %parallel_loop3A_196 = tpu.memref_squeeze %parallel_loop3A_195 : memref<1x144xf32, #tpu.memory_space<vmem>> -> memref<144xf32, #tpu.memory_space<vmem>>
          %parallel_loop3A_197 = arith.constant 128 : index
          %parallel_loop3A_198 = tpu.vector_load %parallel_loop3A_196[%parallel_loop3A_197] {strides = array<i32>} : memref<144xf32, #tpu.memory_space<vmem>>, vector<16xf32>,
          %parallel_loop3A_199 = vector.shape_cast %parallel_loop3A_198 : vector<16xf32> to vector<16xf32>
          %parallel_loop3A_200 = vector.shape_cast %parallel_loop3A_193 : vector<16xf32> to vector<16xf32>
          tpu.vector_store %parallel_loop3A_196[%parallel_loop3A_197], %parallel_loop3A_200 {strides = array<i32>} : memref<144xf32, #tpu.memory_space<vmem>>, vector<16xf32>,
          %parallel_loop3A_201 = arith.constant 0 : i32
          %parallel_loop3A_202 = tpu.memref_slice %arg16[%parallel_loop3A_174, %parallel_loop3A_201] : memref<80x144xf32, #tpu.memory_space<vmem>> -> memref<1x144xf32, #tpu.memory_space<vmem>>
          %parallel_loop3A_203 = tpu.memref_squeeze %parallel_loop3A_202 : memref<1x144xf32, #tpu.memory_space<vmem>> -> memref<144xf32, #tpu.memory_space<vmem>>
          %parallel_loop3A_204 = arith.constant 0 : index
          %parallel_loop3A_205 = tpu.vector_load %parallel_loop3A_203[%parallel_loop3A_204] {strides = array<i32>} : memref<144xf32, #tpu.memory_space<vmem>>, vector<16xf32>,
          %parallel_loop3A_206 = vector.shape_cast %parallel_loop3A_205 : vector<16xf32> to vector<16xf32>
          %parallel_loop3A_207 = vector.extract_strided_slice %parallel_loop3A_193 {offsets = [0], sizes = [1], strides = [1]} : vector<16xf32> to vector<1xf32>
          %parallel_loop3A_208 = vector.extract %parallel_loop3A_207[0] : f32 from vector<1xf32>
          %parallel_loop3A_209 = vector.broadcast %parallel_loop3A_208 : f32 to vector<16xf32>
          %parallel_loop3A_210 = arith.mulf %parallel_loop3A_206, %parallel_loop3A_209 : vector<16xf32>
          %parallel_loop3A_211 = arith.constant 0 : i32
          %parallel_loop3A_212 = tpu.memref_slice %arg16[%parallel_loop3A_174, %parallel_loop3A_211] : memref<80x144xf32, #tpu.memory_space<vmem>> -> memref<1x144xf32, #tpu.memory_space<vmem>>
          %parallel_loop3A_213 = tpu.memref_squeeze %parallel_loop3A_212 : memref<1x144xf32, #tpu.memory_space<vmem>> -> memref<144xf32, #tpu.memory_space<vmem>>
          %parallel_loop3A_214 = arith.constant 0 : index
          %parallel_loop3A_215 = tpu.vector_load %parallel_loop3A_213[%parallel_loop3A_214] {strides = array<i32>} : memref<144xf32, #tpu.memory_space<vmem>>, vector<16xf32>,
          %parallel_loop3A_216 = vector.shape_cast %parallel_loop3A_215 : vector<16xf32> to vector<16xf32>
          %parallel_loop3A_217 = vector.shape_cast %parallel_loop3A_210 : vector<16xf32> to vector<16xf32>
          tpu.vector_store %parallel_loop3A_213[%parallel_loop3A_214], %parallel_loop3A_217 {strides = array<i32>} : memref<144xf32, #tpu.memory_space<vmem>>, vector<16xf32>,
          %parallel_loop3A_218 = arith.constant 0 : i32
          %parallel_loop3A_219 = tpu.memref_slice %arg16[%parallel_loop3A_174, %parallel_loop3A_218] : memref<80x144xf32, #tpu.memory_space<vmem>> -> memref<1x144xf32, #tpu.memory_space<vmem>>
          %parallel_loop3A_220 = tpu.memref_squeeze %parallel_loop3A_219 : memref<1x144xf32, #tpu.memory_space<vmem>> -> memref<144xf32, #tpu.memory_space<vmem>>
          %parallel_loop3A_221 = arith.constant 16 : index
          %parallel_loop3A_222 = tpu.vector_load %parallel_loop3A_220[%parallel_loop3A_221] {strides = array<i32>} : memref<144xf32, #tpu.memory_space<vmem>>, vector<16xf32>,
          %parallel_loop3A_223 = vector.shape_cast %parallel_loop3A_222 : vector<16xf32> to vector<16xf32>
          %parallel_loop3A_224 = vector.extract_strided_slice %parallel_loop3A_193 {offsets = [1], sizes = [1], strides = [1]} : vector<16xf32> to vector<1xf32>
          %parallel_loop3A_225 = vector.extract %parallel_loop3A_224[0] : f32 from vector<1xf32>
          %parallel_loop3A_226 = vector.broadcast %parallel_loop3A_225 : f32 to vector<16xf32>
          %parallel_loop3A_227 = arith.mulf %parallel_loop3A_223, %parallel_loop3A_226 : vector<16xf32>
          %parallel_loop3A_228 = arith.constant 0 : i32
          %parallel_loop3A_229 = tpu.memref_slice %arg16[%parallel_loop3A_174, %parallel_loop3A_228] : memref<80x144xf32, #tpu.memory_space<vmem>> -> memref<1x144xf32, #tpu.memory_space<vmem>>
          %parallel_loop3A_230 = tpu.memref_squeeze %parallel_loop3A_229 : memref<1x144xf32, #tpu.memory_space<vmem>> -> memref<144xf32, #tpu.memory_space<vmem>>
          %parallel_loop3A_231 = arith.constant 16 : index
          %parallel_loop3A_232 = tpu.vector_load %parallel_loop3A_230[%parallel_loop3A_231] {strides = array<i32>} : memref<144xf32, #tpu.memory_space<vmem>>, vector<16xf32>,
          %parallel_loop3A_233 = vector.shape_cast %parallel_loop3A_232 : vector<16xf32> to vector<16xf32>
          %parallel_loop3A_234 = vector.shape_cast %parallel_loop3A_227 : vector<16xf32> to vector<16xf32>
          tpu.vector_store %parallel_loop3A_230[%parallel_loop3A_231], %parallel_loop3A_234 {strides = array<i32>} : memref<144xf32, #tpu.memory_space<vmem>>, vector<16xf32>,
          %parallel_loop3A_235 = arith.constant 0 : i32
          %parallel_loop3A_236 = tpu.memref_slice %arg16[%parallel_loop3A_174, %parallel_loop3A_235] : memref<80x144xf32, #tpu.memory_space<vmem>> -> memref<1x144xf32, #tpu.memory_space<vmem>>
          %parallel_loop3A_237 = tpu.memref_squeeze %parallel_loop3A_236 : memref<1x144xf32, #tpu.memory_space<vmem>> -> memref<144xf32, #tpu.memory_space<vmem>>
          %parallel_loop3A_238 = arith.constant 32 : index
          %parallel_loop3A_239 = tpu.vector_load %parallel_loop3A_237[%parallel_loop3A_238] {strides = array<i32>} : memref<144xf32, #tpu.memory_space<vmem>>, vector<16xf32>,
          %parallel_loop3A_240 = vector.shape_cast %parallel_loop3A_239 : vector<16xf32> to vector<16xf32>
          %parallel_loop3A_241 = vector.extract_strided_slice %parallel_loop3A_193 {offsets = [2], sizes = [1], strides = [1]} : vector<16xf32> to vector<1xf32>
          %parallel_loop3A_242 = vector.extract %parallel_loop3A_241[0] : f32 from vector<1xf32>
          %parallel_loop3A_243 = vector.broadcast %parallel_loop3A_242 : f32 to vector<16xf32>
          %parallel_loop3A_244 = arith.mulf %parallel_loop3A_240, %parallel_loop3A_243 : vector<16xf32>
          %parallel_loop3A_245 = arith.constant 0 : i32
          %parallel_loop3A_246 = tpu.memref_slice %arg16[%parallel_loop3A_174, %parallel_loop3A_245] : memref<80x144xf32, #tpu.memory_space<vmem>> -> memref<1x144xf32, #tpu.memory_space<vmem>>
          %parallel_loop3A_247 = tpu.memref_squeeze %parallel_loop3A_246 : memref<1x144xf32, #tpu.memory_space<vmem>> -> memref<144xf32, #tpu.memory_space<vmem>>
          %parallel_loop3A_248 = arith.constant 32 : index
          %parallel_loop3A_249 = tpu.vector_load %parallel_loop3A_247[%parallel_loop3A_248] {strides = array<i32>} : memref<144xf32, #tpu.memory_space<vmem>>, vector<16xf32>,
          %parallel_loop3A_250 = vector.shape_cast %parallel_loop3A_249 : vector<16xf32> to vector<16xf32>
          %parallel_loop3A_251 = vector.shape_cast %parallel_loop3A_244 : vector<16xf32> to vector<16xf32>
          tpu.vector_store %parallel_loop3A_247[%parallel_loop3A_248], %parallel_loop3A_251 {strides = array<i32>} : memref<144xf32, #tpu.memory_space<vmem>>, vector<16xf32>,
          %parallel_loop3A_252 = arith.constant 0 : i32
          %parallel_loop3A_253 = tpu.memref_slice %arg16[%parallel_loop3A_174, %parallel_loop3A_252] : memref<80x144xf32, #tpu.memory_space<vmem>> -> memref<1x144xf32, #tpu.memory_space<vmem>>
          %parallel_loop3A_254 = tpu.memref_squeeze %parallel_loop3A_253 : memref<1x144xf32, #tpu.memory_space<vmem>> -> memref<144xf32, #tpu.memory_space<vmem>>
          %parallel_loop3A_255 = arith.constant 48 : index
          %parallel_loop3A_256 = tpu.vector_load %parallel_loop3A_254[%parallel_loop3A_255] {strides = array<i32>} : memref<144xf32, #tpu.memory_space<vmem>>, vector<16xf32>,
          %parallel_loop3A_257 = vector.shape_cast %parallel_loop3A_256 : vector<16xf32> to vector<16xf32>
          %parallel_loop3A_258 = vector.extract_strided_slice %parallel_loop3A_193 {offsets = [3], sizes = [1], strides = [1]} : vector<16xf32> to vector<1xf32>
          %parallel_loop3A_259 = vector.extract %parallel_loop3A_258[0] : f32 from vector<1xf32>
          %parallel_loop3A_260 = vector.broadcast %parallel_loop3A_259 : f32 to vector<16xf32>
          %parallel_loop3A_261 = arith.mulf %parallel_loop3A_257, %parallel_loop3A_260 : vector<16xf32>
          %parallel_loop3A_262 = arith.constant 0 : i32
          %parallel_loop3A_263 = tpu.memref_slice %arg16[%parallel_loop3A_174, %parallel_loop3A_262] : memref<80x144xf32, #tpu.memory_space<vmem>> -> memref<1x144xf32, #tpu.memory_space<vmem>>
          %parallel_loop3A_264 = tpu.memref_squeeze %parallel_loop3A_263 : memref<1x144xf32, #tpu.memory_space<vmem>> -> memref<144xf32, #tpu.memory_space<vmem>>
          %parallel_loop3A_265 = arith.constant 48 : index
          %parallel_loop3A_266 = tpu.vector_load %parallel_loop3A_264[%parallel_loop3A_265] {strides = array<i32>} : memref<144xf32, #tpu.memory_space<vmem>>, vector<16xf32>,
          %parallel_loop3A_267 = vector.shape_cast %parallel_loop3A_266 : vector<16xf32> to vector<16xf32>
          %parallel_loop3A_268 = vector.shape_cast %parallel_loop3A_261 : vector<16xf32> to vector<16xf32>
          tpu.vector_store %parallel_loop3A_264[%parallel_loop3A_265], %parallel_loop3A_268 {strides = array<i32>} : memref<144xf32, #tpu.memory_space<vmem>>, vector<16xf32>,
          %parallel_loop3A_269 = arith.constant 0 : i32
          %parallel_loop3A_270 = tpu.memref_slice %arg16[%parallel_loop3A_174, %parallel_loop3A_269] : memref<80x144xf32, #tpu.memory_space<vmem>> -> memref<1x144xf32, #tpu.memory_space<vmem>>
          %parallel_loop3A_271 = tpu.memref_squeeze %parallel_loop3A_270 : memref<1x144xf32, #tpu.memory_space<vmem>> -> memref<144xf32, #tpu.memory_space<vmem>>
          %parallel_loop3A_272 = arith.constant 64 : index
          %parallel_loop3A_273 = tpu.vector_load %parallel_loop3A_271[%parallel_loop3A_272] {strides = array<i32>} : memref<144xf32, #tpu.memory_space<vmem>>, vector<16xf32>,
          %parallel_loop3A_274 = vector.shape_cast %parallel_loop3A_273 : vector<16xf32> to vector<16xf32>
          %parallel_loop3A_275 = vector.extract_strided_slice %parallel_loop3A_193 {offsets = [4], sizes = [1], strides = [1]} : vector<16xf32> to vector<1xf32>
          %parallel_loop3A_276 = vector.extract %parallel_loop3A_275[0] : f32 from vector<1xf32>
          %parallel_loop3A_277 = vector.broadcast %parallel_loop3A_276 : f32 to vector<16xf32>
          %parallel_loop3A_278 = arith.mulf %parallel_loop3A_274, %parallel_loop3A_277 : vector<16xf32>
          %parallel_loop3A_279 = arith.constant 0 : i32
          %parallel_loop3A_280 = tpu.memref_slice %arg16[%parallel_loop3A_174, %parallel_loop3A_279] : memref<80x144xf32, #tpu.memory_space<vmem>> -> memref<1x144xf32, #tpu.memory_space<vmem>>
          %parallel_loop3A_281 = tpu.memref_squeeze %parallel_loop3A_280 : memref<1x144xf32, #tpu.memory_space<vmem>> -> memref<144xf32, #tpu.memory_space<vmem>>
          %parallel_loop3A_282 = arith.constant 64 : index
          %parallel_loop3A_283 = tpu.vector_load %parallel_loop3A_281[%parallel_loop3A_282] {strides = array<i32>} : memref<144xf32, #tpu.memory_space<vmem>>, vector<16xf32>,
          %parallel_loop3A_284 = vector.shape_cast %parallel_loop3A_283 : vector<16xf32> to vector<16xf32>
          %parallel_loop3A_285 = vector.shape_cast %parallel_loop3A_278 : vector<16xf32> to vector<16xf32>
          tpu.vector_store %parallel_loop3A_281[%parallel_loop3A_282], %parallel_loop3A_285 {strides = array<i32>} : memref<144xf32, #tpu.memory_space<vmem>>, vector<16xf32>,
          %parallel_loop3A_286 = arith.constant 0 : i32
          %parallel_loop3A_287 = tpu.memref_slice %arg16[%parallel_loop3A_174, %parallel_loop3A_286] : memref<80x144xf32, #tpu.memory_space<vmem>> -> memref<1x144xf32, #tpu.memory_space<vmem>>
          %parallel_loop3A_288 = tpu.memref_squeeze %parallel_loop3A_287 : memref<1x144xf32, #tpu.memory_space<vmem>> -> memref<144xf32, #tpu.memory_space<vmem>>
          %parallel_loop3A_289 = arith.constant 80 : index
          %parallel_loop3A_290 = tpu.vector_load %parallel_loop3A_288[%parallel_loop3A_289] {strides = array<i32>} : memref<144xf32, #tpu.memory_space<vmem>>, vector<16xf32>,
          %parallel_loop3A_291 = vector.shape_cast %parallel_loop3A_290 : vector<16xf32> to vector<16xf32>
          %parallel_loop3A_292 = vector.extract_strided_slice %parallel_loop3A_193 {offsets = [5], sizes = [1], strides = [1]} : vector<16xf32> to vector<1xf32>
          %parallel_loop3A_293 = vector.extract %parallel_loop3A_292[0] : f32 from vector<1xf32>
          %parallel_loop3A_294 = vector.broadcast %parallel_loop3A_293 : f32 to vector<16xf32>
          %parallel_loop3A_295 = arith.mulf %parallel_loop3A_291, %parallel_loop3A_294 : vector<16xf32>
          %parallel_loop3A_296 = arith.constant 0 : i32
          %parallel_loop3A_297 = tpu.memref_slice %arg16[%parallel_loop3A_174, %parallel_loop3A_296] : memref<80x144xf32, #tpu.memory_space<vmem>> -> memref<1x144xf32, #tpu.memory_space<vmem>>
          %parallel_loop3A_298 = tpu.memref_squeeze %parallel_loop3A_297 : memref<1x144xf32, #tpu.memory_space<vmem>> -> memref<144xf32, #tpu.memory_space<vmem>>
          %parallel_loop3A_299 = arith.constant 80 : index
          %parallel_loop3A_300 = tpu.vector_load %parallel_loop3A_298[%parallel_loop3A_299] {strides = array<i32>} : memref<144xf32, #tpu.memory_space<vmem>>, vector<16xf32>,
          %parallel_loop3A_301 = vector.shape_cast %parallel_loop3A_300 : vector<16xf32> to vector<16xf32>
          %parallel_loop3A_302 = vector.shape_cast %parallel_loop3A_295 : vector<16xf32> to vector<16xf32>
          tpu.vector_store %parallel_loop3A_298[%parallel_loop3A_299], %parallel_loop3A_302 {strides = array<i32>} : memref<144xf32, #tpu.memory_space<vmem>>, vector<16xf32>,
          %parallel_loop3A_303 = arith.constant 0 : i32
          %parallel_loop3A_304 = tpu.memref_slice %arg16[%parallel_loop3A_174, %parallel_loop3A_303] : memref<80x144xf32, #tpu.memory_space<vmem>> -> memref<1x144xf32, #tpu.memory_space<vmem>>
          %parallel_loop3A_305 = tpu.memref_squeeze %parallel_loop3A_304 : memref<1x144xf32, #tpu.memory_space<vmem>> -> memref<144xf32, #tpu.memory_space<vmem>>
          %parallel_loop3A_306 = arith.constant 96 : index
          %parallel_loop3A_307 = tpu.vector_load %parallel_loop3A_305[%parallel_loop3A_306] {strides = array<i32>} : memref<144xf32, #tpu.memory_space<vmem>>, vector<16xf32>,
          %parallel_loop3A_308 = vector.shape_cast %parallel_loop3A_307 : vector<16xf32> to vector<16xf32>
          %parallel_loop3A_309 = vector.extract_strided_slice %parallel_loop3A_193 {offsets = [6], sizes = [1], strides = [1]} : vector<16xf32> to vector<1xf32>
          %parallel_loop3A_310 = vector.extract %parallel_loop3A_309[0] : f32 from vector<1xf32>
          %parallel_loop3A_311 = vector.broadcast %parallel_loop3A_310 : f32 to vector<16xf32>
          %parallel_loop3A_312 = arith.mulf %parallel_loop3A_308, %parallel_loop3A_311 : vector<16xf32>
          %parallel_loop3A_313 = arith.constant 0 : i32
          %parallel_loop3A_314 = tpu.memref_slice %arg16[%parallel_loop3A_174, %parallel_loop3A_313] : memref<80x144xf32, #tpu.memory_space<vmem>> -> memref<1x144xf32, #tpu.memory_space<vmem>>
          %parallel_loop3A_315 = tpu.memref_squeeze %parallel_loop3A_314 : memref<1x144xf32, #tpu.memory_space<vmem>> -> memref<144xf32, #tpu.memory_space<vmem>>
          %parallel_loop3A_316 = arith.constant 96 : index
          %parallel_loop3A_317 = tpu.vector_load %parallel_loop3A_315[%parallel_loop3A_316] {strides = array<i32>} : memref<144xf32, #tpu.memory_space<vmem>>, vector<16xf32>,
          %parallel_loop3A_318 = vector.shape_cast %parallel_loop3A_317 : vector<16xf32> to vector<16xf32>
          %parallel_loop3A_319 = vector.shape_cast %parallel_loop3A_312 : vector<16xf32> to vector<16xf32>
          tpu.vector_store %parallel_loop3A_315[%parallel_loop3A_316], %parallel_loop3A_319 {strides = array<i32>} : memref<144xf32, #tpu.memory_space<vmem>>, vector<16xf32>,
          %parallel_loop3A_320 = arith.constant 0 : i32
          %parallel_loop3A_321 = tpu.memref_slice %arg16[%parallel_loop3A_174, %parallel_loop3A_320] : memref<80x144xf32, #tpu.memory_space<vmem>> -> memref<1x144xf32, #tpu.memory_space<vmem>>
          %parallel_loop3A_322 = tpu.memref_squeeze %parallel_loop3A_321 : memref<1x144xf32, #tpu.memory_space<vmem>> -> memref<144xf32, #tpu.memory_space<vmem>>
          %parallel_loop3A_323 = arith.constant 112 : index
          %parallel_loop3A_324 = tpu.vector_load %parallel_loop3A_322[%parallel_loop3A_323] {strides = array<i32>} : memref<144xf32, #tpu.memory_space<vmem>>, vector<16xf32>,
          %parallel_loop3A_325 = vector.shape_cast %parallel_loop3A_324 : vector<16xf32> to vector<16xf32>
          %parallel_loop3A_326 = vector.extract_strided_slice %parallel_loop3A_193 {offsets = [7], sizes = [1], strides = [1]} : vector<16xf32> to vector<1xf32>
          %parallel_loop3A_327 = vector.extract %parallel_loop3A_326[0] : f32 from vector<1xf32>
          %parallel_loop3A_328 = vector.broadcast %parallel_loop3A_327 : f32 to vector<16xf32>
          %parallel_loop3A_329 = arith.mulf %parallel_loop3A_325, %parallel_loop3A_328 : vector<16xf32>
          %parallel_loop3A_330 = arith.constant 0 : i32
          %parallel_loop3A_331 = tpu.memref_slice %arg16[%parallel_loop3A_174, %parallel_loop3A_330] : memref<80x144xf32, #tpu.memory_space<vmem>> -> memref<1x144xf32, #tpu.memory_space<vmem>>
          %parallel_loop3A_332 = tpu.memref_squeeze %parallel_loop3A_331 : memref<1x144xf32, #tpu.memory_space<vmem>> -> memref<144xf32, #tpu.memory_space<vmem>>
          %parallel_loop3A_333 = arith.constant 112 : index
          %parallel_loop3A_334 = tpu.vector_load %parallel_loop3A_332[%parallel_loop3A_333] {strides = array<i32>} : memref<144xf32, #tpu.memory_space<vmem>>, vector<16xf32>,
          %parallel_loop3A_335 = vector.shape_cast %parallel_loop3A_334 : vector<16xf32> to vector<16xf32>
          %parallel_loop3A_336 = vector.shape_cast %parallel_loop3A_329 : vector<16xf32> to vector<16xf32>
          tpu.vector_store %parallel_loop3A_332[%parallel_loop3A_333], %parallel_loop3A_336 {strides = array<i32>} : memref<144xf32, #tpu.memory_space<vmem>>, vector<16xf32>,
        } {sc.loop_unroll_factor = 4 : i64, sc.parallel_access}
        %dma_start3A_171 = arith.constant 0 : i32
        %dma_start3A_172 = arith.constant 0 : i32
        %dma_start3A_173 = tpu.memref_slice %arg19[%dma_start3A_171, %dma_start3A_172] : memref<10000x144xf32, #tpu.memory_space<vmem_shared>> -> memref<10000x144xf32, #tpu.memory_space<vmem_shared>>
        tpu.enqueue_indirect_dma source(%arg16 : memref<80x144xf32, #tpu.memory_space<vmem>>) target(%dma_start3A_173 : memref<10000x144xf32, #tpu.memory_space<vmem_shared>>) offsets(%arg14 : memref<80xi32, #tpu.memory_space<vmem>>) semaphore(%arg27 : memref<!tpu.dma_semaphore, #tpu.memory_space<semaphore_mem>>) {add = true}
      } else {
      }
    }
    %scan3A_73 = arith.constant 32 : i32
    %dma_wait3A_74 = arith.constant 0 : i32
    %dma_wait3A_75 = arith.constant 0 : i32
    %dma_wait3A_76 = tpu.memref_slice %arg19[%dma_wait3A_74, %dma_wait3A_75] : memref<10000x144xf32, #tpu.memory_space<vmem_shared>> -> memref<10000x144xf32, #tpu.memory_space<vmem_shared>>
    tpu.wait_indirect_dma semaphore(%arg26 : memref<!tpu.dma_semaphore, #tpu.memory_space<semaphore_mem>>) src(%arg15 : memref<80x144xf32, #tpu.memory_space<vmem>>) dst(%dma_wait3A_76 : memref<10000x144xf32, #tpu.memory_space<vmem_shared>>)
    %dma_wait3A_77 = arith.constant 0 : i32
    %dma_wait3A_78 = arith.constant 0 : i32
    %dma_wait3A_79 = tpu.memref_slice %arg19[%dma_wait3A_77, %dma_wait3A_78] : memref<10000x144xf32, #tpu.memory_space<vmem_shared>> -> memref<10000x144xf32, #tpu.memory_space<vmem_shared>>
    tpu.wait_indirect_dma semaphore(%arg27 : memref<!tpu.dma_semaphore, #tpu.memory_space<semaphore_mem>>) src(%arg16 : memref<80x144xf32, #tpu.memory_space<vmem>>) dst(%dma_wait3A_79 : memref<10000x144xf32, #tpu.memory_space<vmem_shared>>)
    %barrier3A_80 = arith.constant 0 : index
    tpu.barrier barrier_id(%barrier3A_80)
    %lt3A_81 = arith.constant 10 : i32
    %lt3A_82 = arith.cmpi slt, %arg1, %lt3A_81 : i32
    %convert_element_type3A_83 = arith.extui %lt3A_82 : i1 to i32
    %cond3A_84 = arith.constant 0 : i32
    %cond3A_85 = arith.cmpi ne, %convert_element_type3A_83, %cond3A_84 : i32
    scf.if %cond3A_85 {
      "tpu.region"() ({
        %run_scoped3A = tpu.sem_alloc : memref<!tpu.dma_semaphore, #tpu.memory_space<semaphore_mem>>
        %dma_start3A_86 = arith.constant 0 : i32
        %dma_start3A_87 = tpu.memref_slice %arg6[%arg0, %mul3A_2, %dma_start3A_86] : memref<2x10000x144xf32, #tpu.memory_space<hbm>> -> memref<1x1000x144xf32, #tpu.memory_space<hbm>>
        %dma_start3A_88 = tpu.memref_squeeze %dma_start3A_87 : memref<1x1000x144xf32, #tpu.memory_space<hbm>> -> memref<1000x144xf32, #tpu.memory_space<hbm>>
        %dma_start3A_89 = arith.constant 0 : i32
        %dma_start3A_90 = tpu.memref_slice %arg19[%mul3A_2, %dma_start3A_89] : memref<10000x144xf32, #tpu.memory_space<vmem_shared>> -> memref<1000x144xf32, #tpu.memory_space<vmem_shared>>
        tpu.enqueue_dma source(%dma_start3A_90 : memref<1000x144xf32, #tpu.memory_space<vmem_shared>>) target(%dma_start3A_88 : memref<1000x144xf32, #tpu.memory_space<hbm>>) target_semaphore(%run_scoped3A : memref<!tpu.dma_semaphore, #tpu.memory_space<semaphore_mem>>)
        %dma_wait3A_91 = arith.constant 0 : i32
        %dma_wait3A_92 = tpu.memref_slice %arg6[%arg0, %mul3A_2, %dma_wait3A_91] : memref<2x10000x144xf32, #tpu.memory_space<hbm>> -> memref<1x1000x144xf32, #tpu.memory_space<hbm>>
        %dma_wait3A_93 = tpu.memref_squeeze %dma_wait3A_92 : memref<1x1000x144xf32, #tpu.memory_space<hbm>> -> memref<1000x144xf32, #tpu.memory_space<hbm>>
        %dma_wait3A_94 = arith.constant 0 : i32
        %dma_wait3A_95 = tpu.memref_slice %arg19[%mul3A_2, %dma_wait3A_94] : memref<10000x144xf32, #tpu.memory_space<vmem_shared>> -> memref<1000x144xf32, #tpu.memory_space<vmem_shared>>
        tpu.wait_dma2 semaphore(%run_scoped3A : memref<!tpu.dma_semaphore, #tpu.memory_space<semaphore_mem>>) src(%dma_wait3A_95 : memref<1000x144xf32, #tpu.memory_space<vmem_shared>>) dst(%dma_wait3A_93 : memref<1000x144xf32, #tpu.memory_space<hbm>>)
        tpu.yield
      }) : () -> ()
    } else {
    }
    return
  }
}

module attributes {stable_mosaic.version = 14 : i64} {
  func.func @_tc1_body(%arg0: i32, %arg1: memref<2000x128xf32, #tpu.memory_space<vmem>>, %arg2: memref<128x128xf32, #tpu.memory_space<vmem>>, %arg3: memref<128x8xf32, #tpu.memory_space<vmem>>, %arg4: memref<128x8xf32, #tpu.memory_space<vmem>>, %arg5: memref<2000x144xf32, #tpu.memory_space<vmem>>, %arg6: memref<2000x16xf32, #tpu.memory_space<vmem>>) attributes {dimension_semantics = [#tpu.dimension_semantics<arbitrary>], iteration_bounds = array<i64: 5>, scalar_prefetch = 0 : i64, scratch_operands = 0 : i64, tpu.core_type = #tpu.core_type<tc>, window_params = [{transform_indices = @transform_0, window_bounds = array<i64: 2000, 128>}, {pipeline_mode = #tpu.pipeline_mode<synchronous>, transform_indices = @transform_1, window_bounds = array<i64: 128, 128>}, {pipeline_mode = #tpu.pipeline_mode<synchronous>, transform_indices = @transform_2, window_bounds = array<i64: 128, 8>}, {pipeline_mode = #tpu.pipeline_mode<synchronous>, transform_indices = @transform_3, window_bounds = array<i64: 128, 8>}, {transform_indices = @transform_4, window_bounds = array<i64: 2000, 144>}, {transform_indices = @transform_5, window_bounds = array<i64: 2000, 16>}]} {
    %get3A = arith.constant 0 : index
    %get3A_0 = arith.constant 0 : index
    %get3A_1 = vector.load %arg1[%get3A, %get3A_0] : memref<2000x128xf32, #tpu.memory_space<vmem>>, vector<2000x128xf32>
    %get3A_2 = arith.constant 0 : index
    %get3A_3 = arith.constant 0 : index
    %get3A_4 = vector.load %arg2[%get3A_2, %get3A_3] : memref<128x128xf32, #tpu.memory_space<vmem>>, vector<128x128xf32>
    %dot_general3A = arith.constant dense<0.000000e+00> : vector<2000x128xf32>
    %dot_general3A_5 = tpu.matmul %get3A_1, %get3A_4, %dot_general3A {dimension_numbers = #tpu.dot_dimension_numbers<[1], [0], [0], [1], [0, 0, 1, 1], [], []>, transpose_lhs_hint = false} : vector<2000x128xf32>, vector<128x128xf32>, vector<2000x128xf32> -> vector<2000x128xf32>
    %get3A_6 = arith.constant 0 : index
    %get3A_7 = arith.constant 0 : index
    %get3A_8 = vector.load %arg3[%get3A_6, %get3A_7] : memref<128x8xf32, #tpu.memory_space<vmem>>, vector<128x8xf32>
    %dot_general3A_9 = arith.constant dense<0.000000e+00> : vector<2000x8xf32>
    %dot_general3A_10 = tpu.matmul %dot_general3A_5, %get3A_8, %dot_general3A_9 {dimension_numbers = #tpu.dot_dimension_numbers<[1], [0], [0], [1], [0, 0, 1, 1], [], []>, transpose_lhs_hint = false} : vector<2000x128xf32>, vector<128x8xf32>, vector<2000x8xf32> -> vector<2000x8xf32>
    %get3A_11 = arith.constant 0 : index
    %get3A_12 = arith.constant 0 : index
    %get3A_13 = vector.load %arg4[%get3A_11, %get3A_12] : memref<128x8xf32, #tpu.memory_space<vmem>>, vector<128x8xf32>
    %dot_general3A_14 = arith.constant dense<0.000000e+00> : vector<2000x8xf32>
    %dot_general3A_15 = tpu.matmul %dot_general3A_5, %get3A_13, %dot_general3A_14 {dimension_numbers = #tpu.dot_dimension_numbers<[1], [0], [0], [1], [0, 0, 1, 1], [], []>, transpose_lhs_hint = false} : vector<2000x128xf32>, vector<128x8xf32>, vector<2000x8xf32> -> vector<2000x8xf32>
    %concatenate3A = tpu.concatenate %dot_general3A_5, %dot_general3A_10, %dot_general3A_10 in 1 : vector<2000x128xf32>, vector<2000x8xf32>, vector<2000x8xf32> -> vector<2000x144xf32>
    %swap3A = arith.constant 0 : index
    %swap3A_16 = arith.constant 0 : index
    %swap3A_17 = vector.load %arg5[%swap3A, %swap3A_16] : memref<2000x144xf32, #tpu.memory_space<vmem>>, vector<2000x144xf32>
    tpu.vector_store %arg5[%swap3A, %swap3A_16], %concatenate3A {strides = array<i32>} : memref<2000x144xf32, #tpu.memory_space<vmem>>, vector<2000x144xf32>,
    %concatenate3A_18 = tpu.concatenate %dot_general3A_15, %dot_general3A_15 in 1 : vector<2000x8xf32>, vector<2000x8xf32> -> vector<2000x16xf32>
    %swap3A_19 = arith.constant 0 : index
    %swap3A_20 = arith.constant 0 : index
    %swap3A_21 = vector.load %arg6[%swap3A_19, %swap3A_20] : memref<2000x16xf32, #tpu.memory_space<vmem>>, vector<2000x16xf32>
    tpu.vector_store %arg6[%swap3A_19, %swap3A_20], %concatenate3A_18 {strides = array<i32>} : memref<2000x16xf32, #tpu.memory_space<vmem>>, vector<2000x16xf32>,
    return
  }
  func.func @transform_0(%arg0: i32) -> (i32, i32) {
    %c0_i32 = arith.constant 0 : i32
    %c0_i32_0 = arith.constant 0 : i32
    return %arg0, %c0_i32 : i32, i32
  }
  func.func @transform_1(%arg0: i32) -> (i32, i32) {
    %c0_i32 = arith.constant 0 : i32
    %c0_i32_0 = arith.constant 0 : i32
    %c0_i32_1 = arith.constant 0 : i32
    return %c0_i32, %c0_i32_0 : i32, i32
  }
  func.func @transform_2(%arg0: i32) -> (i32, i32) {
    %c0_i32 = arith.constant 0 : i32
    %c0_i32_0 = arith.constant 0 : i32
    %c0_i32_1 = arith.constant 0 : i32
    return %c0_i32, %c0_i32_0 : i32, i32
  }
  func.func @transform_3(%arg0: i32) -> (i32, i32) {
    %c0_i32 = arith.constant 0 : i32
    %c0_i32_0 = arith.constant 0 : i32
    %c0_i32_1 = arith.constant 0 : i32
    return %c0_i32, %c0_i32_0 : i32, i32
  }
  func.func @transform_4(%arg0: i32) -> (i32, i32) {
    %c0_i32 = arith.constant 0 : i32
    %c0_i32_0 = arith.constant 0 : i32
    return %arg0, %c0_i32 : i32, i32
  }
  func.func @transform_5(%arg0: i32) -> (i32, i32) {
    %c0_i32 = arith.constant 0 : i32
    %c0_i32_0 = arith.constant 0 : i32
    return %arg0, %c0_i32 : i32, i32
  }
}

module attributes {stable_mosaic.version = 14 : i64} {
  func.func @_tc2_body(%arg0: i32, %arg1: memref<2x2000x144xf32, #tpu.memory_space<vmem>>, %arg2: memref<128x16xf32, #tpu.memory_space<vmem>>, %arg3: memref<16x16xf32, #tpu.memory_space<vmem>>, %arg4: memref<16x16xf32, #tpu.memory_space<vmem>>, %arg5: memref<8x128xf32, #tpu.memory_space<vmem>>, %arg6: memref<2000x32xf32, #tpu.memory_space<vmem>>, %arg7: memref<2000x16xf32, #tpu.memory_space<vmem>>) attributes {dimension_semantics = [#tpu.dimension_semantics<arbitrary>], iteration_bounds = array<i64: 5>, scalar_prefetch = 0 : i64, scratch_operands = 0 : i64, tpu.core_type = #tpu.core_type<tc>, window_params = [{transform_indices = @transform_0, window_bounds = array<i64: 2, 2000, 144>}, {pipeline_mode = #tpu.pipeline_mode<synchronous>, transform_indices = @transform_1, window_bounds = array<i64: 128, 16>}, {pipeline_mode = #tpu.pipeline_mode<synchronous>, transform_indices = @transform_2, window_bounds = array<i64: 16, 16>}, {pipeline_mode = #tpu.pipeline_mode<synchronous>, transform_indices = @transform_3, window_bounds = array<i64: 16, 16>}, {pipeline_mode = #tpu.pipeline_mode<synchronous>, transform_indices = @transform_4, window_bounds = array<i64: 8, 128>}, {transform_indices = @transform_5, window_bounds = array<i64: 2000, 32>}, {transform_indices = @transform_6, window_bounds = array<i64: 2000, 16>}]} {
    %get3A = arith.constant 0 : index
    %get3A_0 = arith.constant 0 : index
    %get3A_1 = arith.constant 0 : index
    %get3A_2 = vector.load %arg1[%get3A, %get3A_0, %get3A_1] : memref<2x2000x144xf32, #tpu.memory_space<vmem>>, vector<1x2000x144xf32>
    %get3A_3 = vector.shape_cast %get3A_2 : vector<1x2000x144xf32> to vector<2000x144xf32>
    %get3A_4 = arith.constant 1 : index
    %get3A_5 = arith.constant 0 : index
    %get3A_6 = arith.constant 0 : index
    %get3A_7 = vector.load %arg1[%get3A_4, %get3A_5, %get3A_6] : memref<2x2000x144xf32, #tpu.memory_space<vmem>>, vector<1x2000x144xf32>
    %get3A_8 = vector.shape_cast %get3A_7 : vector<1x2000x144xf32> to vector<2000x144xf32>
    %add3A = arith.addf %get3A_3, %get3A_8 : vector<2000x144xf32>
    %slice3A = vector.extract_strided_slice %add3A {offsets = [0, 128], sizes = [2000, 8], strides = [1, 1]} : vector<2000x144xf32> to vector<2000x8xf32>
    %add3A_9 = arith.constant 9.99999971E-10 : f32
    %add3A_10 = vector.broadcast %add3A_9 : f32 to vector<2000x8xf32>
    %add3A_11 = arith.addf %slice3A, %add3A_10 : vector<2000x8xf32>
    %div3A = arith.constant 1.000000e+00 : f32
    %div3A_12 = vector.broadcast %div3A : f32 to vector<2000x8xf32>
    %div3A_13 = arith.divf %div3A_12, %add3A_11 : vector<2000x8xf32>
    %get3A_14 = arith.constant 0 : index
    %get3A_15 = arith.constant 0 : index
    %get3A_16 = vector.load %arg5[%get3A_14, %get3A_15] : memref<8x128xf32, #tpu.memory_space<vmem>>, vector<8x128xf32>
    %dot_general3A = arith.constant dense<0.000000e+00> : vector<2000x128xf32>
    %dot_general3A_17 = tpu.matmul %div3A_13, %get3A_16, %dot_general3A {dimension_numbers = #tpu.dot_dimension_numbers<[1], [0], [0], [1], [0, 0, 1, 1], [], []>, transpose_lhs_hint = false} : vector<2000x8xf32>, vector<8x128xf32>, vector<2000x128xf32> -> vector<2000x128xf32>
    %slice3A_18 = vector.extract_strided_slice %add3A {offsets = [0, 0], sizes = [2000, 128], strides = [1, 1]} : vector<2000x144xf32> to vector<2000x128xf32>
    %mul3A = arith.mulf %slice3A_18, %dot_general3A_17 : vector<2000x128xf32>
    %gt3A = arith.constant 0.000000e+00 : f32
    %gt3A_19 = vector.broadcast %gt3A : f32 to vector<2000x128xf32>
    %gt3A_20 = arith.cmpf ogt, %mul3A, %gt3A_19 : vector<2000x128xf32>
    %min3A = arith.constant 0.000000e+00 : f32
    %min3A_21 = vector.broadcast %min3A : f32 to vector<2000x128xf32>
    %min3A_22 = arith.minimumf %mul3A, %min3A_21 : vector<2000x128xf32>
    %exp3A = math.exp %min3A_22 : vector<2000x128xf32>
    %sub3A = arith.constant 1.000000e+00 : f32
    %sub3A_23 = vector.broadcast %sub3A : f32 to vector<2000x128xf32>
    %sub3A_24 = arith.subf %exp3A, %sub3A_23 : vector<2000x128xf32>
    %select_n3A = arith.select %gt3A_20, %mul3A, %sub3A_24 : vector<2000x128xi1>, vector<2000x128xf32>
    %get3A_25 = arith.constant 0 : index
    %get3A_26 = arith.constant 0 : index
    %get3A_27 = vector.load %arg2[%get3A_25, %get3A_26] : memref<128x16xf32, #tpu.memory_space<vmem>>, vector<128x16xf32>
    %dot_general3A_28 = arith.constant dense<0.000000e+00> : vector<2000x16xf32>
    %dot_general3A_29 = tpu.matmul %select_n3A, %get3A_27, %dot_general3A_28 {dimension_numbers = #tpu.dot_dimension_numbers<[1], [0], [0], [1], [0, 0, 1, 1], [], []>, transpose_lhs_hint = false} : vector<2000x128xf32>, vector<128x16xf32>, vector<2000x16xf32> -> vector<2000x16xf32>
    %get3A_30 = arith.constant 0 : index
    %get3A_31 = arith.constant 0 : index
    %get3A_32 = vector.load %arg3[%get3A_30, %get3A_31] : memref<16x16xf32, #tpu.memory_space<vmem>>, vector<16x16xf32>
    %dot_general3A_33 = arith.constant dense<0.000000e+00> : vector<2000x16xf32>
    %dot_general3A_34 = tpu.matmul %dot_general3A_29, %get3A_32, %dot_general3A_33 {dimension_numbers = #tpu.dot_dimension_numbers<[1], [0], [0], [1], [0, 0, 1, 1], [], []>, transpose_lhs_hint = false} : vector<2000x16xf32>, vector<16x16xf32>, vector<2000x16xf32> -> vector<2000x16xf32>
    %get3A_35 = arith.constant 0 : index
    %get3A_36 = arith.constant 0 : index
    %get3A_37 = vector.load %arg4[%get3A_35, %get3A_36] : memref<16x16xf32, #tpu.memory_space<vmem>>, vector<16x16xf32>
    %dot_general3A_38 = arith.constant dense<0.000000e+00> : vector<2000x16xf32>
    %dot_general3A_39 = tpu.matmul %dot_general3A_29, %get3A_37, %dot_general3A_38 {dimension_numbers = #tpu.dot_dimension_numbers<[1], [0], [0], [1], [0, 0, 1, 1], [], []>, transpose_lhs_hint = false} : vector<2000x16xf32>, vector<16x16xf32>, vector<2000x16xf32> -> vector<2000x16xf32>
    %swap3A = arith.constant 0 : index
    %swap3A_40 = arith.constant 0 : index
    %swap3A_41 = vector.load %arg7[%swap3A, %swap3A_40] : memref<2000x16xf32, #tpu.memory_space<vmem>>, vector<2000x16xf32>
    tpu.vector_store %arg7[%swap3A, %swap3A_40], %dot_general3A_39 {strides = array<i32>} : memref<2000x16xf32, #tpu.memory_space<vmem>>, vector<2000x16xf32>,
    %concatenate3A = tpu.concatenate %dot_general3A_29, %dot_general3A_34 in 1 : vector<2000x16xf32>, vector<2000x16xf32> -> vector<2000x32xf32>
    %swap3A_42 = arith.constant 0 : index
    %swap3A_43 = arith.constant 0 : index
    %swap3A_44 = vector.load %arg6[%swap3A_42, %swap3A_43] : memref<2000x32xf32, #tpu.memory_space<vmem>>, vector<2000x32xf32>
    tpu.vector_store %arg6[%swap3A_42, %swap3A_43], %concatenate3A {strides = array<i32>} : memref<2000x32xf32, #tpu.memory_space<vmem>>, vector<2000x32xf32>,
    return
  }
  func.func @transform_0(%arg0: i32) -> (i32, i32, i32) {
    %c0_i32 = arith.constant 0 : i32
    %c0_i32_0 = arith.constant 0 : i32
    %c0_i32_1 = arith.constant 0 : i32
    return %c0_i32, %arg0, %c0_i32_0 : i32, i32, i32
  }
  func.func @transform_1(%arg0: i32) -> (i32, i32) {
    %c0_i32 = arith.constant 0 : i32
    %c0_i32_0 = arith.constant 0 : i32
    %c0_i32_1 = arith.constant 0 : i32
    return %c0_i32, %c0_i32_0 : i32, i32
  }
  func.func @transform_2(%arg0: i32) -> (i32, i32) {
    %c0_i32 = arith.constant 0 : i32
    %c0_i32_0 = arith.constant 0 : i32
    %c0_i32_1 = arith.constant 0 : i32
    return %c0_i32, %c0_i32_0 : i32, i32
  }
  func.func @transform_3(%arg0: i32) -> (i32, i32) {
    %c0_i32 = arith.constant 0 : i32
    %c0_i32_0 = arith.constant 0 : i32
    %c0_i32_1 = arith.constant 0 : i32
    return %c0_i32, %c0_i32_0 : i32, i32
  }
  func.func @transform_4(%arg0: i32) -> (i32, i32) {
    %c0_i32 = arith.constant 0 : i32
    %c0_i32_0 = arith.constant 0 : i32
    %c0_i32_1 = arith.constant 0 : i32
    return %c0_i32, %c0_i32_0 : i32, i32
  }
  func.func @transform_5(%arg0: i32) -> (i32, i32) {
    %c0_i32 = arith.constant 0 : i32
    %c0_i32_0 = arith.constant 0 : i32
    return %arg0, %c0_i32 : i32, i32
  }
  func.func @transform_6(%arg0: i32) -> (i32, i32) {
    %c0_i32 = arith.constant 0 : i32
    %c0_i32_0 = arith.constant 0 : i32
    return %arg0, %c0_i32 : i32, i32
  }
}

module attributes {stable_mosaic.version = 14 : i64} {
  func.func @_tc3_body(%arg0: i32, %arg1: memref<2x2000x32xf32, #tpu.memory_space<vmem>>, %arg2: memref<2000x16xf32, #tpu.memory_space<vmem>>) attributes {dimension_semantics = [#tpu.dimension_semantics<arbitrary>], iteration_bounds = array<i64: 5>, scalar_prefetch = 0 : i64, scratch_operands = 0 : i64, tpu.core_type = #tpu.core_type<tc>, window_params = [{transform_indices = @transform_0, window_bounds = array<i64: 2, 2000, 32>}, {transform_indices = @transform_1, window_bounds = array<i64: 2000, 16>}]} {
    %get3A = arith.constant 0 : index
    %get3A_0 = arith.constant 0 : index
    %get3A_1 = arith.constant 0 : index
    %get3A_2 = vector.load %arg1[%get3A, %get3A_0, %get3A_1] : memref<2x2000x32xf32, #tpu.memory_space<vmem>>, vector<1x2000x32xf32>
    %get3A_3 = vector.shape_cast %get3A_2 : vector<1x2000x32xf32> to vector<2000x32xf32>
    %get3A_4 = arith.constant 1 : index
    %get3A_5 = arith.constant 0 : index
    %get3A_6 = arith.constant 0 : index
    %get3A_7 = vector.load %arg1[%get3A_4, %get3A_5, %get3A_6] : memref<2x2000x32xf32, #tpu.memory_space<vmem>>, vector<1x2000x32xf32>
    %get3A_8 = vector.shape_cast %get3A_7 : vector<1x2000x32xf32> to vector<2000x32xf32>
    %add3A = arith.addf %get3A_3, %get3A_8 : vector<2000x32xf32>
    %slice3A = vector.extract_strided_slice %add3A {offsets = [0, 0], sizes = [2000, 16], strides = [1, 1]} : vector<2000x32xf32> to vector<2000x16xf32>
    %slice3A_9 = vector.extract_strided_slice %add3A {offsets = [0, 16], sizes = [2000, 1], strides = [1, 1]} : vector<2000x32xf32> to vector<2000x1xf32>
    %add3A_10 = arith.constant 9.99999971E-10 : f32
    %add3A_11 = vector.broadcast %add3A_10 : f32 to vector<2000x1xf32>
    %add3A_12 = arith.addf %slice3A_9, %add3A_11 : vector<2000x1xf32>
    %div3A = vector.broadcast %add3A_12 : vector<2000x1xf32> to vector<2000x16xf32>
    %div3A_13 = arith.divf %slice3A, %div3A : vector<2000x16xf32>
    %swap3A = arith.constant 0 : index
    %swap3A_14 = arith.constant 0 : index
    %swap3A_15 = vector.load %arg2[%swap3A, %swap3A_14] : memref<2000x16xf32, #tpu.memory_space<vmem>>, vector<2000x16xf32>
    tpu.vector_store %arg2[%swap3A, %swap3A_14], %div3A_13 {strides = array<i32>} : memref<2000x16xf32, #tpu.memory_space<vmem>>, vector<2000x16xf32>,
    return
  }
  func.func @transform_0(%arg0: i32) -> (i32, i32, i32) {
    %c0_i32 = arith.constant 0 : i32
    %c0_i32_0 = arith.constant 0 : i32
    %c0_i32_1 = arith.constant 0 : i32
    return %c0_i32, %arg0, %c0_i32_0 : i32, i32, i32
  }
  func.func @transform_1(%arg0: i32) -> (i32, i32) {
    %c0_i32 = arith.constant 0 : i32
    %c0_i32_0 = arith.constant 0 : i32
    return %arg0, %c0_i32 : i32, i32
  }
}

</mosaic_0001>

<sc_bundles>
// kernel: kernel.10.cloned.1.call-start
scs
__scs_entry_jumppad:
0x0: {  	(pc) =	sbr.rel $0x88, $3  }
0x1: {  	(tag) =	ssettag $0x0;
	lr =	simm.s32 $0x1  }
0x2: {  	[smem:$0x3F9B] =	sst lr;
	_ =	strace $0xD0000000  }
0x3: {  	_ = 	snop  }
0x4: {  	_ = 	snop  }
0x5: {  	_ = 	snop  }
0x6: {  	_ = 	snop  }
0x7: {  	_ = 	snop  }
__scs_overlays_trampoline_lowered:
0x8: {  	[smem:$0x3FAA] =	sst s0  }
0x9: {  	[smem:$0x3FAB] =	sst s1  }
0xa: {  	[smem:$0x3FAC] =	sst s2  }
0xb: {  	[smem:$0x3FAD] =	sst s3  }
0xc: {  	[smem:$0x3FAE] =	sst s4  }
0xd: {  	[smem:$0x3FAF] =	sst s5  }
0xe: {  	[smem:$0x3FB0] =	sst s6  }
0xf: {  	[smem:$0x3FB1] =	sst s7  }
0x10: {  	[smem:$0x3FB2] =	sst s8  }
0x11: {  	[smem:$0x3FB3] =	sst s9;
	s0 =	simm.s32 @!p0 $0x0  }
0x12: {  	s1 =	sld [smem:$0x3F99];
	s0 =	simm.s32 @p0 $0x1  }
0x13: {  	[smem:$0x3FB4] =	sst s0;
	s0 =	simm.s32 @!p1 $0x0  }
0x14: {  	s2 =	sld [smem:$0x3F98];
	s0 =	simm.s32 @p1 $0x1  }
0x15: {  	[smem:$0x3FB5] =	sst s0;
	s0 =	simm.s32 @!p2 $0x0  }
0x16: {  	s3 =	sld [smem:$0x3FDB];
	s0 =	simm.s32 @p2 $0x1  }
0x17: {  	s4 =	simm.s32 $0x1BF5;
	[smem:$0x3FB7] =	sst s0  }
0x18: {  	s0 =	sld [smem:$0x3F9A];
	_ =	swait.ge [sflag:s4], $0x0  }
0x19: {  	s7 =	sld [smem:$0x3F9B]  }
0x1a: {  	s8 =	sadd.s32 $0xFFFFE003, lr  }
0x1b: {  	s9 =	sadd.s32 $0xFFFFFEF7, lr;
	s5 =	simm.s32 $0xFFFFFFFF;
	p2 =	slt.u32 s8, $0xFFFFF086  }
0x1c: {  	p1 =	slt.u32 s9, $0xF7A;
	s5 =	simm.s32 @!p2 $0x0  }
0x1d: {  	s5 =	simm.s32 @p1 $0x1;
	p0 =	seq.s32 s7, s2  }
0x1e: {  	s7 =	smul.u32 @!p0 $0xF7A, s2;
	p2 =	seq.s32 @!p0 s5, $0x0  }
0x1f: {  	s9 =	smul.u32 $0xF7A, s1;
	s8 =	simm.s32 @!p0 $0x1BF5;
	p2 =	por !p2, p0  }
0x20: {  	[sflag:s8] =	ssyncset.s32 @!p0 $0xFFFFF086;
	s6 =	sadd.s32 @!p0 s3, s7;
	s7 =	simm.s32 @!p0 $0x108  }
0x21: {  	s3 =	sadd.s32 s3, s9;
	s6 =	sadd.s32 @!p0 $0x88, s6;
	s7 =	simm.s32 @p2 $0x1082  }
0x22: {  	[simem:s7], [sflag:s8] =	dma.local @!p0 [hbm:s6], $0xF7A  }
0x23: {  	s9 =	sor.u32 $0xD0000000, s2;
	s6 =	simm.s32 $0x108;
	_ =	swait.ge @!p0 [sflag:s8], $0x0  }
0x24: {  	s3 =	sadd.s32 $0x88, s3;
	s6 =	simm.s32 @!p1 $0x1082;
	[sflag:s4] =	ssyncset.s32 $0xFFFFF086  }
0x25: {  	[simem:s6], [sflag:s4] =	dma.local [hbm:s3], $0xF7A  }
0x26: {  	[smem:$0x3F9B] =	sst s1;
	(tag) =	ssettag s2;
	_ =	strace s9  }
0x27: {  	s1 =	sld [smem:$0x3FAB]  }
0x28: {  	s2 =	sld [smem:$0x3FAC]  }
0x29: {  	s4 =	sld [smem:$0x3FAE]  }
0x2a: {  	p0 =	seq.s32 s5, $0x0;
	s5 =	sld [smem:$0x3FAF]  }
0x2b: {  	s6 =	sld [smem:$0x3FB0]  }
0x2c: {  	s7 =	sld [smem:$0x3FB1]  }
0x2d: {  	s3 =	simm.s32 $0x108;
	s8 =	sld [smem:$0x3FB2]  }
0x2e: {  	s3 =	simm.s32 @!p0 $0x1082;
	s9 =	sld [smem:$0x3FB3]  }
0x2f: {  	lr =	sadd.s32 s0, s3;
	s0 =	sld [smem:$0x3FAA]  }
0x30: {  	s3 =	sld [smem:$0x3FAD]  }
0x31: {  	[smem:$0x3FB6] =	sst s10  }
0x32: {  	s10 =	sld [smem:$0x3FB4];
	_ =	sdelay $0x3  }
0x33: {  	p0 =	seq.s32 s10, $0x1;
	s10 =	sld [smem:$0x3FB6];
	_ =	sdelay $0x3  }
0x34: {  	[smem:$0x3FB6] =	sst s10  }
0x35: {  	s10 =	sld [smem:$0x3FB5];
	_ =	sdelay $0x3  }
0x36: {  	p1 =	seq.s32 s10, $0x1;
	s10 =	sld [smem:$0x3FB6];
	_ =	sdelay $0x3  }
0x37: {  	[smem:$0x3FB6] =	sst s10  }
0x38: {  	s10 =	sld [smem:$0x3FB7]  }
0x39: {  	_ = 	snop;
	(pc) =	sbr.ind lr, $3  }
0x3a: {  	_ = 	snop  }
0x3b: {  	_ = 	snop  }
0x3c: {  	p2 =	seq.s32 s10, $0x1;
	s10 =	sld [smem:$0x3FB6]  }
0x3d: {  	_ =	shalt  }
0x3e: {  	_ =	shalt  }
0x3f: {  	_ =	shalt  }
0x40: {  	_ =	shalt  }
0x41: {  	_ =	shalt  }
0x42: {  	_ =	shalt  }
0x43: {  	_ =	shalt  }
0x44: {  	_ =	shalt  }
0x45: {  	_ =	shalt  }
0x46: {  	_ =	shalt  }
0x47: {  	_ =	shalt  }
0x48: {  	_ =	shalt  }
0x49: {  	_ =	shalt  }
0x4a: {  	_ =	shalt  }
0x4b: {  	_ =	shalt  }
0x4c: {  	_ =	shalt  }
0x4d: {  	_ =	shalt  }
0x4e: {  	_ =	shalt  }
0x4f: {  	_ =	shalt  }
0x50: {  	_ =	shalt  }
0x51: {  	_ =	shalt  }
0x52: {  	_ =	shalt  }
0x53: {  	_ =	shalt  }
0x54: {  	_ =	shalt  }
0x55: {  	_ =	shalt  }
0x56: {  	_ =	shalt  }
0x57: {  	_ =	shalt  }
0x58: {  	_ =	shalt  }
0x59: {  	_ =	shalt  }
0x5a: {  	_ =	shalt  }
0x5b: {  	_ =	shalt  }
0x5c: {  	_ =	shalt  }
0x5d: {  	_ =	shalt  }
0x5e: {  	_ =	shalt  }
0x5f: {  	_ =	shalt  }
0x60: {  	_ =	shalt  }
0x61: {  	_ =	shalt  }
0x62: {  	_ =	shalt  }
0x63: {  	_ =	shalt  }
0x64: {  	_ =	shalt  }
0x65: {  	_ =	shalt  }
0x66: {  	_ =	shalt  }
0x67: {  	_ =	shalt  }
0x68: {  	_ =	shalt  }
0x69: {  	_ =	shalt  }
0x6a: {  	_ =	shalt  }
0x6b: {  	_ =	shalt  }
0x6c: {  	_ =	shalt  }
0x6d: {  	_ =	shalt  }
0x6e: {  	_ =	shalt  }
0x6f: {  	_ =	shalt  }
0x70: {  	_ =	shalt  }
0x71: {  	_ =	shalt  }
0x72: {  	_ =	shalt  }
0x73: {  	_ =	shalt  }
0x74: {  	_ =	shalt  }
0x75: {  	_ =	shalt  }
0x76: {  	_ =	shalt  }
0x77: {  	_ =	shalt  }
0x78: {  	_ =	shalt  }
0x79: {  	_ =	shalt  }
0x7a: {  	_ =	shalt  }
0x7b: {  	_ =	shalt  }
0x7c: {  	_ =	shalt  }
0x7d: {  	_ =	shalt  }
0x7e: {  	_ =	shalt  }
0x7f: {  	_ =	shalt  }
0x80: {  	_ =	shalt  }
0x81: {  	_ =	shalt  }
0x82: {  	_ =	shalt  }
0x83: {  	_ =	shalt  }
0x84: {  	_ =	shalt  }
0x85: {  	_ =	shalt  }
0x86: {  	_ =	shalt  }
0x87: {  	_ =	shalt  }
.Lfunc_end0:
.L_simem_size_0:
called_computation.1_lowered:
.L_overlay_start_0:
0x88: {  	s2 =	sld [smem:$0x3FD9]  }
0x89: {  	s3 =	sld [smem:$0x3FFE];
	_ =	sdelay $0x1  }
0x8a: {  	s1 =	srdreg.scid  }
0x8b: {  	s0 =	sand.u32 $0x1, s1  }
0x8c: {  	s17 =	sshll.u32 s0, $0xA;
	s2 =	sadd.s32 s3, s2  }
0x8d: {  	s2 =	sadd.s32 s2, s17  }
0x8e: {  	[smem:$0x3FC2] =	sst s2  }
0x8f: {  	_ = 	snop  }
0x90: {  	s2 =	sld [smem:$0x3FD0];
	(tm) =	ssettm $0x1  }
0x91: {  	s18 =	sld [smem:$0x3FFB];
	_ =	sdelay $0x3  }
0x92: {  	_ =	strace s18  }
0x93: {  	s3 =	sld [smem:$0x3FFC];
	_ =	sdelay $0x3  }
0x94: {  	_ =	strace s3  }
0x95: {  	s3 =	sld [smem:$0x3FFD];
	_ =	sdelay $0x3  }
0x96: {  	_ =	strace s3  }
0x97: {  	_ =	strace $0x8FFFFFFF  }
0x98: {  	s19 =	sld [smem:$0x3FDB];
	_ =	sdelay $0x1  }
0x99: {  	s4 =	simm.s32 $_scs_section_size  }
0x9a: {  	s5 =	simm.s32 $_size__tile_overlayer_lowered;
	s6 =	simm.s32 $_tile_overlayer_lowered  }
0x9b: {  	s22 =	simm.s32 $0x1BFF;
	s21 =	sshll.u32 s6, $0x1;
	s3 =	sadd.s32 s4, s19  }
0x9c: {  	s7 =	simm.s32 $0x0;
	s20 =	sshll.u32 s5, $0x1;
	s5 =	sadd.s32 s21, s3  }
0x9d: {  	[timem:s7], [sflag:s22] =	dma.local [hbm:s5], s20  }
0x9e: {  	_ =	swait.ge [sflag:s22], s20  }
0x9f: {  	s4 =	ssub.s32 $0x0, s20;
	[sflag:s22] =	ssyncset.done $0x0  }
0xa0: {  	[sflag:s22] =	ssyncadd.s32 s4;
	_ =	sdelay $0x1  }
0xa1: {  	s23 =	simm.s32 $0x1B8B  }
0xa2: {  	_ =	swait.ge [sflag:s23], $0x1  }
0xa3: {  	[sflag:s23] =	ssyncset.done $0x0  }
0xa4: {  	s25 =	simm.s32 $0x1B8E;
	s24 =	sld [smem:$0x3FFE];
	[sflag:s23] =	ssyncadd.s32 $0xFFFFFFFF  }
0xa5: {  	s26 =	simm.s32 $execute0_lowered;
	[smem:$0x3FD2] =	sst s25  }
0xa6: {  	s5 =	sshll.u32 s26, $0x1;
	_ =	strace $0x80000049;
	[dreg:$0x1] =	wrdreg $0xFFFFFFFF  }
0xa7: {  	s28 =	simm.s32 $_size_execute0_lowered;
	s3 =	sadd.s32 s3, s5;
	[dreg:$0x0] =	wrdreg $0x0  }
0xa8: {  	s5 =	sshll.u32 s28, $0x1;
	[dreg:$0x2] =	wrdreg s3  }
0xa9: {  	[dreg:$0x3] =	wrdreg s5  }
0xaa: {  	[dreg:$0x4] =	wrdreg $0xC0  }
0xab: {  	_ =	task [dreg:s7], $0x5FFFF  }
0xac: {  	[dreg:$0x1] =	wrdreg $0xFFFFFFFF  }
0xad: {  	[dreg:$0x0] =	wrdreg $0x60  }
0xae: {  	[dreg:$0x2] =	wrdreg s24  }
0xaf: {  	[dreg:$0x3] =	wrdreg s2  }
0xb0: {  	[dreg:$0x4] =	wrdreg $0x34000  }
0xb1: {  	[dreg:$0x5] =	wrdreg $0x82200  }
0xb2: {  	[dreg:$0x6] =	wrdreg $0xA9300  }
0xb3: {  	[dreg:$0x7] =	wrdreg $0x9  }
0xb4: {  	_ =	task.clear_ibuf [dreg:s7], $0x8FFFF;
	_ =	strace $0x90000049  }
0xb5: {  	s29 =	simm.s32 $0x9;
	_ =	strace $0x8000004B  }
0xb6: {  	_ =	swait.ge [sflag:s29], $0x1  }
0xb7: {  	[sflag:s29] =	ssyncadd.s32 $0xFFFFFFFF  }
0xb8: {  	_ =	strace $0x9000004B  }
0xb9: {  	_ =	sfence  }
0xba: {  	s30 =	sld [smem:$0x0];
	_ =	sdelay $0x2  }
0xbb: {  	s31 =	sshll.u32 s1, $0xD;
	s1 =	sshrl.u32 s1, $0x2  }
0xbc: {  	s3 =	sand.u32 $0x4000, s31;
	s1 =	sadd.s32 s1, s30  }
0xbd: {  	s0 =	sor.u32 s3, s0;
	s1 =	sshll.u32 s1, $0x11  }
0xbe: {  	s0 =	sor.u32 s1, s0  }
0xbf: {  	s0 =	sadd.s32 $0x8F2B, s0  }
0xc0: {  	[sflag:s0] =	ssyncadd.remote.s32 $0x1  }
0xc1: {  	_ =	sfence.sel $0xFFFF  }
0xc2: {  	[dreg:$0x0] =	wrdreg $0xFFFFFFFF;
	(pc) =	sbr.abs _section_cstart, $3  }
0xc3: {  	[dreg:$0x1] =	wrdreg $0xFFFFFFFF  }
0xc4: {  	_ =	task.clear_ibuf [dreg:s7], $0x2FFFF;
	_ =	strace $0x9FFFFFFF  }
0xc5: {  	(tm) =	ssettm $0x7FFFFFFF  }
tec
execute0_lowered:
.L_overlay_start_1:
0x0: {  	(tag) =	ssettag $0x1  }
0x1: {  	s0 =	rddreg [dreg:$0x0]  }
0x2: {  	s1 =	rddreg [dreg:$0x1]  }
0x3: {  	s2 =	rddreg [dreg:$0x2]  }
0x4: {  	s3 =	rddreg [dreg:$0x3]  }
0x5: {  	s4 =	rddreg [dreg:$0x4]  }
0x6: {  	s15 =	stileid.u32;
	s6 =	srdreg.scid;
	s5 =	simm.s32 $0x0  }
0x7: {  	s28 =	simm.s32 $0x280;
	s30 =	simm.s32 $0x300;
	s31 =	simm.s32 $0x7  }
0x8: {  	s29 =	simm.s32 $0x3;
	s8 =	smul.u32 $0x7D00, s15;
	s7 =	sand.u32 $0x1, s6  }
0x9: {  	[smem:$0x7FF] =	sst s5;
	s6 =	sadd.s32 $0x2DA00, s0;
	s14 =	smul.u32 $0x3E80, s15  }
0xa: {  	s13 =	sshll.u32 s15, $0x1;
	p0 =	slt.u32 s15, $0x2;
	s9 =	smul.u32 $0x4E200, s7  }
0xb: {  	_ =	strace $0x8000004A;
	s25 =	ssub.s32 $0x2, s7;
	s26 =	sor.u32 s7, s13  }
0xc: {  	s7 =	simm.s32 $0x4F;
	s10 =	sshrl.u32 s8, $0x3;
	s12 =	sshrl.u32 s25, $0x1  }
0xd: {  	s7 =	simm.s32 @!p0 $0x4E;
	s16 =	sadd.s32 s8, s2;
	s13 =	sadd.s32 s14, s3  }
0xe: {  	s14 =	sshrl.u32 s14, $0x3;
	s18 =	sshll.u32 s26, $0x4;
	p0 =	sgt.u32 s15, $0x9  }
0xf: {  	s11 =	sadd.s32 s10, s0;
	s9 =	sadd.s32 s8, s9;
	[dreg:$0x6] =	wrdreg s16  }
0x10: {  	s10 =	sshll.u32 s26, $0x7;
	s1 =	sadd.s32 s1, s14;
	s8 =	sadd.s32 s8, s4  }
0x11: {  	s20 =	sadd.s32 s6, s18;
	s9 =	sshrl.u32 s9, $0x3;
	[dreg:$0x8] =	wrdreg s1  }
0x12: {  	s17 =	sadd.s32 $0xB800, s11;
	s19 =	sshrl.u32 s10, $0x3;
	[dreg:$0x9] =	wrdreg s20  }
0x13: {  	s11 =	sadd.s32 $0x1A00, s11;
	s23 =	sadd.s32 $0x200, s20;
	[dreg:$0x7] =	wrdreg s17  }
0x14: {  	s0 =	sadd.s32 s9, s0;
	s9 =	ssub.s32 s25, s12;
	[dreg:$0xa] =	wrdreg s11  }
0x15: {  	s21 =	sadd.s32 s6, s19;
	[dreg:$0xc] =	wrdreg s23;
	s25 =	sadd.s32 $0x400, s20  }
0x16: {  	s16 =	simm.s32 $0x0;
	s22 =	sadd.s32 $0x9C40, s21;
	[dreg:$0xe] =	wrdreg s25  }
0x17: {  	s19 =	sadd.s32 $0xFFFFFFFF, s7;
	s24 =	sadd.s32 $0x9E40, s21;
	[dreg:$0xb] =	wrdreg s22  }
0x18: {  	s20 =	sadd.s32 $0xFFFFFFFE, s7;
	s1 =	sadd.s32 $0xA040, s21;
	[dreg:$0xd] =	wrdreg s24  }
0x19: {  	s11 =	simm.s32 $0x1400;
	s0 =	sadd.s32 $0x15600, s0;
	[dreg:$0xf] =	wrdreg s1  }
.Ltmp0:
0x1a: {  	s26 =	smax.u32 s9, $0x1;
	[dreg:$0x10] =	wrdreg s0;
	(pc) =	sbr.rel .LBB2_1-.Ltmp0, $4  }
0x1b: {  	s25 =	simm.s32 $0x200;
	s9 =	simm.s32 $0x2;
	[dreg:$0x11] =	wrdreg s26  }
0x1c: {  	s0 =	sshrl.u32 @!p0 s13, $0x3;
	s26 =	simm.s32 $0x80;
	s1 =	simm.s32 $0x1  }
0x1d: {  	s13 =	simm.s32 $0x380;
	[dreg:$0x12] =	wrdreg s0;
	s0 =	sshrl.u32 @!p0 s8, $0x3  }
0x1e: {  	s8 =	simm.s32 $0x4;
	[dreg:$0x13] =	wrdreg s0;
	s0 =	simm.s32 $0x400  }
.LBB2_19:
0x1f: {  	s12 =	simm.s32 $0x5  }
0x20: {  	_ =	swait.ge [sflag:s12], $0x1000  }
0x21: {  	[sflag:s12] =	ssyncset.done $0x0  }
0x22: {  	s24 =	simm.s32 $0x6;
	[sflag:s12] =	ssyncadd.s32 $0xFFFFF000  }
0x23: {  	_ =	swait.ge [sflag:s24], $0x1000  }
0x24: {  	[sflag:s24] =	ssyncset.done $0x0  }
0x25: {  	[sflag:s24] =	ssyncadd.s32 $0xFFFFF000  }
0x26: {  	[bflag:$0x0] =	sbarrier.arrive $0xFFFF  }
0x27: {  	s12 =	rddreg [dreg:$0x10]  }
0x28: {  	[hbm:s12], [sflag:s17] =	dma.local @!p0 [spmem:s18], $0xFA0  }
0x29: {  	s12 =	simm.s32 @!p0 $0xB  }
0x2a: {  	_ =	swait.ge @!p0 [sflag:s12], $0xFA0  }
0x2b: {  	s16 =	sadd.s32 $0x1, s16;
	s14 =	rddreg [dreg:$0x11]  }
0x2c: {  	p1 =	sne.s32 s16, s14  }
.Ltmp1:
0x2d: {  	_ = 	snop;
	(pc) =	sbr.rel @!p1 .LBB2_20-.Ltmp1, $3  }
0x2e: {  	_ =	sdelay $0x1  }
0x2f: {  	[sflag:s12] =	ssyncset.done @!p0 $0x0  }
0x30: {  	[sflag:s12] =	ssyncadd.s32 @!p0 $0xFFFFF060  }
.LBB2_1:
0x31: {  	s12 =	stileid.u32  }
0x32: {  	s12 =	sshll.u32 @!p0 s12, $0x6  }
0x33: {  	s17 =	sor.u32 @!p0 $0x1C0B, s12;
	s12 =	rddreg [dreg:$0x6]  }
0x34: {  	s18 =	sshrl.u32 @!p0 s12, $0x3;
	s12 =	rddreg [dreg:$0x7]  }
0x35: {  	[spmem:s18], [sflag:s17] =	dma.local @!p0 [hbm:s12], $0xFA0  }
0x36: {  	s12 =	simm.s32 @!p0 $0xB  }
0x37: {  	_ =	swait.ge @!p0 [sflag:s12], $0xFA0  }
0x38: {  	[sflag:s12] =	ssyncset.done @!p0 $0x0;
	s14 =	rddreg [dreg:$0x8]  }
0x39: {  	s15 =	rddreg [dreg:$0x12];
	[sflag:s12] =	ssyncadd.s32 @!p0 $0xFFFFF060  }
0x3a: {  	[spmem:s15], [sflag:s17] =	dma.local @!p0 [hbm:s14], $0x7D0  }
0x3b: {  	_ =	swait.ge @!p0 [sflag:s12], $0x7D0  }
0x3c: {  	[sflag:s12] =	ssyncset.done @!p0 $0x0;
	s14 =	rddreg [dreg:$0xa]  }
0x3d: {  	s15 =	rddreg [dreg:$0x13];
	[sflag:s12] =	ssyncadd.s32 @!p0 $0xFFFFF830  }
0x3e: {  	[spmem:s15], [sflag:s17] =	dma.local @!p0 [hbm:s14], $0xFA0  }
0x3f: {  	_ =	swait.ge @!p0 [sflag:s12], $0xFA0  }
0x40: {  	[sflag:s12] =	ssyncset.done @!p0 $0x0  }
0x41: {  	[sflag:s12] =	ssyncadd.s32 @!p0 $0xFFFFF060  }
0x42: {  	[bflag:$0x0] =	sbarrier.arrive $0xFFFF  }
0x43: {  	s23 =	rddreg [dreg:$0x9]  }
0x44: {  	[tilespmem:s5], [sflag:$0x7] =	stream.linear.gather [hbm4b:s23+s5], $0x80, $0x38;
	[tilespmem:$0xF750] =	vst v63  }
0x45: {  	s24 =	rddreg [dreg:$0xb]  }
0x46: {  	[tilespmem:s25], [sflag:$0x7] =	stream.linear.gather [hbm4b:s24+s5], $0x80, $0x38;
	[tilespmem:$0xF750] =	vst v63  }
0x47: {  	s14 =	rddreg [dreg:$0xc]  }
0x48: {  	[tilespmem:s26], [sflag:$0x8] =	stream.linear.gather [hbm4b:s14+s5], $0x80, $0x38;
	[tilespmem:$0xF750] =	vst v63  }
0x49: {  	s15 =	rddreg [dreg:$0xd]  }
0x4a: {  	[tilespmem:s28], [sflag:$0x8] =	stream.linear.gather [hbm4b:s15+s5], $0x80, $0x38;
	[tilespmem:$0xF750] =	vst v63  }
0x4b: {  	s22 =	simm.s32 $0x100;
	s21 =	rddreg [dreg:$0xe]  }
0x4c: {  	[tilespmem:s22], [sflag:$0x9] =	stream.linear.gather [hbm4b:s21+s5], $0x80, $0x38;
	[tilespmem:$0xF750] =	vst v63  }
0x4d: {  	s23 =	rddreg [dreg:$0xf]  }
0x4e: {  	[tilespmem:s30], [sflag:$0x9] =	stream.linear.gather [hbm4b:s23+s5], $0x80, $0x38;
	[tilespmem:$0xF750] =	vst v63  }
0x4f: {  	_ =	swait.ge [sflag:s31], $0x80  }
0x50: {  	[sflag:s31] =	ssyncset.done $0x0  }
0x51: {  	[sflag:s31] =	ssyncadd.s32 $0xFFFFFF80  }
0x52: {  	_ =	swait.ge [sflag:s31], $0x80  }
.Ltmp2:
0x53: {  	[sflag:s31] =	ssyncset.done $0x0;
	(pc) =	sbr.rel .LBB2_2-.Ltmp2, $4  }
0x54: {  	[sflag:s31] =	ssyncadd.s32 $0xFFFFFF80  }
0x55: {  	[tilespmem:s0], [sflag:$0x1] =	stream.indirect.gather [spmem:s4], $0x20, s5, s26, $0xb8;
	[tilespmem:$0xF750] =	vst v63  }
0x56: {  	s24 =	simm.s32 $0x2400;
	s21 =	simm.s32 $0x0  }
0x57: {  	[tilespmem:s24], [sflag:$0x3] =	stream.indirect.gather [spmem:s3], $0x10, s25, s26, $0xb8;
	[tilespmem:$0xF750] =	vst v63  }
.LBB2_18:
0x58: {  	s21 =	sadd.s32 $0x1, s21  }
0x59: {  	p1 =	sne.s32 s21, $0x15  }
.Ltmp3:
0x5a: {  	_ = 	snop;
	(pc) =	sbr.rel @!p1 .LBB2_19-.Ltmp3, $1  }
0x5b: {  	_ =	sdelay $0x3  }
.LBB2_2:
0x5c: {  	s22 =	sshll.u32 s21, $0x2  }
0x5d: {  	p3 =	sge.u32 s22, s19  }
0x5e: {  	p1 =	seq.s32 @!p3 s21, $0x0  }
0x5f: {  	p1 =	por p1, p3  }
0x60: {  	s12 =	simm.s32 @!p1 $0x6  }
0x61: {  	_ =	swait.ge @!p1 [sflag:s12], $0x1000  }
0x62: {  	[sflag:s12] =	ssyncset.done @!p1 $0x0  }
0x63: {  	[sflag:s12] =	ssyncadd.s32 @!p1 $0xFFFFF000;
	s12 =	simm.s32 @!p3 $0x8  }
0x64: {  	_ =	swait.ge @!p3 [sflag:s12], $0x80  }
0x65: {  	[sflag:s12] =	ssyncset.done @!p3 $0x0  }
0x66: {  	[sflag:s12] =	ssyncadd.s32 @!p3 $0xFFFFFF80  }
0x67: {  	_ =	swait.ge @!p3 [sflag:s12], $0x80  }
0x68: {  	[sflag:s12] =	ssyncset.done @!p3 $0x0  }
0x69: {  	s14 =	simm.s32 @!p3 $0x1400;
	[sflag:s12] =	ssyncadd.s32 @!p3 $0xFFFFFF80;
	s12 =	simm.s32 @!p3 $0x80  }
0x6a: {  	[tilespmem:s14], [sflag:$0x2] =	stream.indirect.gather @!p3 [spmem:s4], $0x20, s12, s12, $0xb8;
	[tilespmem:$0xF750] =	vst v63  }
0x6b: {  	s15 =	simm.s32 @!p3 $0x2C00;
	s14 =	simm.s32 @!p3 $0x280  }
0x6c: {  	[tilespmem:s15], [sflag:$0x4] =	stream.indirect.gather @!p3 [spmem:s3], $0x10, s14, s12, $0xb8;
	[tilespmem:$0xF750] =	vst v63  }
0x6d: {  	s12 =	sor.u32 $0x3, s22  }
0x6e: {  	p1 =	sge.u32 s12, s7  }
0x6f: {  	s12 =	sshll.u32 @!p1 s12, $0xC  }
0x70: {  	p2 =	sge.u32 s22, s7;
	s12 =	sor.u32 @!p1 s10, s12  }
.Ltmp4:
0x71: {  	s12 =	sshrl.u32 @!p1 s12, $0x3;
	(pc) =	sbr.rel @p2 .LBB2_6-.Ltmp4, $4  }
0x72: {  	s14 =	simm.s32 @!p1 $0x0;
	s15 =	simm.s32 @!p1 $0x180;
	s12 =	sadd.s32 @!p1 s6, s12  }
0x73: {  	[tilespmem:s15], [sflag:$0xA] =	stream.linear.gather @!p1 [hbm4b:s12+s14], $0x80, $0x38;
	[tilespmem:$0xF750] =	vst v63  }
0x74: {  	s12 =	sadd.s32 @!p1 $0x9C40, s12;
	s15 =	simm.s32 @!p1 $0x380  }
0x75: {  	[tilespmem:s15], [sflag:$0xA] =	stream.linear.gather @!p1 [hbm4b:s12+s14], $0x80, $0x38;
	[tilespmem:$0xF750] =	vst v63  }
0x76: {  	_ =	swait.ge [sflag:s29], $0x800  }
0x77: {  	[sflag:s29] =	ssyncset.done $0x0  }
0x78: {  	[sflag:s29] =	ssyncadd.s32 $0xFFFFF800  }
0x79: {  	_ =	swait.ge [sflag:s1], $0x1000  }
0x7a: {  	[sflag:s1] =	ssyncset.done $0x0  }
0x7b: {  	s23 =	simm.s32 $0x440;
	[sflag:s1] =	ssyncadd.s32 $0xFFFFF000  }
0x7c: {  	s12 =	simm.s32 $0x2420;
	v0 =	vld [tilespmem:s23+$0x30]  }
0x7d: {  	v1 =	vld [tilespmem:s12+$0x10];
	_ =	sdelay $0x2  }
0x7e: {  	v3 =	vld [tilespmem:s12+$0xFFFFFFE0]  }
0x7f: {  	v4 =	vld [tilespmem:s23+$0xFFFFFFF0]  }
0x80: {  	v5 =	vld [tilespmem:s12+$0xFFFFFFF0];
	v1 =	vadd.f32 v1, v0  }
0x81: {  	v6 =	vld [tilespmem:s23+$0x10]  }
0x82: {  	v7 =	vld [tilespmem:s12+$0x0];
	v9 =	vmul.f32 $2.000000030e-01, v1  }
0x83: {  	v8 =	vld [tilespmem:s23+$0xFFFFFFD0];
	vm0 =	vge.f32 v1, $0.0e+00  }
0x84: {  	s24 =	simm.s32 $0x4C0;
	v2 =	vld [tilespmem:s23+$0xFFFFFFE0];
	v9 =	vsel vm0, v1, v9  }
0x85: {  	v10 =	vld [tilespmem:s24+$0x30];
	v5 =	vadd.f32 v5, v4;
	v9 =	vmul.f32 $1.442695020e+00, v9  }
0x86: {  	v12 =	vld [tilespmem:s24+$0xFFFFFFF0]  }
0x87: {  	s12 =	simm.s32 $0x2460;
	v14 =	vld [tilespmem:s23+$0x20];
	v6 =	vadd.f32 v7, v6;
	(erf) = vpow2.f32 v9;
	v9 =	vmul.f32 $2.000000030e-01, v5  }
0x88: {  	v11 =	vld [tilespmem:s12+$0x10];
	v3 =	vadd.f32 v3, v8;
	vm0 =	vge.f32 v5, $0.0e+00  }
0x89: {  	v13 =	vld [tilespmem:s12+$0xFFFFFFF0];
	v8 =	vmul.f32 $2.000000030e-01, v6;
	v5 =	vsel vm0, v5, v9  }
0x8a: {  	v0 =	vld [tilespmem:s23+$0xFFFFFFC0];
	vm0 =	vge.f32 v6, $0.0e+00;
	v9 =	vmul.f32 $2.000000030e-01, v3;
	v5 =	vmul.f32 $1.442695020e+00, v5  }
0x8b: {  	v4 =	vld [tilespmem:s12+$0xFFFFFFE0];
	v6 =	vsel vm0, v6, v8;
	vm0 =	vge.f32 v3, $0.0e+00  }
0x8c: {  	v7 =	vld [tilespmem:s24+$0x10];
	v3 =	vsel vm0, v3, v9;
	v6 =	vmul.f32 $1.442695020e+00, v6;
	(erf) = vpow2.f32 v5  }
0x8d: {  	v11 =	vadd.f32 v11, v10;
	v1 =	vld [tilespmem:s23+$0x0];
	v5 =	vmul.f32 $1.442695020e+00, v3  }
0x8e: {  	v8 =	vld [tilespmem:s12+$0x0];
	(erf) = vpow2.f32 v6  }
0x8f: {  	v15 =	vmul.f32 $2.000000030e-01, v11;
	v9 =	vld [tilespmem:s24+$0xFFFFFFD0];
	(erf) = vpow2.f32 v5  }
0x90: {  	v10 =	vadd.f32 v13, v12;
	vm0 =	vge.f32 v11, $0.0e+00;
	v3 =	vld [tilespmem:s24+$0xFFFFFFC0]  }
0x91: {  	v11 =	vsel vm0, v11, v15;
	v6 =	vld [tilespmem:s24+$0xFFFFFFE0];
	v13 =	vpop (erf)  }
0x92: {  	s14 =	simm.s32 $0x4;
	s15 =	simm.s32 $0x540;
	vm0 =	vge.f32 v10, $0.0e+00;
	v12 =	vmul.f32 $1.442695020e+00, v11;
	v5 =	vld [tilespmem:s24+$0x0];
	[tilespmem:s23+$0x30] =	vst v13;
	v11 =	vmul.f32 v13, v14  }
.LBB2_4:
0x93: {  	v13 =	vld [tilespmem:s15+$0x30];
	v14 =	vmul.f32 $2.000000030e-01, v10;
	v7 =	vadd.f32 v8, v7;
	s12 =	sadd.s32 $0x40, s12  }
0x94: {  	s14 =	sadd.s32 $0x4, s14;
	v8 =	vld [tilespmem:s12+$0x10];
	v9 =	vadd.f32 v4, v9;
	(erf) = vpow2.f32 v12;
	[tilespmem:s23+$0x20] =	vst v11  }
0x95: {  	p2 =	slt.u32 s14, $0x7C;
	v4 =	vld [tilespmem:s12+$0xFFFFFFE0];
	v10 =	vsel vm0, v10, v14;
	vm0 =	vge.f32 v7, $0.0e+00;
	v11 =	vmul.f32 $2.000000030e-01, v7;
	v12 =	vpop (erf)  }
0x96: {  	v14 =	vld [tilespmem:s15+$0xFFFFFFF0];
	vm1 =	vge.f32 v9, $0.0e+00;
	v15 =	vmul.f32 $2.000000030e-01, v9;
	v18 =	vmul.f32 $1.442695020e+00, v10;
	[tilespmem:s23+$0xFFFFFFF0] =	vst v12  }
0x97: {  	v12 =	vmul.f32 v12, v2;
	v2 =	vmov v6;
	v16 =	vld [tilespmem:s12+$0xFFFFFFF0];
	v11 =	vsel vm0, v7, v11;
	v17 =	vpop (erf)  }
0x98: {  	v7 =	vld [tilespmem:s15+$0x10];
	v6 =	vsel vm1, v9, v15;
	v9 =	vmul.f32 $1.442695020e+00, v11;
	(erf) = vpow2.f32 v18;
	[tilespmem:s23+$0x10] =	vst v17;
	v10 =	vpop (erf)  }
0x99: {  	v11 =	vadd.f32 v8, v13;
	v6 =	vmul.f32 $1.442695020e+00, v6;
	v13 =	vld [tilespmem:s24+$0x20];
	v15 =	vmul.f32 v10, v0;
	[tilespmem:s23+$0xFFFFFFE0] =	vst v12;
	v0 =	vmovc v3  }
.Ltmp5:
0x9a: {  	v12 =	vmul.f32 v17, v1;
	v1 =	vmov v5;
	v8 =	vld [tilespmem:s12+$0x0];
	(erf) = vpow2.f32 v9;
	[tilespmem:s23+$0xFFFFFFD0] =	vst v10;
	(pc) =	sbr.rel @p2 .LBB2_4-.Ltmp5, $4  }
0x9b: {  	v9 =	vld [tilespmem:s15+$0xFFFFFFD0];
	v5 =	vmul.f32 $2.000000030e-01, v11;
	(erf) = vpow2.f32 v6;
	[tilespmem:s23+$0xFFFFFFC0] =	vst v15  }
0x9c: {  	vm0 =	vge.f32 v11, $0.0e+00;
	v3 =	vld [tilespmem:s15+$0xFFFFFFC0];
	v10 =	vadd.f32 v16, v14;
	[tilespmem:s23+$0x0] =	vst v12;
	s23 =	smov.u32 s24;
	s24 =	smov.u32 s15  }
0x9d: {  	v6 =	vld [tilespmem:s15+$0xFFFFFFE0];
	v11 =	vsel vm0, v11, v5;
	v14 =	vpop (erf)  }
0x9e: {  	s15 =	sadd.s32 $0x80, s15;
	vm0 =	vge.f32 v10, $0.0e+00;
	v5 =	vld [tilespmem:s24+$0x0];
	v12 =	vmul.f32 $1.442695020e+00, v11;
	[tilespmem:s23+$0x30] =	vst v14;
	v11 =	vmul.f32 v14, v13  }
0x9f: {  	v7 =	vadd.f32 v8, v7  }
0xa0: {  	v51 =	vmul.f32 $2.000000030e-01, v10  }
0xa1: {  	v4 =	vadd.f32 v4, v9;
	v52 =	vmul.f32 $2.000000030e-01, v7  }
0xa2: {  	(erf) = vpow2.f32 v12;
	v8 =	vsel vm0, v10, v51;
	vm15 =	vge.f32 v7, $0.0e+00  }
0xa3: {  	v53 =	vmul.f32 $2.000000030e-01, v4;
	v8 =	vmul.f32 $1.442695020e+00, v8;
	v7 =	vsel vm15, v7, v52  }
0xa4: {  	vm1 =	vge.f32 v4, $0.0e+00;
	v7 =	vmul.f32 $1.442695020e+00, v7  }
0xa5: {  	v4 =	vsel vm1, v4, v53;
	(erf) = vpow2.f32 v8  }
0xa6: {  	[tilespmem:s23+$0x20] =	vst v11;
	v54 =	vpop (erf);
	v4 =	vmul.f32 $1.442695020e+00, v4;
	(erf) = vpow2.f32 v7  }
0xa7: {  	v56 =	vld [tilespmem:s24+$0x20];
	[tilespmem:s23+$0xFFFFFFF0] =	vst v54;
	v2 =	vmul.f32 v54, v2;
	v55 =	vpop (erf)  }
0xa8: {  	[tilespmem:s23+$0x10] =	vst v55;
	(erf) = vpow2.f32 v4  }
0xa9: {  	v57 =	vpop (erf);
	[tilespmem:s23+$0xFFFFFFE0] =	vst v2;
	v1 =	vmul.f32 v55, v1  }
0xaa: {  	v0 =	vmul.f32 v57, v0;
	[tilespmem:s23+$0xFFFFFFD0] =	vst v57  }
0xab: {  	[tilespmem:s23+$0x0] =	vst v1;
	v58 =	vpop (erf)  }
0xac: {  	[tilespmem:s23+$0xFFFFFFC0] =	vst v0;
	v59 =	vmul.f32 v58, v56  }
0xad: {  	[tilespmem:s24+$0x30] =	vst v58  }
0xae: {  	[tilespmem:s24+$0x20] =	vst v59;
	v60 =	vpop (erf)  }
0xaf: {  	[tilespmem:s24+$0xFFFFFFF0] =	vst v60;
	v0 =	vmul.f32 v60, v6;
	v61 =	vpop (erf)  }
0xb0: {  	[tilespmem:s24+$0x10] =	vst v61  }
0xb1: {  	v62 =	vpop (erf);
	[tilespmem:s24+$0xFFFFFFE0] =	vst v0;
	v63 =	vmul.f32 v61, v5  }
0xb2: {  	v3 =	vmul.f32 v62, v3;
	[tilespmem:s24+$0xFFFFFFD0] =	vst v62  }
0xb3: {  	[tilespmem:s24+$0x0] =	vst v63  }
0xb4: {  	[tilespmem:s24+$0xFFFFFFC0] =	vst v3  }
0xb5: {  	[spmem:s2] =	stream.indirect.scatter.add.f32 [tilespmem:s0], [sflag:$0x5], $0x20, s25, s26, $0xb8;
	[tilespmem:$0xF750] =	vst v63  }
.LBB2_6:
0xb6: {  	p4 =	sge.u32 s22, s20  }
0xb7: {  	s12 =	simm.s32 @!p4 $0x5  }
0xb8: {  	_ =	swait.ge @!p4 [sflag:s12], $0x1000  }
0xb9: {  	[sflag:s12] =	ssyncset.done @!p4 $0x0  }
0xba: {  	[sflag:s12] =	ssyncadd.s32 @!p4 $0xFFFFF000;
	s12 =	simm.s32 @!p4 $0x9  }
0xbb: {  	_ =	swait.ge @!p4 [sflag:s12], $0x80  }
0xbc: {  	[sflag:s12] =	ssyncset.done @!p4 $0x0  }
0xbd: {  	[sflag:s12] =	ssyncadd.s32 @!p4 $0xFFFFFF80  }
0xbe: {  	_ =	swait.ge @!p4 [sflag:s12], $0x80  }
0xbf: {  	s14 =	simm.s32 @!p4 $0x100;
	[sflag:s12] =	ssyncset.done @!p4 $0x0  }
0xc0: {  	s15 =	simm.s32 @!p4 $0x400;
	[sflag:s12] =	ssyncadd.s32 @!p4 $0xFFFFFF80;
	s12 =	simm.s32 @!p4 $0x80  }
0xc1: {  	[tilespmem:s15], [sflag:$0x1] =	stream.indirect.gather @!p4 [spmem:s4], $0x20, s14, s12, $0xb8;
	[tilespmem:$0xF750] =	vst v63  }
0xc2: {  	s14 =	simm.s32 @!p4 $0x300;
	s15 =	simm.s32 @!p4 $0x2400  }
0xc3: {  	[tilespmem:s15], [sflag:$0x3] =	stream.indirect.gather @!p4 [spmem:s3], $0x10, s14, s12, $0xb8;
	[tilespmem:$0xF750] =	vst v63  }
0xc4: {  	s12 =	sadd.s32 $0x4, s22  }
0xc5: {  	p2 =	sge.u32 s12, s7  }
0xc6: {  	s12 =	sshll.u32 @!p2 s12, $0xC  }
0xc7: {  	s12 =	sor.u32 @!p2 s10, s12  }
.Ltmp6:
0xc8: {  	s12 =	sshrl.u32 @!p2 s12, $0x3;
	(pc) =	sbr.rel @p3 .LBB2_10-.Ltmp6, $4  }
0xc9: {  	s14 =	simm.s32 @!p2 $0x0;
	s12 =	sadd.s32 @!p2 s6, s12  }
0xca: {  	[tilespmem:s14], [sflag:$0x7] =	stream.linear.gather @!p2 [hbm4b:s12+s14], $0x80, $0x38;
	[tilespmem:$0xF750] =	vst v63  }
0xcb: {  	s15 =	simm.s32 @!p2 $0x200;
	s12 =	sadd.s32 @!p2 $0x9C40, s12  }
0xcc: {  	[tilespmem:s15], [sflag:$0x7] =	stream.linear.gather @!p2 [hbm4b:s12+s14], $0x80, $0x38;
	[tilespmem:$0xF750] =	vst v63  }
0xcd: {  	_ =	swait.ge [sflag:s8], $0x800  }
0xce: {  	[sflag:s8] =	ssyncset.done $0x0  }
0xcf: {  	[sflag:s8] =	ssyncadd.s32 $0xFFFFF800  }
0xd0: {  	_ =	swait.ge [sflag:s9], $0x1000  }
0xd1: {  	[sflag:s9] =	ssyncset.done $0x0  }
0xd2: {  	s23 =	simm.s32 $0x1440;
	[sflag:s9] =	ssyncadd.s32 $0xFFFFF000  }
0xd3: {  	s12 =	simm.s32 $0x2C20;
	v0 =	vld [tilespmem:s23+$0x30]  }
0xd4: {  	v1 =	vld [tilespmem:s12+$0x10];
	_ =	sdelay $0x2  }
0xd5: {  	v3 =	vld [tilespmem:s12+$0xFFFFFFE0]  }
0xd6: {  	v4 =	vld [tilespmem:s23+$0xFFFFFFF0]  }
0xd7: {  	v5 =	vld [tilespmem:s12+$0xFFFFFFF0];
	v1 =	vadd.f32 v1, v0  }
0xd8: {  	v6 =	vld [tilespmem:s23+$0x10]  }
0xd9: {  	v7 =	vld [tilespmem:s12+$0x0];
	v9 =	vmul.f32 $2.000000030e-01, v1  }
0xda: {  	v8 =	vld [tilespmem:s23+$0xFFFFFFD0];
	vm0 =	vge.f32 v1, $0.0e+00  }
0xdb: {  	s24 =	simm.s32 $0x14C0;
	v2 =	vld [tilespmem:s23+$0xFFFFFFE0];
	v9 =	vsel vm0, v1, v9  }
0xdc: {  	v10 =	vld [tilespmem:s24+$0x30];
	v5 =	vadd.f32 v5, v4;
	v9 =	vmul.f32 $1.442695020e+00, v9  }
0xdd: {  	v12 =	vld [tilespmem:s24+$0xFFFFFFF0]  }
0xde: {  	s12 =	simm.s32 $0x2C60;
	v14 =	vld [tilespmem:s23+$0x20];
	v6 =	vadd.f32 v7, v6;
	(erf) = vpow2.f32 v9;
	v9 =	vmul.f32 $2.000000030e-01, v5  }
0xdf: {  	v11 =	vld [tilespmem:s12+$0x10];
	v3 =	vadd.f32 v3, v8;
	vm0 =	vge.f32 v5, $0.0e+00  }
0xe0: {  	v13 =	vld [tilespmem:s12+$0xFFFFFFF0];
	v8 =	vmul.f32 $2.000000030e-01, v6;
	v5 =	vsel vm0, v5, v9  }
0xe1: {  	v0 =	vld [tilespmem:s23+$0xFFFFFFC0];
	vm0 =	vge.f32 v6, $0.0e+00;
	v9 =	vmul.f32 $2.000000030e-01, v3;
	v5 =	vmul.f32 $1.442695020e+00, v5  }
0xe2: {  	v4 =	vld [tilespmem:s12+$0xFFFFFFE0];
	v6 =	vsel vm0, v6, v8;
	vm0 =	vge.f32 v3, $0.0e+00  }
0xe3: {  	v7 =	vld [tilespmem:s24+$0x10];
	v3 =	vsel vm0, v3, v9;
	v6 =	vmul.f32 $1.442695020e+00, v6;
	(erf) = vpow2.f32 v5  }
0xe4: {  	v11 =	vadd.f32 v11, v10;
	v1 =	vld [tilespmem:s23+$0x0];
	v5 =	vmul.f32 $1.442695020e+00, v3  }
0xe5: {  	v8 =	vld [tilespmem:s12+$0x0];
	(erf) = vpow2.f32 v6  }
0xe6: {  	v15 =	vmul.f32 $2.000000030e-01, v11;
	v9 =	vld [tilespmem:s24+$0xFFFFFFD0];
	(erf) = vpow2.f32 v5  }
0xe7: {  	v10 =	vadd.f32 v13, v12;
	vm0 =	vge.f32 v11, $0.0e+00;
	v3 =	vld [tilespmem:s24+$0xFFFFFFC0]  }
0xe8: {  	v11 =	vsel vm0, v11, v15;
	v6 =	vld [tilespmem:s24+$0xFFFFFFE0];
	v13 =	vpop (erf)  }
0xe9: {  	s14 =	simm.s32 $0x4;
	s15 =	simm.s32 $0x1540;
	vm0 =	vge.f32 v10, $0.0e+00;
	v12 =	vmul.f32 $1.442695020e+00, v11;
	v5 =	vld [tilespmem:s24+$0x0];
	[tilespmem:s23+$0x30] =	vst v13;
	v11 =	vmul.f32 v13, v14  }
.LBB2_8:
0xea: {  	v13 =	vld [tilespmem:s15+$0x30];
	v14 =	vmul.f32 $2.000000030e-01, v10;
	v7 =	vadd.f32 v8, v7;
	s12 =	sadd.s32 $0x40, s12  }
0xeb: {  	s14 =	sadd.s32 $0x4, s14;
	v8 =	vld [tilespmem:s12+$0x10];
	v9 =	vadd.f32 v4, v9;
	(erf) = vpow2.f32 v12;
	[tilespmem:s23+$0x20] =	vst v11  }
0xec: {  	p3 =	slt.u32 s14, $0x7C;
	v4 =	vld [tilespmem:s12+$0xFFFFFFE0];
	v10 =	vsel vm0, v10, v14;
	vm0 =	vge.f32 v7, $0.0e+00;
	v11 =	vmul.f32 $2.000000030e-01, v7;
	v12 =	vpop (erf)  }
0xed: {  	v14 =	vld [tilespmem:s15+$0xFFFFFFF0];
	vm1 =	vge.f32 v9, $0.0e+00;
	v15 =	vmul.f32 $2.000000030e-01, v9;
	v18 =	vmul.f32 $1.442695020e+00, v10;
	[tilespmem:s23+$0xFFFFFFF0] =	vst v12  }
0xee: {  	v12 =	vmul.f32 v12, v2;
	v2 =	vmov v6;
	v16 =	vld [tilespmem:s12+$0xFFFFFFF0];
	v11 =	vsel vm0, v7, v11;
	v17 =	vpop (erf)  }
0xef: {  	v7 =	vld [tilespmem:s15+$0x10];
	v6 =	vsel vm1, v9, v15;
	v9 =	vmul.f32 $1.442695020e+00, v11;
	(erf) = vpow2.f32 v18;
	[tilespmem:s23+$0x10] =	vst v17;
	v10 =	vpop (erf)  }
0xf0: {  	v11 =	vadd.f32 v8, v13;
	v6 =	vmul.f32 $1.442695020e+00, v6;
	v13 =	vld [tilespmem:s24+$0x20];
	v15 =	vmul.f32 v10, v0;
	[tilespmem:s23+$0xFFFFFFE0] =	vst v12;
	v0 =	vmovc v3  }
.Ltmp7:
0xf1: {  	v12 =	vmul.f32 v17, v1;
	v1 =	vmov v5;
	v8 =	vld [tilespmem:s12+$0x0];
	(erf) = vpow2.f32 v9;
	[tilespmem:s23+$0xFFFFFFD0] =	vst v10;
	(pc) =	sbr.rel @p3 .LBB2_8-.Ltmp7, $4  }
0xf2: {  	v9 =	vld [tilespmem:s15+$0xFFFFFFD0];
	v5 =	vmul.f32 $2.000000030e-01, v11;
	(erf) = vpow2.f32 v6;
	[tilespmem:s23+$0xFFFFFFC0] =	vst v15  }
0xf3: {  	vm0 =	vge.f32 v11, $0.0e+00;
	v3 =	vld [tilespmem:s15+$0xFFFFFFC0];
	v10 =	vadd.f32 v16, v14;
	[tilespmem:s23+$0x0] =	vst v12;
	s23 =	smov.u32 s24;
	s24 =	smov.u32 s15  }
0xf4: {  	v6 =	vld [tilespmem:s15+$0xFFFFFFE0];
	v11 =	vsel vm0, v11, v5;
	v14 =	vpop (erf)  }
0xf5: {  	s15 =	sadd.s32 $0x80, s15;
	vm0 =	vge.f32 v10, $0.0e+00;
	v5 =	vld [tilespmem:s24+$0x0];
	v12 =	vmul.f32 $1.442695020e+00, v11;
	[tilespmem:s23+$0x30] =	vst v14;
	v11 =	vmul.f32 v14, v13  }
0xf6: {  	v7 =	vadd.f32 v8, v7  }
0xf7: {  	v51 =	vmul.f32 $2.000000030e-01, v10  }
0xf8: {  	v4 =	vadd.f32 v4, v9;
	v52 =	vmul.f32 $2.000000030e-01, v7  }
0xf9: {  	(erf) = vpow2.f32 v12;
	v8 =	vsel vm0, v10, v51;
	vm15 =	vge.f32 v7, $0.0e+00  }
0xfa: {  	v53 =	vmul.f32 $2.000000030e-01, v4;
	v8 =	vmul.f32 $1.442695020e+00, v8;
	v7 =	vsel vm15, v7, v52  }
0xfb: {  	vm1 =	vge.f32 v4, $0.0e+00;
	v7 =	vmul.f32 $1.442695020e+00, v7  }
0xfc: {  	v4 =	vsel vm1, v4, v53;
	(erf) = vpow2.f32 v8  }
0xfd: {  	[tilespmem:s23+$0x20] =	vst v11;
	v54 =	vpop (erf);
	v4 =	vmul.f32 $1.442695020e+00, v4;
	(erf) = vpow2.f32 v7  }
0xfe: {  	v56 =	vld [tilespmem:s24+$0x20];
	[tilespmem:s23+$0xFFFFFFF0] =	vst v54;
	v2 =	vmul.f32 v54, v2;
	v55 =	vpop (erf)  }
0xff: {  	[tilespmem:s23+$0x10] =	vst v55;
	(erf) = vpow2.f32 v4  }
0x100: {  	v57 =	vpop (erf);
	[tilespmem:s23+$0xFFFFFFE0] =	vst v2;
	v1 =	vmul.f32 v55, v1  }
0x101: {  	v0 =	vmul.f32 v57, v0;
	[tilespmem:s23+$0xFFFFFFD0] =	vst v57  }
0x102: {  	[tilespmem:s23+$0x0] =	vst v1;
	v58 =	vpop (erf)  }
0x103: {  	[tilespmem:s23+$0xFFFFFFC0] =	vst v0;
	v59 =	vmul.f32 v58, v56  }
0x104: {  	[tilespmem:s24+$0x30] =	vst v58  }
0x105: {  	[tilespmem:s24+$0x20] =	vst v59;
	v60 =	vpop (erf)  }
0x106: {  	[tilespmem:s24+$0xFFFFFFF0] =	vst v60;
	v0 =	vmul.f32 v60, v6;
	v61 =	vpop (erf)  }
0x107: {  	[tilespmem:s24+$0x10] =	vst v61  }
0x108: {  	v62 =	vpop (erf);
	[tilespmem:s24+$0xFFFFFFE0] =	vst v0;
	v63 =	vmul.f32 v61, v5  }
0x109: {  	v3 =	vmul.f32 v62, v3;
	[tilespmem:s24+$0xFFFFFFD0] =	vst v62  }
0x10a: {  	[tilespmem:s24+$0x0] =	vst v63  }
0x10b: {  	[tilespmem:s24+$0xFFFFFFC0] =	vst v3  }
0x10c: {  	[spmem:s2] =	stream.indirect.scatter.add.f32 [tilespmem:s11], [sflag:$0x6], $0x20, s28, s26, $0xb8;
	[tilespmem:$0xF750] =	vst v63  }
.LBB2_10:
0x10d: {  	s12 =	simm.s32 @!p1 $0x6  }
0x10e: {  	_ =	swait.ge @!p1 [sflag:s12], $0x1000  }
0x10f: {  	[sflag:s12] =	ssyncset.done @!p1 $0x0  }
0x110: {  	[sflag:s12] =	ssyncadd.s32 @!p1 $0xFFFFF000;
	s12 =	simm.s32 @!p1 $0xA  }
0x111: {  	_ =	swait.ge @!p1 [sflag:s12], $0x80  }
0x112: {  	[sflag:s12] =	ssyncset.done @!p1 $0x0  }
0x113: {  	[sflag:s12] =	ssyncadd.s32 @!p1 $0xFFFFFF80  }
0x114: {  	_ =	swait.ge @!p1 [sflag:s12], $0x80  }
0x115: {  	s14 =	simm.s32 @!p1 $0x180;
	[sflag:s12] =	ssyncset.done @!p1 $0x0  }
0x116: {  	s15 =	simm.s32 @!p1 $0x1400;
	[sflag:s12] =	ssyncadd.s32 @!p1 $0xFFFFFF80;
	s12 =	simm.s32 @!p1 $0x80  }
0x117: {  	[tilespmem:s15], [sflag:$0x2] =	stream.indirect.gather @!p1 [spmem:s4], $0x20, s14, s12, $0xb8;
	[tilespmem:$0xF750] =	vst v63  }
0x118: {  	s14 =	simm.s32 @!p1 $0x380;
	s15 =	simm.s32 @!p1 $0x2C00  }
0x119: {  	[tilespmem:s15], [sflag:$0x4] =	stream.indirect.gather @!p1 [spmem:s3], $0x10, s14, s12, $0xb8;
	[tilespmem:$0xF750] =	vst v63  }
0x11a: {  	s12 =	sadd.s32 $0x5, s22  }
0x11b: {  	p3 =	sge.u32 s12, s7  }
0x11c: {  	s12 =	sshll.u32 @!p3 s12, $0xC  }
0x11d: {  	s12 =	sor.u32 @!p3 s10, s12  }
.Ltmp8:
0x11e: {  	s12 =	sshrl.u32 @!p3 s12, $0x3;
	(pc) =	sbr.rel @p4 .LBB2_14-.Ltmp8, $4  }
0x11f: {  	s14 =	simm.s32 @!p3 $0x0;
	s15 =	simm.s32 @!p3 $0x80;
	s12 =	sadd.s32 @!p3 s6, s12  }
0x120: {  	[tilespmem:s15], [sflag:$0x8] =	stream.linear.gather @!p3 [hbm4b:s12+s14], $0x80, $0x38;
	[tilespmem:$0xF750] =	vst v63  }
0x121: {  	s12 =	sadd.s32 @!p3 $0x9C40, s12;
	s15 =	simm.s32 @!p3 $0x280  }
0x122: {  	[tilespmem:s15], [sflag:$0x8] =	stream.linear.gather @!p3 [hbm4b:s12+s14], $0x80, $0x38;
	[tilespmem:$0xF750] =	vst v63  }
0x123: {  	_ =	swait.ge [sflag:s29], $0x800  }
0x124: {  	[sflag:s29] =	ssyncset.done $0x0  }
0x125: {  	[sflag:s29] =	ssyncadd.s32 $0xFFFFF800  }
0x126: {  	_ =	swait.ge [sflag:s1], $0x1000  }
0x127: {  	[sflag:s1] =	ssyncset.done $0x0  }
0x128: {  	s23 =	simm.s32 $0x440;
	[sflag:s1] =	ssyncadd.s32 $0xFFFFF000  }
0x129: {  	s12 =	simm.s32 $0x2420;
	v0 =	vld [tilespmem:s23+$0x30]  }
0x12a: {  	v1 =	vld [tilespmem:s12+$0x10];
	_ =	sdelay $0x2  }
0x12b: {  	v3 =	vld [tilespmem:s12+$0xFFFFFFE0]  }
0x12c: {  	v4 =	vld [tilespmem:s23+$0xFFFFFFF0]  }
0x12d: {  	v5 =	vld [tilespmem:s12+$0xFFFFFFF0];
	v1 =	vadd.f32 v1, v0  }
0x12e: {  	v6 =	vld [tilespmem:s23+$0x10]  }
0x12f: {  	v7 =	vld [tilespmem:s12+$0x0];
	v9 =	vmul.f32 $2.000000030e-01, v1  }
0x130: {  	v8 =	vld [tilespmem:s23+$0xFFFFFFD0];
	vm0 =	vge.f32 v1, $0.0e+00  }
0x131: {  	s24 =	simm.s32 $0x4C0;
	v2 =	vld [tilespmem:s23+$0xFFFFFFE0];
	v9 =	vsel vm0, v1, v9  }
0x132: {  	v10 =	vld [tilespmem:s24+$0x30];
	v5 =	vadd.f32 v5, v4;
	v9 =	vmul.f32 $1.442695020e+00, v9  }
0x133: {  	v12 =	vld [tilespmem:s24+$0xFFFFFFF0]  }
0x134: {  	s12 =	simm.s32 $0x2460;
	v14 =	vld [tilespmem:s23+$0x20];
	v6 =	vadd.f32 v7, v6;
	(erf) = vpow2.f32 v9;
	v9 =	vmul.f32 $2.000000030e-01, v5  }
0x135: {  	v11 =	vld [tilespmem:s12+$0x10];
	v3 =	vadd.f32 v3, v8;
	vm0 =	vge.f32 v5, $0.0e+00  }
0x136: {  	v13 =	vld [tilespmem:s12+$0xFFFFFFF0];
	v8 =	vmul.f32 $2.000000030e-01, v6;
	v5 =	vsel vm0, v5, v9  }
0x137: {  	v0 =	vld [tilespmem:s23+$0xFFFFFFC0];
	vm0 =	vge.f32 v6, $0.0e+00;
	v9 =	vmul.f32 $2.000000030e-01, v3;
	v5 =	vmul.f32 $1.442695020e+00, v5  }
0x138: {  	v4 =	vld [tilespmem:s12+$0xFFFFFFE0];
	v6 =	vsel vm0, v6, v8;
	vm0 =	vge.f32 v3, $0.0e+00  }
0x139: {  	v7 =	vld [tilespmem:s24+$0x10];
	v3 =	vsel vm0, v3, v9;
	v6 =	vmul.f32 $1.442695020e+00, v6;
	(erf) = vpow2.f32 v5  }
0x13a: {  	v11 =	vadd.f32 v11, v10;
	v1 =	vld [tilespmem:s23+$0x0];
	v5 =	vmul.f32 $1.442695020e+00, v3  }
0x13b: {  	v8 =	vld [tilespmem:s12+$0x0];
	(erf) = vpow2.f32 v6  }
0x13c: {  	v15 =	vmul.f32 $2.000000030e-01, v11;
	v9 =	vld [tilespmem:s24+$0xFFFFFFD0];
	(erf) = vpow2.f32 v5  }
0x13d: {  	v10 =	vadd.f32 v13, v12;
	vm0 =	vge.f32 v11, $0.0e+00;
	v3 =	vld [tilespmem:s24+$0xFFFFFFC0]  }
0x13e: {  	v11 =	vsel vm0, v11, v15;
	v6 =	vld [tilespmem:s24+$0xFFFFFFE0];
	v13 =	vpop (erf)  }
0x13f: {  	s14 =	simm.s32 $0x4;
	s15 =	simm.s32 $0x540;
	vm0 =	vge.f32 v10, $0.0e+00;
	v12 =	vmul.f32 $1.442695020e+00, v11;
	v5 =	vld [tilespmem:s24+$0x0];
	[tilespmem:s23+$0x30] =	vst v13;
	v11 =	vmul.f32 v13, v14  }
.LBB2_12:
0x140: {  	v13 =	vld [tilespmem:s15+$0x30];
	v14 =	vmul.f32 $2.000000030e-01, v10;
	v7 =	vadd.f32 v8, v7;
	s12 =	sadd.s32 $0x40, s12  }
0x141: {  	s14 =	sadd.s32 $0x4, s14;
	v8 =	vld [tilespmem:s12+$0x10];
	v9 =	vadd.f32 v4, v9;
	(erf) = vpow2.f32 v12;
	[tilespmem:s23+$0x20] =	vst v11  }
0x142: {  	p3 =	slt.u32 s14, $0x7C;
	v4 =	vld [tilespmem:s12+$0xFFFFFFE0];
	v10 =	vsel vm0, v10, v14;
	vm0 =	vge.f32 v7, $0.0e+00;
	v11 =	vmul.f32 $2.000000030e-01, v7;
	v12 =	vpop (erf)  }
0x143: {  	v14 =	vld [tilespmem:s15+$0xFFFFFFF0];
	vm1 =	vge.f32 v9, $0.0e+00;
	v15 =	vmul.f32 $2.000000030e-01, v9;
	v18 =	vmul.f32 $1.442695020e+00, v10;
	[tilespmem:s23+$0xFFFFFFF0] =	vst v12  }
0x144: {  	v12 =	vmul.f32 v12, v2;
	v2 =	vmov v6;
	v16 =	vld [tilespmem:s12+$0xFFFFFFF0];
	v11 =	vsel vm0, v7, v11;
	v17 =	vpop (erf)  }
0x145: {  	v7 =	vld [tilespmem:s15+$0x10];
	v6 =	vsel vm1, v9, v15;
	v9 =	vmul.f32 $1.442695020e+00, v11;
	(erf) = vpow2.f32 v18;
	[tilespmem:s23+$0x10] =	vst v17;
	v10 =	vpop (erf)  }
0x146: {  	v11 =	vadd.f32 v8, v13;
	v6 =	vmul.f32 $1.442695020e+00, v6;
	v13 =	vld [tilespmem:s24+$0x20];
	v15 =	vmul.f32 v10, v0;
	[tilespmem:s23+$0xFFFFFFE0] =	vst v12;
	v0 =	vmovc v3  }
.Ltmp9:
0x147: {  	v12 =	vmul.f32 v17, v1;
	v1 =	vmov v5;
	v8 =	vld [tilespmem:s12+$0x0];
	(erf) = vpow2.f32 v9;
	[tilespmem:s23+$0xFFFFFFD0] =	vst v10;
	(pc) =	sbr.rel @p3 .LBB2_12-.Ltmp9, $4  }
0x148: {  	v9 =	vld [tilespmem:s15+$0xFFFFFFD0];
	v5 =	vmul.f32 $2.000000030e-01, v11;
	(erf) = vpow2.f32 v6;
	[tilespmem:s23+$0xFFFFFFC0] =	vst v15  }
0x149: {  	vm0 =	vge.f32 v11, $0.0e+00;
	v3 =	vld [tilespmem:s15+$0xFFFFFFC0];
	v10 =	vadd.f32 v16, v14;
	[tilespmem:s23+$0x0] =	vst v12;
	s23 =	smov.u32 s24;
	s24 =	smov.u32 s15  }
0x14a: {  	v6 =	vld [tilespmem:s15+$0xFFFFFFE0];
	v11 =	vsel vm0, v11, v5;
	v14 =	vpop (erf)  }
0x14b: {  	s15 =	sadd.s32 $0x80, s15;
	vm0 =	vge.f32 v10, $0.0e+00;
	v5 =	vld [tilespmem:s24+$0x0];
	v12 =	vmul.f32 $1.442695020e+00, v11;
	[tilespmem:s23+$0x30] =	vst v14;
	v11 =	vmul.f32 v14, v13  }
0x14c: {  	v7 =	vadd.f32 v8, v7  }
0x14d: {  	v51 =	vmul.f32 $2.000000030e-01, v10  }
0x14e: {  	v4 =	vadd.f32 v4, v9;
	v52 =	vmul.f32 $2.000000030e-01, v7  }
0x14f: {  	(erf) = vpow2.f32 v12;
	v8 =	vsel vm0, v10, v51;
	vm15 =	vge.f32 v7, $0.0e+00  }
0x150: {  	v53 =	vmul.f32 $2.000000030e-01, v4;
	v8 =	vmul.f32 $1.442695020e+00, v8;
	v7 =	vsel vm15, v7, v52  }
0x151: {  	vm1 =	vge.f32 v4, $0.0e+00;
	v7 =	vmul.f32 $1.442695020e+00, v7  }
0x152: {  	v4 =	vsel vm1, v4, v53;
	(erf) = vpow2.f32 v8  }
0x153: {  	[tilespmem:s23+$0x20] =	vst v11;
	v54 =	vpop (erf);
	v4 =	vmul.f32 $1.442695020e+00, v4;
	(erf) = vpow2.f32 v7  }
0x154: {  	v56 =	vld [tilespmem:s24+$0x20];
	[tilespmem:s23+$0xFFFFFFF0] =	vst v54;
	v2 =	vmul.f32 v54, v2;
	v55 =	vpop (erf)  }
0x155: {  	[tilespmem:s23+$0x10] =	vst v55;
	(erf) = vpow2.f32 v4  }
0x156: {  	v57 =	vpop (erf);
	[tilespmem:s23+$0xFFFFFFE0] =	vst v2;
	v1 =	vmul.f32 v55, v1  }
0x157: {  	v0 =	vmul.f32 v57, v0;
	[tilespmem:s23+$0xFFFFFFD0] =	vst v57  }
0x158: {  	[tilespmem:s23+$0x0] =	vst v1;
	v58 =	vpop (erf)  }
0x159: {  	[tilespmem:s23+$0xFFFFFFC0] =	vst v0;
	v59 =	vmul.f32 v58, v56  }
0x15a: {  	[tilespmem:s24+$0x30] =	vst v58  }
0x15b: {  	[tilespmem:s24+$0x20] =	vst v59;
	v60 =	vpop (erf)  }
0x15c: {  	[tilespmem:s24+$0xFFFFFFF0] =	vst v60;
	v0 =	vmul.f32 v60, v6;
	v61 =	vpop (erf)  }
0x15d: {  	[tilespmem:s24+$0x10] =	vst v61  }
0x15e: {  	v62 =	vpop (erf);
	[tilespmem:s24+$0xFFFFFFE0] =	vst v0;
	v63 =	vmul.f32 v61, v5  }
0x15f: {  	v3 =	vmul.f32 v62, v3;
	[tilespmem:s24+$0xFFFFFFD0] =	vst v62  }
0x160: {  	[tilespmem:s24+$0x0] =	vst v63  }
0x161: {  	[tilespmem:s24+$0xFFFFFFC0] =	vst v3  }
0x162: {  	[spmem:s2] =	stream.indirect.scatter.add.f32 [tilespmem:s0], [sflag:$0x5], $0x20, s30, s26, $0xb8;
	[tilespmem:$0xF750] =	vst v63  }
.LBB2_14:
0x163: {  	s12 =	simm.s32 @!p2 $0x5  }
0x164: {  	_ =	swait.ge @!p2 [sflag:s12], $0x1000  }
0x165: {  	[sflag:s12] =	ssyncset.done @!p2 $0x0  }
0x166: {  	[sflag:s12] =	ssyncadd.s32 @!p2 $0xFFFFF000;
	s12 =	simm.s32 @!p2 $0x7  }
0x167: {  	_ =	swait.ge @!p2 [sflag:s12], $0x80  }
0x168: {  	[sflag:s12] =	ssyncset.done @!p2 $0x0  }
0x169: {  	[sflag:s12] =	ssyncadd.s32 @!p2 $0xFFFFFF80  }
0x16a: {  	_ =	swait.ge @!p2 [sflag:s12], $0x80  }
0x16b: {  	s14 =	simm.s32 @!p2 $0x0;
	[sflag:s12] =	ssyncset.done @!p2 $0x0  }
0x16c: {  	s15 =	simm.s32 @!p2 $0x400;
	[sflag:s12] =	ssyncadd.s32 @!p2 $0xFFFFFF80;
	s12 =	simm.s32 @!p2 $0x80  }
0x16d: {  	[tilespmem:s15], [sflag:$0x1] =	stream.indirect.gather @!p2 [spmem:s4], $0x20, s14, s12, $0xb8;
	[tilespmem:$0xF750] =	vst v63  }
0x16e: {  	s14 =	simm.s32 @!p2 $0x200;
	s15 =	simm.s32 @!p2 $0x2400  }
0x16f: {  	[tilespmem:s15], [sflag:$0x3] =	stream.indirect.gather @!p2 [spmem:s3], $0x10, s14, s12, $0xb8;
	[tilespmem:$0xF750] =	vst v63  }
0x170: {  	s12 =	sadd.s32 $0x6, s22  }
0x171: {  	p2 =	sge.u32 s12, s7  }
0x172: {  	s12 =	sshll.u32 @!p2 s12, $0xC  }
0x173: {  	s12 =	sor.u32 @!p2 s10, s12  }
.Ltmp10:
0x174: {  	s12 =	sshrl.u32 @!p2 s12, $0x3;
	(pc) =	sbr.rel @p1 .LBB2_18-.Ltmp10, $4  }
0x175: {  	s14 =	simm.s32 @!p2 $0x0;
	s15 =	simm.s32 @!p2 $0x100;
	s12 =	sadd.s32 @!p2 s6, s12  }
0x176: {  	[tilespmem:s15], [sflag:$0x9] =	stream.linear.gather @!p2 [hbm4b:s12+s14], $0x80, $0x38;
	[tilespmem:$0xF750] =	vst v63  }
0x177: {  	s12 =	sadd.s32 @!p2 $0x9C40, s12;
	s15 =	simm.s32 @!p2 $0x300  }
0x178: {  	[tilespmem:s15], [sflag:$0x9] =	stream.linear.gather @!p2 [hbm4b:s12+s14], $0x80, $0x38;
	[tilespmem:$0xF750] =	vst v63  }
0x179: {  	_ =	swait.ge [sflag:s8], $0x800  }
0x17a: {  	[sflag:s8] =	ssyncset.done $0x0  }
0x17b: {  	[sflag:s8] =	ssyncadd.s32 $0xFFFFF800  }
0x17c: {  	_ =	swait.ge [sflag:s9], $0x1000  }
0x17d: {  	[sflag:s9] =	ssyncset.done $0x0  }
0x17e: {  	s22 =	simm.s32 $0x1440;
	[sflag:s9] =	ssyncadd.s32 $0xFFFFF000  }
0x17f: {  	s12 =	simm.s32 $0x2C20;
	v0 =	vld [tilespmem:s22+$0x30]  }
0x180: {  	v1 =	vld [tilespmem:s12+$0x10];
	_ =	sdelay $0x2  }
0x181: {  	v3 =	vld [tilespmem:s12+$0xFFFFFFE0]  }
0x182: {  	v4 =	vld [tilespmem:s22+$0xFFFFFFF0]  }
0x183: {  	v5 =	vld [tilespmem:s12+$0xFFFFFFF0];
	v1 =	vadd.f32 v1, v0  }
0x184: {  	v6 =	vld [tilespmem:s22+$0x10]  }
0x185: {  	v7 =	vld [tilespmem:s12+$0x0];
	v9 =	vmul.f32 $2.000000030e-01, v1  }
0x186: {  	v8 =	vld [tilespmem:s22+$0xFFFFFFD0];
	vm0 =	vge.f32 v1, $0.0e+00  }
0x187: {  	s23 =	simm.s32 $0x14C0;
	v2 =	vld [tilespmem:s22+$0xFFFFFFE0];
	v9 =	vsel vm0, v1, v9  }
0x188: {  	v10 =	vld [tilespmem:s23+$0x30];
	v5 =	vadd.f32 v5, v4;
	v9 =	vmul.f32 $1.442695020e+00, v9  }
0x189: {  	v12 =	vld [tilespmem:s23+$0xFFFFFFF0]  }
0x18a: {  	s12 =	simm.s32 $0x2C60;
	v14 =	vld [tilespmem:s22+$0x20];
	v6 =	vadd.f32 v7, v6;
	(erf) = vpow2.f32 v9;
	v9 =	vmul.f32 $2.000000030e-01, v5  }
0x18b: {  	v11 =	vld [tilespmem:s12+$0x10];
	v3 =	vadd.f32 v3, v8;
	vm0 =	vge.f32 v5, $0.0e+00  }
0x18c: {  	v13 =	vld [tilespmem:s12+$0xFFFFFFF0];
	v8 =	vmul.f32 $2.000000030e-01, v6;
	v5 =	vsel vm0, v5, v9  }
0x18d: {  	v0 =	vld [tilespmem:s22+$0xFFFFFFC0];
	vm0 =	vge.f32 v6, $0.0e+00;
	v9 =	vmul.f32 $2.000000030e-01, v3;
	v5 =	vmul.f32 $1.442695020e+00, v5  }
0x18e: {  	v4 =	vld [tilespmem:s12+$0xFFFFFFE0];
	v6 =	vsel vm0, v6, v8;
	vm0 =	vge.f32 v3, $0.0e+00  }
0x18f: {  	v7 =	vld [tilespmem:s23+$0x10];
	v3 =	vsel vm0, v3, v9;
	v6 =	vmul.f32 $1.442695020e+00, v6;
	(erf) = vpow2.f32 v5  }
0x190: {  	v11 =	vadd.f32 v11, v10;
	v1 =	vld [tilespmem:s22+$0x0];
	v5 =	vmul.f32 $1.442695020e+00, v3  }
0x191: {  	v8 =	vld [tilespmem:s12+$0x0];
	(erf) = vpow2.f32 v6  }
0x192: {  	v15 =	vmul.f32 $2.000000030e-01, v11;
	v9 =	vld [tilespmem:s23+$0xFFFFFFD0];
	(erf) = vpow2.f32 v5  }
0x193: {  	v10 =	vadd.f32 v13, v12;
	vm0 =	vge.f32 v11, $0.0e+00;
	v3 =	vld [tilespmem:s23+$0xFFFFFFC0]  }
0x194: {  	v11 =	vsel vm0, v11, v15;
	v6 =	vld [tilespmem:s23+$0xFFFFFFE0];
	v13 =	vpop (erf)  }
0x195: {  	s14 =	simm.s32 $0x4;
	s15 =	simm.s32 $0x1540;
	vm0 =	vge.f32 v10, $0.0e+00;
	v12 =	vmul.f32 $1.442695020e+00, v11;
	v5 =	vld [tilespmem:s23+$0x0];
	[tilespmem:s22+$0x30] =	vst v13;
	v11 =	vmul.f32 v13, v14  }
.LBB2_16:
0x196: {  	v13 =	vld [tilespmem:s15+$0x30];
	v14 =	vmul.f32 $2.000000030e-01, v10;
	v7 =	vadd.f32 v8, v7;
	s12 =	sadd.s32 $0x40, s12  }
0x197: {  	s14 =	sadd.s32 $0x4, s14;
	v8 =	vld [tilespmem:s12+$0x10];
	v9 =	vadd.f32 v4, v9;
	(erf) = vpow2.f32 v12;
	[tilespmem:s22+$0x20] =	vst v11  }
0x198: {  	p1 =	slt.u32 s14, $0x7C;
	v4 =	vld [tilespmem:s12+$0xFFFFFFE0];
	v10 =	vsel vm0, v10, v14;
	vm0 =	vge.f32 v7, $0.0e+00;
	v11 =	vmul.f32 $2.000000030e-01, v7;
	v12 =	vpop (erf)  }
0x199: {  	v14 =	vld [tilespmem:s15+$0xFFFFFFF0];
	vm1 =	vge.f32 v9, $0.0e+00;
	v15 =	vmul.f32 $2.000000030e-01, v9;
	v18 =	vmul.f32 $1.442695020e+00, v10;
	[tilespmem:s22+$0xFFFFFFF0] =	vst v12  }
0x19a: {  	v12 =	vmul.f32 v12, v2;
	v2 =	vmov v6;
	v16 =	vld [tilespmem:s12+$0xFFFFFFF0];
	v11 =	vsel vm0, v7, v11;
	v17 =	vpop (erf)  }
0x19b: {  	v7 =	vld [tilespmem:s15+$0x10];
	v6 =	vsel vm1, v9, v15;
	v9 =	vmul.f32 $1.442695020e+00, v11;
	(erf) = vpow2.f32 v18;
	[tilespmem:s22+$0x10] =	vst v17;
	v10 =	vpop (erf)  }
0x19c: {  	v11 =	vadd.f32 v8, v13;
	v6 =	vmul.f32 $1.442695020e+00, v6;
	v13 =	vld [tilespmem:s23+$0x20];
	v15 =	vmul.f32 v10, v0;
	[tilespmem:s22+$0xFFFFFFE0] =	vst v12;
	v0 =	vmovc v3  }
.Ltmp11:
0x19d: {  	v12 =	vmul.f32 v17, v1;
	v1 =	vmov v5;
	v8 =	vld [tilespmem:s12+$0x0];
	(erf) = vpow2.f32 v9;
	[tilespmem:s22+$0xFFFFFFD0] =	vst v10;
	(pc) =	sbr.rel @p1 .LBB2_16-.Ltmp11, $4  }
0x19e: {  	v9 =	vld [tilespmem:s15+$0xFFFFFFD0];
	v5 =	vmul.f32 $2.000000030e-01, v11;
	(erf) = vpow2.f32 v6;
	[tilespmem:s22+$0xFFFFFFC0] =	vst v15  }
0x19f: {  	vm0 =	vge.f32 v11, $0.0e+00;
	v3 =	vld [tilespmem:s15+$0xFFFFFFC0];
	v10 =	vadd.f32 v16, v14;
	[tilespmem:s22+$0x0] =	vst v12;
	s22 =	smov.u32 s23;
	s23 =	smov.u32 s15  }
0x1a0: {  	v6 =	vld [tilespmem:s15+$0xFFFFFFE0];
	v11 =	vsel vm0, v11, v5;
	v14 =	vpop (erf)  }
0x1a1: {  	s15 =	sadd.s32 $0x80, s15;
	vm0 =	vge.f32 v10, $0.0e+00;
	v5 =	vld [tilespmem:s23+$0x0];
	v12 =	vmul.f32 $1.442695020e+00, v11;
	[tilespmem:s22+$0x30] =	vst v14;
	v11 =	vmul.f32 v14, v13  }
0x1a2: {  	v7 =	vadd.f32 v8, v7  }
0x1a3: {  	v51 =	vmul.f32 $2.000000030e-01, v10  }
0x1a4: {  	v4 =	vadd.f32 v4, v9;
	v52 =	vmul.f32 $2.000000030e-01, v7  }
0x1a5: {  	(erf) = vpow2.f32 v12;
	v8 =	vsel vm0, v10, v51;
	vm15 =	vge.f32 v7, $0.0e+00  }
0x1a6: {  	v53 =	vmul.f32 $2.000000030e-01, v4;
	v8 =	vmul.f32 $1.442695020e+00, v8;
	v7 =	vsel vm15, v7, v52  }
0x1a7: {  	vm1 =	vge.f32 v4, $0.0e+00;
	v7 =	vmul.f32 $1.442695020e+00, v7  }
0x1a8: {  	v4 =	vsel vm1, v4, v53;
	(erf) = vpow2.f32 v8  }
0x1a9: {  	[tilespmem:s22+$0x20] =	vst v11;
	v54 =	vpop (erf);
	v4 =	vmul.f32 $1.442695020e+00, v4;
	(erf) = vpow2.f32 v7  }
0x1aa: {  	v56 =	vld [tilespmem:s23+$0x20];
	[tilespmem:s22+$0xFFFFFFF0] =	vst v54;
	v2 =	vmul.f32 v54, v2;
	v55 =	vpop (erf)  }
0x1ab: {  	[tilespmem:s22+$0x10] =	vst v55;
	(erf) = vpow2.f32 v4  }
0x1ac: {  	v57 =	vpop (erf);
	[tilespmem:s22+$0xFFFFFFE0] =	vst v2;
	v1 =	vmul.f32 v55, v1  }
0x1ad: {  	v0 =	vmul.f32 v57, v0;
	[tilespmem:s22+$0xFFFFFFD0] =	vst v57  }
0x1ae: {  	[tilespmem:s22+$0x0] =	vst v1;
	v58 =	vpop (erf)  }
0x1af: {  	[tilespmem:s22+$0xFFFFFFC0] =	vst v0;
	v59 =	vmul.f32 v58, v56  }
0x1b0: {  	[tilespmem:s23+$0x30] =	vst v58  }
0x1b1: {  	[tilespmem:s23+$0x20] =	vst v59;
	v60 =	vpop (erf)  }
0x1b2: {  	[tilespmem:s23+$0xFFFFFFF0] =	vst v60;
	v0 =	vmul.f32 v60, v6;
	v61 =	vpop (erf)  }
0x1b3: {  	[tilespmem:s23+$0x10] =	vst v61  }
.Ltmp12:
0x1b4: {  	v62 =	vpop (erf);
	[tilespmem:s23+$0xFFFFFFE0] =	vst v0;
	v63 =	vmul.f32 v61, v5;
	(pc) =	sbr.rel .LBB2_18-.Ltmp12, $4  }
0x1b5: {  	v3 =	vmul.f32 v62, v3;
	[tilespmem:s23+$0xFFFFFFD0] =	vst v62  }
0x1b6: {  	[tilespmem:s23+$0x0] =	vst v63  }
0x1b7: {  	[tilespmem:s23+$0xFFFFFFC0] =	vst v3  }
0x1b8: {  	[spmem:s2] =	stream.indirect.scatter.add.f32 [tilespmem:s11], [sflag:$0x6], $0x20, s13, s26, $0xb8;
	[tilespmem:$0xF750] =	vst v63  }
.LBB2_20:
0x1b9: {  	_ =	sfence.sel $0x180000  }
0x1ba: {  	[bflag:$0x0] =	sbarrier.arrive $0xFFFF  }
0x1bb: {  	_ =	strace $0x9000004A  }
0x1bc: {  	s0 =	stileid.u32;
	[bflag:$0x2] =	sbarrier.arrive $0xFFFF  }
0x1bd: {  	p0 =	sne.s32 s0, $0x0;
	s0 =	rddreg [dreg:$0x5]  }
0x1be: {  	s0 =	sadd.s32 @!p0 $0x100000, s0  }
0x1bf: {  	[sflag:s0] =	ssyncadd.tile.s32 @!p0 $0x1;
	_ =	shalt  }
.Lfunc_end2:
_tile_overlayer_lowered:
.L_overlay_start_2:
0x1c0: {  	(tag) =	ssettag $0x2  }
0x1c1: {  	s0 =	rddreg [dreg:$0x0];
	s2 =	stileid.u32  }
0x1c2: {  	s1 =	rddreg [dreg:$0x1];
	p0 =	sne.s32 s2, $0x0  }
0x1c3: {  	s3 =	rddreg [dreg:$0x2];
	[bflag:$0x3] =	sbarrier.arrive $0xFFFF;
	s2 =	simm.s32 @!p0 $0x1C0B  }
0x1c4: {  	[timem:s3], [sflag:s2] =	dma.local @!p0 [hbm:s0], s1  }
0x1c5: {  	s0 =	simm.s32 @!p0 $0xB  }
0x1c6: {  	_ =	swait.ge @!p0 [sflag:s0], s1  }
0x1c7: {  	s1 =	ssub.s32 @!p0 $0x0, s1;
	[sflag:s0] =	ssyncset.done @!p0 $0x0  }
0x1c8: {  	[sflag:s0] =	ssyncadd.s32 @!p0 s1  }
0x1c9: {  	[bflag:$0x3] =	sbarrier.arrive $0xFFFF  }
0x1ca: {  	_ =	shalt  }

// kernel: kernel.7.cloned.1.call-start
scs
__scs_entry_jumppad:
0x0: {  	(pc) =	sbr.rel $0x88, $3  }
0x1: {  	(tag) =	ssettag $0x0;
	lr =	simm.s32 $0x1  }
0x2: {  	[smem:$0x3F9B] =	sst lr;
	_ =	strace $0xD0000000  }
0x3: {  	_ = 	snop  }
0x4: {  	_ = 	snop  }
0x5: {  	_ = 	snop  }
0x6: {  	_ = 	snop  }
0x7: {  	_ = 	snop  }
__scs_overlays_trampoline_lowered:
0x8: {  	[smem:$0x3FAA] =	sst s0  }
0x9: {  	[smem:$0x3FAB] =	sst s1  }
0xa: {  	[smem:$0x3FAC] =	sst s2  }
0xb: {  	[smem:$0x3FAD] =	sst s3  }
0xc: {  	[smem:$0x3FAE] =	sst s4  }
0xd: {  	[smem:$0x3FAF] =	sst s5  }
0xe: {  	[smem:$0x3FB0] =	sst s6  }
0xf: {  	[smem:$0x3FB1] =	sst s7  }
0x10: {  	[smem:$0x3FB2] =	sst s8  }
0x11: {  	[smem:$0x3FB3] =	sst s9;
	s0 =	simm.s32 @!p0 $0x0  }
0x12: {  	s1 =	sld [smem:$0x3F99];
	s0 =	simm.s32 @p0 $0x1  }
0x13: {  	[smem:$0x3FB4] =	sst s0;
	s0 =	simm.s32 @!p1 $0x0  }
0x14: {  	s2 =	sld [smem:$0x3F98];
	s0 =	simm.s32 @p1 $0x1  }
0x15: {  	[smem:$0x3FB5] =	sst s0;
	s0 =	simm.s32 @!p2 $0x0  }
0x16: {  	s3 =	sld [smem:$0x3FDB];
	s0 =	simm.s32 @p2 $0x1  }
0x17: {  	s4 =	simm.s32 $0x1BF5;
	[smem:$0x3FB7] =	sst s0  }
0x18: {  	s0 =	sld [smem:$0x3F9A];
	_ =	swait.ge [sflag:s4], $0x0  }
0x19: {  	s7 =	sld [smem:$0x3F9B]  }
0x1a: {  	s8 =	sadd.s32 $0xFFFFE003, lr  }
0x1b: {  	s9 =	sadd.s32 $0xFFFFFEF7, lr;
	s5 =	simm.s32 $0xFFFFFFFF;
	p2 =	slt.u32 s8, $0xFFFFF086  }
0x1c: {  	p1 =	slt.u32 s9, $0xF7A;
	s5 =	simm.s32 @!p2 $0x0  }
0x1d: {  	s5 =	simm.s32 @p1 $0x1;
	p0 =	seq.s32 s7, s2  }
0x1e: {  	s7 =	smul.u32 @!p0 $0xF7A, s2;
	p2 =	seq.s32 @!p0 s5, $0x0  }
0x1f: {  	s9 =	smul.u32 $0xF7A, s1;
	s8 =	simm.s32 @!p0 $0x1BF5;
	p2 =	por !p2, p0  }
0x20: {  	[sflag:s8] =	ssyncset.s32 @!p0 $0xFFFFF086;
	s6 =	sadd.s32 @!p0 s3, s7;
	s7 =	simm.s32 @!p0 $0x108  }
0x21: {  	s3 =	sadd.s32 s3, s9;
	s6 =	sadd.s32 @!p0 $0x88, s6;
	s7 =	simm.s32 @p2 $0x1082  }
0x22: {  	[simem:s7], [sflag:s8] =	dma.local @!p0 [hbm:s6], $0xF7A  }
0x23: {  	s9 =	sor.u32 $0xD0000000, s2;
	s6 =	simm.s32 $0x108;
	_ =	swait.ge @!p0 [sflag:s8], $0x0  }
0x24: {  	s3 =	sadd.s32 $0x88, s3;
	s6 =	simm.s32 @!p1 $0x1082;
	[sflag:s4] =	ssyncset.s32 $0xFFFFF086  }
0x25: {  	[simem:s6], [sflag:s4] =	dma.local [hbm:s3], $0xF7A  }
0x26: {  	[smem:$0x3F9B] =	sst s1;
	(tag) =	ssettag s2;
	_ =	strace s9  }
0x27: {  	s1 =	sld [smem:$0x3FAB]  }
0x28: {  	s2 =	sld [smem:$0x3FAC]  }
0x29: {  	s4 =	sld [smem:$0x3FAE]  }
0x2a: {  	p0 =	seq.s32 s5, $0x0;
	s5 =	sld [smem:$0x3FAF]  }
0x2b: {  	s6 =	sld [smem:$0x3FB0]  }
0x2c: {  	s7 =	sld [smem:$0x3FB1]  }
0x2d: {  	s3 =	simm.s32 $0x108;
	s8 =	sld [smem:$0x3FB2]  }
0x2e: {  	s3 =	simm.s32 @!p0 $0x1082;
	s9 =	sld [smem:$0x3FB3]  }
0x2f: {  	lr =	sadd.s32 s0, s3;
	s0 =	sld [smem:$0x3FAA]  }
0x30: {  	s3 =	sld [smem:$0x3FAD]  }
0x31: {  	[smem:$0x3FB6] =	sst s10  }
0x32: {  	s10 =	sld [smem:$0x3FB4];
	_ =	sdelay $0x3  }
0x33: {  	p0 =	seq.s32 s10, $0x1;
	s10 =	sld [smem:$0x3FB6];
	_ =	sdelay $0x3  }
0x34: {  	[smem:$0x3FB6] =	sst s10  }
0x35: {  	s10 =	sld [smem:$0x3FB5];
	_ =	sdelay $0x3  }
0x36: {  	p1 =	seq.s32 s10, $0x1;
	s10 =	sld [smem:$0x3FB6];
	_ =	sdelay $0x3  }
0x37: {  	[smem:$0x3FB6] =	sst s10  }
0x38: {  	s10 =	sld [smem:$0x3FB7]  }
0x39: {  	_ = 	snop;
	(pc) =	sbr.ind lr, $3  }
0x3a: {  	_ = 	snop  }
0x3b: {  	_ = 	snop  }
0x3c: {  	p2 =	seq.s32 s10, $0x1;
	s10 =	sld [smem:$0x3FB6]  }
0x3d: {  	_ =	shalt  }
0x3e: {  	_ =	shalt  }
0x3f: {  	_ =	shalt  }
0x40: {  	_ =	shalt  }
0x41: {  	_ =	shalt  }
0x42: {  	_ =	shalt  }
0x43: {  	_ =	shalt  }
0x44: {  	_ =	shalt  }
0x45: {  	_ =	shalt  }
0x46: {  	_ =	shalt  }
0x47: {  	_ =	shalt  }
0x48: {  	_ =	shalt  }
0x49: {  	_ =	shalt  }
0x4a: {  	_ =	shalt  }
0x4b: {  	_ =	shalt  }
0x4c: {  	_ =	shalt  }
0x4d: {  	_ =	shalt  }
0x4e: {  	_ =	shalt  }
0x4f: {  	_ =	shalt  }
0x50: {  	_ =	shalt  }
0x51: {  	_ =	shalt  }
0x52: {  	_ =	shalt  }
0x53: {  	_ =	shalt  }
0x54: {  	_ =	shalt  }
0x55: {  	_ =	shalt  }
0x56: {  	_ =	shalt  }
0x57: {  	_ =	shalt  }
0x58: {  	_ =	shalt  }
0x59: {  	_ =	shalt  }
0x5a: {  	_ =	shalt  }
0x5b: {  	_ =	shalt  }
0x5c: {  	_ =	shalt  }
0x5d: {  	_ =	shalt  }
0x5e: {  	_ =	shalt  }
0x5f: {  	_ =	shalt  }
0x60: {  	_ =	shalt  }
0x61: {  	_ =	shalt  }
0x62: {  	_ =	shalt  }
0x63: {  	_ =	shalt  }
0x64: {  	_ =	shalt  }
0x65: {  	_ =	shalt  }
0x66: {  	_ =	shalt  }
0x67: {  	_ =	shalt  }
0x68: {  	_ =	shalt  }
0x69: {  	_ =	shalt  }
0x6a: {  	_ =	shalt  }
0x6b: {  	_ =	shalt  }
0x6c: {  	_ =	shalt  }
0x6d: {  	_ =	shalt  }
0x6e: {  	_ =	shalt  }
0x6f: {  	_ =	shalt  }
0x70: {  	_ =	shalt  }
0x71: {  	_ =	shalt  }
0x72: {  	_ =	shalt  }
0x73: {  	_ =	shalt  }
0x74: {  	_ =	shalt  }
0x75: {  	_ =	shalt  }
0x76: {  	_ =	shalt  }
0x77: {  	_ =	shalt  }
0x78: {  	_ =	shalt  }
0x79: {  	_ =	shalt  }
0x7a: {  	_ =	shalt  }
0x7b: {  	_ =	shalt  }
0x7c: {  	_ =	shalt  }
0x7d: {  	_ =	shalt  }
0x7e: {  	_ =	shalt  }
0x7f: {  	_ =	shalt  }
0x80: {  	_ =	shalt  }
0x81: {  	_ =	shalt  }
0x82: {  	_ =	shalt  }
0x83: {  	_ =	shalt  }
0x84: {  	_ =	shalt  }
0x85: {  	_ =	shalt  }
0x86: {  	_ =	shalt  }
0x87: {  	_ =	shalt  }
.Lfunc_end0:
.L_simem_size_0:
called_computation_lowered:
.L_overlay_start_0:
0x88: {  	s2 =	sld [smem:$0x3FD9]  }
0x89: {  	s3 =	sld [smem:$0x3FFE];
	_ =	sdelay $0x1  }
0x8a: {  	s1 =	srdreg.scid  }
0x8b: {  	s0 =	sand.u32 $0x1, s1  }
0x8c: {  	s17 =	sshll.u32 s0, $0xA;
	s2 =	sadd.s32 s3, s2  }
0x8d: {  	s2 =	sadd.s32 s2, s17  }
0x8e: {  	[smem:$0x3FC2] =	sst s2  }
0x8f: {  	_ = 	snop  }
0x90: {  	s2 =	sld [smem:$0x3FD0];
	(tm) =	ssettm $0x1  }
0x91: {  	s18 =	sld [smem:$0x3FFB];
	_ =	sdelay $0x3  }
0x92: {  	_ =	strace s18  }
0x93: {  	s3 =	sld [smem:$0x3FFC];
	_ =	sdelay $0x3  }
0x94: {  	_ =	strace s3  }
0x95: {  	s3 =	sld [smem:$0x3FFD];
	_ =	sdelay $0x3  }
0x96: {  	_ =	strace s3  }
0x97: {  	_ =	strace $0x8FFFFFFF  }
0x98: {  	s19 =	sld [smem:$0x3FDB];
	_ =	sdelay $0x1  }
0x99: {  	s4 =	simm.s32 $_scs_section_size  }
0x9a: {  	s5 =	simm.s32 $_size__tile_overlayer_lowered;
	s6 =	simm.s32 $_tile_overlayer_lowered  }
0x9b: {  	s22 =	simm.s32 $0x1BFF;
	s21 =	sshll.u32 s6, $0x1;
	s3 =	sadd.s32 s4, s19  }
0x9c: {  	s7 =	simm.s32 $0x0;
	s20 =	sshll.u32 s5, $0x1;
	s5 =	sadd.s32 s21, s3  }
0x9d: {  	[timem:s7], [sflag:s22] =	dma.local [hbm:s5], s20  }
0x9e: {  	_ =	swait.ge [sflag:s22], s20  }
0x9f: {  	s4 =	ssub.s32 $0x0, s20;
	[sflag:s22] =	ssyncset.done $0x0  }
0xa0: {  	[sflag:s22] =	ssyncadd.s32 s4;
	_ =	sdelay $0x1  }
0xa1: {  	s23 =	simm.s32 $0x1B8B  }
0xa2: {  	_ =	swait.ge [sflag:s23], $0x1  }
0xa3: {  	[sflag:s23] =	ssyncset.done $0x0  }
0xa4: {  	s25 =	simm.s32 $0x1B8E;
	s24 =	sld [smem:$0x3FFE];
	[sflag:s23] =	ssyncadd.s32 $0xFFFFFFFF  }
0xa5: {  	s26 =	simm.s32 $execute0_lowered;
	[smem:$0x3FD2] =	sst s25  }
0xa6: {  	s5 =	sshll.u32 s26, $0x1;
	_ =	strace $0x80000046;
	[dreg:$0x1] =	wrdreg $0xFFFFFFFF  }
0xa7: {  	s28 =	simm.s32 $_size_execute0_lowered;
	s3 =	sadd.s32 s3, s5;
	[dreg:$0x0] =	wrdreg $0x0  }
0xa8: {  	s5 =	sshll.u32 s28, $0x1;
	[dreg:$0x2] =	wrdreg s3  }
0xa9: {  	[dreg:$0x3] =	wrdreg s5  }
0xaa: {  	[dreg:$0x4] =	wrdreg $0xC0  }
0xab: {  	_ =	task [dreg:s7], $0x5FFFF  }
0xac: {  	[dreg:$0x1] =	wrdreg $0xFFFFFFFF  }
0xad: {  	[dreg:$0x0] =	wrdreg $0x60  }
0xae: {  	[dreg:$0x2] =	wrdreg s24  }
0xaf: {  	[dreg:$0x3] =	wrdreg s2  }
0xb0: {  	[dreg:$0x4] =	wrdreg $0x66800  }
0xb1: {  	[dreg:$0x5] =	wrdreg $0x1C6100  }
0xb2: {  	[dreg:$0x6] =	wrdreg $0x9  }
0xb3: {  	_ =	task.clear_ibuf [dreg:s7], $0x7FFFF;
	_ =	strace $0x90000046  }
0xb4: {  	s29 =	simm.s32 $0x9;
	_ =	strace $0x80000048  }
0xb5: {  	_ =	swait.ge [sflag:s29], $0x1  }
0xb6: {  	[sflag:s29] =	ssyncadd.s32 $0xFFFFFFFF  }
0xb7: {  	_ =	strace $0x90000048  }
0xb8: {  	_ =	sfence  }
0xb9: {  	s30 =	sld [smem:$0x0];
	_ =	sdelay $0x2  }
0xba: {  	s31 =	sshll.u32 s1, $0xD;
	s1 =	sshrl.u32 s1, $0x2  }
0xbb: {  	s3 =	sand.u32 $0x4000, s31;
	s1 =	sadd.s32 s1, s30  }
0xbc: {  	s0 =	sor.u32 s3, s0;
	s1 =	sshll.u32 s1, $0x11  }
0xbd: {  	s0 =	sor.u32 s1, s0  }
0xbe: {  	s0 =	sadd.s32 $0x8F2B, s0  }
0xbf: {  	[sflag:s0] =	ssyncadd.remote.s32 $0x1  }
0xc0: {  	_ =	sfence.sel $0xFFFF  }
0xc1: {  	[dreg:$0x0] =	wrdreg $0xFFFFFFFF;
	(pc) =	sbr.abs _section_cstart, $3  }
0xc2: {  	[dreg:$0x1] =	wrdreg $0xFFFFFFFF  }
0xc3: {  	_ =	task.clear_ibuf [dreg:s7], $0x2FFFF;
	_ =	strace $0x9FFFFFFF  }
0xc4: {  	(tm) =	ssettm $0x7FFFFFFF  }
0xc5: {  	_ =	shalt  }
tec
execute0_lowered:
.L_overlay_start_1:
0x0: {  	(tag) =	ssettag $0x1  }
0x1: {  	s0 =	rddreg [dreg:$0x0]  }
0x2: {  	s2 =	rddreg [dreg:$0x1]  }
0x3: {  	s1 =	rddreg [dreg:$0x2]  }
0x4: {  	s3 =	rddreg [dreg:$0x3];
	s4 =	simm.s32 $0x0;
	s14 =	stileid.u32  }
0x5: {  	s5 =	srdreg.scid;
	s28 =	simm.s32 $0xA0;
	s29 =	simm.s32 $0x1E0  }
0x6: {  	s31 =	simm.s32 $0x280;
	[smem:$0x7FF] =	sst s4;
	s8 =	smul.u32 $0x23280, s14  }
0x7: {  	s7 =	sand.u32 $0x1, s5;
	s5 =	sadd.s32 $0x2DA00, s0;
	s6 =	sadd.s32 $0x1A00, s0  }
0x8: {  	s11 =	sshll.u32 s14, $0x1;
	s19 =	smul.u32 $0x3E80, s14;
	p0 =	sgt.u32 s14, $0x9  }
0x9: {  	_ =	strace $0x80000047;
	s10 =	smul.u32 $0x15F900, s7;
	s12 =	ssub.s32 $0x2, s7  }
0xa: {  	s7 =	sor.u32 s7, s11;
	s9 =	sshrl.u32 s8, $0x3;
	s30 =	sshrl.u32 s12, $0x1  }
0xb: {  	s13 =	smul.u32 $0x50, s7;
	s11 =	sshrl.u32 s19, $0x3;
	s16 =	sor.u32 $0x80, s7  }
0xc: {  	s17 =	sor.u32 $0xA0, s7;
	s18 =	sor.u32 $0xC0, s7;
	s9 =	sadd.s32 s9, s0  }
0xd: {  	s10 =	sadd.s32 s8, s10;
	s15 =	ssub.s32 s12, s30;
	s2 =	sadd.s32 s2, s11  }
0xe: {  	s8 =	sadd.s32 s8, s1;
	s30 =	simm.s32 $0x0;
	[dreg:$0x7] =	wrdreg s2  }
0xf: {  	s12 =	sadd.s32 s19, s3;
	s9 =	sadd.s32 $0x41400, s9;
	[dreg:$0x12] =	wrdreg s30  }
0x10: {  	s20 =	sshrl.u32 s13, $0x3;
	s26 =	smax.u32 s15, $0x1;
	[dreg:$0x5] =	wrdreg s9  }
0x11: {  	s11 =	simm.s32 $0x3;
	s9 =	sadd.s32 s5, s20;
	[dreg:$0xe] =	wrdreg s26  }
0x12: {  	s19 =	simm.s32 $0x5;
	s21 =	sadd.s32 $0x9C40, s9;
	[dreg:$0x6] =	wrdreg s9  }
0x13: {  	s10 =	sshrl.u32 s10, $0x3;
	s22 =	sadd.s32 $0x140, s9;
	[dreg:$0x8] =	wrdreg s21  }
0x14: {  	s2 =	simm.s32 $0x8;
	s23 =	sadd.s32 $0x9D80, s9;
	[dreg:$0x9] =	wrdreg s22  }
0x15: {  	s13 =	simm.s32 $0x4;
	s24 =	sadd.s32 $0x280, s9;
	[dreg:$0xa] =	wrdreg s23  }
0x16: {  	s0 =	sadd.s32 s10, s0;
	s25 =	sadd.s32 $0x9EC0, s9;
	[dreg:$0xb] =	wrdreg s24  }
0x17: {  	s26 =	simm.s32 $0x190;
	s0 =	sadd.s32 $0x6D400, s0;
	[dreg:$0xc] =	wrdreg s25  }
0x18: {  	s10 =	simm.s32 $0x6180;
	s20 =	simm.s32 $0x6;
	[dreg:$0xd] =	wrdreg s0  }
.Ltmp0:
0x19: {  	s0 =	sshll.u32 @!p0 s14, $0x6;
	s22 =	sshrl.u32 @!p0 s8, $0x3;
	(pc) =	sbr.rel .LBB2_1-.Ltmp0, $4  }
0x1a: {  	s24 =	simm.s32 $0x140;
	s25 =	simm.s32 $0x50;
	s8 =	simm.s32 $0x2F80  }
0x1b: {  	s21 =	sor.u32 @!p0 $0x1C0B, s0;
	s0 =	sshrl.u32 @!p0 s12, $0x3;
	[dreg:$0x10] =	wrdreg s22  }
0x1c: {  	s14 =	simm.s32 $0x2;
	s23 =	simm.s32 $0x9;
	[dreg:$0x11] =	wrdreg s0  }
0x1d: {  	s12 =	simm.s32 $0x1;
	s0 =	simm.s32 $0x5C80;
	[dreg:$0xf] =	wrdreg s21  }
.LBB2_23:
0x1e: {  	_ =	swait.ge [sflag:s19], $0x2D00  }
0x1f: {  	[sflag:s19] =	ssyncset.done $0x0  }
0x20: {  	[sflag:s19] =	ssyncadd.s32 $0xFFFFD300  }
0x21: {  	_ =	swait.ge [sflag:s20], $0x2D00  }
0x22: {  	[sflag:s20] =	ssyncset.done $0x0  }
0x23: {  	[sflag:s20] =	ssyncadd.s32 $0xFFFFD300  }
0x24: {  	[bflag:$0x0] =	sbarrier.arrive $0xFFFF  }
0x25: {  	s9 =	rddreg [dreg:$0xd]  }
0x26: {  	s21 =	rddreg [dreg:$0xf]  }
0x27: {  	s22 =	rddreg [dreg:$0x10]  }
0x28: {  	[hbm:s9], [sflag:s21] =	dma.local @!p0 [spmem:s22], $0x4650  }
0x29: {  	s9 =	simm.s32 @!p0 $0xB  }
0x2a: {  	_ =	swait.ge @!p0 [sflag:s9], $0x4650  }
0x2b: {  	s30 =	rddreg [dreg:$0x12]  }
0x2c: {  	s15 =	rddreg [dreg:$0xe];
	s30 =	sadd.s32 $0x1, s30  }
0x2d: {  	p1 =	sne.s32 s30, s15  }
.Ltmp1:
0x2e: {  	_ = 	snop;
	(pc) =	sbr.rel @!p1 .LBB2_24-.Ltmp1, $3  }
0x2f: {  	_ =	sdelay $0x1  }
0x30: {  	[sflag:s9] =	ssyncset.done @!p0 $0x0  }
0x31: {  	[sflag:s9] =	ssyncadd.s32 @!p0 $0xFFFFB9B0;
	[dreg:$0x12] =	wrdreg s30  }
.LBB2_1:
0x32: {  	s9 =	rddreg [dreg:$0x5]  }
0x33: {  	[spmem:s22], [sflag:s21] =	dma.local @!p0 [hbm:s9], $0x4650  }
0x34: {  	s9 =	simm.s32 @!p0 $0xB  }
0x35: {  	_ =	swait.ge @!p0 [sflag:s9], $0x4650  }
0x36: {  	[sflag:s9] =	ssyncset.done @!p0 $0x0;
	s15 =	rddreg [dreg:$0x7]  }
0x37: {  	s22 =	rddreg [dreg:$0x11];
	[sflag:s9] =	ssyncadd.s32 @!p0 $0xFFFFB9B0  }
0x38: {  	[spmem:s22], [sflag:s21] =	dma.local @!p0 [hbm:s15], $0x7D0  }
0x39: {  	_ =	swait.ge @!p0 [sflag:s9], $0x7D0  }
0x3a: {  	[sflag:s9] =	ssyncset.done @!p0 $0x0  }
0x3b: {  	[sflag:s9] =	ssyncadd.s32 @!p0 $0xFFFFF830  }
0x3c: {  	[bflag:$0x0] =	sbarrier.arrive $0xFFFF  }
0x3d: {  	s21 =	rddreg [dreg:$0x6]  }
0x3e: {  	[tilespmem:s4], [sflag:$0x7] =	stream.linear.gather [hbm4b:s21+s4], $0x50, $0x38;
	[tilespmem:$0x1ED20] =	vst v63  }
0x3f: {  	s22 =	rddreg [dreg:$0x8]  }
0x40: {  	[tilespmem:s24], [sflag:$0x7] =	stream.linear.gather [hbm4b:s22+s4], $0x50, $0x38;
	[tilespmem:$0x1ED20] =	vst v63  }
0x41: {  	s30 =	rddreg [dreg:$0x9]  }
0x42: {  	[tilespmem:s25], [sflag:$0x8] =	stream.linear.gather [hbm4b:s30+s4], $0x50, $0x38;
	[tilespmem:$0x1ED20] =	vst v63  }
0x43: {  	s15 =	rddreg [dreg:$0xa]  }
0x44: {  	[tilespmem:s26], [sflag:$0x8] =	stream.linear.gather [hbm4b:s15+s4], $0x50, $0x38;
	[tilespmem:$0x1ED20] =	vst v63  }
0x45: {  	s21 =	rddreg [dreg:$0xb]  }
0x46: {  	[tilespmem:s28], [sflag:$0x9] =	stream.linear.gather [hbm4b:s21+s4], $0x50, $0x38;
	[tilespmem:$0x1ED20] =	vst v63  }
0x47: {  	s22 =	rddreg [dreg:$0xc];
	s30 =	simm.s32 $0x7  }
0x48: {  	[tilespmem:s29], [sflag:$0x9] =	stream.linear.gather [hbm4b:s22+s4], $0x50, $0x38;
	[tilespmem:$0x1ED20] =	vst v63  }
0x49: {  	_ =	swait.ge [sflag:s30], $0x50  }
0x4a: {  	[sflag:s30] =	ssyncset.done $0x0  }
0x4b: {  	[sflag:s30] =	ssyncadd.s32 $0xFFFFFFB0  }
0x4c: {  	_ =	swait.ge [sflag:s30], $0x50  }
.Ltmp2:
0x4d: {  	[sflag:s30] =	ssyncset.done $0x0;
	(pc) =	sbr.rel .LBB2_2-.Ltmp2, $4  }
0x4e: {  	[sflag:s30] =	ssyncadd.s32 $0xFFFFFFB0  }
0x4f: {  	[tilespmem:s31], [sflag:$0x1] =	stream.indirect.gather [hbm4b:s6+s25], $0x90, s4, s25, $0xb8;
	[tilespmem:$0x1ED20] =	vst v63  }
0x50: {  	s22 =	simm.s32 $0x0  }
0x51: {  	[tilespmem:s0], [sflag:$0x3] =	stream.indirect.gather [spmem:s3], $0x10, s24, s25, $0xb8;
	[tilespmem:$0x1ED20] =	vst v63  }
.LBB2_22:
0x52: {  	s22 =	sadd.s32 $0x1, s22  }
0x53: {  	p1 =	sne.s32 s22, $0x20  }
.Ltmp3:
0x54: {  	_ = 	snop;
	(pc) =	sbr.rel @!p1 .LBB2_23-.Ltmp3, $1  }
0x55: {  	_ =	sdelay $0x3  }
.LBB2_2:
0x56: {  	p1 =	seq.s32 s22, $0x0  }
.Ltmp4:
0x57: {  	_ = 	snop;
	(pc) =	sbr.rel @p1 .LBB2_5-.Ltmp4, $1  }
0x58: {  	_ =	sdelay $0x3  }
0x59: {  	p2 =	seq.s32 s22, $0x1F  }
.Ltmp5:
0x5a: {  	_ = 	snop;
	(pc) =	sbr.rel @p2 .LBB2_6-.Ltmp5, $2  }
0x5b: {  	_ =	sdelay $0x2  }
0x5c: {  	p1 =	por $0x0, $0x0  }
0x5d: {  	_ =	swait.ge [sflag:s20], $0x2D00  }
0x5e: {  	[sflag:s20] =	ssyncset.done $0x0  }
0x5f: {  	[sflag:s20] =	ssyncadd.s32 $0xFFFFD300  }
.LBB2_5:
0x60: {  	_ =	swait.ge [sflag:s2], $0x50;
	s9 =	sshll.u32 s22, $0x2  }
0x61: {  	[sflag:s2] =	ssyncset.done $0x0;
	s9 =	sor.u32 $0x3, s9  }
0x62: {  	[sflag:s2] =	ssyncadd.s32 $0xFFFFFFB0;
	p2 =	sgt.u32 s9, $0x7C  }
0x63: {  	_ =	swait.ge [sflag:s2], $0x50;
	s9 =	sshll.u32 @!p2 s9, $0x5  }
0x64: {  	[sflag:s2] =	ssyncset.done $0x0;
	s9 =	sor.u32 @!p2 s7, s9  }
0x65: {  	[sflag:s2] =	ssyncadd.s32 $0xFFFFFFB0;
	s9 =	smul.u32 @!p2 $0x50, s9  }
0x66: {  	[tilespmem:s8], [sflag:$0x2] =	stream.indirect.gather [hbm4b:s6+s25], $0x90, s25, s25, $0xb8;
	[tilespmem:$0x1ED20] =	vst v63  }
0x67: {  	p1 =	por $0x0, $0x0;
	s15 =	simm.s32 @!p2 $0x0;
	s9 =	sshrl.u32 @!p2 s9, $0x3  }
0x68: {  	[tilespmem:s10], [sflag:$0x4] =	stream.indirect.gather [spmem:s3], $0x10, s26, s25, $0xb8;
	[tilespmem:$0x1ED20] =	vst v63  }
0x69: {  	s21 =	simm.s32 @!p2 $0xF0;
	p3 =	por @!p2 $0x1, $0x1;
	s9 =	sadd.s32 @!p2 s5, s9  }
0x6a: {  	[tilespmem:s21], [sflag:$0xA] =	stream.linear.gather @!p2 [hbm4b:s9+s15], $0x50, $0x38;
	[tilespmem:$0x1ED20] =	vst v63  }
0x6b: {  	p1 =	por @!p2 p3, p3;
	s9 =	sadd.s32 @!p2 $0x9C40, s9;
	s21 =	simm.s32 @!p2 $0x230  }
0x6c: {  	[tilespmem:s21], [sflag:$0xA] =	stream.linear.gather @!p2 [hbm4b:s9+s15], $0x50, $0x38;
	[tilespmem:$0x1ED20] =	vst v63  }
.LBB2_6:
0x6d: {  	_ =	swait.ge [sflag:s11], $0x500  }
0x6e: {  	[sflag:s11] =	ssyncset.done $0x0  }
0x6f: {  	[sflag:s11] =	ssyncadd.s32 $0xFFFFFB00  }
0x70: {  	_ =	swait.ge [sflag:s12], $0x2D00  }
0x71: {  	[sflag:s12] =	ssyncset.done $0x0  }
0x72: {  	s30 =	simm.s32 $0x3A0;
	[sflag:s12] =	ssyncadd.s32 $0xFFFFD300  }
0x73: {  	s21 =	simm.s32 $0x5CA0;
	v0 =	vld [tilespmem:s30+$0x110]  }
0x74: {  	v1 =	vld [tilespmem:s21+$0x10]  }
0x75: {  	v3 =	vld [tilespmem:s30+$0xFFFFFFF0]  }
0x76: {  	v4 =	vld [tilespmem:s21+$0xFFFFFFF0]  }
0x77: {  	v5 =	vld [tilespmem:s30+$0x80]  }
0x78: {  	v9 =	vld [tilespmem:s21+$0x0]  }
0x79: {  	v2 =	vld [tilespmem:s21+$0xFFFFFFE0];
	v0 =	vadd.f32 v1, v0  }
0x7a: {  	v34 =	vld [tilespmem:s30+$0xFFFFFEE0]  }
0x7b: {  	v6 =	vld [tilespmem:s30+$0xFFFFFEF0];
	v3 =	vadd.f32 v4, v3;
	v8 =	vmul.f32 $2.000000030e-01, v0  }
0x7c: {  	v7 =	vld [tilespmem:s30+$0xFFFFFF00];
	vm0 =	vge.f32 v0, $0.0e+00  }
0x7d: {  	v1 =	vld [tilespmem:s30+$0xFFFFFF60];
	v4 =	vadd.f32 v9, v5;
	v5 =	vmul.f32 $2.000000030e-01, v3;
	v0 =	vsel vm0, v0, v8  }
0x7e: {  	v10 =	vld [tilespmem:s30+$0xFFFFFF30];
	vm14 =	vge.f32 v3, $0.0e+00;
	v0 =	vmul.f32 $1.442695020e+00, v0  }
0x7f: {  	v11 =	vld [tilespmem:s30+$0xFFFFFF40];
	v3 =	vsel vm14, v3, v5  }
0x80: {  	v12 =	vld [tilespmem:s30+$0xFFFFFF50];
	v3 =	vmul.f32 $1.442695020e+00, v3;
	(erf) = vpow2.f32 v0  }
0x81: {  	v13 =	vld [tilespmem:s30+$0xFFFFFF70]  }
0x82: {  	v14 =	vld [tilespmem:s30+$0xFFFFFF80];
	v1 =	vadd.f32 v2, v1;
	(erf) = vpow2.f32 v3  }
0x83: {  	v15 =	vld [tilespmem:s30+$0xFFFFFF90];
	v2 =	vmul.f32 $2.000000030e-01, v4  }
0x84: {  	v16 =	vld [tilespmem:s30+$0xFFFFFFA0];
	vm1 =	vge.f32 v4, $0.0e+00;
	v0 =	vmul.f32 $2.000000030e-01, v1  }
0x85: {  	v18 =	vld [tilespmem:s30+$0xFFFFFFB0];
	vm15 =	vge.f32 v1, $0.0e+00;
	v2 =	vsel vm1, v4, v2  }
0x86: {  	v17 =	vld [tilespmem:s30+$0xFFFFFFC0];
	v0 =	vsel vm15, v1, v0;
	v1 =	vmul.f32 $1.442695020e+00, v2  }
0x87: {  	v19 =	vld [tilespmem:s30+$0xFFFFFFD0];
	v0 =	vmul.f32 $1.442695020e+00, v0  }
0x88: {  	v20 =	vld [tilespmem:s30+$0xFFFFFFE0];
	(erf) = vpow2.f32 v1  }
0x89: {  	v24 =	vld [tilespmem:s30+$0x0];
	(erf) = vpow2.f32 v0;
	v35 =	vpop (erf)  }
0x8a: {  	v26 =	vld [tilespmem:s30+$0x10];
	v1 =	vbroadcast v35, $0x0;
	v5 =	vbroadcast v35, $0x7  }
0x8b: {  	v4 =	vld [tilespmem:s30+$0x100];
	v3 =	vbroadcast v35, $0x1;
	v0 =	vbroadcast v35, $0x2;
	v33 =	vpop (erf)  }
0x8c: {  	v27 =	vld [tilespmem:s30+$0x20];
	v2 =	vbroadcast v35, $0x3;
	v41 =	vbroadcast v33, $0x0  }
0x8d: {  	v31 =	vld [tilespmem:s30+$0x30];
	v39 =	vbroadcast v33, $0x1;
	v43 =	vbroadcast v33, $0x2  }
0x8e: {  	v36 =	vld [tilespmem:s30+$0x40];
	v40 =	vbroadcast v33, $0x3;
	v53 =	vbroadcast v33, $0x4  }
0x8f: {  	v32 =	vld [tilespmem:s30+$0x50];
	v50 =	vbroadcast v33, $0x5;
	v51 =	vbroadcast v33, $0x6  }
0x90: {  	v25 =	vld [tilespmem:s30+$0x60];
	v49 =	vbroadcast v33, $0x7;
	v21 =	vmul.f32 v4, v5  }
0x91: {  	v22 =	vld [tilespmem:s30+$0xA0];
	v5 =	vbroadcast v35, $0x4;
	v4 =	vbroadcast v35, $0x5;
	v37 =	vpop (erf)  }
0x92: {  	v23 =	vld [tilespmem:s30+$0xB0];
	[tilespmem:s30+$0x110] =	vst v35;
	v35 =	vbroadcast v35, $0x6;
	v52 =	vbroadcast v37, $0x0  }
0x93: {  	v28 =	vld [tilespmem:s30+$0x70];
	v48 =	vbroadcast v37, $0x1;
	v47 =	vbroadcast v37, $0x2  }
0x94: {  	v29 =	vld [tilespmem:s30+$0xC0];
	v45 =	vbroadcast v37, $0x3;
	v46 =	vbroadcast v37, $0x4  }
0x95: {  	v9 =	vld [tilespmem:s30+$0xFFFFFF20];
	v30 =	vpop (erf);
	v44 =	vbroadcast v37, $0x5;
	v42 =	vbroadcast v37, $0x6  }
0x96: {  	v8 =	vld [tilespmem:s30+$0xFFFFFF10];
	v61 =	vbroadcast v30, $0x0;
	v57 =	vbroadcast v30, $0x1  }
0x97: {  	[tilespmem:s30+$0xFFFFFFF0] =	vst v33;
	v33 =	vld [tilespmem:s30+$0xE0];
	v60 =	vbroadcast v30, $0x2;
	v56 =	vbroadcast v30, $0x3  }
0x98: {  	[tilespmem:s30+$0x100] =	vst v21;
	v21 =	vld [tilespmem:s30+$0x90];
	v59 =	vbroadcast v30, $0x4;
	v55 =	vbroadcast v30, $0x5  }
0x99: {  	v58 =	vbroadcast v30, $0x6;
	v54 =	vbroadcast v30, $0x7;
	[tilespmem:s30+$0xFFFFFF60] =	vst v30;
	v30 =	vld [tilespmem:s30+$0xD0]  }
0x9a: {  	s9 =	simm.s32 $0x0;
	s15 =	simm.s32 $0x5E0;
	v38 =	vbroadcast v37, $0x7;
	[tilespmem:s30+$0x80] =	vst v37;
	v37 =	vmul.f32 v61, v34;
	v34 =	vld [tilespmem:s30+$0xF0]  }
.LBB2_7:
0x9b: {  	v61 =	vld [tilespmem:s15+$0x110];
	v6 =	vmul.f32 v57, v6;
	v7 =	vmul.f32 v60, v7;
	s21 =	sadd.s32 $0x40, s21  }
0x9c: {  	s9 =	sadd.s32 $0x4, s9;
	v8 =	vmul.f32 v8, v56;
	v9 =	vmul.f32 v9, v59;
	v57 =	vld [tilespmem:s21+$0x10];
	[tilespmem:s30+$0xFFFFFEE0] =	vst v37  }
0x9d: {  	p2 =	slt.u32 s9, $0x4C;
	v56 =	vld [tilespmem:s21+$0xFFFFFFE0];
	[tilespmem:s30+$0xFFFFFEF0] =	vst v6;
	v6 =	vmul.f32 v10, v55;
	v10 =	vmul.f32 v11, v58  }
0x9e: {  	v11 =	vld [tilespmem:s15+$0xFFFFFFF0];
	[tilespmem:s30+$0xFFFFFF00] =	vst v7;
	v7 =	vmul.f32 v12, v54;
	v12 =	vmul.f32 v41, v13  }
0x9f: {  	v13 =	vld [tilespmem:s21+$0xFFFFFFF0];
	[tilespmem:s30+$0xFFFFFF10] =	vst v8;
	v8 =	vmul.f32 v39, v14;
	v14 =	vmul.f32 v43, v15  }
0xa0: {  	v16 =	vmul.f32 v16, v40;
	v18 =	vmul.f32 v18, v53;
	v15 =	vld [tilespmem:s15+$0x80];
	[tilespmem:s30+$0xFFFFFF20] =	vst v9  }
0xa1: {  	v17 =	vmul.f32 v17, v50;
	v19 =	vmul.f32 v19, v51;
	v9 =	vld [tilespmem:s21+$0x0];
	v39 =	vadd.f32 v57, v61;
	[tilespmem:s30+$0xFFFFFF30] =	vst v6  }
0xa2: {  	v20 =	vmul.f32 v20, v49;
	v24 =	vmul.f32 v52, v24;
	v40 =	vld [tilespmem:s15+$0xFFFFFF60];
	[tilespmem:s30+$0xFFFFFF40] =	vst v10  }
0xa3: {  	v26 =	vmul.f32 v48, v26;
	v37 =	vld [tilespmem:s15+$0xFFFFFEE0];
	v10 =	vmul.f32 $2.000000030e-01, v39;
	[tilespmem:s30+$0xFFFFFF50] =	vst v7  }
0xa4: {  	v27 =	vmul.f32 v47, v27;
	vm0 =	vge.f32 v39, $0.0e+00;
	v6 =	vld [tilespmem:s15+$0xFFFFFEF0];
	v13 =	vadd.f32 v13, v11;
	[tilespmem:s30+$0xFFFFFF70] =	vst v12  }
0xa5: {  	v31 =	vmul.f32 v31, v45;
	v36 =	vmul.f32 v36, v46;
	v7 =	vld [tilespmem:s15+$0xFFFFFF00];
	v10 =	vsel vm0, v39, v10;
	[tilespmem:s30+$0xFFFFFF80] =	vst v8  }
0xa6: {  	v8 =	vld [tilespmem:s15+$0xFFFFFF10];
	v12 =	vmul.f32 $2.000000030e-01, v13;
	v15 =	vadd.f32 v9, v15;
	v11 =	vmul.f32 $1.442695020e+00, v10;
	[tilespmem:s30+$0xFFFFFF90] =	vst v14  }
0xa7: {  	v32 =	vmul.f32 v32, v44;
	vm0 =	vge.f32 v13, $0.0e+00;
	v14 =	vadd.f32 v56, v40;
	v9 =	vld [tilespmem:s15+$0xFFFFFF20];
	[tilespmem:s30+$0xFFFFFFA0] =	vst v16  }
0xa8: {  	v10 =	vld [tilespmem:s15+$0xFFFFFF30];
	vm1 =	vge.f32 v15, $0.0e+00;
	v16 =	vmul.f32 $2.000000030e-01, v15;
	(erf) = vpow2.f32 v11;
	[tilespmem:s30+$0xFFFFFFB0] =	vst v18  }
0xa9: {  	v13 =	vsel vm0, v13, v12;
	vm2 =	vge.f32 v14, $0.0e+00;
	v18 =	vmul.f32 $2.000000030e-01, v14;
	v11 =	vld [tilespmem:s15+$0xFFFFFF40];
	[tilespmem:s30+$0xFFFFFFC0] =	vst v17  }
0xaa: {  	v25 =	vmul.f32 v25, v42;
	v17 =	vmul.f32 $1.442695020e+00, v13;
	v12 =	vld [tilespmem:s15+$0xFFFFFF50];
	v15 =	vsel vm1, v15, v16;
	[tilespmem:s30+$0xFFFFFFD0] =	vst v19  }
0xab: {  	v28 =	vmul.f32 v28, v38;
	v14 =	vsel vm2, v14, v18;
	v13 =	vld [tilespmem:s15+$0xFFFFFF70];
	v16 =	vmul.f32 $1.442695020e+00, v15;
	[tilespmem:s30+$0xFFFFFFE0] =	vst v20  }
0xac: {  	v18 =	vmul.f32 $1.442695020e+00, v14;
	v14 =	vld [tilespmem:s15+$0xFFFFFF80];
	(erf) = vpow2.f32 v17;
	[tilespmem:s30+$0x0] =	vst v24  }
0xad: {  	v21 =	vmul.f32 v1, v21;
	v15 =	vld [tilespmem:s15+$0xFFFFFF90];
	(erf) = vpow2.f32 v16;
	[tilespmem:s30+$0x10] =	vst v26  }
0xae: {  	v22 =	vmul.f32 v3, v22;
	v16 =	vld [tilespmem:s15+$0xFFFFFFA0];
	(erf) = vpow2.f32 v18;
	[tilespmem:s30+$0x20] =	vst v27  }
0xaf: {  	v23 =	vmul.f32 v0, v23;
	v29 =	vmul.f32 v29, v2;
	v26 =	vld [tilespmem:s15+$0x100];
	[tilespmem:s30+$0x30] =	vst v31  }
0xb0: {  	v30 =	vmul.f32 v30, v5;
	v33 =	vmul.f32 v33, v4;
	v18 =	vld [tilespmem:s15+$0xFFFFFFB0];
	[tilespmem:s30+$0x40] =	vst v36  }
0xb1: {  	v34 =	vmul.f32 v34, v35;
	v17 =	vld [tilespmem:s15+$0xFFFFFFC0];
	v61 =	vpop (erf);
	[tilespmem:s30+$0x50] =	vst v32  }
0xb2: {  	v19 =	vld [tilespmem:s15+$0xFFFFFFD0];
	v1 =	vbroadcast v61, $0x0;
	v4 =	vbroadcast v61, $0x7;
	[tilespmem:s30+$0x60] =	vst v25  }
0xb3: {  	v3 =	vbroadcast v61, $0x1;
	v0 =	vbroadcast v61, $0x2;
	v20 =	vld [tilespmem:s15+$0xFFFFFFE0];
	[tilespmem:s30+$0x70] =	vst v28  }
0xb4: {  	v2 =	vbroadcast v61, $0x3;
	v24 =	vld [tilespmem:s15+$0x0];
	v25 =	vmul.f32 v26, v4;
	[tilespmem:s30+$0x90] =	vst v21  }
0xb5: {  	v5 =	vbroadcast v61, $0x4;
	v4 =	vbroadcast v61, $0x5;
	v26 =	vld [tilespmem:s15+$0x10];
	v35 =	vpop (erf);
	[tilespmem:s30+$0xA0] =	vst v22  }
0xb6: {  	v41 =	vbroadcast v35, $0x0;
	v39 =	vbroadcast v35, $0x1;
	v27 =	vld [tilespmem:s15+$0x20];
	[tilespmem:s15+$0x100] =	vst v25;
	v38 =	vpop (erf)  }
0xb7: {  	v43 =	vbroadcast v35, $0x2;
	v40 =	vbroadcast v35, $0x3;
	v31 =	vld [tilespmem:s15+$0x30];
	v21 =	vpop (erf);
	[tilespmem:s30+$0xB0] =	vst v23  }
0xb8: {  	v62 =	vbroadcast v21, $0x0;
	v57 =	vbroadcast v21, $0x1;
	v36 =	vld [tilespmem:s15+$0x40];
	[tilespmem:s30+$0xC0] =	vst v29  }
0xb9: {  	v60 =	vbroadcast v21, $0x2;
	v56 =	vbroadcast v21, $0x3;
	v32 =	vld [tilespmem:s15+$0x50];
	[tilespmem:s30+$0xD0] =	vst v30  }
0xba: {  	v59 =	vbroadcast v21, $0x4;
	v55 =	vbroadcast v21, $0x5;
	v25 =	vld [tilespmem:s15+$0x60];
	[tilespmem:s30+$0xE0] =	vst v33  }
0xbb: {  	v58 =	vbroadcast v21, $0x6;
	v54 =	vbroadcast v21, $0x7;
	v28 =	vld [tilespmem:s15+$0x70];
	[tilespmem:s30+$0xF0] =	vst v34;
	s30 =	smov.u32 s15  }
0xbc: {  	v53 =	vbroadcast v35, $0x4;
	v50 =	vbroadcast v35, $0x5;
	[tilespmem:s15+$0xFFFFFF60] =	vst v21;
	v21 =	vld [tilespmem:s15+$0x90]  }
0xbd: {  	v51 =	vbroadcast v35, $0x6;
	v49 =	vbroadcast v35, $0x7;
	[tilespmem:s15+$0xFFFFFFF0] =	vst v35;
	v22 =	vld [tilespmem:s15+$0xA0]  }
.Ltmp6:
0xbe: {  	v52 =	vbroadcast v38, $0x0;
	v48 =	vbroadcast v38, $0x1;
	[tilespmem:s15+$0x80] =	vst v38;
	v23 =	vld [tilespmem:s15+$0xB0];
	(pc) =	sbr.rel @p2 .LBB2_7-.Ltmp6, $4  }
0xbf: {  	v47 =	vbroadcast v38, $0x2;
	v45 =	vbroadcast v38, $0x3;
	[tilespmem:s15+$0x110] =	vst v61;
	v29 =	vld [tilespmem:s15+$0xC0]  }
0xc0: {  	v46 =	vbroadcast v38, $0x4;
	v44 =	vbroadcast v38, $0x5;
	v30 =	vld [tilespmem:s15+$0xD0]  }
0xc1: {  	v42 =	vbroadcast v38, $0x6;
	v38 =	vbroadcast v38, $0x7;
	v33 =	vld [tilespmem:s15+$0xE0]  }
0xc2: {  	v37 =	vmul.f32 v62, v37;
	v35 =	vbroadcast v61, $0x6;
	s15 =	sadd.s32 $0x240, s15;
	v34 =	vld [tilespmem:s30+$0xF0]  }
0xc3: {  	v6 =	vmul.f32 v57, v6  }
0xc4: {  	v7 =	vmul.f32 v60, v7;
	[tilespmem:s30+$0xFFFFFEE0] =	vst v37  }
0xc5: {  	v8 =	vmul.f32 v8, v56;
	[tilespmem:s30+$0xFFFFFEF0] =	vst v6  }
0xc6: {  	v61 =	vmul.f32 v9, v59;
	[tilespmem:s30+$0xFFFFFF00] =	vst v7  }
0xc7: {  	v62 =	vmul.f32 v10, v55;
	[tilespmem:s30+$0xFFFFFF10] =	vst v8  }
0xc8: {  	v63 =	vmul.f32 v11, v58;
	[tilespmem:s30+$0xFFFFFF20] =	vst v61  }
0xc9: {  	v12 =	vmul.f32 v12, v54;
	[tilespmem:s30+$0xFFFFFF30] =	vst v62  }
0xca: {  	v13 =	vmul.f32 v41, v13;
	[tilespmem:s30+$0xFFFFFF40] =	vst v63  }
0xcb: {  	v40 =	vmul.f32 v16, v40;
	[tilespmem:s30+$0xFFFFFF50] =	vst v12  }
0xcc: {  	v41 =	vmul.f32 v18, v53;
	[tilespmem:s30+$0xFFFFFF70] =	vst v13  }
0xcd: {  	v52 =	vmul.f32 v52, v24;
	[tilespmem:s30+$0xFFFFFFA0] =	vst v40  }
0xce: {  	v53 =	vmul.f32 v48, v26;
	[tilespmem:s30+$0xFFFFFFB0] =	vst v41  }
0xcf: {  	v54 =	vmul.f32 v47, v27;
	[tilespmem:s30+$0x0] =	vst v52  }
0xd0: {  	v55 =	vmul.f32 v31, v45;
	[tilespmem:s30+$0x10] =	vst v53  }
0xd1: {  	v56 =	vmul.f32 v36, v46;
	[tilespmem:s30+$0x20] =	vst v54  }
0xd2: {  	v57 =	vmul.f32 v32, v44;
	[tilespmem:s30+$0x30] =	vst v55  }
0xd3: {  	v58 =	vmul.f32 v25, v42;
	[tilespmem:s30+$0x40] =	vst v56  }
0xd4: {  	v59 =	vmul.f32 v28, v38;
	[tilespmem:s30+$0x50] =	vst v57  }
0xd5: {  	v1 =	vmul.f32 v1, v21;
	[tilespmem:s30+$0x60] =	vst v58  }
0xd6: {  	v3 =	vmul.f32 v3, v22;
	[tilespmem:s30+$0x70] =	vst v59  }
0xd7: {  	v0 =	vmul.f32 v0, v23;
	[tilespmem:s30+$0x90] =	vst v1  }
0xd8: {  	v37 =	vmul.f32 v39, v14;
	[tilespmem:s30+$0xA0] =	vst v3  }
0xd9: {  	v39 =	vmul.f32 v43, v15;
	[tilespmem:s30+$0xB0] =	vst v0  }
0xda: {  	v43 =	vmul.f32 v17, v50;
	[tilespmem:s30+$0xFFFFFF80] =	vst v37  }
0xdb: {  	v50 =	vmul.f32 v19, v51;
	[tilespmem:s30+$0xFFFFFF90] =	vst v39  }
0xdc: {  	v51 =	vmul.f32 v20, v49;
	[tilespmem:s30+$0xFFFFFFC0] =	vst v43  }
0xdd: {  	v60 =	vmul.f32 v29, v2;
	[tilespmem:s30+$0xFFFFFFD0] =	vst v50  }
0xde: {  	p2 =	seq.s32 s22, $0x1F;
	v61 =	vmul.f32 v30, v5;
	[tilespmem:s30+$0xFFFFFFE0] =	vst v51  }
.Ltmp7:
0xdf: {  	v62 =	vmul.f32 v33, v4;
	[tilespmem:s30+$0xC0] =	vst v60;
	(pc) =	sbr.rel @p2 .LBB2_12-.Ltmp7, $4  }
0xe0: {  	v63 =	vmul.f32 v34, v35;
	[tilespmem:s30+$0xD0] =	vst v61  }
0xe1: {  	[tilespmem:s30+$0xE0] =	vst v62  }
0xe2: {  	[tilespmem:s30+$0xF0] =	vst v63  }
0xe3: {  	[spmem:s1] =	stream.indirect.scatter.add.f32 [tilespmem:s31], [sflag:$0x5], $0x90, s24, s25, $0xb8;
	[tilespmem:$0x1ED20] =	vst v63  }
0xe4: {  	_ =	swait.ge [sflag:s19], $0x2D00  }
0xe5: {  	[sflag:s19] =	ssyncset.done $0x0  }
0xe6: {  	[sflag:s19] =	ssyncadd.s32 $0xFFFFD300  }
0xe7: {  	_ =	swait.ge [sflag:s23], $0x50  }
0xe8: {  	[sflag:s23] =	ssyncset.done $0x0  }
0xe9: {  	[sflag:s23] =	ssyncadd.s32 $0xFFFFFFB0  }
0xea: {  	s9 =	sshll.u32 s22, $0x7;
	_ =	swait.ge [sflag:s23], $0x50  }
0xeb: {  	s9 =	sadd.s32 s16, s9;
	[sflag:s23] =	ssyncset.done $0x0  }
0xec: {  	s9 =	smul.u32 $0x50, s9;
	[sflag:s23] =	ssyncadd.s32 $0xFFFFFFB0  }
0xed: {  	[tilespmem:s31], [sflag:$0x1] =	stream.indirect.gather [hbm4b:s6+s25], $0x90, s28, s25, $0xb8;
	[tilespmem:$0x1ED20] =	vst v63  }
0xee: {  	s9 =	sshrl.u32 s9, $0x3  }
0xef: {  	[tilespmem:s0], [sflag:$0x3] =	stream.indirect.gather [spmem:s3], $0x10, s29, s25, $0xb8;
	[tilespmem:$0x1ED20] =	vst v63  }
0xf0: {  	s9 =	sadd.s32 s5, s9  }
0xf1: {  	[tilespmem:s4], [sflag:$0x7] =	stream.linear.gather [hbm4b:s9+s4], $0x50, $0x38;
	[tilespmem:$0x1ED20] =	vst v63  }
0xf2: {  	s9 =	sadd.s32 $0x9C40, s9  }
0xf3: {  	[tilespmem:s24], [sflag:$0x7] =	stream.linear.gather [hbm4b:s9+s4], $0x50, $0x38;
	[tilespmem:$0x1ED20] =	vst v63  }
0xf4: {  	_ =	swait.ge [sflag:s13], $0x500  }
0xf5: {  	[sflag:s13] =	ssyncset.done $0x0  }
0xf6: {  	[sflag:s13] =	ssyncadd.s32 $0xFFFFFB00  }
0xf7: {  	_ =	swait.ge [sflag:s14], $0x2D00  }
0xf8: {  	[sflag:s14] =	ssyncset.done $0x0  }
0xf9: {  	s30 =	simm.s32 $0x30A0;
	[sflag:s14] =	ssyncadd.s32 $0xFFFFD300  }
0xfa: {  	s21 =	simm.s32 $0x61A0;
	v0 =	vld [tilespmem:s30+$0x110]  }
0xfb: {  	v1 =	vld [tilespmem:s21+$0x10]  }
0xfc: {  	v3 =	vld [tilespmem:s30+$0xFFFFFFF0]  }
0xfd: {  	v4 =	vld [tilespmem:s21+$0xFFFFFFF0]  }
0xfe: {  	v5 =	vld [tilespmem:s30+$0x80]  }
0xff: {  	v9 =	vld [tilespmem:s21+$0x0]  }
0x100: {  	v2 =	vld [tilespmem:s21+$0xFFFFFFE0];
	v0 =	vadd.f32 v1, v0  }
0x101: {  	v34 =	vld [tilespmem:s30+$0xFFFFFEE0]  }
0x102: {  	v6 =	vld [tilespmem:s30+$0xFFFFFEF0];
	v3 =	vadd.f32 v4, v3;
	v8 =	vmul.f32 $2.000000030e-01, v0  }
0x103: {  	v7 =	vld [tilespmem:s30+$0xFFFFFF00];
	vm0 =	vge.f32 v0, $0.0e+00  }
0x104: {  	v1 =	vld [tilespmem:s30+$0xFFFFFF60];
	v4 =	vadd.f32 v9, v5;
	v5 =	vmul.f32 $2.000000030e-01, v3;
	v0 =	vsel vm0, v0, v8  }
0x105: {  	v10 =	vld [tilespmem:s30+$0xFFFFFF30];
	vm14 =	vge.f32 v3, $0.0e+00;
	v0 =	vmul.f32 $1.442695020e+00, v0  }
0x106: {  	v11 =	vld [tilespmem:s30+$0xFFFFFF40];
	v3 =	vsel vm14, v3, v5  }
0x107: {  	v12 =	vld [tilespmem:s30+$0xFFFFFF50];
	v3 =	vmul.f32 $1.442695020e+00, v3;
	(erf) = vpow2.f32 v0  }
0x108: {  	v13 =	vld [tilespmem:s30+$0xFFFFFF70]  }
0x109: {  	v14 =	vld [tilespmem:s30+$0xFFFFFF80];
	v1 =	vadd.f32 v2, v1;
	(erf) = vpow2.f32 v3  }
0x10a: {  	v15 =	vld [tilespmem:s30+$0xFFFFFF90];
	v2 =	vmul.f32 $2.000000030e-01, v4  }
0x10b: {  	v16 =	vld [tilespmem:s30+$0xFFFFFFA0];
	vm1 =	vge.f32 v4, $0.0e+00;
	v0 =	vmul.f32 $2.000000030e-01, v1  }
0x10c: {  	v18 =	vld [tilespmem:s30+$0xFFFFFFB0];
	vm15 =	vge.f32 v1, $0.0e+00;
	v2 =	vsel vm1, v4, v2  }
0x10d: {  	v17 =	vld [tilespmem:s30+$0xFFFFFFC0];
	v0 =	vsel vm15, v1, v0;
	v1 =	vmul.f32 $1.442695020e+00, v2  }
0x10e: {  	v19 =	vld [tilespmem:s30+$0xFFFFFFD0];
	v0 =	vmul.f32 $1.442695020e+00, v0  }
0x10f: {  	v20 =	vld [tilespmem:s30+$0xFFFFFFE0];
	(erf) = vpow2.f32 v1  }
0x110: {  	v24 =	vld [tilespmem:s30+$0x0];
	(erf) = vpow2.f32 v0;
	v35 =	vpop (erf)  }
0x111: {  	v26 =	vld [tilespmem:s30+$0x10];
	v1 =	vbroadcast v35, $0x0;
	v5 =	vbroadcast v35, $0x7  }
0x112: {  	v4 =	vld [tilespmem:s30+$0x100];
	v3 =	vbroadcast v35, $0x1;
	v0 =	vbroadcast v35, $0x2;
	v33 =	vpop (erf)  }
0x113: {  	v27 =	vld [tilespmem:s30+$0x20];
	v2 =	vbroadcast v35, $0x3;
	v41 =	vbroadcast v33, $0x0  }
0x114: {  	v31 =	vld [tilespmem:s30+$0x30];
	v39 =	vbroadcast v33, $0x1;
	v43 =	vbroadcast v33, $0x2  }
0x115: {  	v36 =	vld [tilespmem:s30+$0x40];
	v40 =	vbroadcast v33, $0x3;
	v53 =	vbroadcast v33, $0x4  }
0x116: {  	v32 =	vld [tilespmem:s30+$0x50];
	v50 =	vbroadcast v33, $0x5;
	v51 =	vbroadcast v33, $0x6  }
0x117: {  	v25 =	vld [tilespmem:s30+$0x60];
	v49 =	vbroadcast v33, $0x7;
	v21 =	vmul.f32 v4, v5  }
0x118: {  	v22 =	vld [tilespmem:s30+$0xA0];
	v5 =	vbroadcast v35, $0x4;
	v4 =	vbroadcast v35, $0x5;
	v37 =	vpop (erf)  }
0x119: {  	v23 =	vld [tilespmem:s30+$0xB0];
	[tilespmem:s30+$0x110] =	vst v35;
	v35 =	vbroadcast v35, $0x6;
	v52 =	vbroadcast v37, $0x0  }
0x11a: {  	v28 =	vld [tilespmem:s30+$0x70];
	v48 =	vbroadcast v37, $0x1;
	v47 =	vbroadcast v37, $0x2  }
0x11b: {  	v29 =	vld [tilespmem:s30+$0xC0];
	v45 =	vbroadcast v37, $0x3;
	v46 =	vbroadcast v37, $0x4  }
0x11c: {  	v9 =	vld [tilespmem:s30+$0xFFFFFF20];
	v30 =	vpop (erf);
	v44 =	vbroadcast v37, $0x5;
	v42 =	vbroadcast v37, $0x6  }
0x11d: {  	v8 =	vld [tilespmem:s30+$0xFFFFFF10];
	v61 =	vbroadcast v30, $0x0;
	v57 =	vbroadcast v30, $0x1  }
0x11e: {  	[tilespmem:s30+$0xFFFFFFF0] =	vst v33;
	v33 =	vld [tilespmem:s30+$0xE0];
	v60 =	vbroadcast v30, $0x2;
	v56 =	vbroadcast v30, $0x3  }
0x11f: {  	[tilespmem:s30+$0x100] =	vst v21;
	v21 =	vld [tilespmem:s30+$0x90];
	v59 =	vbroadcast v30, $0x4;
	v55 =	vbroadcast v30, $0x5  }
0x120: {  	v58 =	vbroadcast v30, $0x6;
	v54 =	vbroadcast v30, $0x7;
	[tilespmem:s30+$0xFFFFFF60] =	vst v30;
	v30 =	vld [tilespmem:s30+$0xD0]  }
0x121: {  	s15 =	simm.s32 $0x32E0;
	s9 =	simm.s32 $0x0;
	v38 =	vbroadcast v37, $0x7;
	[tilespmem:s30+$0x80] =	vst v37;
	v37 =	vmul.f32 v61, v34;
	v34 =	vld [tilespmem:s30+$0xF0]  }
.LBB2_10:
0x122: {  	v61 =	vld [tilespmem:s15+$0x110];
	v6 =	vmul.f32 v57, v6;
	v7 =	vmul.f32 v60, v7;
	s21 =	sadd.s32 $0x40, s21  }
0x123: {  	s9 =	sadd.s32 $0x4, s9;
	v8 =	vmul.f32 v8, v56;
	v9 =	vmul.f32 v9, v59;
	v57 =	vld [tilespmem:s21+$0x10];
	[tilespmem:s30+$0xFFFFFEE0] =	vst v37  }
0x124: {  	p3 =	slt.u32 s9, $0x4C;
	v56 =	vld [tilespmem:s21+$0xFFFFFFE0];
	[tilespmem:s30+$0xFFFFFEF0] =	vst v6;
	v6 =	vmul.f32 v10, v55;
	v10 =	vmul.f32 v11, v58  }
0x125: {  	v11 =	vld [tilespmem:s15+$0xFFFFFFF0];
	[tilespmem:s30+$0xFFFFFF00] =	vst v7;
	v7 =	vmul.f32 v12, v54;
	v12 =	vmul.f32 v41, v13  }
0x126: {  	v13 =	vld [tilespmem:s21+$0xFFFFFFF0];
	[tilespmem:s30+$0xFFFFFF10] =	vst v8;
	v8 =	vmul.f32 v39, v14;
	v14 =	vmul.f32 v43, v15  }
0x127: {  	v16 =	vmul.f32 v16, v40;
	v18 =	vmul.f32 v18, v53;
	v15 =	vld [tilespmem:s15+$0x80];
	[tilespmem:s30+$0xFFFFFF20] =	vst v9  }
0x128: {  	v17 =	vmul.f32 v17, v50;
	v19 =	vmul.f32 v19, v51;
	v9 =	vld [tilespmem:s21+$0x0];
	v39 =	vadd.f32 v57, v61;
	[tilespmem:s30+$0xFFFFFF30] =	vst v6  }
0x129: {  	v20 =	vmul.f32 v20, v49;
	v24 =	vmul.f32 v52, v24;
	v40 =	vld [tilespmem:s15+$0xFFFFFF60];
	[tilespmem:s30+$0xFFFFFF40] =	vst v10  }
0x12a: {  	v26 =	vmul.f32 v48, v26;
	v37 =	vld [tilespmem:s15+$0xFFFFFEE0];
	v10 =	vmul.f32 $2.000000030e-01, v39;
	[tilespmem:s30+$0xFFFFFF50] =	vst v7  }
0x12b: {  	v27 =	vmul.f32 v47, v27;
	vm0 =	vge.f32 v39, $0.0e+00;
	v6 =	vld [tilespmem:s15+$0xFFFFFEF0];
	v13 =	vadd.f32 v13, v11;
	[tilespmem:s30+$0xFFFFFF70] =	vst v12  }
0x12c: {  	v31 =	vmul.f32 v31, v45;
	v36 =	vmul.f32 v36, v46;
	v7 =	vld [tilespmem:s15+$0xFFFFFF00];
	v10 =	vsel vm0, v39, v10;
	[tilespmem:s30+$0xFFFFFF80] =	vst v8  }
0x12d: {  	v8 =	vld [tilespmem:s15+$0xFFFFFF10];
	v12 =	vmul.f32 $2.000000030e-01, v13;
	v15 =	vadd.f32 v9, v15;
	v11 =	vmul.f32 $1.442695020e+00, v10;
	[tilespmem:s30+$0xFFFFFF90] =	vst v14  }
0x12e: {  	v32 =	vmul.f32 v32, v44;
	vm0 =	vge.f32 v13, $0.0e+00;
	v14 =	vadd.f32 v56, v40;
	v9 =	vld [tilespmem:s15+$0xFFFFFF20];
	[tilespmem:s30+$0xFFFFFFA0] =	vst v16  }
0x12f: {  	v10 =	vld [tilespmem:s15+$0xFFFFFF30];
	vm1 =	vge.f32 v15, $0.0e+00;
	v16 =	vmul.f32 $2.000000030e-01, v15;
	(erf) = vpow2.f32 v11;
	[tilespmem:s30+$0xFFFFFFB0] =	vst v18  }
0x130: {  	v13 =	vsel vm0, v13, v12;
	vm2 =	vge.f32 v14, $0.0e+00;
	v18 =	vmul.f32 $2.000000030e-01, v14;
	v11 =	vld [tilespmem:s15+$0xFFFFFF40];
	[tilespmem:s30+$0xFFFFFFC0] =	vst v17  }
0x131: {  	v25 =	vmul.f32 v25, v42;
	v17 =	vmul.f32 $1.442695020e+00, v13;
	v12 =	vld [tilespmem:s15+$0xFFFFFF50];
	v15 =	vsel vm1, v15, v16;
	[tilespmem:s30+$0xFFFFFFD0] =	vst v19  }
0x132: {  	v28 =	vmul.f32 v28, v38;
	v14 =	vsel vm2, v14, v18;
	v13 =	vld [tilespmem:s15+$0xFFFFFF70];
	v16 =	vmul.f32 $1.442695020e+00, v15;
	[tilespmem:s30+$0xFFFFFFE0] =	vst v20  }
0x133: {  	v18 =	vmul.f32 $1.442695020e+00, v14;
	v14 =	vld [tilespmem:s15+$0xFFFFFF80];
	(erf) = vpow2.f32 v17;
	[tilespmem:s30+$0x0] =	vst v24  }
0x134: {  	v21 =	vmul.f32 v1, v21;
	v15 =	vld [tilespmem:s15+$0xFFFFFF90];
	(erf) = vpow2.f32 v16;
	[tilespmem:s30+$0x10] =	vst v26  }
0x135: {  	v22 =	vmul.f32 v3, v22;
	v16 =	vld [tilespmem:s15+$0xFFFFFFA0];
	(erf) = vpow2.f32 v18;
	[tilespmem:s30+$0x20] =	vst v27  }
0x136: {  	v23 =	vmul.f32 v0, v23;
	v29 =	vmul.f32 v29, v2;
	v26 =	vld [tilespmem:s15+$0x100];
	[tilespmem:s30+$0x30] =	vst v31  }
0x137: {  	v30 =	vmul.f32 v30, v5;
	v33 =	vmul.f32 v33, v4;
	v18 =	vld [tilespmem:s15+$0xFFFFFFB0];
	[tilespmem:s30+$0x40] =	vst v36  }
0x138: {  	v34 =	vmul.f32 v34, v35;
	v17 =	vld [tilespmem:s15+$0xFFFFFFC0];
	v61 =	vpop (erf);
	[tilespmem:s30+$0x50] =	vst v32  }
0x139: {  	v19 =	vld [tilespmem:s15+$0xFFFFFFD0];
	v1 =	vbroadcast v61, $0x0;
	v4 =	vbroadcast v61, $0x7;
	[tilespmem:s30+$0x60] =	vst v25  }
0x13a: {  	v3 =	vbroadcast v61, $0x1;
	v0 =	vbroadcast v61, $0x2;
	v20 =	vld [tilespmem:s15+$0xFFFFFFE0];
	[tilespmem:s30+$0x70] =	vst v28  }
0x13b: {  	v2 =	vbroadcast v61, $0x3;
	v24 =	vld [tilespmem:s15+$0x0];
	v25 =	vmul.f32 v26, v4;
	[tilespmem:s30+$0x90] =	vst v21  }
0x13c: {  	v5 =	vbroadcast v61, $0x4;
	v4 =	vbroadcast v61, $0x5;
	v26 =	vld [tilespmem:s15+$0x10];
	v35 =	vpop (erf);
	[tilespmem:s30+$0xA0] =	vst v22  }
0x13d: {  	v41 =	vbroadcast v35, $0x0;
	v39 =	vbroadcast v35, $0x1;
	v27 =	vld [tilespmem:s15+$0x20];
	[tilespmem:s15+$0x100] =	vst v25;
	v38 =	vpop (erf)  }
0x13e: {  	v43 =	vbroadcast v35, $0x2;
	v40 =	vbroadcast v35, $0x3;
	v31 =	vld [tilespmem:s15+$0x30];
	v21 =	vpop (erf);
	[tilespmem:s30+$0xB0] =	vst v23  }
0x13f: {  	v62 =	vbroadcast v21, $0x0;
	v57 =	vbroadcast v21, $0x1;
	v36 =	vld [tilespmem:s15+$0x40];
	[tilespmem:s30+$0xC0] =	vst v29  }
0x140: {  	v60 =	vbroadcast v21, $0x2;
	v56 =	vbroadcast v21, $0x3;
	v32 =	vld [tilespmem:s15+$0x50];
	[tilespmem:s30+$0xD0] =	vst v30  }
0x141: {  	v59 =	vbroadcast v21, $0x4;
	v55 =	vbroadcast v21, $0x5;
	v25 =	vld [tilespmem:s15+$0x60];
	[tilespmem:s30+$0xE0] =	vst v33  }
0x142: {  	v58 =	vbroadcast v21, $0x6;
	v54 =	vbroadcast v21, $0x7;
	v28 =	vld [tilespmem:s15+$0x70];
	[tilespmem:s30+$0xF0] =	vst v34;
	s30 =	smov.u32 s15  }
0x143: {  	v53 =	vbroadcast v35, $0x4;
	v50 =	vbroadcast v35, $0x5;
	[tilespmem:s15+$0xFFFFFF60] =	vst v21;
	v21 =	vld [tilespmem:s15+$0x90]  }
0x144: {  	v51 =	vbroadcast v35, $0x6;
	v49 =	vbroadcast v35, $0x7;
	[tilespmem:s15+$0xFFFFFFF0] =	vst v35;
	v22 =	vld [tilespmem:s15+$0xA0]  }
.Ltmp8:
0x145: {  	v52 =	vbroadcast v38, $0x0;
	v48 =	vbroadcast v38, $0x1;
	[tilespmem:s15+$0x80] =	vst v38;
	v23 =	vld [tilespmem:s15+$0xB0];
	(pc) =	sbr.rel @p3 .LBB2_10-.Ltmp8, $4  }
0x146: {  	v47 =	vbroadcast v38, $0x2;
	v45 =	vbroadcast v38, $0x3;
	[tilespmem:s15+$0x110] =	vst v61;
	v29 =	vld [tilespmem:s15+$0xC0]  }
0x147: {  	v46 =	vbroadcast v38, $0x4;
	v44 =	vbroadcast v38, $0x5;
	v30 =	vld [tilespmem:s15+$0xD0]  }
0x148: {  	v42 =	vbroadcast v38, $0x6;
	v38 =	vbroadcast v38, $0x7;
	v33 =	vld [tilespmem:s15+$0xE0]  }
0x149: {  	v37 =	vmul.f32 v62, v37;
	v35 =	vbroadcast v61, $0x6;
	s15 =	sadd.s32 $0x240, s15;
	v34 =	vld [tilespmem:s30+$0xF0]  }
0x14a: {  	v6 =	vmul.f32 v57, v6  }
0x14b: {  	v7 =	vmul.f32 v60, v7;
	[tilespmem:s30+$0xFFFFFEE0] =	vst v37  }
0x14c: {  	v8 =	vmul.f32 v8, v56;
	[tilespmem:s30+$0xFFFFFEF0] =	vst v6  }
0x14d: {  	v61 =	vmul.f32 v9, v59;
	[tilespmem:s30+$0xFFFFFF00] =	vst v7  }
0x14e: {  	v62 =	vmul.f32 v10, v55;
	[tilespmem:s30+$0xFFFFFF10] =	vst v8  }
0x14f: {  	v63 =	vmul.f32 v11, v58;
	[tilespmem:s30+$0xFFFFFF20] =	vst v61  }
0x150: {  	v12 =	vmul.f32 v12, v54;
	[tilespmem:s30+$0xFFFFFF30] =	vst v62  }
0x151: {  	v13 =	vmul.f32 v41, v13;
	[tilespmem:s30+$0xFFFFFF40] =	vst v63  }
0x152: {  	v40 =	vmul.f32 v16, v40;
	[tilespmem:s30+$0xFFFFFF50] =	vst v12  }
0x153: {  	v41 =	vmul.f32 v18, v53;
	[tilespmem:s30+$0xFFFFFF70] =	vst v13  }
0x154: {  	v52 =	vmul.f32 v52, v24;
	[tilespmem:s30+$0xFFFFFFA0] =	vst v40  }
0x155: {  	v53 =	vmul.f32 v48, v26;
	[tilespmem:s30+$0xFFFFFFB0] =	vst v41  }
0x156: {  	v54 =	vmul.f32 v47, v27;
	[tilespmem:s30+$0x0] =	vst v52  }
0x157: {  	v55 =	vmul.f32 v31, v45;
	[tilespmem:s30+$0x10] =	vst v53  }
0x158: {  	v56 =	vmul.f32 v36, v46;
	[tilespmem:s30+$0x20] =	vst v54  }
0x159: {  	v57 =	vmul.f32 v32, v44;
	[tilespmem:s30+$0x30] =	vst v55  }
0x15a: {  	v58 =	vmul.f32 v25, v42;
	[tilespmem:s30+$0x40] =	vst v56  }
0x15b: {  	v59 =	vmul.f32 v28, v38;
	[tilespmem:s30+$0x50] =	vst v57  }
0x15c: {  	v1 =	vmul.f32 v1, v21;
	[tilespmem:s30+$0x60] =	vst v58  }
0x15d: {  	v3 =	vmul.f32 v3, v22;
	[tilespmem:s30+$0x70] =	vst v59  }
0x15e: {  	v0 =	vmul.f32 v0, v23;
	[tilespmem:s30+$0x90] =	vst v1  }
0x15f: {  	v37 =	vmul.f32 v39, v14;
	[tilespmem:s30+$0xA0] =	vst v3  }
0x160: {  	v39 =	vmul.f32 v43, v15;
	[tilespmem:s30+$0xB0] =	vst v0  }
0x161: {  	v43 =	vmul.f32 v17, v50;
	[tilespmem:s30+$0xFFFFFF80] =	vst v37  }
0x162: {  	v50 =	vmul.f32 v19, v51;
	[tilespmem:s30+$0xFFFFFF90] =	vst v39  }
0x163: {  	v51 =	vmul.f32 v20, v49;
	[tilespmem:s30+$0xFFFFFFC0] =	vst v43  }
0x164: {  	v60 =	vmul.f32 v29, v2;
	[tilespmem:s30+$0xFFFFFFD0] =	vst v50  }
0x165: {  	v61 =	vmul.f32 v30, v5;
	[tilespmem:s30+$0xFFFFFFE0] =	vst v51  }
0x166: {  	v62 =	vmul.f32 v33, v4;
	[tilespmem:s30+$0xC0] =	vst v60  }
0x167: {  	v63 =	vmul.f32 v34, v35;
	[tilespmem:s30+$0xD0] =	vst v61  }
0x168: {  	[tilespmem:s30+$0xE0] =	vst v62  }
0x169: {  	[tilespmem:s30+$0xF0] =	vst v63  }
0x16a: {  	[spmem:s1] =	stream.indirect.scatter.add.f32 [tilespmem:s8], [sflag:$0x6], $0x90, s26, s25, $0xb8;
	[tilespmem:$0x1ED20] =	vst v63  }
.LBB2_12:
0x16b: {  	s9 =	simm.s32 @p1 $0x6  }
0x16c: {  	_ =	swait.ge @p1 [sflag:s9], $0x2D00  }
0x16d: {  	[sflag:s9] =	ssyncset.done @p1 $0x0  }
0x16e: {  	[sflag:s9] =	ssyncadd.s32 @p1 $0xFFFFD300;
	s9 =	simm.s32 @p1 $0xA  }
0x16f: {  	_ =	swait.ge @p1 [sflag:s9], $0x50  }
0x170: {  	[sflag:s9] =	ssyncset.done @p1 $0x0  }
0x171: {  	[sflag:s9] =	ssyncadd.s32 @p1 $0xFFFFFFB0  }
0x172: {  	p3 =	sgt.u32 s22, $0x1D;
	_ =	swait.ge @p1 [sflag:s9], $0x50  }
.Ltmp9:
0x173: {  	s15 =	simm.s32 @p1 $0xF0;
	[sflag:s9] =	ssyncset.done @p1 $0x0;
	(pc) =	sbr.rel @p3 .LBB2_14-.Ltmp9, $4  }
0x174: {  	s21 =	simm.s32 @p1 $0x2F80;
	[sflag:s9] =	ssyncadd.s32 @p1 $0xFFFFFFB0;
	s9 =	simm.s32 @p1 $0x50  }
0x175: {  	[tilespmem:s21], [sflag:$0x2] =	stream.indirect.gather @p1 [hbm4b:s6+s9], $0x90, s15, s9, $0xb8;
	[tilespmem:$0x1ED20] =	vst v63  }
0x176: {  	s15 =	simm.s32 @p1 $0x230;
	s21 =	simm.s32 @p1 $0x6180  }
0x177: {  	[tilespmem:s21], [sflag:$0x4] =	stream.indirect.gather @p1 [spmem:s3], $0x10, s15, s9, $0xb8;
	[tilespmem:$0x1ED20] =	vst v63  }
0x178: {  	s9 =	sshll.u32 s22, $0x7  }
0x179: {  	s9 =	sadd.s32 s17, s9  }
0x17a: {  	s9 =	smul.u32 $0x50, s9;
	_ =	sdelay $0x1  }
.Ltmp10:
0x17b: {  	s9 =	sshrl.u32 s9, $0x3;
	(pc) =	sbr.rel .LBB2_15-.Ltmp10, $4  }
0x17c: {  	s9 =	sadd.s32 s5, s9  }
0x17d: {  	[tilespmem:s25], [sflag:$0x8] =	stream.linear.gather [hbm4b:s9+s4], $0x50, $0x38;
	[tilespmem:$0x1ED20] =	vst v63  }
0x17e: {  	s9 =	sadd.s32 $0x9C40, s9  }
0x17f: {  	[tilespmem:s26], [sflag:$0x8] =	stream.linear.gather [hbm4b:s9+s4], $0x50, $0x38;
	[tilespmem:$0x1ED20] =	vst v63  }
.LBB2_14:
.Ltmp11:
0x180: {  	(pc) =	sbr.rel @p2 .LBB2_18-.Ltmp11, $1  }
0x181: {  	_ =	sdelay $0x3  }
.LBB2_15:
0x182: {  	_ =	swait.ge [sflag:s11], $0x500  }
0x183: {  	[sflag:s11] =	ssyncset.done $0x0  }
0x184: {  	[sflag:s11] =	ssyncadd.s32 $0xFFFFFB00  }
0x185: {  	_ =	swait.ge [sflag:s12], $0x2D00  }
0x186: {  	[sflag:s12] =	ssyncset.done $0x0  }
0x187: {  	s30 =	simm.s32 $0x3A0;
	[sflag:s12] =	ssyncadd.s32 $0xFFFFD300  }
0x188: {  	s21 =	simm.s32 $0x5CA0;
	v0 =	vld [tilespmem:s30+$0x110]  }
0x189: {  	v1 =	vld [tilespmem:s21+$0x10]  }
0x18a: {  	v3 =	vld [tilespmem:s30+$0xFFFFFFF0]  }
0x18b: {  	v4 =	vld [tilespmem:s21+$0xFFFFFFF0]  }
0x18c: {  	v5 =	vld [tilespmem:s30+$0x80]  }
0x18d: {  	v9 =	vld [tilespmem:s21+$0x0]  }
0x18e: {  	v2 =	vld [tilespmem:s21+$0xFFFFFFE0];
	v0 =	vadd.f32 v1, v0  }
0x18f: {  	v34 =	vld [tilespmem:s30+$0xFFFFFEE0]  }
0x190: {  	v6 =	vld [tilespmem:s30+$0xFFFFFEF0];
	v3 =	vadd.f32 v4, v3;
	v8 =	vmul.f32 $2.000000030e-01, v0  }
0x191: {  	v7 =	vld [tilespmem:s30+$0xFFFFFF00];
	vm0 =	vge.f32 v0, $0.0e+00  }
0x192: {  	v1 =	vld [tilespmem:s30+$0xFFFFFF60];
	v4 =	vadd.f32 v9, v5;
	v5 =	vmul.f32 $2.000000030e-01, v3;
	v0 =	vsel vm0, v0, v8  }
0x193: {  	v10 =	vld [tilespmem:s30+$0xFFFFFF30];
	vm14 =	vge.f32 v3, $0.0e+00;
	v0 =	vmul.f32 $1.442695020e+00, v0  }
0x194: {  	v11 =	vld [tilespmem:s30+$0xFFFFFF40];
	v3 =	vsel vm14, v3, v5  }
0x195: {  	v12 =	vld [tilespmem:s30+$0xFFFFFF50];
	v3 =	vmul.f32 $1.442695020e+00, v3;
	(erf) = vpow2.f32 v0  }
0x196: {  	v13 =	vld [tilespmem:s30+$0xFFFFFF70]  }
0x197: {  	v14 =	vld [tilespmem:s30+$0xFFFFFF80];
	v1 =	vadd.f32 v2, v1;
	(erf) = vpow2.f32 v3  }
0x198: {  	v15 =	vld [tilespmem:s30+$0xFFFFFF90];
	v2 =	vmul.f32 $2.000000030e-01, v4  }
0x199: {  	v16 =	vld [tilespmem:s30+$0xFFFFFFA0];
	vm1 =	vge.f32 v4, $0.0e+00;
	v0 =	vmul.f32 $2.000000030e-01, v1  }
0x19a: {  	v18 =	vld [tilespmem:s30+$0xFFFFFFB0];
	vm15 =	vge.f32 v1, $0.0e+00;
	v2 =	vsel vm1, v4, v2  }
0x19b: {  	v17 =	vld [tilespmem:s30+$0xFFFFFFC0];
	v0 =	vsel vm15, v1, v0;
	v1 =	vmul.f32 $1.442695020e+00, v2  }
0x19c: {  	v19 =	vld [tilespmem:s30+$0xFFFFFFD0];
	v0 =	vmul.f32 $1.442695020e+00, v0  }
0x19d: {  	v20 =	vld [tilespmem:s30+$0xFFFFFFE0];
	(erf) = vpow2.f32 v1  }
0x19e: {  	v24 =	vld [tilespmem:s30+$0x0];
	(erf) = vpow2.f32 v0;
	v35 =	vpop (erf)  }
0x19f: {  	v26 =	vld [tilespmem:s30+$0x10];
	v1 =	vbroadcast v35, $0x0;
	v5 =	vbroadcast v35, $0x7  }
0x1a0: {  	v4 =	vld [tilespmem:s30+$0x100];
	v3 =	vbroadcast v35, $0x1;
	v0 =	vbroadcast v35, $0x2;
	v33 =	vpop (erf)  }
0x1a1: {  	v27 =	vld [tilespmem:s30+$0x20];
	v2 =	vbroadcast v35, $0x3;
	v41 =	vbroadcast v33, $0x0  }
0x1a2: {  	v31 =	vld [tilespmem:s30+$0x30];
	v39 =	vbroadcast v33, $0x1;
	v43 =	vbroadcast v33, $0x2  }
0x1a3: {  	v36 =	vld [tilespmem:s30+$0x40];
	v40 =	vbroadcast v33, $0x3;
	v53 =	vbroadcast v33, $0x4  }
0x1a4: {  	v32 =	vld [tilespmem:s30+$0x50];
	v50 =	vbroadcast v33, $0x5;
	v51 =	vbroadcast v33, $0x6  }
0x1a5: {  	v25 =	vld [tilespmem:s30+$0x60];
	v49 =	vbroadcast v33, $0x7;
	v21 =	vmul.f32 v4, v5  }
0x1a6: {  	v22 =	vld [tilespmem:s30+$0xA0];
	v5 =	vbroadcast v35, $0x4;
	v4 =	vbroadcast v35, $0x5;
	v37 =	vpop (erf)  }
0x1a7: {  	v23 =	vld [tilespmem:s30+$0xB0];
	[tilespmem:s30+$0x110] =	vst v35;
	v35 =	vbroadcast v35, $0x6;
	v52 =	vbroadcast v37, $0x0  }
0x1a8: {  	v28 =	vld [tilespmem:s30+$0x70];
	v48 =	vbroadcast v37, $0x1;
	v47 =	vbroadcast v37, $0x2  }
0x1a9: {  	v29 =	vld [tilespmem:s30+$0xC0];
	v45 =	vbroadcast v37, $0x3;
	v46 =	vbroadcast v37, $0x4  }
0x1aa: {  	v9 =	vld [tilespmem:s30+$0xFFFFFF20];
	v30 =	vpop (erf);
	v44 =	vbroadcast v37, $0x5;
	v42 =	vbroadcast v37, $0x6  }
0x1ab: {  	v8 =	vld [tilespmem:s30+$0xFFFFFF10];
	v61 =	vbroadcast v30, $0x0;
	v57 =	vbroadcast v30, $0x1  }
0x1ac: {  	[tilespmem:s30+$0xFFFFFFF0] =	vst v33;
	v33 =	vld [tilespmem:s30+$0xE0];
	v60 =	vbroadcast v30, $0x2;
	v56 =	vbroadcast v30, $0x3  }
0x1ad: {  	[tilespmem:s30+$0x100] =	vst v21;
	v21 =	vld [tilespmem:s30+$0x90];
	v59 =	vbroadcast v30, $0x4;
	v55 =	vbroadcast v30, $0x5  }
0x1ae: {  	v58 =	vbroadcast v30, $0x6;
	v54 =	vbroadcast v30, $0x7;
	[tilespmem:s30+$0xFFFFFF60] =	vst v30;
	v30 =	vld [tilespmem:s30+$0xD0]  }
0x1af: {  	s9 =	simm.s32 $0x0;
	s15 =	simm.s32 $0x5E0;
	v38 =	vbroadcast v37, $0x7;
	[tilespmem:s30+$0x80] =	vst v37;
	v37 =	vmul.f32 v61, v34;
	v34 =	vld [tilespmem:s30+$0xF0]  }
.LBB2_16:
0x1b0: {  	v61 =	vld [tilespmem:s15+$0x110];
	v6 =	vmul.f32 v57, v6;
	v7 =	vmul.f32 v60, v7;
	s21 =	sadd.s32 $0x40, s21  }
0x1b1: {  	s9 =	sadd.s32 $0x4, s9;
	v8 =	vmul.f32 v8, v56;
	v9 =	vmul.f32 v9, v59;
	v57 =	vld [tilespmem:s21+$0x10];
	[tilespmem:s30+$0xFFFFFEE0] =	vst v37  }
0x1b2: {  	p3 =	slt.u32 s9, $0x4C;
	v56 =	vld [tilespmem:s21+$0xFFFFFFE0];
	[tilespmem:s30+$0xFFFFFEF0] =	vst v6;
	v6 =	vmul.f32 v10, v55;
	v10 =	vmul.f32 v11, v58  }
0x1b3: {  	v11 =	vld [tilespmem:s15+$0xFFFFFFF0];
	[tilespmem:s30+$0xFFFFFF00] =	vst v7;
	v7 =	vmul.f32 v12, v54;
	v12 =	vmul.f32 v41, v13  }
0x1b4: {  	v13 =	vld [tilespmem:s21+$0xFFFFFFF0];
	[tilespmem:s30+$0xFFFFFF10] =	vst v8;
	v8 =	vmul.f32 v39, v14;
	v14 =	vmul.f32 v43, v15  }
0x1b5: {  	v16 =	vmul.f32 v16, v40;
	v18 =	vmul.f32 v18, v53;
	v15 =	vld [tilespmem:s15+$0x80];
	[tilespmem:s30+$0xFFFFFF20] =	vst v9  }
0x1b6: {  	v17 =	vmul.f32 v17, v50;
	v19 =	vmul.f32 v19, v51;
	v9 =	vld [tilespmem:s21+$0x0];
	v39 =	vadd.f32 v57, v61;
	[tilespmem:s30+$0xFFFFFF30] =	vst v6  }
0x1b7: {  	v20 =	vmul.f32 v20, v49;
	v24 =	vmul.f32 v52, v24;
	v40 =	vld [tilespmem:s15+$0xFFFFFF60];
	[tilespmem:s30+$0xFFFFFF40] =	vst v10  }
0x1b8: {  	v26 =	vmul.f32 v48, v26;
	v37 =	vld [tilespmem:s15+$0xFFFFFEE0];
	v10 =	vmul.f32 $2.000000030e-01, v39;
	[tilespmem:s30+$0xFFFFFF50] =	vst v7  }
0x1b9: {  	v27 =	vmul.f32 v47, v27;
	vm0 =	vge.f32 v39, $0.0e+00;
	v6 =	vld [tilespmem:s15+$0xFFFFFEF0];
	v13 =	vadd.f32 v13, v11;
	[tilespmem:s30+$0xFFFFFF70] =	vst v12  }
0x1ba: {  	v31 =	vmul.f32 v31, v45;
	v36 =	vmul.f32 v36, v46;
	v7 =	vld [tilespmem:s15+$0xFFFFFF00];
	v10 =	vsel vm0, v39, v10;
	[tilespmem:s30+$0xFFFFFF80] =	vst v8  }
0x1bb: {  	v8 =	vld [tilespmem:s15+$0xFFFFFF10];
	v12 =	vmul.f32 $2.000000030e-01, v13;
	v15 =	vadd.f32 v9, v15;
	v11 =	vmul.f32 $1.442695020e+00, v10;
	[tilespmem:s30+$0xFFFFFF90] =	vst v14  }
0x1bc: {  	v32 =	vmul.f32 v32, v44;
	vm0 =	vge.f32 v13, $0.0e+00;
	v14 =	vadd.f32 v56, v40;
	v9 =	vld [tilespmem:s15+$0xFFFFFF20];
	[tilespmem:s30+$0xFFFFFFA0] =	vst v16  }
0x1bd: {  	v10 =	vld [tilespmem:s15+$0xFFFFFF30];
	vm1 =	vge.f32 v15, $0.0e+00;
	v16 =	vmul.f32 $2.000000030e-01, v15;
	(erf) = vpow2.f32 v11;
	[tilespmem:s30+$0xFFFFFFB0] =	vst v18  }
0x1be: {  	v13 =	vsel vm0, v13, v12;
	vm2 =	vge.f32 v14, $0.0e+00;
	v18 =	vmul.f32 $2.000000030e-01, v14;
	v11 =	vld [tilespmem:s15+$0xFFFFFF40];
	[tilespmem:s30+$0xFFFFFFC0] =	vst v17  }
0x1bf: {  	v25 =	vmul.f32 v25, v42;
	v17 =	vmul.f32 $1.442695020e+00, v13;
	v12 =	vld [tilespmem:s15+$0xFFFFFF50];
	v15 =	vsel vm1, v15, v16;
	[tilespmem:s30+$0xFFFFFFD0] =	vst v19  }
0x1c0: {  	v28 =	vmul.f32 v28, v38;
	v14 =	vsel vm2, v14, v18;
	v13 =	vld [tilespmem:s15+$0xFFFFFF70];
	v16 =	vmul.f32 $1.442695020e+00, v15;
	[tilespmem:s30+$0xFFFFFFE0] =	vst v20  }
0x1c1: {  	v18 =	vmul.f32 $1.442695020e+00, v14;
	v14 =	vld [tilespmem:s15+$0xFFFFFF80];
	(erf) = vpow2.f32 v17;
	[tilespmem:s30+$0x0] =	vst v24  }
0x1c2: {  	v21 =	vmul.f32 v1, v21;
	v15 =	vld [tilespmem:s15+$0xFFFFFF90];
	(erf) = vpow2.f32 v16;
	[tilespmem:s30+$0x10] =	vst v26  }
0x1c3: {  	v22 =	vmul.f32 v3, v22;
	v16 =	vld [tilespmem:s15+$0xFFFFFFA0];
	(erf) = vpow2.f32 v18;
	[tilespmem:s30+$0x20] =	vst v27  }
0x1c4: {  	v23 =	vmul.f32 v0, v23;
	v29 =	vmul.f32 v29, v2;
	v26 =	vld [tilespmem:s15+$0x100];
	[tilespmem:s30+$0x30] =	vst v31  }
0x1c5: {  	v30 =	vmul.f32 v30, v5;
	v33 =	vmul.f32 v33, v4;
	v18 =	vld [tilespmem:s15+$0xFFFFFFB0];
	[tilespmem:s30+$0x40] =	vst v36  }
0x1c6: {  	v34 =	vmul.f32 v34, v35;
	v17 =	vld [tilespmem:s15+$0xFFFFFFC0];
	v61 =	vpop (erf);
	[tilespmem:s30+$0x50] =	vst v32  }
0x1c7: {  	v19 =	vld [tilespmem:s15+$0xFFFFFFD0];
	v1 =	vbroadcast v61, $0x0;
	v4 =	vbroadcast v61, $0x7;
	[tilespmem:s30+$0x60] =	vst v25  }
0x1c8: {  	v3 =	vbroadcast v61, $0x1;
	v0 =	vbroadcast v61, $0x2;
	v20 =	vld [tilespmem:s15+$0xFFFFFFE0];
	[tilespmem:s30+$0x70] =	vst v28  }
0x1c9: {  	v2 =	vbroadcast v61, $0x3;
	v24 =	vld [tilespmem:s15+$0x0];
	v25 =	vmul.f32 v26, v4;
	[tilespmem:s30+$0x90] =	vst v21  }
0x1ca: {  	v5 =	vbroadcast v61, $0x4;
	v4 =	vbroadcast v61, $0x5;
	v26 =	vld [tilespmem:s15+$0x10];
	v35 =	vpop (erf);
	[tilespmem:s30+$0xA0] =	vst v22  }
0x1cb: {  	v41 =	vbroadcast v35, $0x0;
	v39 =	vbroadcast v35, $0x1;
	v27 =	vld [tilespmem:s15+$0x20];
	[tilespmem:s15+$0x100] =	vst v25;
	v38 =	vpop (erf)  }
0x1cc: {  	v43 =	vbroadcast v35, $0x2;
	v40 =	vbroadcast v35, $0x3;
	v31 =	vld [tilespmem:s15+$0x30];
	v21 =	vpop (erf);
	[tilespmem:s30+$0xB0] =	vst v23  }
0x1cd: {  	v62 =	vbroadcast v21, $0x0;
	v57 =	vbroadcast v21, $0x1;
	v36 =	vld [tilespmem:s15+$0x40];
	[tilespmem:s30+$0xC0] =	vst v29  }
0x1ce: {  	v60 =	vbroadcast v21, $0x2;
	v56 =	vbroadcast v21, $0x3;
	v32 =	vld [tilespmem:s15+$0x50];
	[tilespmem:s30+$0xD0] =	vst v30  }
0x1cf: {  	v59 =	vbroadcast v21, $0x4;
	v55 =	vbroadcast v21, $0x5;
	v25 =	vld [tilespmem:s15+$0x60];
	[tilespmem:s30+$0xE0] =	vst v33  }
0x1d0: {  	v58 =	vbroadcast v21, $0x6;
	v54 =	vbroadcast v21, $0x7;
	v28 =	vld [tilespmem:s15+$0x70];
	[tilespmem:s30+$0xF0] =	vst v34;
	s30 =	smov.u32 s15  }
0x1d1: {  	v53 =	vbroadcast v35, $0x4;
	v50 =	vbroadcast v35, $0x5;
	[tilespmem:s15+$0xFFFFFF60] =	vst v21;
	v21 =	vld [tilespmem:s15+$0x90]  }
0x1d2: {  	v51 =	vbroadcast v35, $0x6;
	v49 =	vbroadcast v35, $0x7;
	[tilespmem:s15+$0xFFFFFFF0] =	vst v35;
	v22 =	vld [tilespmem:s15+$0xA0]  }
.Ltmp12:
0x1d3: {  	v52 =	vbroadcast v38, $0x0;
	v48 =	vbroadcast v38, $0x1;
	[tilespmem:s15+$0x80] =	vst v38;
	v23 =	vld [tilespmem:s15+$0xB0];
	(pc) =	sbr.rel @p3 .LBB2_16-.Ltmp12, $4  }
0x1d4: {  	v47 =	vbroadcast v38, $0x2;
	v45 =	vbroadcast v38, $0x3;
	[tilespmem:s15+$0x110] =	vst v61;
	v29 =	vld [tilespmem:s15+$0xC0]  }
0x1d5: {  	v46 =	vbroadcast v38, $0x4;
	v44 =	vbroadcast v38, $0x5;
	v30 =	vld [tilespmem:s15+$0xD0]  }
0x1d6: {  	v42 =	vbroadcast v38, $0x6;
	v38 =	vbroadcast v38, $0x7;
	v33 =	vld [tilespmem:s15+$0xE0]  }
0x1d7: {  	v37 =	vmul.f32 v62, v37;
	v35 =	vbroadcast v61, $0x6;
	s15 =	sadd.s32 $0x240, s15;
	v34 =	vld [tilespmem:s30+$0xF0]  }
0x1d8: {  	v6 =	vmul.f32 v57, v6  }
0x1d9: {  	v7 =	vmul.f32 v60, v7;
	[tilespmem:s30+$0xFFFFFEE0] =	vst v37  }
0x1da: {  	v8 =	vmul.f32 v8, v56;
	[tilespmem:s30+$0xFFFFFEF0] =	vst v6  }
0x1db: {  	v61 =	vmul.f32 v9, v59;
	[tilespmem:s30+$0xFFFFFF00] =	vst v7  }
0x1dc: {  	v62 =	vmul.f32 v10, v55;
	[tilespmem:s30+$0xFFFFFF10] =	vst v8  }
0x1dd: {  	v63 =	vmul.f32 v11, v58;
	[tilespmem:s30+$0xFFFFFF20] =	vst v61  }
0x1de: {  	v12 =	vmul.f32 v12, v54;
	[tilespmem:s30+$0xFFFFFF30] =	vst v62  }
0x1df: {  	v13 =	vmul.f32 v41, v13;
	[tilespmem:s30+$0xFFFFFF40] =	vst v63  }
0x1e0: {  	v40 =	vmul.f32 v16, v40;
	[tilespmem:s30+$0xFFFFFF50] =	vst v12  }
0x1e1: {  	v41 =	vmul.f32 v18, v53;
	[tilespmem:s30+$0xFFFFFF70] =	vst v13  }
0x1e2: {  	v52 =	vmul.f32 v52, v24;
	[tilespmem:s30+$0xFFFFFFA0] =	vst v40  }
0x1e3: {  	v53 =	vmul.f32 v48, v26;
	[tilespmem:s30+$0xFFFFFFB0] =	vst v41  }
0x1e4: {  	v54 =	vmul.f32 v47, v27;
	[tilespmem:s30+$0x0] =	vst v52  }
0x1e5: {  	v55 =	vmul.f32 v31, v45;
	[tilespmem:s30+$0x10] =	vst v53  }
0x1e6: {  	v56 =	vmul.f32 v36, v46;
	[tilespmem:s30+$0x20] =	vst v54  }
0x1e7: {  	v57 =	vmul.f32 v32, v44;
	[tilespmem:s30+$0x30] =	vst v55  }
0x1e8: {  	v58 =	vmul.f32 v25, v42;
	[tilespmem:s30+$0x40] =	vst v56  }
0x1e9: {  	v59 =	vmul.f32 v28, v38;
	[tilespmem:s30+$0x50] =	vst v57  }
0x1ea: {  	v1 =	vmul.f32 v1, v21;
	[tilespmem:s30+$0x60] =	vst v58  }
0x1eb: {  	v3 =	vmul.f32 v3, v22;
	[tilespmem:s30+$0x70] =	vst v59  }
0x1ec: {  	v0 =	vmul.f32 v0, v23;
	[tilespmem:s30+$0x90] =	vst v1  }
0x1ed: {  	v37 =	vmul.f32 v39, v14;
	[tilespmem:s30+$0xA0] =	vst v3  }
0x1ee: {  	v39 =	vmul.f32 v43, v15;
	[tilespmem:s30+$0xB0] =	vst v0  }
0x1ef: {  	v43 =	vmul.f32 v17, v50;
	[tilespmem:s30+$0xFFFFFF80] =	vst v37  }
0x1f0: {  	v50 =	vmul.f32 v19, v51;
	[tilespmem:s30+$0xFFFFFF90] =	vst v39  }
0x1f1: {  	v51 =	vmul.f32 v20, v49;
	[tilespmem:s30+$0xFFFFFFC0] =	vst v43  }
0x1f2: {  	v60 =	vmul.f32 v29, v2;
	[tilespmem:s30+$0xFFFFFFD0] =	vst v50  }
0x1f3: {  	v61 =	vmul.f32 v30, v5;
	[tilespmem:s30+$0xFFFFFFE0] =	vst v51  }
0x1f4: {  	v62 =	vmul.f32 v33, v4;
	[tilespmem:s30+$0xC0] =	vst v60  }
0x1f5: {  	v63 =	vmul.f32 v34, v35;
	[tilespmem:s30+$0xD0] =	vst v61  }
0x1f6: {  	[tilespmem:s30+$0xE0] =	vst v62  }
0x1f7: {  	s9 =	simm.s32 @!p2 $0x5;
	[tilespmem:s30+$0xF0] =	vst v63  }
0x1f8: {  	[spmem:s1] =	stream.indirect.scatter.add.f32 [tilespmem:s31], [sflag:$0x5], $0x90, s29, s25, $0xb8;
	[tilespmem:$0x1ED20] =	vst v63  }
0x1f9: {  	_ =	swait.ge @!p2 [sflag:s9], $0x2D00  }
0x1fa: {  	[sflag:s9] =	ssyncset.done @!p2 $0x0  }
0x1fb: {  	[sflag:s9] =	ssyncadd.s32 @!p2 $0xFFFFD300;
	s9 =	simm.s32 @!p2 $0x7  }
0x1fc: {  	_ =	swait.ge @!p2 [sflag:s9], $0x50  }
0x1fd: {  	[sflag:s9] =	ssyncset.done @!p2 $0x0  }
0x1fe: {  	[sflag:s9] =	ssyncadd.s32 @!p2 $0xFFFFFFB0  }
0x1ff: {  	p3 =	sgt.u32 @!p2 s22, $0x1D;
	_ =	swait.ge @!p2 [sflag:s9], $0x50  }
0x200: {  	s15 =	simm.s32 @!p2 $0x0;
	s21 =	simm.s32 @!p2 $0x280;
	[sflag:s9] =	ssyncset.done @!p2 $0x0  }
0x201: {  	p3 =	por p3, p2;
	[sflag:s9] =	ssyncadd.s32 @!p2 $0xFFFFFFB0;
	s9 =	simm.s32 @!p2 $0x50  }
0x202: {  	[tilespmem:s21], [sflag:$0x1] =	stream.indirect.gather @!p2 [hbm4b:s6+s9], $0x90, s15, s9, $0xb8;
	[tilespmem:$0x1ED20] =	vst v63  }
0x203: {  	s15 =	sshll.u32 @!p3 s22, $0x7  }
0x204: {  	s15 =	sadd.s32 @!p3 s18, s15  }
0x205: {  	s30 =	simm.s32 @!p2 $0x5C80;
	s21 =	simm.s32 @!p2 $0x140;
	s15 =	smul.u32 @!p3 $0x50, s15  }
0x206: {  	[tilespmem:s30], [sflag:$0x3] =	stream.indirect.gather @!p2 [spmem:s3], $0x10, s21, s9, $0xb8;
	[tilespmem:$0x1ED20] =	vst v63  }
0x207: {  	s9 =	sshrl.u32 @!p3 s15, $0x3  }
0x208: {  	s21 =	simm.s32 @!p3 $0xA0;
	s15 =	simm.s32 @!p3 $0x0;
	s9 =	sadd.s32 @!p3 s5, s9  }
0x209: {  	[tilespmem:s21], [sflag:$0x9] =	stream.linear.gather @!p3 [hbm4b:s9+s15], $0x50, $0x38;
	[tilespmem:$0x1ED20] =	vst v63  }
0x20a: {  	s9 =	sadd.s32 @!p3 $0x9C40, s9;
	s21 =	simm.s32 @!p3 $0x1E0  }
0x20b: {  	[tilespmem:s21], [sflag:$0x9] =	stream.linear.gather @!p3 [hbm4b:s9+s15], $0x50, $0x38;
	[tilespmem:$0x1ED20] =	vst v63  }
.LBB2_18:
.Ltmp13:
0x20c: {  	(pc) =	sbr.rel @!p1 .LBB2_22-.Ltmp13, $1  }
0x20d: {  	_ =	sdelay $0x3  }
0x20e: {  	_ =	swait.ge [sflag:s13], $0x500  }
0x20f: {  	[sflag:s13] =	ssyncset.done $0x0  }
0x210: {  	[sflag:s13] =	ssyncadd.s32 $0xFFFFFB00  }
0x211: {  	_ =	swait.ge [sflag:s14], $0x2D00  }
0x212: {  	[sflag:s14] =	ssyncset.done $0x0  }
0x213: {  	s30 =	simm.s32 $0x30A0;
	[sflag:s14] =	ssyncadd.s32 $0xFFFFD300  }
0x214: {  	s21 =	simm.s32 $0x61A0;
	v0 =	vld [tilespmem:s30+$0x110]  }
0x215: {  	v1 =	vld [tilespmem:s21+$0x10]  }
0x216: {  	v3 =	vld [tilespmem:s30+$0xFFFFFFF0]  }
0x217: {  	v4 =	vld [tilespmem:s21+$0xFFFFFFF0]  }
0x218: {  	v5 =	vld [tilespmem:s30+$0x80]  }
0x219: {  	v9 =	vld [tilespmem:s21+$0x0]  }
0x21a: {  	v2 =	vld [tilespmem:s21+$0xFFFFFFE0];
	v0 =	vadd.f32 v1, v0  }
0x21b: {  	v34 =	vld [tilespmem:s30+$0xFFFFFEE0]  }
0x21c: {  	v6 =	vld [tilespmem:s30+$0xFFFFFEF0];
	v3 =	vadd.f32 v4, v3;
	v8 =	vmul.f32 $2.000000030e-01, v0  }
0x21d: {  	v7 =	vld [tilespmem:s30+$0xFFFFFF00];
	vm0 =	vge.f32 v0, $0.0e+00  }
0x21e: {  	v1 =	vld [tilespmem:s30+$0xFFFFFF60];
	v4 =	vadd.f32 v9, v5;
	v5 =	vmul.f32 $2.000000030e-01, v3;
	v0 =	vsel vm0, v0, v8  }
0x21f: {  	v10 =	vld [tilespmem:s30+$0xFFFFFF30];
	vm14 =	vge.f32 v3, $0.0e+00;
	v0 =	vmul.f32 $1.442695020e+00, v0  }
0x220: {  	v11 =	vld [tilespmem:s30+$0xFFFFFF40];
	v3 =	vsel vm14, v3, v5  }
0x221: {  	v12 =	vld [tilespmem:s30+$0xFFFFFF50];
	v3 =	vmul.f32 $1.442695020e+00, v3;
	(erf) = vpow2.f32 v0  }
0x222: {  	v13 =	vld [tilespmem:s30+$0xFFFFFF70]  }
0x223: {  	v14 =	vld [tilespmem:s30+$0xFFFFFF80];
	v1 =	vadd.f32 v2, v1;
	(erf) = vpow2.f32 v3  }
0x224: {  	v15 =	vld [tilespmem:s30+$0xFFFFFF90];
	v2 =	vmul.f32 $2.000000030e-01, v4  }
0x225: {  	v16 =	vld [tilespmem:s30+$0xFFFFFFA0];
	vm1 =	vge.f32 v4, $0.0e+00;
	v0 =	vmul.f32 $2.000000030e-01, v1  }
0x226: {  	v18 =	vld [tilespmem:s30+$0xFFFFFFB0];
	vm15 =	vge.f32 v1, $0.0e+00;
	v2 =	vsel vm1, v4, v2  }
0x227: {  	v17 =	vld [tilespmem:s30+$0xFFFFFFC0];
	v0 =	vsel vm15, v1, v0;
	v1 =	vmul.f32 $1.442695020e+00, v2  }
0x228: {  	v19 =	vld [tilespmem:s30+$0xFFFFFFD0];
	v0 =	vmul.f32 $1.442695020e+00, v0  }
0x229: {  	v20 =	vld [tilespmem:s30+$0xFFFFFFE0];
	(erf) = vpow2.f32 v1  }
0x22a: {  	v24 =	vld [tilespmem:s30+$0x0];
	(erf) = vpow2.f32 v0;
	v35 =	vpop (erf)  }
0x22b: {  	v26 =	vld [tilespmem:s30+$0x10];
	v1 =	vbroadcast v35, $0x0;
	v5 =	vbroadcast v35, $0x7  }
0x22c: {  	v4 =	vld [tilespmem:s30+$0x100];
	v3 =	vbroadcast v35, $0x1;
	v0 =	vbroadcast v35, $0x2;
	v33 =	vpop (erf)  }
0x22d: {  	v27 =	vld [tilespmem:s30+$0x20];
	v2 =	vbroadcast v35, $0x3;
	v41 =	vbroadcast v33, $0x0  }
0x22e: {  	v31 =	vld [tilespmem:s30+$0x30];
	v39 =	vbroadcast v33, $0x1;
	v43 =	vbroadcast v33, $0x2  }
0x22f: {  	v36 =	vld [tilespmem:s30+$0x40];
	v40 =	vbroadcast v33, $0x3;
	v53 =	vbroadcast v33, $0x4  }
0x230: {  	v32 =	vld [tilespmem:s30+$0x50];
	v50 =	vbroadcast v33, $0x5;
	v51 =	vbroadcast v33, $0x6  }
0x231: {  	v25 =	vld [tilespmem:s30+$0x60];
	v49 =	vbroadcast v33, $0x7;
	v21 =	vmul.f32 v4, v5  }
0x232: {  	v22 =	vld [tilespmem:s30+$0xA0];
	v5 =	vbroadcast v35, $0x4;
	v4 =	vbroadcast v35, $0x5;
	v37 =	vpop (erf)  }
0x233: {  	v23 =	vld [tilespmem:s30+$0xB0];
	[tilespmem:s30+$0x110] =	vst v35;
	v35 =	vbroadcast v35, $0x6;
	v52 =	vbroadcast v37, $0x0  }
0x234: {  	v28 =	vld [tilespmem:s30+$0x70];
	v48 =	vbroadcast v37, $0x1;
	v47 =	vbroadcast v37, $0x2  }
0x235: {  	v29 =	vld [tilespmem:s30+$0xC0];
	v45 =	vbroadcast v37, $0x3;
	v46 =	vbroadcast v37, $0x4  }
0x236: {  	v9 =	vld [tilespmem:s30+$0xFFFFFF20];
	v30 =	vpop (erf);
	v44 =	vbroadcast v37, $0x5;
	v42 =	vbroadcast v37, $0x6  }
0x237: {  	v8 =	vld [tilespmem:s30+$0xFFFFFF10];
	v61 =	vbroadcast v30, $0x0;
	v57 =	vbroadcast v30, $0x1  }
0x238: {  	[tilespmem:s30+$0xFFFFFFF0] =	vst v33;
	v33 =	vld [tilespmem:s30+$0xE0];
	v60 =	vbroadcast v30, $0x2;
	v56 =	vbroadcast v30, $0x3  }
0x239: {  	[tilespmem:s30+$0x100] =	vst v21;
	v21 =	vld [tilespmem:s30+$0x90];
	v59 =	vbroadcast v30, $0x4;
	v55 =	vbroadcast v30, $0x5  }
0x23a: {  	v58 =	vbroadcast v30, $0x6;
	v54 =	vbroadcast v30, $0x7;
	[tilespmem:s30+$0xFFFFFF60] =	vst v30;
	v30 =	vld [tilespmem:s30+$0xD0]  }
0x23b: {  	s9 =	simm.s32 $0x0;
	s15 =	simm.s32 $0x32E0;
	v38 =	vbroadcast v37, $0x7;
	[tilespmem:s30+$0x80] =	vst v37;
	v37 =	vmul.f32 v61, v34;
	v34 =	vld [tilespmem:s30+$0xF0]  }
.LBB2_20:
0x23c: {  	v61 =	vld [tilespmem:s15+$0x110];
	v6 =	vmul.f32 v57, v6;
	v7 =	vmul.f32 v60, v7;
	s21 =	sadd.s32 $0x40, s21  }
0x23d: {  	s9 =	sadd.s32 $0x4, s9;
	v8 =	vmul.f32 v8, v56;
	v9 =	vmul.f32 v9, v59;
	v57 =	vld [tilespmem:s21+$0x10];
	[tilespmem:s30+$0xFFFFFEE0] =	vst v37  }
0x23e: {  	p1 =	slt.u32 s9, $0x4C;
	v56 =	vld [tilespmem:s21+$0xFFFFFFE0];
	[tilespmem:s30+$0xFFFFFEF0] =	vst v6;
	v6 =	vmul.f32 v10, v55;
	v10 =	vmul.f32 v11, v58  }
0x23f: {  	v11 =	vld [tilespmem:s15+$0xFFFFFFF0];
	[tilespmem:s30+$0xFFFFFF00] =	vst v7;
	v7 =	vmul.f32 v12, v54;
	v12 =	vmul.f32 v41, v13  }
0x240: {  	v13 =	vld [tilespmem:s21+$0xFFFFFFF0];
	[tilespmem:s30+$0xFFFFFF10] =	vst v8;
	v8 =	vmul.f32 v39, v14;
	v14 =	vmul.f32 v43, v15  }
0x241: {  	v16 =	vmul.f32 v16, v40;
	v18 =	vmul.f32 v18, v53;
	v15 =	vld [tilespmem:s15+$0x80];
	[tilespmem:s30+$0xFFFFFF20] =	vst v9  }
0x242: {  	v17 =	vmul.f32 v17, v50;
	v19 =	vmul.f32 v19, v51;
	v9 =	vld [tilespmem:s21+$0x0];
	v39 =	vadd.f32 v57, v61;
	[tilespmem:s30+$0xFFFFFF30] =	vst v6  }
0x243: {  	v20 =	vmul.f32 v20, v49;
	v24 =	vmul.f32 v52, v24;
	v40 =	vld [tilespmem:s15+$0xFFFFFF60];
	[tilespmem:s30+$0xFFFFFF40] =	vst v10  }
0x244: {  	v26 =	vmul.f32 v48, v26;
	v37 =	vld [tilespmem:s15+$0xFFFFFEE0];
	v10 =	vmul.f32 $2.000000030e-01, v39;
	[tilespmem:s30+$0xFFFFFF50] =	vst v7  }
0x245: {  	v27 =	vmul.f32 v47, v27;
	vm0 =	vge.f32 v39, $0.0e+00;
	v6 =	vld [tilespmem:s15+$0xFFFFFEF0];
	v13 =	vadd.f32 v13, v11;
	[tilespmem:s30+$0xFFFFFF70] =	vst v12  }
0x246: {  	v31 =	vmul.f32 v31, v45;
	v36 =	vmul.f32 v36, v46;
	v7 =	vld [tilespmem:s15+$0xFFFFFF00];
	v10 =	vsel vm0, v39, v10;
	[tilespmem:s30+$0xFFFFFF80] =	vst v8  }
0x247: {  	v8 =	vld [tilespmem:s15+$0xFFFFFF10];
	v12 =	vmul.f32 $2.000000030e-01, v13;
	v15 =	vadd.f32 v9, v15;
	v11 =	vmul.f32 $1.442695020e+00, v10;
	[tilespmem:s30+$0xFFFFFF90] =	vst v14  }
0x248: {  	v32 =	vmul.f32 v32, v44;
	vm0 =	vge.f32 v13, $0.0e+00;
	v14 =	vadd.f32 v56, v40;
	v9 =	vld [tilespmem:s15+$0xFFFFFF20];
	[tilespmem:s30+$0xFFFFFFA0] =	vst v16  }
0x249: {  	v10 =	vld [tilespmem:s15+$0xFFFFFF30];
	vm1 =	vge.f32 v15, $0.0e+00;
	v16 =	vmul.f32 $2.000000030e-01, v15;
	(erf) = vpow2.f32 v11;
	[tilespmem:s30+$0xFFFFFFB0] =	vst v18  }
0x24a: {  	v13 =	vsel vm0, v13, v12;
	vm2 =	vge.f32 v14, $0.0e+00;
	v18 =	vmul.f32 $2.000000030e-01, v14;
	v11 =	vld [tilespmem:s15+$0xFFFFFF40];
	[tilespmem:s30+$0xFFFFFFC0] =	vst v17  }
0x24b: {  	v25 =	vmul.f32 v25, v42;
	v17 =	vmul.f32 $1.442695020e+00, v13;
	v12 =	vld [tilespmem:s15+$0xFFFFFF50];
	v15 =	vsel vm1, v15, v16;
	[tilespmem:s30+$0xFFFFFFD0] =	vst v19  }
0x24c: {  	v28 =	vmul.f32 v28, v38;
	v14 =	vsel vm2, v14, v18;
	v13 =	vld [tilespmem:s15+$0xFFFFFF70];
	v16 =	vmul.f32 $1.442695020e+00, v15;
	[tilespmem:s30+$0xFFFFFFE0] =	vst v20  }
0x24d: {  	v18 =	vmul.f32 $1.442695020e+00, v14;
	v14 =	vld [tilespmem:s15+$0xFFFFFF80];
	(erf) = vpow2.f32 v17;
	[tilespmem:s30+$0x0] =	vst v24  }
0x24e: {  	v21 =	vmul.f32 v1, v21;
	v15 =	vld [tilespmem:s15+$0xFFFFFF90];
	(erf) = vpow2.f32 v16;
	[tilespmem:s30+$0x10] =	vst v26  }
0x24f: {  	v22 =	vmul.f32 v3, v22;
	v16 =	vld [tilespmem:s15+$0xFFFFFFA0];
	(erf) = vpow2.f32 v18;
	[tilespmem:s30+$0x20] =	vst v27  }
0x250: {  	v23 =	vmul.f32 v0, v23;
	v29 =	vmul.f32 v29, v2;
	v26 =	vld [tilespmem:s15+$0x100];
	[tilespmem:s30+$0x30] =	vst v31  }
0x251: {  	v30 =	vmul.f32 v30, v5;
	v33 =	vmul.f32 v33, v4;
	v18 =	vld [tilespmem:s15+$0xFFFFFFB0];
	[tilespmem:s30+$0x40] =	vst v36  }
0x252: {  	v34 =	vmul.f32 v34, v35;
	v17 =	vld [tilespmem:s15+$0xFFFFFFC0];
	v61 =	vpop (erf);
	[tilespmem:s30+$0x50] =	vst v32  }
0x253: {  	v19 =	vld [tilespmem:s15+$0xFFFFFFD0];
	v1 =	vbroadcast v61, $0x0;
	v4 =	vbroadcast v61, $0x7;
	[tilespmem:s30+$0x60] =	vst v25  }
0x254: {  	v3 =	vbroadcast v61, $0x1;
	v0 =	vbroadcast v61, $0x2;
	v20 =	vld [tilespmem:s15+$0xFFFFFFE0];
	[tilespmem:s30+$0x70] =	vst v28  }
0x255: {  	v2 =	vbroadcast v61, $0x3;
	v24 =	vld [tilespmem:s15+$0x0];
	v25 =	vmul.f32 v26, v4;
	[tilespmem:s30+$0x90] =	vst v21  }
0x256: {  	v5 =	vbroadcast v61, $0x4;
	v4 =	vbroadcast v61, $0x5;
	v26 =	vld [tilespmem:s15+$0x10];
	v35 =	vpop (erf);
	[tilespmem:s30+$0xA0] =	vst v22  }
0x257: {  	v41 =	vbroadcast v35, $0x0;
	v39 =	vbroadcast v35, $0x1;
	v27 =	vld [tilespmem:s15+$0x20];
	[tilespmem:s15+$0x100] =	vst v25;
	v38 =	vpop (erf)  }
0x258: {  	v43 =	vbroadcast v35, $0x2;
	v40 =	vbroadcast v35, $0x3;
	v31 =	vld [tilespmem:s15+$0x30];
	v21 =	vpop (erf);
	[tilespmem:s30+$0xB0] =	vst v23  }
0x259: {  	v62 =	vbroadcast v21, $0x0;
	v57 =	vbroadcast v21, $0x1;
	v36 =	vld [tilespmem:s15+$0x40];
	[tilespmem:s30+$0xC0] =	vst v29  }
0x25a: {  	v60 =	vbroadcast v21, $0x2;
	v56 =	vbroadcast v21, $0x3;
	v32 =	vld [tilespmem:s15+$0x50];
	[tilespmem:s30+$0xD0] =	vst v30  }
0x25b: {  	v59 =	vbroadcast v21, $0x4;
	v55 =	vbroadcast v21, $0x5;
	v25 =	vld [tilespmem:s15+$0x60];
	[tilespmem:s30+$0xE0] =	vst v33  }
0x25c: {  	v58 =	vbroadcast v21, $0x6;
	v54 =	vbroadcast v21, $0x7;
	v28 =	vld [tilespmem:s15+$0x70];
	[tilespmem:s30+$0xF0] =	vst v34;
	s30 =	smov.u32 s15  }
0x25d: {  	v53 =	vbroadcast v35, $0x4;
	v50 =	vbroadcast v35, $0x5;
	[tilespmem:s15+$0xFFFFFF60] =	vst v21;
	v21 =	vld [tilespmem:s15+$0x90]  }
0x25e: {  	v51 =	vbroadcast v35, $0x6;
	v49 =	vbroadcast v35, $0x7;
	[tilespmem:s15+$0xFFFFFFF0] =	vst v35;
	v22 =	vld [tilespmem:s15+$0xA0]  }
.Ltmp14:
0x25f: {  	v52 =	vbroadcast v38, $0x0;
	v48 =	vbroadcast v38, $0x1;
	[tilespmem:s15+$0x80] =	vst v38;
	v23 =	vld [tilespmem:s15+$0xB0];
	(pc) =	sbr.rel @p1 .LBB2_20-.Ltmp14, $4  }
0x260: {  	v47 =	vbroadcast v38, $0x2;
	v45 =	vbroadcast v38, $0x3;
	[tilespmem:s15+$0x110] =	vst v61;
	v29 =	vld [tilespmem:s15+$0xC0]  }
0x261: {  	v46 =	vbroadcast v38, $0x4;
	v44 =	vbroadcast v38, $0x5;
	v30 =	vld [tilespmem:s15+$0xD0]  }
0x262: {  	v42 =	vbroadcast v38, $0x6;
	v38 =	vbroadcast v38, $0x7;
	v33 =	vld [tilespmem:s15+$0xE0]  }
0x263: {  	v37 =	vmul.f32 v62, v37;
	v35 =	vbroadcast v61, $0x6;
	s15 =	sadd.s32 $0x240, s15;
	v34 =	vld [tilespmem:s30+$0xF0]  }
0x264: {  	v6 =	vmul.f32 v57, v6  }
0x265: {  	v7 =	vmul.f32 v60, v7;
	[tilespmem:s30+$0xFFFFFEE0] =	vst v37  }
0x266: {  	v8 =	vmul.f32 v8, v56;
	[tilespmem:s30+$0xFFFFFEF0] =	vst v6  }
0x267: {  	v61 =	vmul.f32 v9, v59;
	[tilespmem:s30+$0xFFFFFF00] =	vst v7  }
0x268: {  	v62 =	vmul.f32 v10, v55;
	[tilespmem:s30+$0xFFFFFF10] =	vst v8  }
0x269: {  	v63 =	vmul.f32 v11, v58;
	[tilespmem:s30+$0xFFFFFF20] =	vst v61  }
0x26a: {  	v12 =	vmul.f32 v12, v54;
	[tilespmem:s30+$0xFFFFFF30] =	vst v62  }
0x26b: {  	v13 =	vmul.f32 v41, v13;
	[tilespmem:s30+$0xFFFFFF40] =	vst v63  }
0x26c: {  	v40 =	vmul.f32 v16, v40;
	[tilespmem:s30+$0xFFFFFF50] =	vst v12  }
0x26d: {  	v41 =	vmul.f32 v18, v53;
	[tilespmem:s30+$0xFFFFFF70] =	vst v13  }
0x26e: {  	v52 =	vmul.f32 v52, v24;
	[tilespmem:s30+$0xFFFFFFA0] =	vst v40  }
0x26f: {  	v53 =	vmul.f32 v48, v26;
	[tilespmem:s30+$0xFFFFFFB0] =	vst v41  }
0x270: {  	v54 =	vmul.f32 v47, v27;
	[tilespmem:s30+$0x0] =	vst v52  }
0x271: {  	v55 =	vmul.f32 v31, v45;
	[tilespmem:s30+$0x10] =	vst v53  }
0x272: {  	v56 =	vmul.f32 v36, v46;
	[tilespmem:s30+$0x20] =	vst v54  }
0x273: {  	v57 =	vmul.f32 v32, v44;
	[tilespmem:s30+$0x30] =	vst v55  }
0x274: {  	v58 =	vmul.f32 v25, v42;
	[tilespmem:s30+$0x40] =	vst v56  }
0x275: {  	v59 =	vmul.f32 v28, v38;
	[tilespmem:s30+$0x50] =	vst v57  }
0x276: {  	v1 =	vmul.f32 v1, v21;
	[tilespmem:s30+$0x60] =	vst v58  }
0x277: {  	v3 =	vmul.f32 v3, v22;
	[tilespmem:s30+$0x70] =	vst v59  }
0x278: {  	v0 =	vmul.f32 v0, v23;
	[tilespmem:s30+$0x90] =	vst v1  }
0x279: {  	v37 =	vmul.f32 v39, v14;
	[tilespmem:s30+$0xA0] =	vst v3  }
0x27a: {  	v39 =	vmul.f32 v43, v15;
	[tilespmem:s30+$0xB0] =	vst v0  }
0x27b: {  	v43 =	vmul.f32 v17, v50;
	[tilespmem:s30+$0xFFFFFF80] =	vst v37  }
0x27c: {  	v50 =	vmul.f32 v19, v51;
	[tilespmem:s30+$0xFFFFFF90] =	vst v39  }
0x27d: {  	v51 =	vmul.f32 v20, v49;
	[tilespmem:s30+$0xFFFFFFC0] =	vst v43  }
0x27e: {  	v60 =	vmul.f32 v29, v2;
	[tilespmem:s30+$0xFFFFFFD0] =	vst v50  }
0x27f: {  	v61 =	vmul.f32 v30, v5;
	[tilespmem:s30+$0xFFFFFFE0] =	vst v51  }
.Ltmp15:
0x280: {  	v62 =	vmul.f32 v33, v4;
	[tilespmem:s30+$0xC0] =	vst v60;
	(pc) =	sbr.rel .LBB2_22-.Ltmp15, $4  }
0x281: {  	v63 =	vmul.f32 v34, v35;
	[tilespmem:s30+$0xD0] =	vst v61  }
0x282: {  	[tilespmem:s30+$0xE0] =	vst v62  }
0x283: {  	s9 =	simm.s32 $0x230;
	[tilespmem:s30+$0xF0] =	vst v63  }
0x284: {  	[spmem:s1] =	stream.indirect.scatter.add.f32 [tilespmem:s8], [sflag:$0x6], $0x90, s9, s25, $0xb8;
	[tilespmem:$0x1ED20] =	vst v63  }
.LBB2_24:
0x285: {  	_ =	sfence.sel $0x180000  }
0x286: {  	[bflag:$0x0] =	sbarrier.arrive $0xFFFF  }
0x287: {  	_ =	strace $0x90000047  }
0x288: {  	s0 =	stileid.u32;
	[bflag:$0x2] =	sbarrier.arrive $0xFFFF  }
0x289: {  	p0 =	sne.s32 s0, $0x0;
	s0 =	rddreg [dreg:$0x4]  }
0x28a: {  	s0 =	sadd.s32 @!p0 $0x100000, s0  }
0x28b: {  	[sflag:s0] =	ssyncadd.tile.s32 @!p0 $0x1;
	_ =	shalt  }
.Lfunc_end2:
_tile_overlayer_lowered:
.L_overlay_start_2:
0x28c: {  	(tag) =	ssettag $0x2  }
0x28d: {  	s0 =	rddreg [dreg:$0x0];
	s2 =	stileid.u32  }
0x28e: {  	s1 =	rddreg [dreg:$0x1];
	p0 =	sne.s32 s2, $0x0  }
0x28f: {  	s3 =	rddreg [dreg:$0x2];
	[bflag:$0x3] =	sbarrier.arrive $0xFFFF;
	s2 =	simm.s32 @!p0 $0x1C0B  }
0x290: {  	[timem:s3], [sflag:s2] =	dma.local @!p0 [hbm:s0], s1  }
0x291: {  	s0 =	simm.s32 @!p0 $0xB  }
0x292: {  	_ =	swait.ge @!p0 [sflag:s0], s1  }
0x293: {  	s1 =	ssub.s32 @!p0 $0x0, s1;
	[sflag:s0] =	ssyncset.done @!p0 $0x0  }
0x294: {  	[sflag:s0] =	ssyncadd.s32 @!p0 s1  }
0x295: {  	[bflag:$0x3] =	sbarrier.arrive $0xFFFF  }
0x296: {  	_ =	shalt  }

</sc_bundles>
